<compile_context>
chip_gen: v7x
topology: tpu7x:2x2x1
jax: 0.10.2.dev20260603
libtpu: 0.0.44.dev20260713+nightly
codegen_flags: <defaults>
</compile_context>

<pallas_src>
import jax
import jax.numpy as jnp
from jax import lax
from jax.experimental import pallas as pl
from jax.experimental.pallas import tpu as pltpu
from jax.experimental.pallas import tpu_sc as plsc

_N = 10000
_E = 320000
_D = 128
_H = 16
_C = 10

_NC = 2
_NS = 16
_NW = _NC * _NS
_LANES = 16

_EROW = 128
_NROWS = 2560
_EPAD = _NROWS * _EROW - _E
_RPT = _NROWS // _NW
_RPS = _NROWS // _NS
_NPAD = 10240
_ZR = _NPAD // _NS
_CHUNK = 128
_NCH = _ZR // _CHUNK

_mesh = plsc.VectorSubcoreMesh(core_axis_name="c", subcore_axis_name="s")


def _rsqrt16(d):
    y = jnp.full((_LANES,), 1.0, jnp.float32)
    for j in range(1, 19):
        y = jnp.where(d >= jnp.float32(2.0 ** j),
                      jnp.float32(0.5 ** (j * 0.5)), y)
    for _ in range(5):
        y = y * (1.5 - 0.5 * d * y * y)
    return y


def _fill(buf, value):
    @pl.loop(0, _CHUNK)
    def _(i):
        buf[i, :] = jnp.full((_LANES,), value, jnp.float32)


def _mega_body(xw_hbm, src_hbm, dst_hbm, agg_hbm, dinv_hbm,
               idxa_v, idxb_v, work_v, aux_v, tab_sh, acc_sh,
               gsem0, gsem1):
    c = lax.axis_index("c")
    s = lax.axis_index("s")
    wid = c * _NS + s

    _fill(aux_v, 0.0)

    @pl.loop(0, _NCH)
    def _(q):
        pltpu.sync_copy(aux_v, acc_sh.at[pl.ds(s * _ZR + q * _CHUNK, _CHUNK)])

    _fill(work_v, 1.0)
    plsc.subcore_barrier()

    for q in range(2):
        pltpu.sync_copy(dst_hbm.at[pl.ds(s * _RPS + q * _RPT, _RPT)], idxa_v)

        @pl.loop(0, _RPT, step=2)
        def _(j):
            c0 = pltpu.async_copy(work_v, acc_sh.at[idxa_v.at[j]], gsem0,
                                  add=True)
            c1 = pltpu.async_copy(work_v, acc_sh.at[idxa_v.at[j + 1]], gsem1,
                                  add=True)
            c0.wait()
            c1.wait()

    plsc.subcore_barrier()

    for q in range(_NCH):
        base = s * _ZR + q * _CHUNK
        pltpu.sync_copy(acc_sh.at[pl.ds(base, _CHUNK)], work_v)
        pltpu.sync_copy(xw_hbm.at[pl.ds(base, _CHUNK)], aux_v)

        @pl.loop(0, _CHUNK)
        def _(i):
            d = work_v[i, :] + 1.0
            w = _rsqrt16(d)
            work_v[i, :] = w
            aux_v[i, :] = aux_v[i, :] * w

        pltpu.sync_copy(aux_v, tab_sh.at[pl.ds(base, _CHUNK)])

        @pl.when(c == 0)
        def _():
            pltpu.sync_copy(work_v, dinv_hbm.at[pl.ds(base, _CHUNK)])

        _fill(work_v, 0.0)
        pltpu.sync_copy(work_v, acc_sh.at[pl.ds(base, _CHUNK)])

    plsc.subcore_barrier()

    pltpu.sync_copy(src_hbm.at[pl.ds(wid * _RPT, _RPT)], idxa_v)
    pltpu.sync_copy(dst_hbm.at[pl.ds(wid * _RPT, _RPT)], idxb_v)
    pltpu.async_copy(tab_sh.at[idxa_v.at[0]], work_v, gsem0).wait()

    @pl.loop(0, _RPT, step=2)
    def _(j):
        cp1 = pltpu.async_copy(
            tab_sh.at[idxa_v.at[j + 1]], aux_v, gsem1)
        pltpu.sync_copy(work_v, acc_sh.at[idxb_v.at[j]], add=True)
        cp1.wait()
        jn = jnp.minimum(j + 2, _RPT - 1)
        cp0 = pltpu.async_copy(tab_sh.at[idxa_v.at[jn]], work_v, gsem0)
        pltpu.sync_copy(aux_v, acc_sh.at[idxb_v.at[j + 1]], add=True)
        cp0.wait()

    plsc.subcore_barrier()

    @pl.loop(0, _NCH)
    def _(q):
        pltpu.sync_copy(acc_sh.at[pl.ds(s * _ZR + q * _CHUNK, _CHUNK)],
                        work_v)
        pltpu.sync_copy(
            work_v,
            agg_hbm.at[pl.ds(c * _NPAD + s * _ZR + q * _CHUNK, _CHUNK)])


def _agg_body(y_hbm, src_hbm, dst_hbm, out_hbm, idxa_v, idxb_v, work_v,
              aux_v, tab_sh, acc_sh, gsem0, gsem1):
    c = lax.axis_index("c")
    s = lax.axis_index("s")
    wid = c * _NS + s

    _fill(work_v, 0.0)

    @pl.loop(0, _NCH)
    def _(q):
        pltpu.sync_copy(work_v, acc_sh.at[pl.ds(s * _ZR + q * _CHUNK, _CHUNK)])

    @pl.loop(0, _NCH)
    def _(q):
        base = s * _ZR + q * _CHUNK
        pltpu.sync_copy(y_hbm.at[pl.ds(base, _CHUNK)], work_v)
        pltpu.sync_copy(work_v, tab_sh.at[pl.ds(base, _CHUNK)])

    plsc.subcore_barrier()

    pltpu.sync_copy(src_hbm.at[pl.ds(wid * _RPT, _RPT)], idxa_v)
    pltpu.sync_copy(dst_hbm.at[pl.ds(wid * _RPT, _RPT)], idxb_v)
    pltpu.async_copy(tab_sh.at[idxa_v.at[0]], work_v, gsem0).wait()

    @pl.loop(0, _RPT, step=2)
    def _(j):
        cp1 = pltpu.async_copy(
            tab_sh.at[idxa_v.at[j + 1]], aux_v, gsem1)
        pltpu.sync_copy(work_v, acc_sh.at[idxb_v.at[j]], add=True)
        cp1.wait()
        jn = jnp.minimum(j + 2, _RPT - 1)
        cp0 = pltpu.async_copy(tab_sh.at[idxa_v.at[jn]], work_v, gsem0)
        pltpu.sync_copy(aux_v, acc_sh.at[idxb_v.at[j + 1]], add=True)
        cp0.wait()

    plsc.subcore_barrier()

    @pl.loop(0, _NCH)
    def _(q):
        pltpu.sync_copy(acc_sh.at[pl.ds(s * _ZR + q * _CHUNK, _CHUNK)],
                        work_v)
        pltpu.sync_copy(
            work_v,
            out_hbm.at[pl.ds(c * _NPAD + s * _ZR + q * _CHUNK, _CHUNK)])


_mega = pl.kernel(
    _mega_body,
    out_type=(jax.ShapeDtypeStruct((_NC * _NPAD, _H), jnp.float32),
              jax.ShapeDtypeStruct((_NPAD, _H), jnp.float32)),
    mesh=_mesh,
    scratch_types=[
        pltpu.VMEM((_RPT, _EROW), jnp.int32),
        pltpu.VMEM((_RPT, _EROW), jnp.int32),
        pltpu.VMEM((_CHUNK, _LANES), jnp.float32),
        pltpu.VMEM((_CHUNK, _LANES), jnp.float32),
        pltpu.VMEM_SHARED((_NPAD, _H), jnp.float32),
        pltpu.VMEM_SHARED((_NPAD, _H), jnp.float32),
        pltpu.SemaphoreType.DMA,
        pltpu.SemaphoreType.DMA,
    ],
    compiler_params=pltpu.CompilerParams(use_tc_tiling_on_sc=False),
)

_agg = pl.kernel(
    _agg_body,
    out_type=jax.ShapeDtypeStruct((_NC * _NPAD, _H), jnp.float32),
    mesh=_mesh,
    scratch_types=[
        pltpu.VMEM((_RPT, _EROW), jnp.int32),
        pltpu.VMEM((_RPT, _EROW), jnp.int32),
        pltpu.VMEM((_CHUNK, _LANES), jnp.float32),
        pltpu.VMEM((_CHUNK, _LANES), jnp.float32),
        pltpu.VMEM_SHARED((_NPAD, _H), jnp.float32),
        pltpu.VMEM_SHARED((_NPAD, _H), jnp.float32),
        pltpu.SemaphoreType.DMA,
        pltpu.SemaphoreType.DMA,
    ],
    compiler_params=pltpu.CompilerParams(use_tc_tiling_on_sc=False),
)


def _mm_body(x_ref, w_ref, o_ref):
    o_ref[0:_N, :] = jnp.dot(x_ref[...], w_ref[...],
                             preferred_element_type=jnp.float32)
    o_ref[_N:_NPAD, :] = jnp.zeros((_NPAD - _N, _H), jnp.float32)


def _mid_body(agg_ref, xw_ref, dinv_ref, g_ref, bt_ref, b1_ref, w2_ref,
              y2_ref):
    dinv = dinv_ref[0:_N, :]
    h = dinv * (agg_ref[0:_N, :] + agg_ref[_NPAD:_NPAD + _N, :]
                + dinv * xw_ref[0:_N, :])
    h = h + b1_ref[...]
    mu = jnp.mean(h, axis=0, keepdims=True)
    d = h - mu
    var = jnp.mean(d * d, axis=0, keepdims=True)
    hn = g_ref[...] * d * lax.rsqrt(var + 1e-5) + bt_ref[...]
    hr = jnp.maximum(hn, 0.0)
    h2 = jnp.dot(hr, w2_ref[...], preferred_element_type=jnp.float32)
    y2_ref[0:_N, :] = h2 * dinv
    y2_ref[_N:_NPAD, :] = jnp.zeros((_NPAD - _N, _H), jnp.float32)


def _out_body(agg_ref, y2_ref, dinv_ref, b2_ref, o_ref):
    o = dinv_ref[0:_N, :] * (agg_ref[0:_N, :] + agg_ref[_NPAD:_NPAD + _N, :]
                             + y2_ref[0:_N, :]) + b2_ref[...]
    z = o[:, :_C]
    m = jnp.max(z, axis=1, keepdims=True)
    e = jnp.exp(z - m)
    lse = jnp.log(jnp.sum(e, axis=1, keepdims=True)) + m
    o_ref[...] = z - lse


_mm = pl.pallas_call(
    _mm_body, out_shape=jax.ShapeDtypeStruct((_NPAD, _H), jnp.float32))

_mid = pl.pallas_call(
    _mid_body, out_shape=jax.ShapeDtypeStruct((_NPAD, _H), jnp.float32))

_out = pl.pallas_call(
    _out_body, out_shape=jax.ShapeDtypeStruct((_N, _C), jnp.float32))


@jax.jit
def kernel(x, edge_index, W1, b1, gamma, beta, W2, b2):
    src = jnp.concatenate(
        [edge_index[0], jnp.zeros((_EPAD,), jnp.int32)]).reshape(_NROWS, _EROW)
    dst = jnp.concatenate(
        [edge_index[1], jnp.full((_EPAD,), _N, jnp.int32)]).reshape(_NROWS,
                                                                    _EROW)
    W2p = jnp.zeros((_H, _H), jnp.float32).at[:, :_C].set(W2)
    b2p = jnp.zeros((1, _H), jnp.float32).at[0, :_C].set(b2)

    xw = _mm(x, W1)
    agg1, dinv = _mega(xw, src, dst)
    y2 = _mid(agg1, xw, dinv, gamma.reshape(1, _H), beta.reshape(1, _H),
              b1.reshape(1, _H), W2p)
    agg2 = _agg(y2, src, dst)
    return _out(agg2, y2, dinv, b2p)

# --- scband reference (transcript-rebuilt; emitter-appended) ---
"""Pipeline reference for scband-gcn-31447750542019 (READ-ONLY COPY).

The authoritative reference and input builder live on the scoring server;
editing this copy changes nothing except your own understanding.
"""

import jax, jax.numpy as jnp
import numpy as np

N = 10000
E = 320000
D = 128
H = 16
C = 10

def setup_inputs(seed: int = 0) -> dict:
    key = jax.random.key(seed)
    ks = jax.random.split(key, 8)
    x = jax.random.normal(ks[0], (N, D), dtype=jnp.float32)
    edge_index = jax.random.randint(ks[1], (2, E), 0, N, dtype=jnp.int32)
    W1 = jax.random.normal(ks[2], (D, H), dtype=jnp.float32) * (1.0 / np.sqrt(D))
    b1 = jnp.zeros((H,), dtype=jnp.float32)
    gamma = jnp.ones((H,), dtype=jnp.float32)
    beta = jnp.zeros((H,), dtype=jnp.float32)
    W2 = jax.random.normal(ks[3], (H, C), dtype=jnp.float32) * (1.0 / np.sqrt(H))
    b2 = jnp.zeros((C,), dtype=jnp.float32)
    return {"x": x, "edge_index": edge_index, "W1": W1, "b1": b1, "gamma": gamma, "beta": beta, "W2": W2, "b2": b2}


def _gcn_conv(x, src, dst, W, b, n):
    # GCNConv (PyG semantics): linear transform, add self-loops, symmetric normalization, scatter-add aggregate
    xw = x @ W
    loop = jnp.arange(n, dtype=src.dtype)
    s = jnp.concatenate([src, loop])
    d = jnp.concatenate([dst, loop])
    deg = jnp.zeros((n,), dtype=xw.dtype).at[d].add(1.0)
    dinv = jnp.where(deg > 0, 1.0 / jnp.sqrt(deg), 0.0)
    norm = dinv[s] * dinv[d]
    msg = xw[s] * norm[:, None]
    out = jnp.zeros((n, xw.shape[1]), dtype=xw.dtype).at[d].add(msg)
    return out + b


def reference(x, edge_index, W1, b1, gamma, beta, W2, b2):
    src, dst = edge_index[0], edge_index[1]
    n = x.shape[0]
    h = _gcn_conv(x, src, dst, W1, b1, n)
    # BatchNorm1d in training mode: batch statistics (biased variance)
    mean = jnp.mean(h, axis=0)
    var = jnp.var(h, axis=0)
    h = gamma * (h - mean) / jnp.sqrt(var + 1e-5) + beta
    h = jax.nn.relu(h)
    h = _gcn_conv(h, src, dst, W2, b2, n)
    return jax.nn.log_softmax(h, axis=1)

if __name__ == "__main__":
    import jax
    _d = setup_inputs()
    print(jax.jit(kernel)(*tuple(_d.values())))

</pallas_src>

<mosaic_0001>
#map = affine_map<(d0, d1) -> (0, 0)>
module attributes {stable_mosaic.version = 14 : i64} {
  func.func @_agg_body(%arg0: i32, %arg1: i32, %arg2: memref<10240x16xf32, #tpu.memory_space<hbm>>, %arg3: memref<2560x128xi32, #tpu.memory_space<hbm>>, %arg4: memref<2560x128xi32, #tpu.memory_space<hbm>>, %arg5: memref<20480x16xf32, #tpu.memory_space<hbm>>, %arg6: memref<80x128xi32, #tpu.memory_space<vmem>>, %arg7: memref<80x128xi32, #tpu.memory_space<vmem>>, %arg8: memref<128x16xf32, #tpu.memory_space<vmem>>, %arg9: memref<128x16xf32, #tpu.memory_space<vmem>>, %arg10: memref<10240x16xf32, #tpu.memory_space<vmem_shared>>, %arg11: memref<10240x16xf32, #tpu.memory_space<vmem_shared>>, %arg12: memref<!tpu.dma_semaphore, #tpu.memory_space<semaphore_mem>>, %arg13: memref<!tpu.dma_semaphore, #tpu.memory_space<semaphore_mem>>) attributes {dimension_semantics = [#tpu.dimension_semantics<core_parallel>, #tpu.dimension_semantics<subcore_parallel>], iteration_bounds = array<i64: 2, 16>, scalar_prefetch = 0 : i64, scratch_operands = 8 : i64, tpu.core_type = #tpu.core_type<sc_vector_subcore>, window_params = [{transform_indices = #map}, {transform_indices = #map}, {transform_indices = #map}, {transform_indices = #map}]} {
    %mul3A = arith.constant 16 : i32
    %mul3A_0 = arith.muli %arg0, %mul3A : i32
    %add3A = arith.addi %mul3A_0, %arg1 : i32
    %scan3A = arith.constant 0 : i32
    %scan3A_1 = arith.constant 128 : i32
    %scan3A_2 = arith.addi %scan3A, %scan3A_1 : i32
    %scan3A_3 = arith.constant 1 : i32
    scf.for %scan3A_42 = %scan3A to %scan3A_2 step %scan3A_3  : i32 {
      %mul3A_43 = arith.constant 1 : i32
      %mul3A_44 = arith.muli %scan3A_42, %mul3A_43 : i32
      %add3A_45 = arith.constant 0 : i32
      %add3A_46 = arith.addi %add3A_45, %mul3A_44 : i32
      %broadcast_in_dim3A = arith.constant 0.000000e+00 : f32
      %broadcast_in_dim3A_47 = vector.broadcast %broadcast_in_dim3A : f32 to vector<16xf32>
      %swap3A = arith.index_cast %add3A_46 : i32 to index
      %swap3A_48 = arith.constant 0 : index
      %swap3A_49 = tpu.vector_load %arg8[%swap3A, %swap3A_48] {strides = array<i32>} : memref<128x16xf32, #tpu.memory_space<vmem>>, vector<1x16xf32>,
      %swap3A_50 = vector.shape_cast %swap3A_49 : vector<1x16xf32> to vector<16xf32>
      %swap3A_51 = vector.shape_cast %broadcast_in_dim3A_47 : vector<16xf32> to vector<1x16xf32>
      tpu.vector_store %arg8[%swap3A, %swap3A_48], %swap3A_51 {strides = array<i32>} : memref<128x16xf32, #tpu.memory_space<vmem>>, vector<1x16xf32>,
    }
    %scan3A_4 = arith.constant 128 : i32
    %scan3A_5 = arith.constant 0 : i32
    %scan3A_6 = arith.constant 5 : i32
    %scan3A_7 = arith.addi %scan3A_5, %scan3A_6 : i32
    %scan3A_8 = arith.constant 1 : i32
    scf.for %scan3A_42 = %scan3A_5 to %scan3A_7 step %scan3A_8  : i32 {
      %mul3A_43 = arith.constant 1 : i32
      %mul3A_44 = arith.muli %scan3A_42, %mul3A_43 : i32
      %add3A_45 = arith.constant 0 : i32
      %add3A_46 = arith.addi %add3A_45, %mul3A_44 : i32
      %mul3A_47 = arith.constant 640 : i32
      %mul3A_48 = arith.muli %arg1, %mul3A_47 : i32
      %mul3A_49 = arith.constant 128 : i32
      %mul3A_50 = arith.muli %add3A_46, %mul3A_49 : i32
      %add3A_51 = arith.addi %mul3A_48, %mul3A_50 : i32
      "tpu.region"() ({
        %run_scoped3A = tpu.sem_alloc : memref<!tpu.dma_semaphore, #tpu.memory_space<semaphore_mem>>
        %dma_start3A_52 = arith.constant 0 : i32
        %dma_start3A_53 = tpu.memref_slice %arg11[%add3A_51, %dma_start3A_52] : memref<10240x16xf32, #tpu.memory_space<vmem_shared>> -> memref<128x16xf32, #tpu.memory_space<vmem_shared>>
        %dma_start3A_54 = arith.constant 0 : i32
        %dma_start3A_55 = tpu.memref_slice %arg11[%add3A_51, %dma_start3A_54] : memref<10240x16xf32, #tpu.memory_space<vmem_shared>> -> memref<128x16xf32, #tpu.memory_space<vmem_shared>>
        tpu.enqueue_dma source(%arg8 : memref<128x16xf32, #tpu.memory_space<vmem>>) target(%dma_start3A_55 : memref<128x16xf32, #tpu.memory_space<vmem_shared>>) target_semaphore(%run_scoped3A : memref<!tpu.dma_semaphore, #tpu.memory_space<semaphore_mem>>)
        %dma_wait3A_56 = arith.constant 0 : i32
        %dma_wait3A_57 = tpu.memref_slice %arg11[%add3A_51, %dma_wait3A_56] : memref<10240x16xf32, #tpu.memory_space<vmem_shared>> -> memref<128x16xf32, #tpu.memory_space<vmem_shared>>
        %dma_wait3A_58 = arith.constant 0 : i32
        %dma_wait3A_59 = tpu.memref_slice %arg11[%add3A_51, %dma_wait3A_58] : memref<10240x16xf32, #tpu.memory_space<vmem_shared>> -> memref<128x16xf32, #tpu.memory_space<vmem_shared>>
        tpu.wait_dma2 semaphore(%run_scoped3A : memref<!tpu.dma_semaphore, #tpu.memory_space<semaphore_mem>>) src(%arg8 : memref<128x16xf32, #tpu.memory_space<vmem>>) dst(%dma_wait3A_59 : memref<128x16xf32, #tpu.memory_space<vmem_shared>>)
        tpu.yield
      }) : () -> ()
    }
    %scan3A_9 = arith.constant 5 : i32
    %scan3A_10 = arith.constant 0 : i32
    %scan3A_11 = arith.constant 5 : i32
    %scan3A_12 = arith.addi %scan3A_10, %scan3A_11 : i32
    %scan3A_13 = arith.constant 1 : i32
    scf.for %scan3A_42 = %scan3A_10 to %scan3A_12 step %scan3A_13  : i32 {
      %mul3A_43 = arith.constant 1 : i32
      %mul3A_44 = arith.muli %scan3A_42, %mul3A_43 : i32
      %add3A_45 = arith.constant 0 : i32
      %add3A_46 = arith.addi %add3A_45, %mul3A_44 : i32
      %mul3A_47 = arith.constant 640 : i32
      %mul3A_48 = arith.muli %arg1, %mul3A_47 : i32
      %mul3A_49 = arith.constant 128 : i32
      %mul3A_50 = arith.muli %add3A_46, %mul3A_49 : i32
      %add3A_51 = arith.addi %mul3A_48, %mul3A_50 : i32
      "tpu.region"() ({
        %run_scoped3A = tpu.sem_alloc : memref<!tpu.dma_semaphore, #tpu.memory_space<semaphore_mem>>
        %dma_start3A_52 = arith.constant 0 : i32
        %dma_start3A_53 = tpu.memref_slice %arg2[%add3A_51, %dma_start3A_52] : memref<10240x16xf32, #tpu.memory_space<hbm>> -> memref<128x16xf32, #tpu.memory_space<hbm>>
        %dma_start3A_54 = arith.constant 0 : i32
        %dma_start3A_55 = tpu.memref_slice %arg2[%add3A_51, %dma_start3A_54] : memref<10240x16xf32, #tpu.memory_space<hbm>> -> memref<128x16xf32, #tpu.memory_space<hbm>>
        tpu.enqueue_dma source(%dma_start3A_55 : memref<128x16xf32, #tpu.memory_space<hbm>>) target(%arg8 : memref<128x16xf32, #tpu.memory_space<vmem>>) target_semaphore(%run_scoped3A : memref<!tpu.dma_semaphore, #tpu.memory_space<semaphore_mem>>)
        %dma_wait3A_56 = arith.constant 0 : i32
        %dma_wait3A_57 = tpu.memref_slice %arg2[%add3A_51, %dma_wait3A_56] : memref<10240x16xf32, #tpu.memory_space<hbm>> -> memref<128x16xf32, #tpu.memory_space<hbm>>
        %dma_wait3A_58 = arith.constant 0 : i32
        %dma_wait3A_59 = tpu.memref_slice %arg2[%add3A_51, %dma_wait3A_58] : memref<10240x16xf32, #tpu.memory_space<hbm>> -> memref<128x16xf32, #tpu.memory_space<hbm>>
        tpu.wait_dma2 semaphore(%run_scoped3A : memref<!tpu.dma_semaphore, #tpu.memory_space<semaphore_mem>>) src(%dma_wait3A_59 : memref<128x16xf32, #tpu.memory_space<hbm>>) dst(%arg8 : memref<128x16xf32, #tpu.memory_space<vmem>>)
        tpu.yield
      }) : () -> ()
      "tpu.region"() ({
        %run_scoped3A = tpu.sem_alloc : memref<!tpu.dma_semaphore, #tpu.memory_space<semaphore_mem>>
        %dma_start3A_52 = arith.constant 0 : i32
        %dma_start3A_53 = tpu.memref_slice %arg10[%add3A_51, %dma_start3A_52] : memref<10240x16xf32, #tpu.memory_space<vmem_shared>> -> memref<128x16xf32, #tpu.memory_space<vmem_shared>>
        %dma_start3A_54 = arith.constant 0 : i32
        %dma_start3A_55 = tpu.memref_slice %arg10[%add3A_51, %dma_start3A_54] : memref<10240x16xf32, #tpu.memory_space<vmem_shared>> -> memref<128x16xf32, #tpu.memory_space<vmem_shared>>
        tpu.enqueue_dma source(%arg8 : memref<128x16xf32, #tpu.memory_space<vmem>>) target(%dma_start3A_55 : memref<128x16xf32, #tpu.memory_space<vmem_shared>>) target_semaphore(%run_scoped3A : memref<!tpu.dma_semaphore, #tpu.memory_space<semaphore_mem>>)
        %dma_wait3A_56 = arith.constant 0 : i32
        %dma_wait3A_57 = tpu.memref_slice %arg10[%add3A_51, %dma_wait3A_56] : memref<10240x16xf32, #tpu.memory_space<vmem_shared>> -> memref<128x16xf32, #tpu.memory_space<vmem_shared>>
        %dma_wait3A_58 = arith.constant 0 : i32
        %dma_wait3A_59 = tpu.memref_slice %arg10[%add3A_51, %dma_wait3A_58] : memref<10240x16xf32, #tpu.memory_space<vmem_shared>> -> memref<128x16xf32, #tpu.memory_space<vmem_shared>>
        tpu.wait_dma2 semaphore(%run_scoped3A : memref<!tpu.dma_semaphore, #tpu.memory_space<semaphore_mem>>) src(%arg8 : memref<128x16xf32, #tpu.memory_space<vmem>>) dst(%dma_wait3A_59 : memref<128x16xf32, #tpu.memory_space<vmem_shared>>)
        tpu.yield
      }) : () -> ()
    }
    %scan3A_14 = arith.constant 5 : i32
    %barrier3A = arith.constant 0 : index
    tpu.barrier barrier_id(%barrier3A)
    %mul3A_15 = arith.constant 80 : i32
    %mul3A_16 = arith.muli %add3A, %mul3A_15 : i32
    "tpu.region"() ({
      %run_scoped3A = tpu.sem_alloc : memref<!tpu.dma_semaphore, #tpu.memory_space<semaphore_mem>>
      %dma_start3A_42 = arith.constant 0 : i32
      %dma_start3A_43 = tpu.memref_slice %arg3[%mul3A_16, %dma_start3A_42] : memref<2560x128xi32, #tpu.memory_space<hbm>> -> memref<80x128xi32, #tpu.memory_space<hbm>>
      %dma_start3A_44 = arith.constant 0 : i32
      %dma_start3A_45 = tpu.memref_slice %arg3[%mul3A_16, %dma_start3A_44] : memref<2560x128xi32, #tpu.memory_space<hbm>> -> memref<80x128xi32, #tpu.memory_space<hbm>>
      tpu.enqueue_dma source(%dma_start3A_45 : memref<80x128xi32, #tpu.memory_space<hbm>>) target(%arg6 : memref<80x128xi32, #tpu.memory_space<vmem>>) target_semaphore(%run_scoped3A : memref<!tpu.dma_semaphore, #tpu.memory_space<semaphore_mem>>)
      %dma_wait3A_46 = arith.constant 0 : i32
      %dma_wait3A_47 = tpu.memref_slice %arg3[%mul3A_16, %dma_wait3A_46] : memref<2560x128xi32, #tpu.memory_space<hbm>> -> memref<80x128xi32, #tpu.memory_space<hbm>>
      %dma_wait3A_48 = arith.constant 0 : i32
      %dma_wait3A_49 = tpu.memref_slice %arg3[%mul3A_16, %dma_wait3A_48] : memref<2560x128xi32, #tpu.memory_space<hbm>> -> memref<80x128xi32, #tpu.memory_space<hbm>>
      tpu.wait_dma2 semaphore(%run_scoped3A : memref<!tpu.dma_semaphore, #tpu.memory_space<semaphore_mem>>) src(%dma_wait3A_49 : memref<80x128xi32, #tpu.memory_space<hbm>>) dst(%arg6 : memref<80x128xi32, #tpu.memory_space<vmem>>)
      tpu.yield
    }) : () -> ()
    %mul3A_17 = arith.constant 80 : i32
    %mul3A_18 = arith.muli %add3A, %mul3A_17 : i32
    "tpu.region"() ({
      %run_scoped3A = tpu.sem_alloc : memref<!tpu.dma_semaphore, #tpu.memory_space<semaphore_mem>>
      %dma_start3A_42 = arith.constant 0 : i32
      %dma_start3A_43 = tpu.memref_slice %arg4[%mul3A_18, %dma_start3A_42] : memref<2560x128xi32, #tpu.memory_space<hbm>> -> memref<80x128xi32, #tpu.memory_space<hbm>>
      %dma_start3A_44 = arith.constant 0 : i32
      %dma_start3A_45 = tpu.memref_slice %arg4[%mul3A_18, %dma_start3A_44] : memref<2560x128xi32, #tpu.memory_space<hbm>> -> memref<80x128xi32, #tpu.memory_space<hbm>>
      tpu.enqueue_dma source(%dma_start3A_45 : memref<80x128xi32, #tpu.memory_space<hbm>>) target(%arg7 : memref<80x128xi32, #tpu.memory_space<vmem>>) target_semaphore(%run_scoped3A : memref<!tpu.dma_semaphore, #tpu.memory_space<semaphore_mem>>)
      %dma_wait3A_46 = arith.constant 0 : i32
      %dma_wait3A_47 = tpu.memref_slice %arg4[%mul3A_18, %dma_wait3A_46] : memref<2560x128xi32, #tpu.memory_space<hbm>> -> memref<80x128xi32, #tpu.memory_space<hbm>>
      %dma_wait3A_48 = arith.constant 0 : i32
      %dma_wait3A_49 = tpu.memref_slice %arg4[%mul3A_18, %dma_wait3A_48] : memref<2560x128xi32, #tpu.memory_space<hbm>> -> memref<80x128xi32, #tpu.memory_space<hbm>>
      tpu.wait_dma2 semaphore(%run_scoped3A : memref<!tpu.dma_semaphore, #tpu.memory_space<semaphore_mem>>) src(%dma_wait3A_49 : memref<80x128xi32, #tpu.memory_space<hbm>>) dst(%arg7 : memref<80x128xi32, #tpu.memory_space<vmem>>)
      tpu.yield
    }) : () -> ()
    %dma_start3A = arith.constant 0 : i32
    %dma_start3A_19 = arith.constant 0 : i32
    %dma_start3A_20 = tpu.memref_slice %arg6[%dma_start3A, %dma_start3A_19] : memref<80x128xi32, #tpu.memory_space<vmem>> -> memref<1x128xi32, #tpu.memory_space<vmem>>
    %dma_start3A_21 = tpu.memref_squeeze %dma_start3A_20 : memref<1x128xi32, #tpu.memory_space<vmem>> -> memref<128xi32, #tpu.memory_space<vmem>>
    %dma_start3A_22 = arith.constant 0 : i32
    %dma_start3A_23 = arith.constant 0 : i32
    %dma_start3A_24 = tpu.memref_slice %arg10[%dma_start3A_22, %dma_start3A_23] : memref<10240x16xf32, #tpu.memory_space<vmem_shared>> -> memref<10240x16xf32, #tpu.memory_space<vmem_shared>>
    tpu.enqueue_indirect_dma source(%dma_start3A_24 : memref<10240x16xf32, #tpu.memory_space<vmem_shared>>) target(%arg8 : memref<128x16xf32, #tpu.memory_space<vmem>>) offsets(%dma_start3A_21 : memref<128xi32, #tpu.memory_space<vmem>>) semaphore(%arg12 : memref<!tpu.dma_semaphore, #tpu.memory_space<semaphore_mem>>)
    %dma_wait3A = arith.constant 0 : i32
    %dma_wait3A_25 = arith.constant 0 : i32
    %dma_wait3A_26 = tpu.memref_slice %arg6[%dma_wait3A, %dma_wait3A_25] : memref<80x128xi32, #tpu.memory_space<vmem>> -> memref<1x128xi32, #tpu.memory_space<vmem>>
    %dma_wait3A_27 = tpu.memref_squeeze %dma_wait3A_26 : memref<1x128xi32, #tpu.memory_space<vmem>> -> memref<128xi32, #tpu.memory_space<vmem>>
    %dma_wait3A_28 = arith.constant 0 : i32
    %dma_wait3A_29 = arith.constant 0 : i32
    %dma_wait3A_30 = tpu.memref_slice %arg10[%dma_wait3A_28, %dma_wait3A_29] : memref<10240x16xf32, #tpu.memory_space<vmem_shared>> -> memref<10240x16xf32, #tpu.memory_space<vmem_shared>>
    tpu.wait_indirect_dma semaphore(%arg12 : memref<!tpu.dma_semaphore, #tpu.memory_space<semaphore_mem>>) src(%dma_wait3A_30 : memref<10240x16xf32, #tpu.memory_space<vmem_shared>>) dst(%arg8 : memref<128x16xf32, #tpu.memory_space<vmem>>)
    %scan3A_31 = arith.constant 0 : i32
    %scan3A_32 = arith.constant 40 : i32
    %scan3A_33 = arith.addi %scan3A_31, %scan3A_32 : i32
    %scan3A_34 = arith.constant 1 : i32
    scf.for %scan3A_42 = %scan3A_31 to %scan3A_33 step %scan3A_34  : i32 {
      %mul3A_43 = arith.constant 2 : i32
      %mul3A_44 = arith.muli %scan3A_42, %mul3A_43 : i32
      %add3A_45 = arith.constant 0 : i32
      %add3A_46 = arith.addi %add3A_45, %mul3A_44 : i32
      %add3A_47 = arith.constant 1 : i32
      %add3A_48 = arith.addi %add3A_46, %add3A_47 : i32
      %dma_start3A_49 = arith.constant 0 : i32
      %dma_start3A_50 = tpu.memref_slice %arg6[%add3A_48, %dma_start3A_49] : memref<80x128xi32, #tpu.memory_space<vmem>> -> memref<1x128xi32, #tpu.memory_space<vmem>>
      %dma_start3A_51 = tpu.memref_squeeze %dma_start3A_50 : memref<1x128xi32, #tpu.memory_space<vmem>> -> memref<128xi32, #tpu.memory_space<vmem>>
      %dma_start3A_52 = arith.constant 0 : i32
      %dma_start3A_53 = arith.constant 0 : i32
      %dma_start3A_54 = tpu.memref_slice %arg10[%dma_start3A_52, %dma_start3A_53] : memref<10240x16xf32, #tpu.memory_space<vmem_shared>> -> memref<10240x16xf32, #tpu.memory_space<vmem_shared>>
      tpu.enqueue_indirect_dma source(%dma_start3A_54 : memref<10240x16xf32, #tpu.memory_space<vmem_shared>>) target(%arg9 : memref<128x16xf32, #tpu.memory_space<vmem>>) offsets(%dma_start3A_51 : memref<128xi32, #tpu.memory_space<vmem>>) semaphore(%arg13 : memref<!tpu.dma_semaphore, #tpu.memory_space<semaphore_mem>>)
      "tpu.region"() ({
        %run_scoped3A = tpu.sem_alloc : memref<!tpu.dma_semaphore, #tpu.memory_space<semaphore_mem>>
        %dma_start3A_78 = arith.constant 0 : i32
        %dma_start3A_79 = tpu.memref_slice %arg7[%add3A_46, %dma_start3A_78] : memref<80x128xi32, #tpu.memory_space<vmem>> -> memref<1x128xi32, #tpu.memory_space<vmem>>
        %dma_start3A_80 = tpu.memref_squeeze %dma_start3A_79 : memref<1x128xi32, #tpu.memory_space<vmem>> -> memref<128xi32, #tpu.memory_space<vmem>>
        %dma_start3A_81 = arith.constant 0 : i32
        %dma_start3A_82 = arith.constant 0 : i32
        %dma_start3A_83 = tpu.memref_slice %arg11[%dma_start3A_81, %dma_start3A_82] : memref<10240x16xf32, #tpu.memory_space<vmem_shared>> -> memref<10240x16xf32, #tpu.memory_space<vmem_shared>>
        tpu.enqueue_indirect_dma source(%arg8 : memref<128x16xf32, #tpu.memory_space<vmem>>) target(%dma_start3A_83 : memref<10240x16xf32, #tpu.memory_space<vmem_shared>>) offsets(%dma_start3A_80 : memref<128xi32, #tpu.memory_space<vmem>>) semaphore(%run_scoped3A : memref<!tpu.dma_semaphore, #tpu.memory_space<semaphore_mem>>) {add = true}
        %dma_wait3A_84 = arith.constant 0 : i32
        %dma_wait3A_85 = tpu.memref_slice %arg7[%add3A_46, %dma_wait3A_84] : memref<80x128xi32, #tpu.memory_space<vmem>> -> memref<1x128xi32, #tpu.memory_space<vmem>>
        %dma_wait3A_86 = tpu.memref_squeeze %dma_wait3A_85 : memref<1x128xi32, #tpu.memory_space<vmem>> -> memref<128xi32, #tpu.memory_space<vmem>>
        %dma_wait3A_87 = arith.constant 0 : i32
        %dma_wait3A_88 = arith.constant 0 : i32
        %dma_wait3A_89 = tpu.memref_slice %arg11[%dma_wait3A_87, %dma_wait3A_88] : memref<10240x16xf32, #tpu.memory_space<vmem_shared>> -> memref<10240x16xf32, #tpu.memory_space<vmem_shared>>
        tpu.wait_indirect_dma semaphore(%run_scoped3A : memref<!tpu.dma_semaphore, #tpu.memory_space<semaphore_mem>>) src(%arg8 : memref<128x16xf32, #tpu.memory_space<vmem>>) dst(%dma_wait3A_89 : memref<10240x16xf32, #tpu.memory_space<vmem_shared>>)
        tpu.yield
      }) : () -> ()
      %dma_wait3A_55 = arith.constant 0 : i32
      %dma_wait3A_56 = tpu.memref_slice %arg6[%add3A_48, %dma_wait3A_55] : memref<80x128xi32, #tpu.memory_space<vmem>> -> memref<1x128xi32, #tpu.memory_space<vmem>>
      %dma_wait3A_57 = tpu.memref_squeeze %dma_wait3A_56 : memref<1x128xi32, #tpu.memory_space<vmem>> -> memref<128xi32, #tpu.memory_space<vmem>>
      %dma_wait3A_58 = arith.constant 0 : i32
      %dma_wait3A_59 = arith.constant 0 : i32
      %dma_wait3A_60 = tpu.memref_slice %arg10[%dma_wait3A_58, %dma_wait3A_59] : memref<10240x16xf32, #tpu.memory_space<vmem_shared>> -> memref<10240x16xf32, #tpu.memory_space<vmem_shared>>
      tpu.wait_indirect_dma semaphore(%arg13 : memref<!tpu.dma_semaphore, #tpu.memory_space<semaphore_mem>>) src(%dma_wait3A_60 : memref<10240x16xf32, #tpu.memory_space<vmem_shared>>) dst(%arg9 : memref<128x16xf32, #tpu.memory_space<vmem>>)
      %add3A_61 = arith.constant 2 : i32
      %add3A_62 = arith.addi %add3A_46, %add3A_61 : i32
      %min3A = arith.constant 79 : i32
      %min3A_63 = arith.minsi %add3A_62, %min3A : i32
      %dma_start3A_64 = arith.constant 0 : i32
      %dma_start3A_65 = tpu.memref_slice %arg6[%min3A_63, %dma_start3A_64] : memref<80x128xi32, #tpu.memory_space<vmem>> -> memref<1x128xi32, #tpu.memory_space<vmem>>
      %dma_start3A_66 = tpu.memref_squeeze %dma_start3A_65 : memref<1x128xi32, #tpu.memory_space<vmem>> -> memref<128xi32, #tpu.memory_space<vmem>>
      %dma_start3A_67 = arith.constant 0 : i32
      %dma_start3A_68 = arith.constant 0 : i32
      %dma_start3A_69 = tpu.memref_slice %arg10[%dma_start3A_67, %dma_start3A_68] : memref<10240x16xf32, #tpu.memory_space<vmem_shared>> -> memref<10240x16xf32, #tpu.memory_space<vmem_shared>>
      tpu.enqueue_indirect_dma source(%dma_start3A_69 : memref<10240x16xf32, #tpu.memory_space<vmem_shared>>) target(%arg8 : memref<128x16xf32, #tpu.memory_space<vmem>>) offsets(%dma_start3A_66 : memref<128xi32, #tpu.memory_space<vmem>>) semaphore(%arg12 : memref<!tpu.dma_semaphore, #tpu.memory_space<semaphore_mem>>)
      %add3A_70 = arith.constant 1 : i32
      %add3A_71 = arith.addi %add3A_46, %add3A_70 : i32
      "tpu.region"() ({
        %run_scoped3A = tpu.sem_alloc : memref<!tpu.dma_semaphore, #tpu.memory_space<semaphore_mem>>
        %dma_start3A_78 = arith.constant 0 : i32
        %dma_start3A_79 = tpu.memref_slice %arg7[%add3A_71, %dma_start3A_78] : memref<80x128xi32, #tpu.memory_space<vmem>> -> memref<1x128xi32, #tpu.memory_space<vmem>>
        %dma_start3A_80 = tpu.memref_squeeze %dma_start3A_79 : memref<1x128xi32, #tpu.memory_space<vmem>> -> memref<128xi32, #tpu.memory_space<vmem>>
        %dma_start3A_81 = arith.constant 0 : i32
        %dma_start3A_82 = arith.constant 0 : i32
        %dma_start3A_83 = tpu.memref_slice %arg11[%dma_start3A_81, %dma_start3A_82] : memref<10240x16xf32, #tpu.memory_space<vmem_shared>> -> memref<10240x16xf32, #tpu.memory_space<vmem_shared>>
        tpu.enqueue_indirect_dma source(%arg9 : memref<128x16xf32, #tpu.memory_space<vmem>>) target(%dma_start3A_83 : memref<10240x16xf32, #tpu.memory_space<vmem_shared>>) offsets(%dma_start3A_80 : memref<128xi32, #tpu.memory_space<vmem>>) semaphore(%run_scoped3A : memref<!tpu.dma_semaphore, #tpu.memory_space<semaphore_mem>>) {add = true}
        %dma_wait3A_84 = arith.constant 0 : i32
        %dma_wait3A_85 = tpu.memref_slice %arg7[%add3A_71, %dma_wait3A_84] : memref<80x128xi32, #tpu.memory_space<vmem>> -> memref<1x128xi32, #tpu.memory_space<vmem>>
        %dma_wait3A_86 = tpu.memref_squeeze %dma_wait3A_85 : memref<1x128xi32, #tpu.memory_space<vmem>> -> memref<128xi32, #tpu.memory_space<vmem>>
        %dma_wait3A_87 = arith.constant 0 : i32
        %dma_wait3A_88 = arith.constant 0 : i32
        %dma_wait3A_89 = tpu.memref_slice %arg11[%dma_wait3A_87, %dma_wait3A_88] : memref<10240x16xf32, #tpu.memory_space<vmem_shared>> -> memref<10240x16xf32, #tpu.memory_space<vmem_shared>>
        tpu.wait_indirect_dma semaphore(%run_scoped3A : memref<!tpu.dma_semaphore, #tpu.memory_space<semaphore_mem>>) src(%arg9 : memref<128x16xf32, #tpu.memory_space<vmem>>) dst(%dma_wait3A_89 : memref<10240x16xf32, #tpu.memory_space<vmem_shared>>)
        tpu.yield
      }) : () -> ()
      %dma_wait3A_72 = arith.constant 0 : i32
      %dma_wait3A_73 = tpu.memref_slice %arg6[%min3A_63, %dma_wait3A_72] : memref<80x128xi32, #tpu.memory_space<vmem>> -> memref<1x128xi32, #tpu.memory_space<vmem>>
      %dma_wait3A_74 = tpu.memref_squeeze %dma_wait3A_73 : memref<1x128xi32, #tpu.memory_space<vmem>> -> memref<128xi32, #tpu.memory_space<vmem>>
      %dma_wait3A_75 = arith.constant 0 : i32
      %dma_wait3A_76 = arith.constant 0 : i32
      %dma_wait3A_77 = tpu.memref_slice %arg10[%dma_wait3A_75, %dma_wait3A_76] : memref<10240x16xf32, #tpu.memory_space<vmem_shared>> -> memref<10240x16xf32, #tpu.memory_space<vmem_shared>>
      tpu.wait_indirect_dma semaphore(%arg12 : memref<!tpu.dma_semaphore, #tpu.memory_space<semaphore_mem>>) src(%dma_wait3A_77 : memref<10240x16xf32, #tpu.memory_space<vmem_shared>>) dst(%arg8 : memref<128x16xf32, #tpu.memory_space<vmem>>)
    }
    %scan3A_35 = arith.constant 40 : i32
    %barrier3A_36 = arith.constant 0 : index
    tpu.barrier barrier_id(%barrier3A_36)
    %scan3A_37 = arith.constant 0 : i32
    %scan3A_38 = arith.constant 5 : i32
    %scan3A_39 = arith.addi %scan3A_37, %scan3A_38 : i32
    %scan3A_40 = arith.constant 1 : i32
    scf.for %scan3A_42 = %scan3A_37 to %scan3A_39 step %scan3A_40  : i32 {
      %mul3A_43 = arith.constant 1 : i32
      %mul3A_44 = arith.muli %scan3A_42, %mul3A_43 : i32
      %add3A_45 = arith.constant 0 : i32
      %add3A_46 = arith.addi %add3A_45, %mul3A_44 : i32
      %mul3A_47 = arith.constant 640 : i32
      %mul3A_48 = arith.muli %arg1, %mul3A_47 : i32
      %mul3A_49 = arith.constant 128 : i32
      %mul3A_50 = arith.muli %add3A_46, %mul3A_49 : i32
      %add3A_51 = arith.addi %mul3A_48, %mul3A_50 : i32
      "tpu.region"() ({
        %run_scoped3A = tpu.sem_alloc : memref<!tpu.dma_semaphore, #tpu.memory_space<semaphore_mem>>
        %dma_start3A_60 = arith.constant 0 : i32
        %dma_start3A_61 = tpu.memref_slice %arg11[%add3A_51, %dma_start3A_60] : memref<10240x16xf32, #tpu.memory_space<vmem_shared>> -> memref<128x16xf32, #tpu.memory_space<vmem_shared>>
        %dma_start3A_62 = arith.constant 0 : i32
        %dma_start3A_63 = tpu.memref_slice %arg11[%add3A_51, %dma_start3A_62] : memref<10240x16xf32, #tpu.memory_space<vmem_shared>> -> memref<128x16xf32, #tpu.memory_space<vmem_shared>>
        tpu.enqueue_dma source(%dma_start3A_63 : memref<128x16xf32, #tpu.memory_space<vmem_shared>>) target(%arg8 : memref<128x16xf32, #tpu.memory_space<vmem>>) target_semaphore(%run_scoped3A : memref<!tpu.dma_semaphore, #tpu.memory_space<semaphore_mem>>)
        %dma_wait3A_64 = arith.constant 0 : i32
        %dma_wait3A_65 = tpu.memref_slice %arg11[%add3A_51, %dma_wait3A_64] : memref<10240x16xf32, #tpu.memory_space<vmem_shared>> -> memref<128x16xf32, #tpu.memory_space<vmem_shared>>
        %dma_wait3A_66 = arith.constant 0 : i32
        %dma_wait3A_67 = tpu.memref_slice %arg11[%add3A_51, %dma_wait3A_66] : memref<10240x16xf32, #tpu.memory_space<vmem_shared>> -> memref<128x16xf32, #tpu.memory_space<vmem_shared>>
        tpu.wait_dma2 semaphore(%run_scoped3A : memref<!tpu.dma_semaphore, #tpu.memory_space<semaphore_mem>>) src(%dma_wait3A_67 : memref<128x16xf32, #tpu.memory_space<vmem_shared>>) dst(%arg8 : memref<128x16xf32, #tpu.memory_space<vmem>>)
        tpu.yield
      }) : () -> ()
      %mul3A_52 = arith.constant 10240 : i32
      %mul3A_53 = arith.muli %arg0, %mul3A_52 : i32
      %mul3A_54 = arith.constant 640 : i32
      %mul3A_55 = arith.muli %arg1, %mul3A_54 : i32
      %add3A_56 = arith.addi %mul3A_53, %mul3A_55 : i32
      %mul3A_57 = arith.constant 128 : i32
      %mul3A_58 = arith.muli %add3A_46, %mul3A_57 : i32
      %add3A_59 = arith.addi %add3A_56, %mul3A_58 : i32
      "tpu.region"() ({
        %run_scoped3A = tpu.sem_alloc : memref<!tpu.dma_semaphore, #tpu.memory_space<semaphore_mem>>
        %dma_start3A_60 = arith.constant 0 : i32
        %dma_start3A_61 = tpu.memref_slice %arg5[%add3A_59, %dma_start3A_60] : memref<20480x16xf32, #tpu.memory_space<hbm>> -> memref<128x16xf32, #tpu.memory_space<hbm>>
        %dma_start3A_62 = arith.constant 0 : i32
        %dma_start3A_63 = tpu.memref_slice %arg5[%add3A_59, %dma_start3A_62] : memref<20480x16xf32, #tpu.memory_space<hbm>> -> memref<128x16xf32, #tpu.memory_space<hbm>>
        tpu.enqueue_dma source(%arg8 : memref<128x16xf32, #tpu.memory_space<vmem>>) target(%dma_start3A_63 : memref<128x16xf32, #tpu.memory_space<hbm>>) target_semaphore(%run_scoped3A : memref<!tpu.dma_semaphore, #tpu.memory_space<semaphore_mem>>)
        %dma_wait3A_64 = arith.constant 0 : i32
        %dma_wait3A_65 = tpu.memref_slice %arg5[%add3A_59, %dma_wait3A_64] : memref<20480x16xf32, #tpu.memory_space<hbm>> -> memref<128x16xf32, #tpu.memory_space<hbm>>
        %dma_wait3A_66 = arith.constant 0 : i32
        %dma_wait3A_67 = tpu.memref_slice %arg5[%add3A_59, %dma_wait3A_66] : memref<20480x16xf32, #tpu.memory_space<hbm>> -> memref<128x16xf32, #tpu.memory_space<hbm>>
        tpu.wait_dma2 semaphore(%run_scoped3A : memref<!tpu.dma_semaphore, #tpu.memory_space<semaphore_mem>>) src(%arg8 : memref<128x16xf32, #tpu.memory_space<vmem>>) dst(%dma_wait3A_67 : memref<128x16xf32, #tpu.memory_space<hbm>>)
        tpu.yield
      }) : () -> ()
    }
    %scan3A_41 = arith.constant 5 : i32
    return
  }
}

#map = affine_map<(d0, d1) -> (0, 0)>
module attributes {stable_mosaic.version = 14 : i64} {
  func.func @_mega_body(%arg0: i32, %arg1: i32, %arg2: memref<10240x16xf32, #tpu.memory_space<hbm>>, %arg3: memref<2560x128xi32, #tpu.memory_space<hbm>>, %arg4: memref<2560x128xi32, #tpu.memory_space<hbm>>, %arg5: memref<20480x16xf32, #tpu.memory_space<hbm>>, %arg6: memref<10240x16xf32, #tpu.memory_space<hbm>>, %arg7: memref<80x128xi32, #tpu.memory_space<vmem>>, %arg8: memref<80x128xi32, #tpu.memory_space<vmem>>, %arg9: memref<128x16xf32, #tpu.memory_space<vmem>>, %arg10: memref<128x16xf32, #tpu.memory_space<vmem>>, %arg11: memref<10240x16xf32, #tpu.memory_space<vmem_shared>>, %arg12: memref<10240x16xf32, #tpu.memory_space<vmem_shared>>, %arg13: memref<!tpu.dma_semaphore, #tpu.memory_space<semaphore_mem>>, %arg14: memref<!tpu.dma_semaphore, #tpu.memory_space<semaphore_mem>>) attributes {dimension_semantics = [#tpu.dimension_semantics<core_parallel>, #tpu.dimension_semantics<subcore_parallel>], iteration_bounds = array<i64: 2, 16>, scalar_prefetch = 0 : i64, scratch_operands = 8 : i64, tpu.core_type = #tpu.core_type<sc_vector_subcore>, window_params = [{transform_indices = #map}, {transform_indices = #map}, {transform_indices = #map}, {transform_indices = #map}, {transform_indices = #map}]} {
    %mul3A = arith.constant 16 : i32
    %mul3A_0 = arith.muli %arg0, %mul3A : i32
    %add3A = arith.addi %mul3A_0, %arg1 : i32
    %scan3A = arith.constant 0 : i32
    %scan3A_1 = arith.constant 128 : i32
    %scan3A_2 = arith.addi %scan3A, %scan3A_1 : i32
    %scan3A_3 = arith.constant 1 : i32
    scf.for %scan3A_154 = %scan3A to %scan3A_2 step %scan3A_3  : i32 {
      %mul3A_155 = arith.constant 1 : i32
      %mul3A_156 = arith.muli %scan3A_154, %mul3A_155 : i32
      %add3A_157 = arith.constant 0 : i32
      %add3A_158 = arith.addi %add3A_157, %mul3A_156 : i32
      %broadcast_in_dim3A = arith.constant 0.000000e+00 : f32
      %broadcast_in_dim3A_159 = vector.broadcast %broadcast_in_dim3A : f32 to vector<16xf32>
      %swap3A = arith.index_cast %add3A_158 : i32 to index
      %swap3A_160 = arith.constant 0 : index
      %swap3A_161 = tpu.vector_load %arg10[%swap3A, %swap3A_160] {strides = array<i32>} : memref<128x16xf32, #tpu.memory_space<vmem>>, vector<1x16xf32>,
      %swap3A_162 = vector.shape_cast %swap3A_161 : vector<1x16xf32> to vector<16xf32>
      %swap3A_163 = vector.shape_cast %broadcast_in_dim3A_159 : vector<16xf32> to vector<1x16xf32>
      tpu.vector_store %arg10[%swap3A, %swap3A_160], %swap3A_163 {strides = array<i32>} : memref<128x16xf32, #tpu.memory_space<vmem>>, vector<1x16xf32>,
    }
    %scan3A_4 = arith.constant 128 : i32
    %scan3A_5 = arith.constant 0 : i32
    %scan3A_6 = arith.constant 5 : i32
    %scan3A_7 = arith.addi %scan3A_5, %scan3A_6 : i32
    %scan3A_8 = arith.constant 1 : i32
    scf.for %scan3A_154 = %scan3A_5 to %scan3A_7 step %scan3A_8  : i32 {
      %mul3A_155 = arith.constant 1 : i32
      %mul3A_156 = arith.muli %scan3A_154, %mul3A_155 : i32
      %add3A_157 = arith.constant 0 : i32
      %add3A_158 = arith.addi %add3A_157, %mul3A_156 : i32
      %mul3A_159 = arith.constant 640 : i32
      %mul3A_160 = arith.muli %arg1, %mul3A_159 : i32
      %mul3A_161 = arith.constant 128 : i32
      %mul3A_162 = arith.muli %add3A_158, %mul3A_161 : i32
      %add3A_163 = arith.addi %mul3A_160, %mul3A_162 : i32
      "tpu.region"() ({
        %run_scoped3A = tpu.sem_alloc : memref<!tpu.dma_semaphore, #tpu.memory_space<semaphore_mem>>
        %dma_start3A_164 = arith.constant 0 : i32
        %dma_start3A_165 = tpu.memref_slice %arg12[%add3A_163, %dma_start3A_164] : memref<10240x16xf32, #tpu.memory_space<vmem_shared>> -> memref<128x16xf32, #tpu.memory_space<vmem_shared>>
        %dma_start3A_166 = arith.constant 0 : i32
        %dma_start3A_167 = tpu.memref_slice %arg12[%add3A_163, %dma_start3A_166] : memref<10240x16xf32, #tpu.memory_space<vmem_shared>> -> memref<128x16xf32, #tpu.memory_space<vmem_shared>>
        tpu.enqueue_dma source(%arg10 : memref<128x16xf32, #tpu.memory_space<vmem>>) target(%dma_start3A_167 : memref<128x16xf32, #tpu.memory_space<vmem_shared>>) target_semaphore(%run_scoped3A : memref<!tpu.dma_semaphore, #tpu.memory_space<semaphore_mem>>)
        %dma_wait3A_168 = arith.constant 0 : i32
        %dma_wait3A_169 = tpu.memref_slice %arg12[%add3A_163, %dma_wait3A_168] : memref<10240x16xf32, #tpu.memory_space<vmem_shared>> -> memref<128x16xf32, #tpu.memory_space<vmem_shared>>
        %dma_wait3A_170 = arith.constant 0 : i32
        %dma_wait3A_171 = tpu.memref_slice %arg12[%add3A_163, %dma_wait3A_170] : memref<10240x16xf32, #tpu.memory_space<vmem_shared>> -> memref<128x16xf32, #tpu.memory_space<vmem_shared>>
        tpu.wait_dma2 semaphore(%run_scoped3A : memref<!tpu.dma_semaphore, #tpu.memory_space<semaphore_mem>>) src(%arg10 : memref<128x16xf32, #tpu.memory_space<vmem>>) dst(%dma_wait3A_171 : memref<128x16xf32, #tpu.memory_space<vmem_shared>>)
        tpu.yield
      }) : () -> ()
    }
    %scan3A_9 = arith.constant 5 : i32
    %scan3A_10 = arith.constant 0 : i32
    %scan3A_11 = arith.constant 128 : i32
    %scan3A_12 = arith.addi %scan3A_10, %scan3A_11 : i32
    %scan3A_13 = arith.constant 1 : i32
    scf.for %scan3A_154 = %scan3A_10 to %scan3A_12 step %scan3A_13  : i32 {
      %mul3A_155 = arith.constant 1 : i32
      %mul3A_156 = arith.muli %scan3A_154, %mul3A_155 : i32
      %add3A_157 = arith.constant 0 : i32
      %add3A_158 = arith.addi %add3A_157, %mul3A_156 : i32
      %broadcast_in_dim3A = arith.constant 1.000000e+00 : f32
      %broadcast_in_dim3A_159 = vector.broadcast %broadcast_in_dim3A : f32 to vector<16xf32>
      %swap3A = arith.index_cast %add3A_158 : i32 to index
      %swap3A_160 = arith.constant 0 : index
      %swap3A_161 = tpu.vector_load %arg9[%swap3A, %swap3A_160] {strides = array<i32>} : memref<128x16xf32, #tpu.memory_space<vmem>>, vector<1x16xf32>,
      %swap3A_162 = vector.shape_cast %swap3A_161 : vector<1x16xf32> to vector<16xf32>
      %swap3A_163 = vector.shape_cast %broadcast_in_dim3A_159 : vector<16xf32> to vector<1x16xf32>
      tpu.vector_store %arg9[%swap3A, %swap3A_160], %swap3A_163 {strides = array<i32>} : memref<128x16xf32, #tpu.memory_space<vmem>>, vector<1x16xf32>,
    }
    %scan3A_14 = arith.constant 128 : i32
    %barrier3A = arith.constant 0 : index
    tpu.barrier barrier_id(%barrier3A)
    %mul3A_15 = arith.constant 160 : i32
    %mul3A_16 = arith.muli %arg1, %mul3A_15 : i32
    %add3A_17 = arith.constant 0 : i32
    %add3A_18 = arith.addi %mul3A_16, %add3A_17 : i32
    "tpu.region"() ({
      %run_scoped3A = tpu.sem_alloc : memref<!tpu.dma_semaphore, #tpu.memory_space<semaphore_mem>>
      %dma_start3A_154 = arith.constant 0 : i32
      %dma_start3A_155 = tpu.memref_slice %arg4[%add3A_18, %dma_start3A_154] : memref<2560x128xi32, #tpu.memory_space<hbm>> -> memref<80x128xi32, #tpu.memory_space<hbm>>
      %dma_start3A_156 = arith.constant 0 : i32
      %dma_start3A_157 = tpu.memref_slice %arg4[%add3A_18, %dma_start3A_156] : memref<2560x128xi32, #tpu.memory_space<hbm>> -> memref<80x128xi32, #tpu.memory_space<hbm>>
      tpu.enqueue_dma source(%dma_start3A_157 : memref<80x128xi32, #tpu.memory_space<hbm>>) target(%arg7 : memref<80x128xi32, #tpu.memory_space<vmem>>) target_semaphore(%run_scoped3A : memref<!tpu.dma_semaphore, #tpu.memory_space<semaphore_mem>>)
      %dma_wait3A_158 = arith.constant 0 : i32
      %dma_wait3A_159 = tpu.memref_slice %arg4[%add3A_18, %dma_wait3A_158] : memref<2560x128xi32, #tpu.memory_space<hbm>> -> memref<80x128xi32, #tpu.memory_space<hbm>>
      %dma_wait3A_160 = arith.constant 0 : i32
      %dma_wait3A_161 = tpu.memref_slice %arg4[%add3A_18, %dma_wait3A_160] : memref<2560x128xi32, #tpu.memory_space<hbm>> -> memref<80x128xi32, #tpu.memory_space<hbm>>
      tpu.wait_dma2 semaphore(%run_scoped3A : memref<!tpu.dma_semaphore, #tpu.memory_space<semaphore_mem>>) src(%dma_wait3A_161 : memref<80x128xi32, #tpu.memory_space<hbm>>) dst(%arg7 : memref<80x128xi32, #tpu.memory_space<vmem>>)
      tpu.yield
    }) : () -> ()
    %scan3A_19 = arith.constant 0 : i32
    %scan3A_20 = arith.constant 40 : i32
    %scan3A_21 = arith.addi %scan3A_19, %scan3A_20 : i32
    %scan3A_22 = arith.constant 1 : i32
    scf.for %scan3A_154 = %scan3A_19 to %scan3A_21 step %scan3A_22  : i32 {
      %mul3A_155 = arith.constant 2 : i32
      %mul3A_156 = arith.muli %scan3A_154, %mul3A_155 : i32
      %add3A_157 = arith.constant 0 : i32
      %add3A_158 = arith.addi %add3A_157, %mul3A_156 : i32
      %dma_start3A_159 = arith.constant 0 : i32
      %dma_start3A_160 = tpu.memref_slice %arg7[%add3A_158, %dma_start3A_159] : memref<80x128xi32, #tpu.memory_space<vmem>> -> memref<1x128xi32, #tpu.memory_space<vmem>>
      %dma_start3A_161 = tpu.memref_squeeze %dma_start3A_160 : memref<1x128xi32, #tpu.memory_space<vmem>> -> memref<128xi32, #tpu.memory_space<vmem>>
      %dma_start3A_162 = arith.constant 0 : i32
      %dma_start3A_163 = arith.constant 0 : i32
      %dma_start3A_164 = tpu.memref_slice %arg12[%dma_start3A_162, %dma_start3A_163] : memref<10240x16xf32, #tpu.memory_space<vmem_shared>> -> memref<10240x16xf32, #tpu.memory_space<vmem_shared>>
      tpu.enqueue_indirect_dma source(%arg9 : memref<128x16xf32, #tpu.memory_space<vmem>>) target(%dma_start3A_164 : memref<10240x16xf32, #tpu.memory_space<vmem_shared>>) offsets(%dma_start3A_161 : memref<128xi32, #tpu.memory_space<vmem>>) semaphore(%arg13 : memref<!tpu.dma_semaphore, #tpu.memory_space<semaphore_mem>>) {add = true}
      %add3A_165 = arith.constant 1 : i32
      %add3A_166 = arith.addi %add3A_158, %add3A_165 : i32
      %dma_start3A_167 = arith.constant 0 : i32
      %dma_start3A_168 = tpu.memref_slice %arg7[%add3A_166, %dma_start3A_167] : memref<80x128xi32, #tpu.memory_space<vmem>> -> memref<1x128xi32, #tpu.memory_space<vmem>>
      %dma_start3A_169 = tpu.memref_squeeze %dma_start3A_168 : memref<1x128xi32, #tpu.memory_space<vmem>> -> memref<128xi32, #tpu.memory_space<vmem>>
      %dma_start3A_170 = arith.constant 0 : i32
      %dma_start3A_171 = arith.constant 0 : i32
      %dma_start3A_172 = tpu.memref_slice %arg12[%dma_start3A_170, %dma_start3A_171] : memref<10240x16xf32, #tpu.memory_space<vmem_shared>> -> memref<10240x16xf32, #tpu.memory_space<vmem_shared>>
      tpu.enqueue_indirect_dma source(%arg9 : memref<128x16xf32, #tpu.memory_space<vmem>>) target(%dma_start3A_172 : memref<10240x16xf32, #tpu.memory_space<vmem_shared>>) offsets(%dma_start3A_169 : memref<128xi32, #tpu.memory_space<vmem>>) semaphore(%arg14 : memref<!tpu.dma_semaphore, #tpu.memory_space<semaphore_mem>>) {add = true}
      %dma_wait3A_173 = arith.constant 0 : i32
      %dma_wait3A_174 = tpu.memref_slice %arg7[%add3A_158, %dma_wait3A_173] : memref<80x128xi32, #tpu.memory_space<vmem>> -> memref<1x128xi32, #tpu.memory_space<vmem>>
      %dma_wait3A_175 = tpu.memref_squeeze %dma_wait3A_174 : memref<1x128xi32, #tpu.memory_space<vmem>> -> memref<128xi32, #tpu.memory_space<vmem>>
      %dma_wait3A_176 = arith.constant 0 : i32
      %dma_wait3A_177 = arith.constant 0 : i32
      %dma_wait3A_178 = tpu.memref_slice %arg12[%dma_wait3A_176, %dma_wait3A_177] : memref<10240x16xf32, #tpu.memory_space<vmem_shared>> -> memref<10240x16xf32, #tpu.memory_space<vmem_shared>>
      tpu.wait_indirect_dma semaphore(%arg13 : memref<!tpu.dma_semaphore, #tpu.memory_space<semaphore_mem>>) src(%arg9 : memref<128x16xf32, #tpu.memory_space<vmem>>) dst(%dma_wait3A_178 : memref<10240x16xf32, #tpu.memory_space<vmem_shared>>)
      %dma_wait3A_179 = arith.constant 0 : i32
      %dma_wait3A_180 = tpu.memref_slice %arg7[%add3A_166, %dma_wait3A_179] : memref<80x128xi32, #tpu.memory_space<vmem>> -> memref<1x128xi32, #tpu.memory_space<vmem>>
      %dma_wait3A_181 = tpu.memref_squeeze %dma_wait3A_180 : memref<1x128xi32, #tpu.memory_space<vmem>> -> memref<128xi32, #tpu.memory_space<vmem>>
      %dma_wait3A_182 = arith.constant 0 : i32
      %dma_wait3A_183 = arith.constant 0 : i32
      %dma_wait3A_184 = tpu.memref_slice %arg12[%dma_wait3A_182, %dma_wait3A_183] : memref<10240x16xf32, #tpu.memory_space<vmem_shared>> -> memref<10240x16xf32, #tpu.memory_space<vmem_shared>>
      tpu.wait_indirect_dma semaphore(%arg14 : memref<!tpu.dma_semaphore, #tpu.memory_space<semaphore_mem>>) src(%arg9 : memref<128x16xf32, #tpu.memory_space<vmem>>) dst(%dma_wait3A_184 : memref<10240x16xf32, #tpu.memory_space<vmem_shared>>)
    }
    %scan3A_23 = arith.constant 40 : i32
    %mul3A_24 = arith.constant 160 : i32
    %mul3A_25 = arith.muli %arg1, %mul3A_24 : i32
    %add3A_26 = arith.constant 80 : i32
    %add3A_27 = arith.addi %mul3A_25, %add3A_26 : i32
    "tpu.region"() ({
      %run_scoped3A = tpu.sem_alloc : memref<!tpu.dma_semaphore, #tpu.memory_space<semaphore_mem>>
      %dma_start3A_154 = arith.constant 0 : i32
      %dma_start3A_155 = tpu.memref_slice %arg4[%add3A_27, %dma_start3A_154] : memref<2560x128xi32, #tpu.memory_space<hbm>> -> memref<80x128xi32, #tpu.memory_space<hbm>>
      %dma_start3A_156 = arith.constant 0 : i32
      %dma_start3A_157 = tpu.memref_slice %arg4[%add3A_27, %dma_start3A_156] : memref<2560x128xi32, #tpu.memory_space<hbm>> -> memref<80x128xi32, #tpu.memory_space<hbm>>
      tpu.enqueue_dma source(%dma_start3A_157 : memref<80x128xi32, #tpu.memory_space<hbm>>) target(%arg7 : memref<80x128xi32, #tpu.memory_space<vmem>>) target_semaphore(%run_scoped3A : memref<!tpu.dma_semaphore, #tpu.memory_space<semaphore_mem>>)
      %dma_wait3A_158 = arith.constant 0 : i32
      %dma_wait3A_159 = tpu.memref_slice %arg4[%add3A_27, %dma_wait3A_158] : memref<2560x128xi32, #tpu.memory_space<hbm>> -> memref<80x128xi32, #tpu.memory_space<hbm>>
      %dma_wait3A_160 = arith.constant 0 : i32
      %dma_wait3A_161 = tpu.memref_slice %arg4[%add3A_27, %dma_wait3A_160] : memref<2560x128xi32, #tpu.memory_space<hbm>> -> memref<80x128xi32, #tpu.memory_space<hbm>>
      tpu.wait_dma2 semaphore(%run_scoped3A : memref<!tpu.dma_semaphore, #tpu.memory_space<semaphore_mem>>) src(%dma_wait3A_161 : memref<80x128xi32, #tpu.memory_space<hbm>>) dst(%arg7 : memref<80x128xi32, #tpu.memory_space<vmem>>)
      tpu.yield
    }) : () -> ()
    %scan3A_28 = arith.constant 0 : i32
    %scan3A_29 = arith.constant 40 : i32
    %scan3A_30 = arith.addi %scan3A_28, %scan3A_29 : i32
    %scan3A_31 = arith.constant 1 : i32
    scf.for %scan3A_154 = %scan3A_28 to %scan3A_30 step %scan3A_31  : i32 {
      %mul3A_155 = arith.constant 2 : i32
      %mul3A_156 = arith.muli %scan3A_154, %mul3A_155 : i32
      %add3A_157 = arith.constant 0 : i32
      %add3A_158 = arith.addi %add3A_157, %mul3A_156 : i32
      %dma_start3A_159 = arith.constant 0 : i32
      %dma_start3A_160 = tpu.memref_slice %arg7[%add3A_158, %dma_start3A_159] : memref<80x128xi32, #tpu.memory_space<vmem>> -> memref<1x128xi32, #tpu.memory_space<vmem>>
      %dma_start3A_161 = tpu.memref_squeeze %dma_start3A_160 : memref<1x128xi32, #tpu.memory_space<vmem>> -> memref<128xi32, #tpu.memory_space<vmem>>
      %dma_start3A_162 = arith.constant 0 : i32
      %dma_start3A_163 = arith.constant 0 : i32
      %dma_start3A_164 = tpu.memref_slice %arg12[%dma_start3A_162, %dma_start3A_163] : memref<10240x16xf32, #tpu.memory_space<vmem_shared>> -> memref<10240x16xf32, #tpu.memory_space<vmem_shared>>
      tpu.enqueue_indirect_dma source(%arg9 : memref<128x16xf32, #tpu.memory_space<vmem>>) target(%dma_start3A_164 : memref<10240x16xf32, #tpu.memory_space<vmem_shared>>) offsets(%dma_start3A_161 : memref<128xi32, #tpu.memory_space<vmem>>) semaphore(%arg13 : memref<!tpu.dma_semaphore, #tpu.memory_space<semaphore_mem>>) {add = true}
      %add3A_165 = arith.constant 1 : i32
      %add3A_166 = arith.addi %add3A_158, %add3A_165 : i32
      %dma_start3A_167 = arith.constant 0 : i32
      %dma_start3A_168 = tpu.memref_slice %arg7[%add3A_166, %dma_start3A_167] : memref<80x128xi32, #tpu.memory_space<vmem>> -> memref<1x128xi32, #tpu.memory_space<vmem>>
      %dma_start3A_169 = tpu.memref_squeeze %dma_start3A_168 : memref<1x128xi32, #tpu.memory_space<vmem>> -> memref<128xi32, #tpu.memory_space<vmem>>
      %dma_start3A_170 = arith.constant 0 : i32
      %dma_start3A_171 = arith.constant 0 : i32
      %dma_start3A_172 = tpu.memref_slice %arg12[%dma_start3A_170, %dma_start3A_171] : memref<10240x16xf32, #tpu.memory_space<vmem_shared>> -> memref<10240x16xf32, #tpu.memory_space<vmem_shared>>
      tpu.enqueue_indirect_dma source(%arg9 : memref<128x16xf32, #tpu.memory_space<vmem>>) target(%dma_start3A_172 : memref<10240x16xf32, #tpu.memory_space<vmem_shared>>) offsets(%dma_start3A_169 : memref<128xi32, #tpu.memory_space<vmem>>) semaphore(%arg14 : memref<!tpu.dma_semaphore, #tpu.memory_space<semaphore_mem>>) {add = true}
      %dma_wait3A_173 = arith.constant 0 : i32
      %dma_wait3A_174 = tpu.memref_slice %arg7[%add3A_158, %dma_wait3A_173] : memref<80x128xi32, #tpu.memory_space<vmem>> -> memref<1x128xi32, #tpu.memory_space<vmem>>
      %dma_wait3A_175 = tpu.memref_squeeze %dma_wait3A_174 : memref<1x128xi32, #tpu.memory_space<vmem>> -> memref<128xi32, #tpu.memory_space<vmem>>
      %dma_wait3A_176 = arith.constant 0 : i32
      %dma_wait3A_177 = arith.constant 0 : i32
      %dma_wait3A_178 = tpu.memref_slice %arg12[%dma_wait3A_176, %dma_wait3A_177] : memref<10240x16xf32, #tpu.memory_space<vmem_shared>> -> memref<10240x16xf32, #tpu.memory_space<vmem_shared>>
      tpu.wait_indirect_dma semaphore(%arg13 : memref<!tpu.dma_semaphore, #tpu.memory_space<semaphore_mem>>) src(%arg9 : memref<128x16xf32, #tpu.memory_space<vmem>>) dst(%dma_wait3A_178 : memref<10240x16xf32, #tpu.memory_space<vmem_shared>>)
      %dma_wait3A_179 = arith.constant 0 : i32
      %dma_wait3A_180 = tpu.memref_slice %arg7[%add3A_166, %dma_wait3A_179] : memref<80x128xi32, #tpu.memory_space<vmem>> -> memref<1x128xi32, #tpu.memory_space<vmem>>
      %dma_wait3A_181 = tpu.memref_squeeze %dma_wait3A_180 : memref<1x128xi32, #tpu.memory_space<vmem>> -> memref<128xi32, #tpu.memory_space<vmem>>
      %dma_wait3A_182 = arith.constant 0 : i32
      %dma_wait3A_183 = arith.constant 0 : i32
      %dma_wait3A_184 = tpu.memref_slice %arg12[%dma_wait3A_182, %dma_wait3A_183] : memref<10240x16xf32, #tpu.memory_space<vmem_shared>> -> memref<10240x16xf32, #tpu.memory_space<vmem_shared>>
      tpu.wait_indirect_dma semaphore(%arg14 : memref<!tpu.dma_semaphore, #tpu.memory_space<semaphore_mem>>) src(%arg9 : memref<128x16xf32, #tpu.memory_space<vmem>>) dst(%dma_wait3A_184 : memref<10240x16xf32, #tpu.memory_space<vmem_shared>>)
    }
    %scan3A_32 = arith.constant 40 : i32
    %barrier3A_33 = arith.constant 0 : index
    tpu.barrier barrier_id(%barrier3A_33)
    %mul3A_34 = arith.constant 640 : i32
    %mul3A_35 = arith.muli %arg1, %mul3A_34 : i32
    %add3A_36 = arith.constant 0 : i32
    %add3A_37 = arith.addi %mul3A_35, %add3A_36 : i32
    "tpu.region"() ({
      %run_scoped3A = tpu.sem_alloc : memref<!tpu.dma_semaphore, #tpu.memory_space<semaphore_mem>>
      %dma_start3A_154 = arith.constant 0 : i32
      %dma_start3A_155 = tpu.memref_slice %arg12[%add3A_37, %dma_start3A_154] : memref<10240x16xf32, #tpu.memory_space<vmem_shared>> -> memref<128x16xf32, #tpu.memory_space<vmem_shared>>
      %dma_start3A_156 = arith.constant 0 : i32
      %dma_start3A_157 = tpu.memref_slice %arg12[%add3A_37, %dma_start3A_156] : memref<10240x16xf32, #tpu.memory_space<vmem_shared>> -> memref<128x16xf32, #tpu.memory_space<vmem_shared>>
      tpu.enqueue_dma source(%dma_start3A_157 : memref<128x16xf32, #tpu.memory_space<vmem_shared>>) target(%arg9 : memref<128x16xf32, #tpu.memory_space<vmem>>) target_semaphore(%run_scoped3A : memref<!tpu.dma_semaphore, #tpu.memory_space<semaphore_mem>>)
      %dma_wait3A_158 = arith.constant 0 : i32
      %dma_wait3A_159 = tpu.memref_slice %arg12[%add3A_37, %dma_wait3A_158] : memref<10240x16xf32, #tpu.memory_space<vmem_shared>> -> memref<128x16xf32, #tpu.memory_space<vmem_shared>>
      %dma_wait3A_160 = arith.constant 0 : i32
      %dma_wait3A_161 = tpu.memref_slice %arg12[%add3A_37, %dma_wait3A_160] : memref<10240x16xf32, #tpu.memory_space<vmem_shared>> -> memref<128x16xf32, #tpu.memory_space<vmem_shared>>
      tpu.wait_dma2 semaphore(%run_scoped3A : memref<!tpu.dma_semaphore, #tpu.memory_space<semaphore_mem>>) src(%dma_wait3A_161 : memref<128x16xf32, #tpu.memory_space<vmem_shared>>) dst(%arg9 : memref<128x16xf32, #tpu.memory_space<vmem>>)
      tpu.yield
    }) : () -> ()
    "tpu.region"() ({
      %run_scoped3A = tpu.sem_alloc : memref<!tpu.dma_semaphore, #tpu.memory_space<semaphore_mem>>
      %dma_start3A_154 = arith.constant 0 : i32
      %dma_start3A_155 = tpu.memref_slice %arg2[%add3A_37, %dma_start3A_154] : memref<10240x16xf32, #tpu.memory_space<hbm>> -> memref<128x16xf32, #tpu.memory_space<hbm>>
      %dma_start3A_156 = arith.constant 0 : i32
      %dma_start3A_157 = tpu.memref_slice %arg2[%add3A_37, %dma_start3A_156] : memref<10240x16xf32, #tpu.memory_space<hbm>> -> memref<128x16xf32, #tpu.memory_space<hbm>>
      tpu.enqueue_dma source(%dma_start3A_157 : memref<128x16xf32, #tpu.memory_space<hbm>>) target(%arg10 : memref<128x16xf32, #tpu.memory_space<vmem>>) target_semaphore(%run_scoped3A : memref<!tpu.dma_semaphore, #tpu.memory_space<semaphore_mem>>)
      %dma_wait3A_158 = arith.constant 0 : i32
      %dma_wait3A_159 = tpu.memref_slice %arg2[%add3A_37, %dma_wait3A_158] : memref<10240x16xf32, #tpu.memory_space<hbm>> -> memref<128x16xf32, #tpu.memory_space<hbm>>
      %dma_wait3A_160 = arith.constant 0 : i32
      %dma_wait3A_161 = tpu.memref_slice %arg2[%add3A_37, %dma_wait3A_160] : memref<10240x16xf32, #tpu.memory_space<hbm>> -> memref<128x16xf32, #tpu.memory_space<hbm>>
      tpu.wait_dma2 semaphore(%run_scoped3A : memref<!tpu.dma_semaphore, #tpu.memory_space<semaphore_mem>>) src(%dma_wait3A_161 : memref<128x16xf32, #tpu.memory_space<hbm>>) dst(%arg10 : memref<128x16xf32, #tpu.memory_space<vmem>>)
      tpu.yield
    }) : () -> ()
    %scan3A_38 = arith.constant 0 : i32
    %scan3A_39 = arith.constant 128 : i32
    %scan3A_40 = arith.addi %scan3A_38, %scan3A_39 : i32
    %scan3A_41 = arith.constant 1 : i32
    scf.for %scan3A_154 = %scan3A_38 to %scan3A_40 step %scan3A_41  : i32 {
      %mul3A_155 = arith.constant 1 : i32
      %mul3A_156 = arith.muli %scan3A_154, %mul3A_155 : i32
      %add3A_157 = arith.constant 0 : i32
      %add3A_158 = arith.addi %add3A_157, %mul3A_156 : i32
      %get3A = arith.index_cast %add3A_158 : i32 to index
      %get3A_159 = arith.constant 0 : index
      %get3A_160 = tpu.vector_load %arg9[%get3A, %get3A_159] {strides = array<i32>} : memref<128x16xf32, #tpu.memory_space<vmem>>, vector<1x16xf32>,
      %get3A_161 = vector.shape_cast %get3A_160 : vector<1x16xf32> to vector<16xf32>
      %add3A_162 = arith.constant 1.000000e+00 : f32
      %add3A_163 = vector.broadcast %add3A_162 : f32 to vector<16xf32>
      %add3A_164 = arith.addf %get3A_161, %add3A_163 : vector<16xf32>
      %broadcast_in_dim3A = arith.constant 1.000000e+00 : f32
      %broadcast_in_dim3A_165 = vector.broadcast %broadcast_in_dim3A : f32 to vector<16xf32>
      %ge3A = arith.constant 2.000000e+00 : f32
      %ge3A_166 = vector.broadcast %ge3A : f32 to vector<16xf32>
      %ge3A_167 = arith.cmpf oge, %add3A_164, %ge3A_166 : vector<16xf32>
      %jit3A = arith.constant 0.707106769 : f32
      %broadcast_in_dim3A_168 = vector.broadcast %jit3A : f32 to vector<16xf32>
      %select_n3A = arith.select %ge3A_167, %broadcast_in_dim3A_168, %broadcast_in_dim3A_165 : vector<16xi1>, vector<16xf32>
      %ge3A_169 = arith.constant 4.000000e+00 : f32
      %ge3A_170 = vector.broadcast %ge3A_169 : f32 to vector<16xf32>
      %ge3A_171 = arith.cmpf oge, %add3A_164, %ge3A_170 : vector<16xf32>
      %jit3A_172 = arith.constant 5.000000e-01 : f32
      %broadcast_in_dim3A_173 = vector.broadcast %jit3A_172 : f32 to vector<16xf32>
      %select_n3A_174 = arith.select %ge3A_171, %broadcast_in_dim3A_173, %select_n3A : vector<16xi1>, vector<16xf32>
      %ge3A_175 = arith.constant 8.000000e+00 : f32
      %ge3A_176 = vector.broadcast %ge3A_175 : f32 to vector<16xf32>
      %ge3A_177 = arith.cmpf oge, %add3A_164, %ge3A_176 : vector<16xf32>
      %jit3A_178 = arith.constant 0.353553385 : f32
      %broadcast_in_dim3A_179 = vector.broadcast %jit3A_178 : f32 to vector<16xf32>
      %select_n3A_180 = arith.select %ge3A_177, %broadcast_in_dim3A_179, %select_n3A_174 : vector<16xi1>, vector<16xf32>
      %ge3A_181 = arith.constant 1.600000e+01 : f32
      %ge3A_182 = vector.broadcast %ge3A_181 : f32 to vector<16xf32>
      %ge3A_183 = arith.cmpf oge, %add3A_164, %ge3A_182 : vector<16xf32>
      %jit3A_184 = arith.constant 2.500000e-01 : f32
      %broadcast_in_dim3A_185 = vector.broadcast %jit3A_184 : f32 to vector<16xf32>
      %select_n3A_186 = arith.select %ge3A_183, %broadcast_in_dim3A_185, %select_n3A_180 : vector<16xi1>, vector<16xf32>
      %ge3A_187 = arith.constant 3.200000e+01 : f32
      %ge3A_188 = vector.broadcast %ge3A_187 : f32 to vector<16xf32>
      %ge3A_189 = arith.cmpf oge, %add3A_164, %ge3A_188 : vector<16xf32>
      %jit3A_190 = arith.constant 0.176776692 : f32
      %broadcast_in_dim3A_191 = vector.broadcast %jit3A_190 : f32 to vector<16xf32>
      %select_n3A_192 = arith.select %ge3A_189, %broadcast_in_dim3A_191, %select_n3A_186 : vector<16xi1>, vector<16xf32>
      %ge3A_193 = arith.constant 6.400000e+01 : f32
      %ge3A_194 = vector.broadcast %ge3A_193 : f32 to vector<16xf32>
      %ge3A_195 = arith.cmpf oge, %add3A_164, %ge3A_194 : vector<16xf32>
      %jit3A_196 = arith.constant 1.250000e-01 : f32
      %broadcast_in_dim3A_197 = vector.broadcast %jit3A_196 : f32 to vector<16xf32>
      %select_n3A_198 = arith.select %ge3A_195, %broadcast_in_dim3A_197, %select_n3A_192 : vector<16xi1>, vector<16xf32>
      %ge3A_199 = arith.constant 1.280000e+02 : f32
      %ge3A_200 = vector.broadcast %ge3A_199 : f32 to vector<16xf32>
      %ge3A_201 = arith.cmpf oge, %add3A_164, %ge3A_200 : vector<16xf32>
      %jit3A_202 = arith.constant 0.0883883461 : f32
      %broadcast_in_dim3A_203 = vector.broadcast %jit3A_202 : f32 to vector<16xf32>
      %select_n3A_204 = arith.select %ge3A_201, %broadcast_in_dim3A_203, %select_n3A_198 : vector<16xi1>, vector<16xf32>
      %ge3A_205 = arith.constant 2.560000e+02 : f32
      %ge3A_206 = vector.broadcast %ge3A_205 : f32 to vector<16xf32>
      %ge3A_207 = arith.cmpf oge, %add3A_164, %ge3A_206 : vector<16xf32>
      %jit3A_208 = arith.constant 6.250000e-02 : f32
      %broadcast_in_dim3A_209 = vector.broadcast %jit3A_208 : f32 to vector<16xf32>
      %select_n3A_210 = arith.select %ge3A_207, %broadcast_in_dim3A_209, %select_n3A_204 : vector<16xi1>, vector<16xf32>
      %ge3A_211 = arith.constant 5.120000e+02 : f32
      %ge3A_212 = vector.broadcast %ge3A_211 : f32 to vector<16xf32>
      %ge3A_213 = arith.cmpf oge, %add3A_164, %ge3A_212 : vector<16xf32>
      %jit3A_214 = arith.constant 0.0441941731 : f32
      %broadcast_in_dim3A_215 = vector.broadcast %jit3A_214 : f32 to vector<16xf32>
      %select_n3A_216 = arith.select %ge3A_213, %broadcast_in_dim3A_215, %select_n3A_210 : vector<16xi1>, vector<16xf32>
      %ge3A_217 = arith.constant 1.024000e+03 : f32
      %ge3A_218 = vector.broadcast %ge3A_217 : f32 to vector<16xf32>
      %ge3A_219 = arith.cmpf oge, %add3A_164, %ge3A_218 : vector<16xf32>
      %jit3A_220 = arith.constant 3.125000e-02 : f32
      %broadcast_in_dim3A_221 = vector.broadcast %jit3A_220 : f32 to vector<16xf32>
      %select_n3A_222 = arith.select %ge3A_219, %broadcast_in_dim3A_221, %select_n3A_216 : vector<16xi1>, vector<16xf32>
      %ge3A_223 = arith.constant 2.048000e+03 : f32
      %ge3A_224 = vector.broadcast %ge3A_223 : f32 to vector<16xf32>
      %ge3A_225 = arith.cmpf oge, %add3A_164, %ge3A_224 : vector<16xf32>
      %jit3A_226 = arith.constant 0.0220970865 : f32
      %broadcast_in_dim3A_227 = vector.broadcast %jit3A_226 : f32 to vector<16xf32>
      %select_n3A_228 = arith.select %ge3A_225, %broadcast_in_dim3A_227, %select_n3A_222 : vector<16xi1>, vector<16xf32>
      %ge3A_229 = arith.constant 4.096000e+03 : f32
      %ge3A_230 = vector.broadcast %ge3A_229 : f32 to vector<16xf32>
      %ge3A_231 = arith.cmpf oge, %add3A_164, %ge3A_230 : vector<16xf32>
      %jit3A_232 = arith.constant 1.562500e-02 : f32
      %broadcast_in_dim3A_233 = vector.broadcast %jit3A_232 : f32 to vector<16xf32>
      %select_n3A_234 = arith.select %ge3A_231, %broadcast_in_dim3A_233, %select_n3A_228 : vector<16xi1>, vector<16xf32>
      %ge3A_235 = arith.constant 8.192000e+03 : f32
      %ge3A_236 = vector.broadcast %ge3A_235 : f32 to vector<16xf32>
      %ge3A_237 = arith.cmpf oge, %add3A_164, %ge3A_236 : vector<16xf32>
      %jit3A_238 = arith.constant 0.0110485433 : f32
      %broadcast_in_dim3A_239 = vector.broadcast %jit3A_238 : f32 to vector<16xf32>
      %select_n3A_240 = arith.select %ge3A_237, %broadcast_in_dim3A_239, %select_n3A_234 : vector<16xi1>, vector<16xf32>
      %ge3A_241 = arith.constant 1.638400e+04 : f32
      %ge3A_242 = vector.broadcast %ge3A_241 : f32 to vector<16xf32>
      %ge3A_243 = arith.cmpf oge, %add3A_164, %ge3A_242 : vector<16xf32>
      %jit3A_244 = arith.constant 7.812500e-03 : f32
      %broadcast_in_dim3A_245 = vector.broadcast %jit3A_244 : f32 to vector<16xf32>
      %select_n3A_246 = arith.select %ge3A_243, %broadcast_in_dim3A_245, %select_n3A_240 : vector<16xi1>, vector<16xf32>
      %ge3A_247 = arith.constant 3.276800e+04 : f32
      %ge3A_248 = vector.broadcast %ge3A_247 : f32 to vector<16xf32>
      %ge3A_249 = arith.cmpf oge, %add3A_164, %ge3A_248 : vector<16xf32>
      %jit3A_250 = arith.constant 0.00552427163 : f32
      %broadcast_in_dim3A_251 = vector.broadcast %jit3A_250 : f32 to vector<16xf32>
      %select_n3A_252 = arith.select %ge3A_249, %broadcast_in_dim3A_251, %select_n3A_246 : vector<16xi1>, vector<16xf32>
      %ge3A_253 = arith.constant 6.553600e+04 : f32
      %ge3A_254 = vector.broadcast %ge3A_253 : f32 to vector<16xf32>
      %ge3A_255 = arith.cmpf oge, %add3A_164, %ge3A_254 : vector<16xf32>
      %jit3A_256 = arith.constant 3.906250e-03 : f32
      %broadcast_in_dim3A_257 = vector.broadcast %jit3A_256 : f32 to vector<16xf32>
      %select_n3A_258 = arith.select %ge3A_255, %broadcast_in_dim3A_257, %select_n3A_252 : vector<16xi1>, vector<16xf32>
      %ge3A_259 = arith.constant 1.310720e+05 : f32
      %ge3A_260 = vector.broadcast %ge3A_259 : f32 to vector<16xf32>
      %ge3A_261 = arith.cmpf oge, %add3A_164, %ge3A_260 : vector<16xf32>
      %jit3A_262 = arith.constant 0.00276213582 : f32
      %broadcast_in_dim3A_263 = vector.broadcast %jit3A_262 : f32 to vector<16xf32>
      %select_n3A_264 = arith.select %ge3A_261, %broadcast_in_dim3A_263, %select_n3A_258 : vector<16xi1>, vector<16xf32>
      %ge3A_265 = arith.constant 2.621440e+05 : f32
      %ge3A_266 = vector.broadcast %ge3A_265 : f32 to vector<16xf32>
      %ge3A_267 = arith.cmpf oge, %add3A_164, %ge3A_266 : vector<16xf32>
      %jit3A_268 = arith.constant 0.001953125 : f32
      %broadcast_in_dim3A_269 = vector.broadcast %jit3A_268 : f32 to vector<16xf32>
      %select_n3A_270 = arith.select %ge3A_267, %broadcast_in_dim3A_269, %select_n3A_264 : vector<16xi1>, vector<16xf32>
      %mul3A_271 = arith.constant 5.000000e-01 : f32
      %mul3A_272 = vector.broadcast %mul3A_271 : f32 to vector<16xf32>
      %mul3A_273 = arith.mulf %mul3A_272, %add3A_164 : vector<16xf32>
      %mul3A_274 = arith.mulf %mul3A_273, %select_n3A_270 : vector<16xf32>
      %mul3A_275 = arith.mulf %mul3A_274, %select_n3A_270 : vector<16xf32>
      %sub3A = arith.constant 1.500000e+00 : f32
      %sub3A_276 = vector.broadcast %sub3A : f32 to vector<16xf32>
      %sub3A_277 = arith.subf %sub3A_276, %mul3A_275 : vector<16xf32>
      %mul3A_278 = arith.mulf %select_n3A_270, %sub3A_277 : vector<16xf32>
      %mul3A_279 = arith.constant 5.000000e-01 : f32
      %mul3A_280 = vector.broadcast %mul3A_279 : f32 to vector<16xf32>
      %mul3A_281 = arith.mulf %mul3A_280, %add3A_164 : vector<16xf32>
      %mul3A_282 = arith.mulf %mul3A_281, %mul3A_278 : vector<16xf32>
      %mul3A_283 = arith.mulf %mul3A_282, %mul3A_278 : vector<16xf32>
      %sub3A_284 = arith.constant 1.500000e+00 : f32
      %sub3A_285 = vector.broadcast %sub3A_284 : f32 to vector<16xf32>
      %sub3A_286 = arith.subf %sub3A_285, %mul3A_283 : vector<16xf32>
      %mul3A_287 = arith.mulf %mul3A_278, %sub3A_286 : vector<16xf32>
      %mul3A_288 = arith.constant 5.000000e-01 : f32
      %mul3A_289 = vector.broadcast %mul3A_288 : f32 to vector<16xf32>
      %mul3A_290 = arith.mulf %mul3A_289, %add3A_164 : vector<16xf32>
      %mul3A_291 = arith.mulf %mul3A_290, %mul3A_287 : vector<16xf32>
      %mul3A_292 = arith.mulf %mul3A_291, %mul3A_287 : vector<16xf32>
      %sub3A_293 = arith.constant 1.500000e+00 : f32
      %sub3A_294 = vector.broadcast %sub3A_293 : f32 to vector<16xf32>
      %sub3A_295 = arith.subf %sub3A_294, %mul3A_292 : vector<16xf32>
      %mul3A_296 = arith.mulf %mul3A_287, %sub3A_295 : vector<16xf32>
      %mul3A_297 = arith.constant 5.000000e-01 : f32
      %mul3A_298 = vector.broadcast %mul3A_297 : f32 to vector<16xf32>
      %mul3A_299 = arith.mulf %mul3A_298, %add3A_164 : vector<16xf32>
      %mul3A_300 = arith.mulf %mul3A_299, %mul3A_296 : vector<16xf32>
      %mul3A_301 = arith.mulf %mul3A_300, %mul3A_296 : vector<16xf32>
      %sub3A_302 = arith.constant 1.500000e+00 : f32
      %sub3A_303 = vector.broadcast %sub3A_302 : f32 to vector<16xf32>
      %sub3A_304 = arith.subf %sub3A_303, %mul3A_301 : vector<16xf32>
      %mul3A_305 = arith.mulf %mul3A_296, %sub3A_304 : vector<16xf32>
      %mul3A_306 = arith.constant 5.000000e-01 : f32
      %mul3A_307 = vector.broadcast %mul3A_306 : f32 to vector<16xf32>
      %mul3A_308 = arith.mulf %mul3A_307, %add3A_164 : vector<16xf32>
      %mul3A_309 = arith.mulf %mul3A_308, %mul3A_305 : vector<16xf32>
      %mul3A_310 = arith.mulf %mul3A_309, %mul3A_305 : vector<16xf32>
      %sub3A_311 = arith.constant 1.500000e+00 : f32
      %sub3A_312 = vector.broadcast %sub3A_311 : f32 to vector<16xf32>
      %sub3A_313 = arith.subf %sub3A_312, %mul3A_310 : vector<16xf32>
      %mul3A_314 = arith.mulf %mul3A_305, %sub3A_313 : vector<16xf32>
      %swap3A = arith.index_cast %add3A_158 : i32 to index
      %swap3A_315 = arith.constant 0 : index
      %swap3A_316 = tpu.vector_load %arg9[%swap3A, %swap3A_315] {strides = array<i32>} : memref<128x16xf32, #tpu.memory_space<vmem>>, vector<1x16xf32>,
      %swap3A_317 = vector.shape_cast %swap3A_316 : vector<1x16xf32> to vector<16xf32>
      %swap3A_318 = vector.shape_cast %mul3A_314 : vector<16xf32> to vector<1x16xf32>
      tpu.vector_store %arg9[%swap3A, %swap3A_315], %swap3A_318 {strides = array<i32>} : memref<128x16xf32, #tpu.memory_space<vmem>>, vector<1x16xf32>,
      %get3A_319 = arith.index_cast %add3A_158 : i32 to index
      %get3A_320 = arith.constant 0 : index
      %get3A_321 = tpu.vector_load %arg10[%get3A_319, %get3A_320] {strides = array<i32>} : memref<128x16xf32, #tpu.memory_space<vmem>>, vector<1x16xf32>,
      %get3A_322 = vector.shape_cast %get3A_321 : vector<1x16xf32> to vector<16xf32>
      %mul3A_323 = arith.mulf %get3A_322, %mul3A_314 : vector<16xf32>
      %swap3A_324 = arith.index_cast %add3A_158 : i32 to index
      %swap3A_325 = arith.constant 0 : index
      %swap3A_326 = tpu.vector_load %arg10[%swap3A_324, %swap3A_325] {strides = array<i32>} : memref<128x16xf32, #tpu.memory_space<vmem>>, vector<1x16xf32>,
      %swap3A_327 = vector.shape_cast %swap3A_326 : vector<1x16xf32> to vector<16xf32>
      %swap3A_328 = vector.shape_cast %mul3A_323 : vector<16xf32> to vector<1x16xf32>
      tpu.vector_store %arg10[%swap3A_324, %swap3A_325], %swap3A_328 {strides = array<i32>} : memref<128x16xf32, #tpu.memory_space<vmem>>, vector<1x16xf32>,
    }
    %scan3A_42 = arith.constant 128 : i32
    "tpu.region"() ({
      %run_scoped3A = tpu.sem_alloc : memref<!tpu.dma_semaphore, #tpu.memory_space<semaphore_mem>>
      %dma_start3A_154 = arith.constant 0 : i32
      %dma_start3A_155 = tpu.memref_slice %arg11[%add3A_37, %dma_start3A_154] : memref<10240x16xf32, #tpu.memory_space<vmem_shared>> -> memref<128x16xf32, #tpu.memory_space<vmem_shared>>
      %dma_start3A_156 = arith.constant 0 : i32
      %dma_start3A_157 = tpu.memref_slice %arg11[%add3A_37, %dma_start3A_156] : memref<10240x16xf32, #tpu.memory_space<vmem_shared>> -> memref<128x16xf32, #tpu.memory_space<vmem_shared>>
      tpu.enqueue_dma source(%arg10 : memref<128x16xf32, #tpu.memory_space<vmem>>) target(%dma_start3A_157 : memref<128x16xf32, #tpu.memory_space<vmem_shared>>) target_semaphore(%run_scoped3A : memref<!tpu.dma_semaphore, #tpu.memory_space<semaphore_mem>>)
      %dma_wait3A_158 = arith.constant 0 : i32
      %dma_wait3A_159 = tpu.memref_slice %arg11[%add3A_37, %dma_wait3A_158] : memref<10240x16xf32, #tpu.memory_space<vmem_shared>> -> memref<128x16xf32, #tpu.memory_space<vmem_shared>>
      %dma_wait3A_160 = arith.constant 0 : i32
      %dma_wait3A_161 = tpu.memref_slice %arg11[%add3A_37, %dma_wait3A_160] : memref<10240x16xf32, #tpu.memory_space<vmem_shared>> -> memref<128x16xf32, #tpu.memory_space<vmem_shared>>
      tpu.wait_dma2 semaphore(%run_scoped3A : memref<!tpu.dma_semaphore, #tpu.memory_space<semaphore_mem>>) src(%arg10 : memref<128x16xf32, #tpu.memory_space<vmem>>) dst(%dma_wait3A_161 : memref<128x16xf32, #tpu.memory_space<vmem_shared>>)
      tpu.yield
    }) : () -> ()
    %eq3A = arith.constant 0 : i32
    %eq3A_43 = arith.cmpi eq, %arg0, %eq3A : i32
    %convert_element_type3A = arith.extui %eq3A_43 : i1 to i32
    %cond3A = arith.constant 0 : i32
    %cond3A_44 = arith.cmpi ne, %convert_element_type3A, %cond3A : i32
    scf.if %cond3A_44 {
      "tpu.region"() ({
        %run_scoped3A = tpu.sem_alloc : memref<!tpu.dma_semaphore, #tpu.memory_space<semaphore_mem>>
        %dma_start3A_154 = arith.constant 0 : i32
        %dma_start3A_155 = tpu.memref_slice %arg6[%add3A_37, %dma_start3A_154] : memref<10240x16xf32, #tpu.memory_space<hbm>> -> memref<128x16xf32, #tpu.memory_space<hbm>>
        %dma_start3A_156 = arith.constant 0 : i32
        %dma_start3A_157 = tpu.memref_slice %arg6[%add3A_37, %dma_start3A_156] : memref<10240x16xf32, #tpu.memory_space<hbm>> -> memref<128x16xf32, #tpu.memory_space<hbm>>
        tpu.enqueue_dma source(%arg9 : memref<128x16xf32, #tpu.memory_space<vmem>>) target(%dma_start3A_157 : memref<128x16xf32, #tpu.memory_space<hbm>>) target_semaphore(%run_scoped3A : memref<!tpu.dma_semaphore, #tpu.memory_space<semaphore_mem>>)
        %dma_wait3A_158 = arith.constant 0 : i32
        %dma_wait3A_159 = tpu.memref_slice %arg6[%add3A_37, %dma_wait3A_158] : memref<10240x16xf32, #tpu.memory_space<hbm>> -> memref<128x16xf32, #tpu.memory_space<hbm>>
        %dma_wait3A_160 = arith.constant 0 : i32
        %dma_wait3A_161 = tpu.memref_slice %arg6[%add3A_37, %dma_wait3A_160] : memref<10240x16xf32, #tpu.memory_space<hbm>> -> memref<128x16xf32, #tpu.memory_space<hbm>>
        tpu.wait_dma2 semaphore(%run_scoped3A : memref<!tpu.dma_semaphore, #tpu.memory_space<semaphore_mem>>) src(%arg9 : memref<128x16xf32, #tpu.memory_space<vmem>>) dst(%dma_wait3A_161 : memref<128x16xf32, #tpu.memory_space<hbm>>)
        tpu.yield
      }) : () -> ()
    } else {
    }
    %scan3A_45 = arith.constant 0 : i32
    %scan3A_46 = arith.constant 128 : i32
    %scan3A_47 = arith.addi %scan3A_45, %scan3A_46 : i32
    %scan3A_48 = arith.constant 1 : i32
    scf.for %scan3A_154 = %scan3A_45 to %scan3A_47 step %scan3A_48  : i32 {
      %mul3A_155 = arith.constant 1 : i32
      %mul3A_156 = arith.muli %scan3A_154, %mul3A_155 : i32
      %add3A_157 = arith.constant 0 : i32
      %add3A_158 = arith.addi %add3A_157, %mul3A_156 : i32
      %broadcast_in_dim3A = arith.constant 0.000000e+00 : f32
      %broadcast_in_dim3A_159 = vector.broadcast %broadcast_in_dim3A : f32 to vector<16xf32>
      %swap3A = arith.index_cast %add3A_158 : i32 to index
      %swap3A_160 = arith.constant 0 : index
      %swap3A_161 = tpu.vector_load %arg9[%swap3A, %swap3A_160] {strides = array<i32>} : memref<128x16xf32, #tpu.memory_space<vmem>>, vector<1x16xf32>,
      %swap3A_162 = vector.shape_cast %swap3A_161 : vector<1x16xf32> to vector<16xf32>
      %swap3A_163 = vector.shape_cast %broadcast_in_dim3A_159 : vector<16xf32> to vector<1x16xf32>
      tpu.vector_store %arg9[%swap3A, %swap3A_160], %swap3A_163 {strides = array<i32>} : memref<128x16xf32, #tpu.memory_space<vmem>>, vector<1x16xf32>,
    }
    %scan3A_49 = arith.constant 128 : i32
    "tpu.region"() ({
      %run_scoped3A = tpu.sem_alloc : memref<!tpu.dma_semaphore, #tpu.memory_space<semaphore_mem>>
      %dma_start3A_154 = arith.constant 0 : i32
      %dma_start3A_155 = tpu.memref_slice %arg12[%add3A_37, %dma_start3A_154] : memref<10240x16xf32, #tpu.memory_space<vmem_shared>> -> memref<128x16xf32, #tpu.memory_space<vmem_shared>>
      %dma_start3A_156 = arith.constant 0 : i32
      %dma_start3A_157 = tpu.memref_slice %arg12[%add3A_37, %dma_start3A_156] : memref<10240x16xf32, #tpu.memory_space<vmem_shared>> -> memref<128x16xf32, #tpu.memory_space<vmem_shared>>
      tpu.enqueue_dma source(%arg9 : memref<128x16xf32, #tpu.memory_space<vmem>>) target(%dma_start3A_157 : memref<128x16xf32, #tpu.memory_space<vmem_shared>>) target_semaphore(%run_scoped3A : memref<!tpu.dma_semaphore, #tpu.memory_space<semaphore_mem>>)
      %dma_wait3A_158 = arith.constant 0 : i32
      %dma_wait3A_159 = tpu.memref_slice %arg12[%add3A_37, %dma_wait3A_158] : memref<10240x16xf32, #tpu.memory_space<vmem_shared>> -> memref<128x16xf32, #tpu.memory_space<vmem_shared>>
      %dma_wait3A_160 = arith.constant 0 : i32
      %dma_wait3A_161 = tpu.memref_slice %arg12[%add3A_37, %dma_wait3A_160] : memref<10240x16xf32, #tpu.memory_space<vmem_shared>> -> memref<128x16xf32, #tpu.memory_space<vmem_shared>>
      tpu.wait_dma2 semaphore(%run_scoped3A : memref<!tpu.dma_semaphore, #tpu.memory_space<semaphore_mem>>) src(%arg9 : memref<128x16xf32, #tpu.memory_space<vmem>>) dst(%dma_wait3A_161 : memref<128x16xf32, #tpu.memory_space<vmem_shared>>)
      tpu.yield
    }) : () -> ()
    %mul3A_50 = arith.constant 640 : i32
    %mul3A_51 = arith.muli %arg1, %mul3A_50 : i32
    %add3A_52 = arith.constant 128 : i32
    %add3A_53 = arith.addi %mul3A_51, %add3A_52 : i32
    "tpu.region"() ({
      %run_scoped3A = tpu.sem_alloc : memref<!tpu.dma_semaphore, #tpu.memory_space<semaphore_mem>>
      %dma_start3A_154 = arith.constant 0 : i32
      %dma_start3A_155 = tpu.memref_slice %arg12[%add3A_53, %dma_start3A_154] : memref<10240x16xf32, #tpu.memory_space<vmem_shared>> -> memref<128x16xf32, #tpu.memory_space<vmem_shared>>
      %dma_start3A_156 = arith.constant 0 : i32
      %dma_start3A_157 = tpu.memref_slice %arg12[%add3A_53, %dma_start3A_156] : memref<10240x16xf32, #tpu.memory_space<vmem_shared>> -> memref<128x16xf32, #tpu.memory_space<vmem_shared>>
      tpu.enqueue_dma source(%dma_start3A_157 : memref<128x16xf32, #tpu.memory_space<vmem_shared>>) target(%arg9 : memref<128x16xf32, #tpu.memory_space<vmem>>) target_semaphore(%run_scoped3A : memref<!tpu.dma_semaphore, #tpu.memory_space<semaphore_mem>>)
      %dma_wait3A_158 = arith.constant 0 : i32
      %dma_wait3A_159 = tpu.memref_slice %arg12[%add3A_53, %dma_wait3A_158] : memref<10240x16xf32, #tpu.memory_space<vmem_shared>> -> memref<128x16xf32, #tpu.memory_space<vmem_shared>>
      %dma_wait3A_160 = arith.constant 0 : i32
      %dma_wait3A_161 = tpu.memref_slice %arg12[%add3A_53, %dma_wait3A_160] : memref<10240x16xf32, #tpu.memory_space<vmem_shared>> -> memref<128x16xf32, #tpu.memory_space<vmem_shared>>
      tpu.wait_dma2 semaphore(%run_scoped3A : memref<!tpu.dma_semaphore, #tpu.memory_space<semaphore_mem>>) src(%dma_wait3A_161 : memref<128x16xf32, #tpu.memory_space<vmem_shared>>) dst(%arg9 : memref<128x16xf32, #tpu.memory_space<vmem>>)
      tpu.yield
    }) : () -> ()
    "tpu.region"() ({
      %run_scoped3A = tpu.sem_alloc : memref<!tpu.dma_semaphore, #tpu.memory_space<semaphore_mem>>
      %dma_start3A_154 = arith.constant 0 : i32
      %dma_start3A_155 = tpu.memref_slice %arg2[%add3A_53, %dma_start3A_154] : memref<10240x16xf32, #tpu.memory_space<hbm>> -> memref<128x16xf32, #tpu.memory_space<hbm>>
      %dma_start3A_156 = arith.constant 0 : i32
      %dma_start3A_157 = tpu.memref_slice %arg2[%add3A_53, %dma_start3A_156] : memref<10240x16xf32, #tpu.memory_space<hbm>> -> memref<128x16xf32, #tpu.memory_space<hbm>>
      tpu.enqueue_dma source(%dma_start3A_157 : memref<128x16xf32, #tpu.memory_space<hbm>>) target(%arg10 : memref<128x16xf32, #tpu.memory_space<vmem>>) target_semaphore(%run_scoped3A : memref<!tpu.dma_semaphore, #tpu.memory_space<semaphore_mem>>)
      %dma_wait3A_158 = arith.constant 0 : i32
      %dma_wait3A_159 = tpu.memref_slice %arg2[%add3A_53, %dma_wait3A_158] : memref<10240x16xf32, #tpu.memory_space<hbm>> -> memref<128x16xf32, #tpu.memory_space<hbm>>
      %dma_wait3A_160 = arith.constant 0 : i32
      %dma_wait3A_161 = tpu.memref_slice %arg2[%add3A_53, %dma_wait3A_160] : memref<10240x16xf32, #tpu.memory_space<hbm>> -> memref<128x16xf32, #tpu.memory_space<hbm>>
      tpu.wait_dma2 semaphore(%run_scoped3A : memref<!tpu.dma_semaphore, #tpu.memory_space<semaphore_mem>>) src(%dma_wait3A_161 : memref<128x16xf32, #tpu.memory_space<hbm>>) dst(%arg10 : memref<128x16xf32, #tpu.memory_space<vmem>>)
      tpu.yield
    }) : () -> ()
    %scan3A_54 = arith.constant 0 : i32
    %scan3A_55 = arith.constant 128 : i32
    %scan3A_56 = arith.addi %scan3A_54, %scan3A_55 : i32
    %scan3A_57 = arith.constant 1 : i32
    scf.for %scan3A_154 = %scan3A_54 to %scan3A_56 step %scan3A_57  : i32 {
      %mul3A_155 = arith.constant 1 : i32
      %mul3A_156 = arith.muli %scan3A_154, %mul3A_155 : i32
      %add3A_157 = arith.constant 0 : i32
      %add3A_158 = arith.addi %add3A_157, %mul3A_156 : i32
      %get3A = arith.index_cast %add3A_158 : i32 to index
      %get3A_159 = arith.constant 0 : index
      %get3A_160 = tpu.vector_load %arg9[%get3A, %get3A_159] {strides = array<i32>} : memref<128x16xf32, #tpu.memory_space<vmem>>, vector<1x16xf32>,
      %get3A_161 = vector.shape_cast %get3A_160 : vector<1x16xf32> to vector<16xf32>
      %add3A_162 = arith.constant 1.000000e+00 : f32
      %add3A_163 = vector.broadcast %add3A_162 : f32 to vector<16xf32>
      %add3A_164 = arith.addf %get3A_161, %add3A_163 : vector<16xf32>
      %broadcast_in_dim3A = arith.constant 1.000000e+00 : f32
      %broadcast_in_dim3A_165 = vector.broadcast %broadcast_in_dim3A : f32 to vector<16xf32>
      %ge3A = arith.constant 2.000000e+00 : f32
      %ge3A_166 = vector.broadcast %ge3A : f32 to vector<16xf32>
      %ge3A_167 = arith.cmpf oge, %add3A_164, %ge3A_166 : vector<16xf32>
      %jit3A = arith.constant 0.707106769 : f32
      %broadcast_in_dim3A_168 = vector.broadcast %jit3A : f32 to vector<16xf32>
      %select_n3A = arith.select %ge3A_167, %broadcast_in_dim3A_168, %broadcast_in_dim3A_165 : vector<16xi1>, vector<16xf32>
      %ge3A_169 = arith.constant 4.000000e+00 : f32
      %ge3A_170 = vector.broadcast %ge3A_169 : f32 to vector<16xf32>
      %ge3A_171 = arith.cmpf oge, %add3A_164, %ge3A_170 : vector<16xf32>
      %jit3A_172 = arith.constant 5.000000e-01 : f32
      %broadcast_in_dim3A_173 = vector.broadcast %jit3A_172 : f32 to vector<16xf32>
      %select_n3A_174 = arith.select %ge3A_171, %broadcast_in_dim3A_173, %select_n3A : vector<16xi1>, vector<16xf32>
      %ge3A_175 = arith.constant 8.000000e+00 : f32
      %ge3A_176 = vector.broadcast %ge3A_175 : f32 to vector<16xf32>
      %ge3A_177 = arith.cmpf oge, %add3A_164, %ge3A_176 : vector<16xf32>
      %jit3A_178 = arith.constant 0.353553385 : f32
      %broadcast_in_dim3A_179 = vector.broadcast %jit3A_178 : f32 to vector<16xf32>
      %select_n3A_180 = arith.select %ge3A_177, %broadcast_in_dim3A_179, %select_n3A_174 : vector<16xi1>, vector<16xf32>
      %ge3A_181 = arith.constant 1.600000e+01 : f32
      %ge3A_182 = vector.broadcast %ge3A_181 : f32 to vector<16xf32>
      %ge3A_183 = arith.cmpf oge, %add3A_164, %ge3A_182 : vector<16xf32>
      %jit3A_184 = arith.constant 2.500000e-01 : f32
      %broadcast_in_dim3A_185 = vector.broadcast %jit3A_184 : f32 to vector<16xf32>
      %select_n3A_186 = arith.select %ge3A_183, %broadcast_in_dim3A_185, %select_n3A_180 : vector<16xi1>, vector<16xf32>
      %ge3A_187 = arith.constant 3.200000e+01 : f32
      %ge3A_188 = vector.broadcast %ge3A_187 : f32 to vector<16xf32>
      %ge3A_189 = arith.cmpf oge, %add3A_164, %ge3A_188 : vector<16xf32>
      %jit3A_190 = arith.constant 0.176776692 : f32
      %broadcast_in_dim3A_191 = vector.broadcast %jit3A_190 : f32 to vector<16xf32>
      %select_n3A_192 = arith.select %ge3A_189, %broadcast_in_dim3A_191, %select_n3A_186 : vector<16xi1>, vector<16xf32>
      %ge3A_193 = arith.constant 6.400000e+01 : f32
      %ge3A_194 = vector.broadcast %ge3A_193 : f32 to vector<16xf32>
      %ge3A_195 = arith.cmpf oge, %add3A_164, %ge3A_194 : vector<16xf32>
      %jit3A_196 = arith.constant 1.250000e-01 : f32
      %broadcast_in_dim3A_197 = vector.broadcast %jit3A_196 : f32 to vector<16xf32>
      %select_n3A_198 = arith.select %ge3A_195, %broadcast_in_dim3A_197, %select_n3A_192 : vector<16xi1>, vector<16xf32>
      %ge3A_199 = arith.constant 1.280000e+02 : f32
      %ge3A_200 = vector.broadcast %ge3A_199 : f32 to vector<16xf32>
      %ge3A_201 = arith.cmpf oge, %add3A_164, %ge3A_200 : vector<16xf32>
      %jit3A_202 = arith.constant 0.0883883461 : f32
      %broadcast_in_dim3A_203 = vector.broadcast %jit3A_202 : f32 to vector<16xf32>
      %select_n3A_204 = arith.select %ge3A_201, %broadcast_in_dim3A_203, %select_n3A_198 : vector<16xi1>, vector<16xf32>
      %ge3A_205 = arith.constant 2.560000e+02 : f32
      %ge3A_206 = vector.broadcast %ge3A_205 : f32 to vector<16xf32>
      %ge3A_207 = arith.cmpf oge, %add3A_164, %ge3A_206 : vector<16xf32>
      %jit3A_208 = arith.constant 6.250000e-02 : f32
      %broadcast_in_dim3A_209 = vector.broadcast %jit3A_208 : f32 to vector<16xf32>
      %select_n3A_210 = arith.select %ge3A_207, %broadcast_in_dim3A_209, %select_n3A_204 : vector<16xi1>, vector<16xf32>
      %ge3A_211 = arith.constant 5.120000e+02 : f32
      %ge3A_212 = vector.broadcast %ge3A_211 : f32 to vector<16xf32>
      %ge3A_213 = arith.cmpf oge, %add3A_164, %ge3A_212 : vector<16xf32>
      %jit3A_214 = arith.constant 0.0441941731 : f32
      %broadcast_in_dim3A_215 = vector.broadcast %jit3A_214 : f32 to vector<16xf32>
      %select_n3A_216 = arith.select %ge3A_213, %broadcast_in_dim3A_215, %select_n3A_210 : vector<16xi1>, vector<16xf32>
      %ge3A_217 = arith.constant 1.024000e+03 : f32
      %ge3A_218 = vector.broadcast %ge3A_217 : f32 to vector<16xf32>
      %ge3A_219 = arith.cmpf oge, %add3A_164, %ge3A_218 : vector<16xf32>
      %jit3A_220 = arith.constant 3.125000e-02 : f32
      %broadcast_in_dim3A_221 = vector.broadcast %jit3A_220 : f32 to vector<16xf32>
      %select_n3A_222 = arith.select %ge3A_219, %broadcast_in_dim3A_221, %select_n3A_216 : vector<16xi1>, vector<16xf32>
      %ge3A_223 = arith.constant 2.048000e+03 : f32
      %ge3A_224 = vector.broadcast %ge3A_223 : f32 to vector<16xf32>
      %ge3A_225 = arith.cmpf oge, %add3A_164, %ge3A_224 : vector<16xf32>
      %jit3A_226 = arith.constant 0.0220970865 : f32
      %broadcast_in_dim3A_227 = vector.broadcast %jit3A_226 : f32 to vector<16xf32>
      %select_n3A_228 = arith.select %ge3A_225, %broadcast_in_dim3A_227, %select_n3A_222 : vector<16xi1>, vector<16xf32>
      %ge3A_229 = arith.constant 4.096000e+03 : f32
      %ge3A_230 = vector.broadcast %ge3A_229 : f32 to vector<16xf32>
      %ge3A_231 = arith.cmpf oge, %add3A_164, %ge3A_230 : vector<16xf32>
      %jit3A_232 = arith.constant 1.562500e-02 : f32
      %broadcast_in_dim3A_233 = vector.broadcast %jit3A_232 : f32 to vector<16xf32>
      %select_n3A_234 = arith.select %ge3A_231, %broadcast_in_dim3A_233, %select_n3A_228 : vector<16xi1>, vector<16xf32>
      %ge3A_235 = arith.constant 8.192000e+03 : f32
      %ge3A_236 = vector.broadcast %ge3A_235 : f32 to vector<16xf32>
      %ge3A_237 = arith.cmpf oge, %add3A_164, %ge3A_236 : vector<16xf32>
      %jit3A_238 = arith.constant 0.0110485433 : f32
      %broadcast_in_dim3A_239 = vector.broadcast %jit3A_238 : f32 to vector<16xf32>
      %select_n3A_240 = arith.select %ge3A_237, %broadcast_in_dim3A_239, %select_n3A_234 : vector<16xi1>, vector<16xf32>
      %ge3A_241 = arith.constant 1.638400e+04 : f32
      %ge3A_242 = vector.broadcast %ge3A_241 : f32 to vector<16xf32>
      %ge3A_243 = arith.cmpf oge, %add3A_164, %ge3A_242 : vector<16xf32>
      %jit3A_244 = arith.constant 7.812500e-03 : f32
      %broadcast_in_dim3A_245 = vector.broadcast %jit3A_244 : f32 to vector<16xf32>
      %select_n3A_246 = arith.select %ge3A_243, %broadcast_in_dim3A_245, %select_n3A_240 : vector<16xi1>, vector<16xf32>
      %ge3A_247 = arith.constant 3.276800e+04 : f32
      %ge3A_248 = vector.broadcast %ge3A_247 : f32 to vector<16xf32>
      %ge3A_249 = arith.cmpf oge, %add3A_164, %ge3A_248 : vector<16xf32>
      %jit3A_250 = arith.constant 0.00552427163 : f32
      %broadcast_in_dim3A_251 = vector.broadcast %jit3A_250 : f32 to vector<16xf32>
      %select_n3A_252 = arith.select %ge3A_249, %broadcast_in_dim3A_251, %select_n3A_246 : vector<16xi1>, vector<16xf32>
      %ge3A_253 = arith.constant 6.553600e+04 : f32
      %ge3A_254 = vector.broadcast %ge3A_253 : f32 to vector<16xf32>
      %ge3A_255 = arith.cmpf oge, %add3A_164, %ge3A_254 : vector<16xf32>
      %jit3A_256 = arith.constant 3.906250e-03 : f32
      %broadcast_in_dim3A_257 = vector.broadcast %jit3A_256 : f32 to vector<16xf32>
      %select_n3A_258 = arith.select %ge3A_255, %broadcast_in_dim3A_257, %select_n3A_252 : vector<16xi1>, vector<16xf32>
      %ge3A_259 = arith.constant 1.310720e+05 : f32
      %ge3A_260 = vector.broadcast %ge3A_259 : f32 to vector<16xf32>
      %ge3A_261 = arith.cmpf oge, %add3A_164, %ge3A_260 : vector<16xf32>
      %jit3A_262 = arith.constant 0.00276213582 : f32
      %broadcast_in_dim3A_263 = vector.broadcast %jit3A_262 : f32 to vector<16xf32>
      %select_n3A_264 = arith.select %ge3A_261, %broadcast_in_dim3A_263, %select_n3A_258 : vector<16xi1>, vector<16xf32>
      %ge3A_265 = arith.constant 2.621440e+05 : f32
      %ge3A_266 = vector.broadcast %ge3A_265 : f32 to vector<16xf32>
      %ge3A_267 = arith.cmpf oge, %add3A_164, %ge3A_266 : vector<16xf32>
      %jit3A_268 = arith.constant 0.001953125 : f32
      %broadcast_in_dim3A_269 = vector.broadcast %jit3A_268 : f32 to vector<16xf32>
      %select_n3A_270 = arith.select %ge3A_267, %broadcast_in_dim3A_269, %select_n3A_264 : vector<16xi1>, vector<16xf32>
      %mul3A_271 = arith.constant 5.000000e-01 : f32
      %mul3A_272 = vector.broadcast %mul3A_271 : f32 to vector<16xf32>
      %mul3A_273 = arith.mulf %mul3A_272, %add3A_164 : vector<16xf32>
      %mul3A_274 = arith.mulf %mul3A_273, %select_n3A_270 : vector<16xf32>
      %mul3A_275 = arith.mulf %mul3A_274, %select_n3A_270 : vector<16xf32>
      %sub3A = arith.constant 1.500000e+00 : f32
      %sub3A_276 = vector.broadcast %sub3A : f32 to vector<16xf32>
      %sub3A_277 = arith.subf %sub3A_276, %mul3A_275 : vector<16xf32>
      %mul3A_278 = arith.mulf %select_n3A_270, %sub3A_277 : vector<16xf32>
      %mul3A_279 = arith.constant 5.000000e-01 : f32
      %mul3A_280 = vector.broadcast %mul3A_279 : f32 to vector<16xf32>
      %mul3A_281 = arith.mulf %mul3A_280, %add3A_164 : vector<16xf32>
      %mul3A_282 = arith.mulf %mul3A_281, %mul3A_278 : vector<16xf32>
      %mul3A_283 = arith.mulf %mul3A_282, %mul3A_278 : vector<16xf32>
      %sub3A_284 = arith.constant 1.500000e+00 : f32
      %sub3A_285 = vector.broadcast %sub3A_284 : f32 to vector<16xf32>
      %sub3A_286 = arith.subf %sub3A_285, %mul3A_283 : vector<16xf32>
      %mul3A_287 = arith.mulf %mul3A_278, %sub3A_286 : vector<16xf32>
      %mul3A_288 = arith.constant 5.000000e-01 : f32
      %mul3A_289 = vector.broadcast %mul3A_288 : f32 to vector<16xf32>
      %mul3A_290 = arith.mulf %mul3A_289, %add3A_164 : vector<16xf32>
      %mul3A_291 = arith.mulf %mul3A_290, %mul3A_287 : vector<16xf32>
      %mul3A_292 = arith.mulf %mul3A_291, %mul3A_287 : vector<16xf32>
      %sub3A_293 = arith.constant 1.500000e+00 : f32
      %sub3A_294 = vector.broadcast %sub3A_293 : f32 to vector<16xf32>
      %sub3A_295 = arith.subf %sub3A_294, %mul3A_292 : vector<16xf32>
      %mul3A_296 = arith.mulf %mul3A_287, %sub3A_295 : vector<16xf32>
      %mul3A_297 = arith.constant 5.000000e-01 : f32
      %mul3A_298 = vector.broadcast %mul3A_297 : f32 to vector<16xf32>
      %mul3A_299 = arith.mulf %mul3A_298, %add3A_164 : vector<16xf32>
      %mul3A_300 = arith.mulf %mul3A_299, %mul3A_296 : vector<16xf32>
      %mul3A_301 = arith.mulf %mul3A_300, %mul3A_296 : vector<16xf32>
      %sub3A_302 = arith.constant 1.500000e+00 : f32
      %sub3A_303 = vector.broadcast %sub3A_302 : f32 to vector<16xf32>
      %sub3A_304 = arith.subf %sub3A_303, %mul3A_301 : vector<16xf32>
      %mul3A_305 = arith.mulf %mul3A_296, %sub3A_304 : vector<16xf32>
      %mul3A_306 = arith.constant 5.000000e-01 : f32
      %mul3A_307 = vector.broadcast %mul3A_306 : f32 to vector<16xf32>
      %mul3A_308 = arith.mulf %mul3A_307, %add3A_164 : vector<16xf32>
      %mul3A_309 = arith.mulf %mul3A_308, %mul3A_305 : vector<16xf32>
      %mul3A_310 = arith.mulf %mul3A_309, %mul3A_305 : vector<16xf32>
      %sub3A_311 = arith.constant 1.500000e+00 : f32
      %sub3A_312 = vector.broadcast %sub3A_311 : f32 to vector<16xf32>
      %sub3A_313 = arith.subf %sub3A_312, %mul3A_310 : vector<16xf32>
      %mul3A_314 = arith.mulf %mul3A_305, %sub3A_313 : vector<16xf32>
      %swap3A = arith.index_cast %add3A_158 : i32 to index
      %swap3A_315 = arith.constant 0 : index
      %swap3A_316 = tpu.vector_load %arg9[%swap3A, %swap3A_315] {strides = array<i32>} : memref<128x16xf32, #tpu.memory_space<vmem>>, vector<1x16xf32>,
      %swap3A_317 = vector.shape_cast %swap3A_316 : vector<1x16xf32> to vector<16xf32>
      %swap3A_318 = vector.shape_cast %mul3A_314 : vector<16xf32> to vector<1x16xf32>
      tpu.vector_store %arg9[%swap3A, %swap3A_315], %swap3A_318 {strides = array<i32>} : memref<128x16xf32, #tpu.memory_space<vmem>>, vector<1x16xf32>,
      %get3A_319 = arith.index_cast %add3A_158 : i32 to index
      %get3A_320 = arith.constant 0 : index
      %get3A_321 = tpu.vector_load %arg10[%get3A_319, %get3A_320] {strides = array<i32>} : memref<128x16xf32, #tpu.memory_space<vmem>>, vector<1x16xf32>,
      %get3A_322 = vector.shape_cast %get3A_321 : vector<1x16xf32> to vector<16xf32>
      %mul3A_323 = arith.mulf %get3A_322, %mul3A_314 : vector<16xf32>
      %swap3A_324 = arith.index_cast %add3A_158 : i32 to index
      %swap3A_325 = arith.constant 0 : index
      %swap3A_326 = tpu.vector_load %arg10[%swap3A_324, %swap3A_325] {strides = array<i32>} : memref<128x16xf32, #tpu.memory_space<vmem>>, vector<1x16xf32>,
      %swap3A_327 = vector.shape_cast %swap3A_326 : vector<1x16xf32> to vector<16xf32>
      %swap3A_328 = vector.shape_cast %mul3A_323 : vector<16xf32> to vector<1x16xf32>
      tpu.vector_store %arg10[%swap3A_324, %swap3A_325], %swap3A_328 {strides = array<i32>} : memref<128x16xf32, #tpu.memory_space<vmem>>, vector<1x16xf32>,
    }
    %scan3A_58 = arith.constant 128 : i32
    "tpu.region"() ({
      %run_scoped3A = tpu.sem_alloc : memref<!tpu.dma_semaphore, #tpu.memory_space<semaphore_mem>>
      %dma_start3A_154 = arith.constant 0 : i32
      %dma_start3A_155 = tpu.memref_slice %arg11[%add3A_53, %dma_start3A_154] : memref<10240x16xf32, #tpu.memory_space<vmem_shared>> -> memref<128x16xf32, #tpu.memory_space<vmem_shared>>
      %dma_start3A_156 = arith.constant 0 : i32
      %dma_start3A_157 = tpu.memref_slice %arg11[%add3A_53, %dma_start3A_156] : memref<10240x16xf32, #tpu.memory_space<vmem_shared>> -> memref<128x16xf32, #tpu.memory_space<vmem_shared>>
      tpu.enqueue_dma source(%arg10 : memref<128x16xf32, #tpu.memory_space<vmem>>) target(%dma_start3A_157 : memref<128x16xf32, #tpu.memory_space<vmem_shared>>) target_semaphore(%run_scoped3A : memref<!tpu.dma_semaphore, #tpu.memory_space<semaphore_mem>>)
      %dma_wait3A_158 = arith.constant 0 : i32
      %dma_wait3A_159 = tpu.memref_slice %arg11[%add3A_53, %dma_wait3A_158] : memref<10240x16xf32, #tpu.memory_space<vmem_shared>> -> memref<128x16xf32, #tpu.memory_space<vmem_shared>>
      %dma_wait3A_160 = arith.constant 0 : i32
      %dma_wait3A_161 = tpu.memref_slice %arg11[%add3A_53, %dma_wait3A_160] : memref<10240x16xf32, #tpu.memory_space<vmem_shared>> -> memref<128x16xf32, #tpu.memory_space<vmem_shared>>
      tpu.wait_dma2 semaphore(%run_scoped3A : memref<!tpu.dma_semaphore, #tpu.memory_space<semaphore_mem>>) src(%arg10 : memref<128x16xf32, #tpu.memory_space<vmem>>) dst(%dma_wait3A_161 : memref<128x16xf32, #tpu.memory_space<vmem_shared>>)
      tpu.yield
    }) : () -> ()
    %eq3A_59 = arith.constant 0 : i32
    %eq3A_60 = arith.cmpi eq, %arg0, %eq3A_59 : i32
    %convert_element_type3A_61 = arith.extui %eq3A_60 : i1 to i32
    %cond3A_62 = arith.constant 0 : i32
    %cond3A_63 = arith.cmpi ne, %convert_element_type3A_61, %cond3A_62 : i32
    scf.if %cond3A_63 {
      "tpu.region"() ({
        %run_scoped3A = tpu.sem_alloc : memref<!tpu.dma_semaphore, #tpu.memory_space<semaphore_mem>>
        %dma_start3A_154 = arith.constant 0 : i32
        %dma_start3A_155 = tpu.memref_slice %arg6[%add3A_53, %dma_start3A_154] : memref<10240x16xf32, #tpu.memory_space<hbm>> -> memref<128x16xf32, #tpu.memory_space<hbm>>
        %dma_start3A_156 = arith.constant 0 : i32
        %dma_start3A_157 = tpu.memref_slice %arg6[%add3A_53, %dma_start3A_156] : memref<10240x16xf32, #tpu.memory_space<hbm>> -> memref<128x16xf32, #tpu.memory_space<hbm>>
        tpu.enqueue_dma source(%arg9 : memref<128x16xf32, #tpu.memory_space<vmem>>) target(%dma_start3A_157 : memref<128x16xf32, #tpu.memory_space<hbm>>) target_semaphore(%run_scoped3A : memref<!tpu.dma_semaphore, #tpu.memory_space<semaphore_mem>>)
        %dma_wait3A_158 = arith.constant 0 : i32
        %dma_wait3A_159 = tpu.memref_slice %arg6[%add3A_53, %dma_wait3A_158] : memref<10240x16xf32, #tpu.memory_space<hbm>> -> memref<128x16xf32, #tpu.memory_space<hbm>>
        %dma_wait3A_160 = arith.constant 0 : i32
        %dma_wait3A_161 = tpu.memref_slice %arg6[%add3A_53, %dma_wait3A_160] : memref<10240x16xf32, #tpu.memory_space<hbm>> -> memref<128x16xf32, #tpu.memory_space<hbm>>
        tpu.wait_dma2 semaphore(%run_scoped3A : memref<!tpu.dma_semaphore, #tpu.memory_space<semaphore_mem>>) src(%arg9 : memref<128x16xf32, #tpu.memory_space<vmem>>) dst(%dma_wait3A_161 : memref<128x16xf32, #tpu.memory_space<hbm>>)
        tpu.yield
      }) : () -> ()
    } else {
    }
    %scan3A_64 = arith.constant 0 : i32
    %scan3A_65 = arith.constant 128 : i32
    %scan3A_66 = arith.addi %scan3A_64, %scan3A_65 : i32
    %scan3A_67 = arith.constant 1 : i32
    scf.for %scan3A_154 = %scan3A_64 to %scan3A_66 step %scan3A_67  : i32 {
      %mul3A_155 = arith.constant 1 : i32
      %mul3A_156 = arith.muli %scan3A_154, %mul3A_155 : i32
      %add3A_157 = arith.constant 0 : i32
      %add3A_158 = arith.addi %add3A_157, %mul3A_156 : i32
      %broadcast_in_dim3A = arith.constant 0.000000e+00 : f32
      %broadcast_in_dim3A_159 = vector.broadcast %broadcast_in_dim3A : f32 to vector<16xf32>
      %swap3A = arith.index_cast %add3A_158 : i32 to index
      %swap3A_160 = arith.constant 0 : index
      %swap3A_161 = tpu.vector_load %arg9[%swap3A, %swap3A_160] {strides = array<i32>} : memref<128x16xf32, #tpu.memory_space<vmem>>, vector<1x16xf32>,
      %swap3A_162 = vector.shape_cast %swap3A_161 : vector<1x16xf32> to vector<16xf32>
      %swap3A_163 = vector.shape_cast %broadcast_in_dim3A_159 : vector<16xf32> to vector<1x16xf32>
      tpu.vector_store %arg9[%swap3A, %swap3A_160], %swap3A_163 {strides = array<i32>} : memref<128x16xf32, #tpu.memory_space<vmem>>, vector<1x16xf32>,
    }
    %scan3A_68 = arith.constant 128 : i32
    "tpu.region"() ({
      %run_scoped3A = tpu.sem_alloc : memref<!tpu.dma_semaphore, #tpu.memory_space<semaphore_mem>>
      %dma_start3A_154 = arith.constant 0 : i32
      %dma_start3A_155 = tpu.memref_slice %arg12[%add3A_53, %dma_start3A_154] : memref<10240x16xf32, #tpu.memory_space<vmem_shared>> -> memref<128x16xf32, #tpu.memory_space<vmem_shared>>
      %dma_start3A_156 = arith.constant 0 : i32
      %dma_start3A_157 = tpu.memref_slice %arg12[%add3A_53, %dma_start3A_156] : memref<10240x16xf32, #tpu.memory_space<vmem_shared>> -> memref<128x16xf32, #tpu.memory_space<vmem_shared>>
      tpu.enqueue_dma source(%arg9 : memref<128x16xf32, #tpu.memory_space<vmem>>) target(%dma_start3A_157 : memref<128x16xf32, #tpu.memory_space<vmem_shared>>) target_semaphore(%run_scoped3A : memref<!tpu.dma_semaphore, #tpu.memory_space<semaphore_mem>>)
      %dma_wait3A_158 = arith.constant 0 : i32
      %dma_wait3A_159 = tpu.memref_slice %arg12[%add3A_53, %dma_wait3A_158] : memref<10240x16xf32, #tpu.memory_space<vmem_shared>> -> memref<128x16xf32, #tpu.memory_space<vmem_shared>>
      %dma_wait3A_160 = arith.constant 0 : i32
      %dma_wait3A_161 = tpu.memref_slice %arg12[%add3A_53, %dma_wait3A_160] : memref<10240x16xf32, #tpu.memory_space<vmem_shared>> -> memref<128x16xf32, #tpu.memory_space<vmem_shared>>
      tpu.wait_dma2 semaphore(%run_scoped3A : memref<!tpu.dma_semaphore, #tpu.memory_space<semaphore_mem>>) src(%arg9 : memref<128x16xf32, #tpu.memory_space<vmem>>) dst(%dma_wait3A_161 : memref<128x16xf32, #tpu.memory_space<vmem_shared>>)
      tpu.yield
    }) : () -> ()
    %mul3A_69 = arith.constant 640 : i32
    %mul3A_70 = arith.muli %arg1, %mul3A_69 : i32
    %add3A_71 = arith.constant 256 : i32
    %add3A_72 = arith.addi %mul3A_70, %add3A_71 : i32
    "tpu.region"() ({
      %run_scoped3A = tpu.sem_alloc : memref<!tpu.dma_semaphore, #tpu.memory_space<semaphore_mem>>
      %dma_start3A_154 = arith.constant 0 : i32
      %dma_start3A_155 = tpu.memref_slice %arg12[%add3A_72, %dma_start3A_154] : memref<10240x16xf32, #tpu.memory_space<vmem_shared>> -> memref<128x16xf32, #tpu.memory_space<vmem_shared>>
      %dma_start3A_156 = arith.constant 0 : i32
      %dma_start3A_157 = tpu.memref_slice %arg12[%add3A_72, %dma_start3A_156] : memref<10240x16xf32, #tpu.memory_space<vmem_shared>> -> memref<128x16xf32, #tpu.memory_space<vmem_shared>>
      tpu.enqueue_dma source(%dma_start3A_157 : memref<128x16xf32, #tpu.memory_space<vmem_shared>>) target(%arg9 : memref<128x16xf32, #tpu.memory_space<vmem>>) target_semaphore(%run_scoped3A : memref<!tpu.dma_semaphore, #tpu.memory_space<semaphore_mem>>)
      %dma_wait3A_158 = arith.constant 0 : i32
      %dma_wait3A_159 = tpu.memref_slice %arg12[%add3A_72, %dma_wait3A_158] : memref<10240x16xf32, #tpu.memory_space<vmem_shared>> -> memref<128x16xf32, #tpu.memory_space<vmem_shared>>
      %dma_wait3A_160 = arith.constant 0 : i32
      %dma_wait3A_161 = tpu.memref_slice %arg12[%add3A_72, %dma_wait3A_160] : memref<10240x16xf32, #tpu.memory_space<vmem_shared>> -> memref<128x16xf32, #tpu.memory_space<vmem_shared>>
      tpu.wait_dma2 semaphore(%run_scoped3A : memref<!tpu.dma_semaphore, #tpu.memory_space<semaphore_mem>>) src(%dma_wait3A_161 : memref<128x16xf32, #tpu.memory_space<vmem_shared>>) dst(%arg9 : memref<128x16xf32, #tpu.memory_space<vmem>>)
      tpu.yield
    }) : () -> ()
    "tpu.region"() ({
      %run_scoped3A = tpu.sem_alloc : memref<!tpu.dma_semaphore, #tpu.memory_space<semaphore_mem>>
      %dma_start3A_154 = arith.constant 0 : i32
      %dma_start3A_155 = tpu.memref_slice %arg2[%add3A_72, %dma_start3A_154] : memref<10240x16xf32, #tpu.memory_space<hbm>> -> memref<128x16xf32, #tpu.memory_space<hbm>>
      %dma_start3A_156 = arith.constant 0 : i32
      %dma_start3A_157 = tpu.memref_slice %arg2[%add3A_72, %dma_start3A_156] : memref<10240x16xf32, #tpu.memory_space<hbm>> -> memref<128x16xf32, #tpu.memory_space<hbm>>
      tpu.enqueue_dma source(%dma_start3A_157 : memref<128x16xf32, #tpu.memory_space<hbm>>) target(%arg10 : memref<128x16xf32, #tpu.memory_space<vmem>>) target_semaphore(%run_scoped3A : memref<!tpu.dma_semaphore, #tpu.memory_space<semaphore_mem>>)
      %dma_wait3A_158 = arith.constant 0 : i32
      %dma_wait3A_159 = tpu.memref_slice %arg2[%add3A_72, %dma_wait3A_158] : memref<10240x16xf32, #tpu.memory_space<hbm>> -> memref<128x16xf32, #tpu.memory_space<hbm>>
      %dma_wait3A_160 = arith.constant 0 : i32
      %dma_wait3A_161 = tpu.memref_slice %arg2[%add3A_72, %dma_wait3A_160] : memref<10240x16xf32, #tpu.memory_space<hbm>> -> memref<128x16xf32, #tpu.memory_space<hbm>>
      tpu.wait_dma2 semaphore(%run_scoped3A : memref<!tpu.dma_semaphore, #tpu.memory_space<semaphore_mem>>) src(%dma_wait3A_161 : memref<128x16xf32, #tpu.memory_space<hbm>>) dst(%arg10 : memref<128x16xf32, #tpu.memory_space<vmem>>)
      tpu.yield
    }) : () -> ()
    %scan3A_73 = arith.constant 0 : i32
    %scan3A_74 = arith.constant 128 : i32
    %scan3A_75 = arith.addi %scan3A_73, %scan3A_74 : i32
    %scan3A_76 = arith.constant 1 : i32
    scf.for %scan3A_154 = %scan3A_73 to %scan3A_75 step %scan3A_76  : i32 {
      %mul3A_155 = arith.constant 1 : i32
      %mul3A_156 = arith.muli %scan3A_154, %mul3A_155 : i32
      %add3A_157 = arith.constant 0 : i32
      %add3A_158 = arith.addi %add3A_157, %mul3A_156 : i32
      %get3A = arith.index_cast %add3A_158 : i32 to index
      %get3A_159 = arith.constant 0 : index
      %get3A_160 = tpu.vector_load %arg9[%get3A, %get3A_159] {strides = array<i32>} : memref<128x16xf32, #tpu.memory_space<vmem>>, vector<1x16xf32>,
      %get3A_161 = vector.shape_cast %get3A_160 : vector<1x16xf32> to vector<16xf32>
      %add3A_162 = arith.constant 1.000000e+00 : f32
      %add3A_163 = vector.broadcast %add3A_162 : f32 to vector<16xf32>
      %add3A_164 = arith.addf %get3A_161, %add3A_163 : vector<16xf32>
      %broadcast_in_dim3A = arith.constant 1.000000e+00 : f32
      %broadcast_in_dim3A_165 = vector.broadcast %broadcast_in_dim3A : f32 to vector<16xf32>
      %ge3A = arith.constant 2.000000e+00 : f32
      %ge3A_166 = vector.broadcast %ge3A : f32 to vector<16xf32>
      %ge3A_167 = arith.cmpf oge, %add3A_164, %ge3A_166 : vector<16xf32>
      %jit3A = arith.constant 0.707106769 : f32
      %broadcast_in_dim3A_168 = vector.broadcast %jit3A : f32 to vector<16xf32>
      %select_n3A = arith.select %ge3A_167, %broadcast_in_dim3A_168, %broadcast_in_dim3A_165 : vector<16xi1>, vector<16xf32>
      %ge3A_169 = arith.constant 4.000000e+00 : f32
      %ge3A_170 = vector.broadcast %ge3A_169 : f32 to vector<16xf32>
      %ge3A_171 = arith.cmpf oge, %add3A_164, %ge3A_170 : vector<16xf32>
      %jit3A_172 = arith.constant 5.000000e-01 : f32
      %broadcast_in_dim3A_173 = vector.broadcast %jit3A_172 : f32 to vector<16xf32>
      %select_n3A_174 = arith.select %ge3A_171, %broadcast_in_dim3A_173, %select_n3A : vector<16xi1>, vector<16xf32>
      %ge3A_175 = arith.constant 8.000000e+00 : f32
      %ge3A_176 = vector.broadcast %ge3A_175 : f32 to vector<16xf32>
      %ge3A_177 = arith.cmpf oge, %add3A_164, %ge3A_176 : vector<16xf32>
      %jit3A_178 = arith.constant 0.353553385 : f32
      %broadcast_in_dim3A_179 = vector.broadcast %jit3A_178 : f32 to vector<16xf32>
      %select_n3A_180 = arith.select %ge3A_177, %broadcast_in_dim3A_179, %select_n3A_174 : vector<16xi1>, vector<16xf32>
      %ge3A_181 = arith.constant 1.600000e+01 : f32
      %ge3A_182 = vector.broadcast %ge3A_181 : f32 to vector<16xf32>
      %ge3A_183 = arith.cmpf oge, %add3A_164, %ge3A_182 : vector<16xf32>
      %jit3A_184 = arith.constant 2.500000e-01 : f32
      %broadcast_in_dim3A_185 = vector.broadcast %jit3A_184 : f32 to vector<16xf32>
      %select_n3A_186 = arith.select %ge3A_183, %broadcast_in_dim3A_185, %select_n3A_180 : vector<16xi1>, vector<16xf32>
      %ge3A_187 = arith.constant 3.200000e+01 : f32
      %ge3A_188 = vector.broadcast %ge3A_187 : f32 to vector<16xf32>
      %ge3A_189 = arith.cmpf oge, %add3A_164, %ge3A_188 : vector<16xf32>
      %jit3A_190 = arith.constant 0.176776692 : f32
      %broadcast_in_dim3A_191 = vector.broadcast %jit3A_190 : f32 to vector<16xf32>
      %select_n3A_192 = arith.select %ge3A_189, %broadcast_in_dim3A_191, %select_n3A_186 : vector<16xi1>, vector<16xf32>
      %ge3A_193 = arith.constant 6.400000e+01 : f32
      %ge3A_194 = vector.broadcast %ge3A_193 : f32 to vector<16xf32>
      %ge3A_195 = arith.cmpf oge, %add3A_164, %ge3A_194 : vector<16xf32>
      %jit3A_196 = arith.constant 1.250000e-01 : f32
      %broadcast_in_dim3A_197 = vector.broadcast %jit3A_196 : f32 to vector<16xf32>
      %select_n3A_198 = arith.select %ge3A_195, %broadcast_in_dim3A_197, %select_n3A_192 : vector<16xi1>, vector<16xf32>
      %ge3A_199 = arith.constant 1.280000e+02 : f32
      %ge3A_200 = vector.broadcast %ge3A_199 : f32 to vector<16xf32>
      %ge3A_201 = arith.cmpf oge, %add3A_164, %ge3A_200 : vector<16xf32>
      %jit3A_202 = arith.constant 0.0883883461 : f32
      %broadcast_in_dim3A_203 = vector.broadcast %jit3A_202 : f32 to vector<16xf32>
      %select_n3A_204 = arith.select %ge3A_201, %broadcast_in_dim3A_203, %select_n3A_198 : vector<16xi1>, vector<16xf32>
      %ge3A_205 = arith.constant 2.560000e+02 : f32
      %ge3A_206 = vector.broadcast %ge3A_205 : f32 to vector<16xf32>
      %ge3A_207 = arith.cmpf oge, %add3A_164, %ge3A_206 : vector<16xf32>
      %jit3A_208 = arith.constant 6.250000e-02 : f32
      %broadcast_in_dim3A_209 = vector.broadcast %jit3A_208 : f32 to vector<16xf32>
      %select_n3A_210 = arith.select %ge3A_207, %broadcast_in_dim3A_209, %select_n3A_204 : vector<16xi1>, vector<16xf32>
      %ge3A_211 = arith.constant 5.120000e+02 : f32
      %ge3A_212 = vector.broadcast %ge3A_211 : f32 to vector<16xf32>
      %ge3A_213 = arith.cmpf oge, %add3A_164, %ge3A_212 : vector<16xf32>
      %jit3A_214 = arith.constant 0.0441941731 : f32
      %broadcast_in_dim3A_215 = vector.broadcast %jit3A_214 : f32 to vector<16xf32>
      %select_n3A_216 = arith.select %ge3A_213, %broadcast_in_dim3A_215, %select_n3A_210 : vector<16xi1>, vector<16xf32>
      %ge3A_217 = arith.constant 1.024000e+03 : f32
      %ge3A_218 = vector.broadcast %ge3A_217 : f32 to vector<16xf32>
      %ge3A_219 = arith.cmpf oge, %add3A_164, %ge3A_218 : vector<16xf32>
      %jit3A_220 = arith.constant 3.125000e-02 : f32
      %broadcast_in_dim3A_221 = vector.broadcast %jit3A_220 : f32 to vector<16xf32>
      %select_n3A_222 = arith.select %ge3A_219, %broadcast_in_dim3A_221, %select_n3A_216 : vector<16xi1>, vector<16xf32>
      %ge3A_223 = arith.constant 2.048000e+03 : f32
      %ge3A_224 = vector.broadcast %ge3A_223 : f32 to vector<16xf32>
      %ge3A_225 = arith.cmpf oge, %add3A_164, %ge3A_224 : vector<16xf32>
      %jit3A_226 = arith.constant 0.0220970865 : f32
      %broadcast_in_dim3A_227 = vector.broadcast %jit3A_226 : f32 to vector<16xf32>
      %select_n3A_228 = arith.select %ge3A_225, %broadcast_in_dim3A_227, %select_n3A_222 : vector<16xi1>, vector<16xf32>
      %ge3A_229 = arith.constant 4.096000e+03 : f32
      %ge3A_230 = vector.broadcast %ge3A_229 : f32 to vector<16xf32>
      %ge3A_231 = arith.cmpf oge, %add3A_164, %ge3A_230 : vector<16xf32>
      %jit3A_232 = arith.constant 1.562500e-02 : f32
      %broadcast_in_dim3A_233 = vector.broadcast %jit3A_232 : f32 to vector<16xf32>
      %select_n3A_234 = arith.select %ge3A_231, %broadcast_in_dim3A_233, %select_n3A_228 : vector<16xi1>, vector<16xf32>
      %ge3A_235 = arith.constant 8.192000e+03 : f32
      %ge3A_236 = vector.broadcast %ge3A_235 : f32 to vector<16xf32>
      %ge3A_237 = arith.cmpf oge, %add3A_164, %ge3A_236 : vector<16xf32>
      %jit3A_238 = arith.constant 0.0110485433 : f32
      %broadcast_in_dim3A_239 = vector.broadcast %jit3A_238 : f32 to vector<16xf32>
      %select_n3A_240 = arith.select %ge3A_237, %broadcast_in_dim3A_239, %select_n3A_234 : vector<16xi1>, vector<16xf32>
      %ge3A_241 = arith.constant 1.638400e+04 : f32
      %ge3A_242 = vector.broadcast %ge3A_241 : f32 to vector<16xf32>
      %ge3A_243 = arith.cmpf oge, %add3A_164, %ge3A_242 : vector<16xf32>
      %jit3A_244 = arith.constant 7.812500e-03 : f32
      %broadcast_in_dim3A_245 = vector.broadcast %jit3A_244 : f32 to vector<16xf32>
      %select_n3A_246 = arith.select %ge3A_243, %broadcast_in_dim3A_245, %select_n3A_240 : vector<16xi1>, vector<16xf32>
      %ge3A_247 = arith.constant 3.276800e+04 : f32
      %ge3A_248 = vector.broadcast %ge3A_247 : f32 to vector<16xf32>
      %ge3A_249 = arith.cmpf oge, %add3A_164, %ge3A_248 : vector<16xf32>
      %jit3A_250 = arith.constant 0.00552427163 : f32
      %broadcast_in_dim3A_251 = vector.broadcast %jit3A_250 : f32 to vector<16xf32>
      %select_n3A_252 = arith.select %ge3A_249, %broadcast_in_dim3A_251, %select_n3A_246 : vector<16xi1>, vector<16xf32>
      %ge3A_253 = arith.constant 6.553600e+04 : f32
      %ge3A_254 = vector.broadcast %ge3A_253 : f32 to vector<16xf32>
      %ge3A_255 = arith.cmpf oge, %add3A_164, %ge3A_254 : vector<16xf32>
      %jit3A_256 = arith.constant 3.906250e-03 : f32
      %broadcast_in_dim3A_257 = vector.broadcast %jit3A_256 : f32 to vector<16xf32>
      %select_n3A_258 = arith.select %ge3A_255, %broadcast_in_dim3A_257, %select_n3A_252 : vector<16xi1>, vector<16xf32>
      %ge3A_259 = arith.constant 1.310720e+05 : f32
      %ge3A_260 = vector.broadcast %ge3A_259 : f32 to vector<16xf32>
      %ge3A_261 = arith.cmpf oge, %add3A_164, %ge3A_260 : vector<16xf32>
      %jit3A_262 = arith.constant 0.00276213582 : f32
      %broadcast_in_dim3A_263 = vector.broadcast %jit3A_262 : f32 to vector<16xf32>
      %select_n3A_264 = arith.select %ge3A_261, %broadcast_in_dim3A_263, %select_n3A_258 : vector<16xi1>, vector<16xf32>
      %ge3A_265 = arith.constant 2.621440e+05 : f32
      %ge3A_266 = vector.broadcast %ge3A_265 : f32 to vector<16xf32>
      %ge3A_267 = arith.cmpf oge, %add3A_164, %ge3A_266 : vector<16xf32>
      %jit3A_268 = arith.constant 0.001953125 : f32
      %broadcast_in_dim3A_269 = vector.broadcast %jit3A_268 : f32 to vector<16xf32>
      %select_n3A_270 = arith.select %ge3A_267, %broadcast_in_dim3A_269, %select_n3A_264 : vector<16xi1>, vector<16xf32>
      %mul3A_271 = arith.constant 5.000000e-01 : f32
      %mul3A_272 = vector.broadcast %mul3A_271 : f32 to vector<16xf32>
      %mul3A_273 = arith.mulf %mul3A_272, %add3A_164 : vector<16xf32>
      %mul3A_274 = arith.mulf %mul3A_273, %select_n3A_270 : vector<16xf32>
      %mul3A_275 = arith.mulf %mul3A_274, %select_n3A_270 : vector<16xf32>
      %sub3A = arith.constant 1.500000e+00 : f32
      %sub3A_276 = vector.broadcast %sub3A : f32 to vector<16xf32>
      %sub3A_277 = arith.subf %sub3A_276, %mul3A_275 : vector<16xf32>
      %mul3A_278 = arith.mulf %select_n3A_270, %sub3A_277 : vector<16xf32>
      %mul3A_279 = arith.constant 5.000000e-01 : f32
      %mul3A_280 = vector.broadcast %mul3A_279 : f32 to vector<16xf32>
      %mul3A_281 = arith.mulf %mul3A_280, %add3A_164 : vector<16xf32>
      %mul3A_282 = arith.mulf %mul3A_281, %mul3A_278 : vector<16xf32>
      %mul3A_283 = arith.mulf %mul3A_282, %mul3A_278 : vector<16xf32>
      %sub3A_284 = arith.constant 1.500000e+00 : f32
      %sub3A_285 = vector.broadcast %sub3A_284 : f32 to vector<16xf32>
      %sub3A_286 = arith.subf %sub3A_285, %mul3A_283 : vector<16xf32>
      %mul3A_287 = arith.mulf %mul3A_278, %sub3A_286 : vector<16xf32>
      %mul3A_288 = arith.constant 5.000000e-01 : f32
      %mul3A_289 = vector.broadcast %mul3A_288 : f32 to vector<16xf32>
      %mul3A_290 = arith.mulf %mul3A_289, %add3A_164 : vector<16xf32>
      %mul3A_291 = arith.mulf %mul3A_290, %mul3A_287 : vector<16xf32>
      %mul3A_292 = arith.mulf %mul3A_291, %mul3A_287 : vector<16xf32>
      %sub3A_293 = arith.constant 1.500000e+00 : f32
      %sub3A_294 = vector.broadcast %sub3A_293 : f32 to vector<16xf32>
      %sub3A_295 = arith.subf %sub3A_294, %mul3A_292 : vector<16xf32>
      %mul3A_296 = arith.mulf %mul3A_287, %sub3A_295 : vector<16xf32>
      %mul3A_297 = arith.constant 5.000000e-01 : f32
      %mul3A_298 = vector.broadcast %mul3A_297 : f32 to vector<16xf32>
      %mul3A_299 = arith.mulf %mul3A_298, %add3A_164 : vector<16xf32>
      %mul3A_300 = arith.mulf %mul3A_299, %mul3A_296 : vector<16xf32>
      %mul3A_301 = arith.mulf %mul3A_300, %mul3A_296 : vector<16xf32>
      %sub3A_302 = arith.constant 1.500000e+00 : f32
      %sub3A_303 = vector.broadcast %sub3A_302 : f32 to vector<16xf32>
      %sub3A_304 = arith.subf %sub3A_303, %mul3A_301 : vector<16xf32>
      %mul3A_305 = arith.mulf %mul3A_296, %sub3A_304 : vector<16xf32>
      %mul3A_306 = arith.constant 5.000000e-01 : f32
      %mul3A_307 = vector.broadcast %mul3A_306 : f32 to vector<16xf32>
      %mul3A_308 = arith.mulf %mul3A_307, %add3A_164 : vector<16xf32>
      %mul3A_309 = arith.mulf %mul3A_308, %mul3A_305 : vector<16xf32>
      %mul3A_310 = arith.mulf %mul3A_309, %mul3A_305 : vector<16xf32>
      %sub3A_311 = arith.constant 1.500000e+00 : f32
      %sub3A_312 = vector.broadcast %sub3A_311 : f32 to vector<16xf32>
      %sub3A_313 = arith.subf %sub3A_312, %mul3A_310 : vector<16xf32>
      %mul3A_314 = arith.mulf %mul3A_305, %sub3A_313 : vector<16xf32>
      %swap3A = arith.index_cast %add3A_158 : i32 to index
      %swap3A_315 = arith.constant 0 : index
      %swap3A_316 = tpu.vector_load %arg9[%swap3A, %swap3A_315] {strides = array<i32>} : memref<128x16xf32, #tpu.memory_space<vmem>>, vector<1x16xf32>,
      %swap3A_317 = vector.shape_cast %swap3A_316 : vector<1x16xf32> to vector<16xf32>
      %swap3A_318 = vector.shape_cast %mul3A_314 : vector<16xf32> to vector<1x16xf32>
      tpu.vector_store %arg9[%swap3A, %swap3A_315], %swap3A_318 {strides = array<i32>} : memref<128x16xf32, #tpu.memory_space<vmem>>, vector<1x16xf32>,
      %get3A_319 = arith.index_cast %add3A_158 : i32 to index
      %get3A_320 = arith.constant 0 : index
      %get3A_321 = tpu.vector_load %arg10[%get3A_319, %get3A_320] {strides = array<i32>} : memref<128x16xf32, #tpu.memory_space<vmem>>, vector<1x16xf32>,
      %get3A_322 = vector.shape_cast %get3A_321 : vector<1x16xf32> to vector<16xf32>
      %mul3A_323 = arith.mulf %get3A_322, %mul3A_314 : vector<16xf32>
      %swap3A_324 = arith.index_cast %add3A_158 : i32 to index
      %swap3A_325 = arith.constant 0 : index
      %swap3A_326 = tpu.vector_load %arg10[%swap3A_324, %swap3A_325] {strides = array<i32>} : memref<128x16xf32, #tpu.memory_space<vmem>>, vector<1x16xf32>,
      %swap3A_327 = vector.shape_cast %swap3A_326 : vector<1x16xf32> to vector<16xf32>
      %swap3A_328 = vector.shape_cast %mul3A_323 : vector<16xf32> to vector<1x16xf32>
      tpu.vector_store %arg10[%swap3A_324, %swap3A_325], %swap3A_328 {strides = array<i32>} : memref<128x16xf32, #tpu.memory_space<vmem>>, vector<1x16xf32>,
    }
    %scan3A_77 = arith.constant 128 : i32
    "tpu.region"() ({
      %run_scoped3A = tpu.sem_alloc : memref<!tpu.dma_semaphore, #tpu.memory_space<semaphore_mem>>
      %dma_start3A_154 = arith.constant 0 : i32
      %dma_start3A_155 = tpu.memref_slice %arg11[%add3A_72, %dma_start3A_154] : memref<10240x16xf32, #tpu.memory_space<vmem_shared>> -> memref<128x16xf32, #tpu.memory_space<vmem_shared>>
      %dma_start3A_156 = arith.constant 0 : i32
      %dma_start3A_157 = tpu.memref_slice %arg11[%add3A_72, %dma_start3A_156] : memref<10240x16xf32, #tpu.memory_space<vmem_shared>> -> memref<128x16xf32, #tpu.memory_space<vmem_shared>>
      tpu.enqueue_dma source(%arg10 : memref<128x16xf32, #tpu.memory_space<vmem>>) target(%dma_start3A_157 : memref<128x16xf32, #tpu.memory_space<vmem_shared>>) target_semaphore(%run_scoped3A : memref<!tpu.dma_semaphore, #tpu.memory_space<semaphore_mem>>)
      %dma_wait3A_158 = arith.constant 0 : i32
      %dma_wait3A_159 = tpu.memref_slice %arg11[%add3A_72, %dma_wait3A_158] : memref<10240x16xf32, #tpu.memory_space<vmem_shared>> -> memref<128x16xf32, #tpu.memory_space<vmem_shared>>
      %dma_wait3A_160 = arith.constant 0 : i32
      %dma_wait3A_161 = tpu.memref_slice %arg11[%add3A_72, %dma_wait3A_160] : memref<10240x16xf32, #tpu.memory_space<vmem_shared>> -> memref<128x16xf32, #tpu.memory_space<vmem_shared>>
      tpu.wait_dma2 semaphore(%run_scoped3A : memref<!tpu.dma_semaphore, #tpu.memory_space<semaphore_mem>>) src(%arg10 : memref<128x16xf32, #tpu.memory_space<vmem>>) dst(%dma_wait3A_161 : memref<128x16xf32, #tpu.memory_space<vmem_shared>>)
      tpu.yield
    }) : () -> ()
    %eq3A_78 = arith.constant 0 : i32
    %eq3A_79 = arith.cmpi eq, %arg0, %eq3A_78 : i32
    %convert_element_type3A_80 = arith.extui %eq3A_79 : i1 to i32
    %cond3A_81 = arith.constant 0 : i32
    %cond3A_82 = arith.cmpi ne, %convert_element_type3A_80, %cond3A_81 : i32
    scf.if %cond3A_82 {
      "tpu.region"() ({
        %run_scoped3A = tpu.sem_alloc : memref<!tpu.dma_semaphore, #tpu.memory_space<semaphore_mem>>
        %dma_start3A_154 = arith.constant 0 : i32
        %dma_start3A_155 = tpu.memref_slice %arg6[%add3A_72, %dma_start3A_154] : memref<10240x16xf32, #tpu.memory_space<hbm>> -> memref<128x16xf32, #tpu.memory_space<hbm>>
        %dma_start3A_156 = arith.constant 0 : i32
        %dma_start3A_157 = tpu.memref_slice %arg6[%add3A_72, %dma_start3A_156] : memref<10240x16xf32, #tpu.memory_space<hbm>> -> memref<128x16xf32, #tpu.memory_space<hbm>>
        tpu.enqueue_dma source(%arg9 : memref<128x16xf32, #tpu.memory_space<vmem>>) target(%dma_start3A_157 : memref<128x16xf32, #tpu.memory_space<hbm>>) target_semaphore(%run_scoped3A : memref<!tpu.dma_semaphore, #tpu.memory_space<semaphore_mem>>)
        %dma_wait3A_158 = arith.constant 0 : i32
        %dma_wait3A_159 = tpu.memref_slice %arg6[%add3A_72, %dma_wait3A_158] : memref<10240x16xf32, #tpu.memory_space<hbm>> -> memref<128x16xf32, #tpu.memory_space<hbm>>
        %dma_wait3A_160 = arith.constant 0 : i32
        %dma_wait3A_161 = tpu.memref_slice %arg6[%add3A_72, %dma_wait3A_160] : memref<10240x16xf32, #tpu.memory_space<hbm>> -> memref<128x16xf32, #tpu.memory_space<hbm>>
        tpu.wait_dma2 semaphore(%run_scoped3A : memref<!tpu.dma_semaphore, #tpu.memory_space<semaphore_mem>>) src(%arg9 : memref<128x16xf32, #tpu.memory_space<vmem>>) dst(%dma_wait3A_161 : memref<128x16xf32, #tpu.memory_space<hbm>>)
        tpu.yield
      }) : () -> ()
    } else {
    }
    %scan3A_83 = arith.constant 0 : i32
    %scan3A_84 = arith.constant 128 : i32
    %scan3A_85 = arith.addi %scan3A_83, %scan3A_84 : i32
    %scan3A_86 = arith.constant 1 : i32
    scf.for %scan3A_154 = %scan3A_83 to %scan3A_85 step %scan3A_86  : i32 {
      %mul3A_155 = arith.constant 1 : i32
      %mul3A_156 = arith.muli %scan3A_154, %mul3A_155 : i32
      %add3A_157 = arith.constant 0 : i32
      %add3A_158 = arith.addi %add3A_157, %mul3A_156 : i32
      %broadcast_in_dim3A = arith.constant 0.000000e+00 : f32
      %broadcast_in_dim3A_159 = vector.broadcast %broadcast_in_dim3A : f32 to vector<16xf32>
      %swap3A = arith.index_cast %add3A_158 : i32 to index
      %swap3A_160 = arith.constant 0 : index
      %swap3A_161 = tpu.vector_load %arg9[%swap3A, %swap3A_160] {strides = array<i32>} : memref<128x16xf32, #tpu.memory_space<vmem>>, vector<1x16xf32>,
      %swap3A_162 = vector.shape_cast %swap3A_161 : vector<1x16xf32> to vector<16xf32>
      %swap3A_163 = vector.shape_cast %broadcast_in_dim3A_159 : vector<16xf32> to vector<1x16xf32>
      tpu.vector_store %arg9[%swap3A, %swap3A_160], %swap3A_163 {strides = array<i32>} : memref<128x16xf32, #tpu.memory_space<vmem>>, vector<1x16xf32>,
    }
    %scan3A_87 = arith.constant 128 : i32
    "tpu.region"() ({
      %run_scoped3A = tpu.sem_alloc : memref<!tpu.dma_semaphore, #tpu.memory_space<semaphore_mem>>
      %dma_start3A_154 = arith.constant 0 : i32
      %dma_start3A_155 = tpu.memref_slice %arg12[%add3A_72, %dma_start3A_154] : memref<10240x16xf32, #tpu.memory_space<vmem_shared>> -> memref<128x16xf32, #tpu.memory_space<vmem_shared>>
      %dma_start3A_156 = arith.constant 0 : i32
      %dma_start3A_157 = tpu.memref_slice %arg12[%add3A_72, %dma_start3A_156] : memref<10240x16xf32, #tpu.memory_space<vmem_shared>> -> memref<128x16xf32, #tpu.memory_space<vmem_shared>>
      tpu.enqueue_dma source(%arg9 : memref<128x16xf32, #tpu.memory_space<vmem>>) target(%dma_start3A_157 : memref<128x16xf32, #tpu.memory_space<vmem_shared>>) target_semaphore(%run_scoped3A : memref<!tpu.dma_semaphore, #tpu.memory_space<semaphore_mem>>)
      %dma_wait3A_158 = arith.constant 0 : i32
      %dma_wait3A_159 = tpu.memref_slice %arg12[%add3A_72, %dma_wait3A_158] : memref<10240x16xf32, #tpu.memory_space<vmem_shared>> -> memref<128x16xf32, #tpu.memory_space<vmem_shared>>
      %dma_wait3A_160 = arith.constant 0 : i32
      %dma_wait3A_161 = tpu.memref_slice %arg12[%add3A_72, %dma_wait3A_160] : memref<10240x16xf32, #tpu.memory_space<vmem_shared>> -> memref<128x16xf32, #tpu.memory_space<vmem_shared>>
      tpu.wait_dma2 semaphore(%run_scoped3A : memref<!tpu.dma_semaphore, #tpu.memory_space<semaphore_mem>>) src(%arg9 : memref<128x16xf32, #tpu.memory_space<vmem>>) dst(%dma_wait3A_161 : memref<128x16xf32, #tpu.memory_space<vmem_shared>>)
      tpu.yield
    }) : () -> ()
    %mul3A_88 = arith.constant 640 : i32
    %mul3A_89 = arith.muli %arg1, %mul3A_88 : i32
    %add3A_90 = arith.constant 384 : i32
    %add3A_91 = arith.addi %mul3A_89, %add3A_90 : i32
    "tpu.region"() ({
      %run_scoped3A = tpu.sem_alloc : memref<!tpu.dma_semaphore, #tpu.memory_space<semaphore_mem>>
      %dma_start3A_154 = arith.constant 0 : i32
      %dma_start3A_155 = tpu.memref_slice %arg12[%add3A_91, %dma_start3A_154] : memref<10240x16xf32, #tpu.memory_space<vmem_shared>> -> memref<128x16xf32, #tpu.memory_space<vmem_shared>>
      %dma_start3A_156 = arith.constant 0 : i32
      %dma_start3A_157 = tpu.memref_slice %arg12[%add3A_91, %dma_start3A_156] : memref<10240x16xf32, #tpu.memory_space<vmem_shared>> -> memref<128x16xf32, #tpu.memory_space<vmem_shared>>
      tpu.enqueue_dma source(%dma_start3A_157 : memref<128x16xf32, #tpu.memory_space<vmem_shared>>) target(%arg9 : memref<128x16xf32, #tpu.memory_space<vmem>>) target_semaphore(%run_scoped3A : memref<!tpu.dma_semaphore, #tpu.memory_space<semaphore_mem>>)
      %dma_wait3A_158 = arith.constant 0 : i32
      %dma_wait3A_159 = tpu.memref_slice %arg12[%add3A_91, %dma_wait3A_158] : memref<10240x16xf32, #tpu.memory_space<vmem_shared>> -> memref<128x16xf32, #tpu.memory_space<vmem_shared>>
      %dma_wait3A_160 = arith.constant 0 : i32
      %dma_wait3A_161 = tpu.memref_slice %arg12[%add3A_91, %dma_wait3A_160] : memref<10240x16xf32, #tpu.memory_space<vmem_shared>> -> memref<128x16xf32, #tpu.memory_space<vmem_shared>>
      tpu.wait_dma2 semaphore(%run_scoped3A : memref<!tpu.dma_semaphore, #tpu.memory_space<semaphore_mem>>) src(%dma_wait3A_161 : memref<128x16xf32, #tpu.memory_space<vmem_shared>>) dst(%arg9 : memref<128x16xf32, #tpu.memory_space<vmem>>)
      tpu.yield
    }) : () -> ()
    "tpu.region"() ({
      %run_scoped3A = tpu.sem_alloc : memref<!tpu.dma_semaphore, #tpu.memory_space<semaphore_mem>>
      %dma_start3A_154 = arith.constant 0 : i32
      %dma_start3A_155 = tpu.memref_slice %arg2[%add3A_91, %dma_start3A_154] : memref<10240x16xf32, #tpu.memory_space<hbm>> -> memref<128x16xf32, #tpu.memory_space<hbm>>
      %dma_start3A_156 = arith.constant 0 : i32
      %dma_start3A_157 = tpu.memref_slice %arg2[%add3A_91, %dma_start3A_156] : memref<10240x16xf32, #tpu.memory_space<hbm>> -> memref<128x16xf32, #tpu.memory_space<hbm>>
      tpu.enqueue_dma source(%dma_start3A_157 : memref<128x16xf32, #tpu.memory_space<hbm>>) target(%arg10 : memref<128x16xf32, #tpu.memory_space<vmem>>) target_semaphore(%run_scoped3A : memref<!tpu.dma_semaphore, #tpu.memory_space<semaphore_mem>>)
      %dma_wait3A_158 = arith.constant 0 : i32
      %dma_wait3A_159 = tpu.memref_slice %arg2[%add3A_91, %dma_wait3A_158] : memref<10240x16xf32, #tpu.memory_space<hbm>> -> memref<128x16xf32, #tpu.memory_space<hbm>>
      %dma_wait3A_160 = arith.constant 0 : i32
      %dma_wait3A_161 = tpu.memref_slice %arg2[%add3A_91, %dma_wait3A_160] : memref<10240x16xf32, #tpu.memory_space<hbm>> -> memref<128x16xf32, #tpu.memory_space<hbm>>
      tpu.wait_dma2 semaphore(%run_scoped3A : memref<!tpu.dma_semaphore, #tpu.memory_space<semaphore_mem>>) src(%dma_wait3A_161 : memref<128x16xf32, #tpu.memory_space<hbm>>) dst(%arg10 : memref<128x16xf32, #tpu.memory_space<vmem>>)
      tpu.yield
    }) : () -> ()
    %scan3A_92 = arith.constant 0 : i32
    %scan3A_93 = arith.constant 128 : i32
    %scan3A_94 = arith.addi %scan3A_92, %scan3A_93 : i32
    %scan3A_95 = arith.constant 1 : i32
    scf.for %scan3A_154 = %scan3A_92 to %scan3A_94 step %scan3A_95  : i32 {
      %mul3A_155 = arith.constant 1 : i32
      %mul3A_156 = arith.muli %scan3A_154, %mul3A_155 : i32
      %add3A_157 = arith.constant 0 : i32
      %add3A_158 = arith.addi %add3A_157, %mul3A_156 : i32
      %get3A = arith.index_cast %add3A_158 : i32 to index
      %get3A_159 = arith.constant 0 : index
      %get3A_160 = tpu.vector_load %arg9[%get3A, %get3A_159] {strides = array<i32>} : memref<128x16xf32, #tpu.memory_space<vmem>>, vector<1x16xf32>,
      %get3A_161 = vector.shape_cast %get3A_160 : vector<1x16xf32> to vector<16xf32>
      %add3A_162 = arith.constant 1.000000e+00 : f32
      %add3A_163 = vector.broadcast %add3A_162 : f32 to vector<16xf32>
      %add3A_164 = arith.addf %get3A_161, %add3A_163 : vector<16xf32>
      %broadcast_in_dim3A = arith.constant 1.000000e+00 : f32
      %broadcast_in_dim3A_165 = vector.broadcast %broadcast_in_dim3A : f32 to vector<16xf32>
      %ge3A = arith.constant 2.000000e+00 : f32
      %ge3A_166 = vector.broadcast %ge3A : f32 to vector<16xf32>
      %ge3A_167 = arith.cmpf oge, %add3A_164, %ge3A_166 : vector<16xf32>
      %jit3A = arith.constant 0.707106769 : f32
      %broadcast_in_dim3A_168 = vector.broadcast %jit3A : f32 to vector<16xf32>
      %select_n3A = arith.select %ge3A_167, %broadcast_in_dim3A_168, %broadcast_in_dim3A_165 : vector<16xi1>, vector<16xf32>
      %ge3A_169 = arith.constant 4.000000e+00 : f32
      %ge3A_170 = vector.broadcast %ge3A_169 : f32 to vector<16xf32>
      %ge3A_171 = arith.cmpf oge, %add3A_164, %ge3A_170 : vector<16xf32>
      %jit3A_172 = arith.constant 5.000000e-01 : f32
      %broadcast_in_dim3A_173 = vector.broadcast %jit3A_172 : f32 to vector<16xf32>
      %select_n3A_174 = arith.select %ge3A_171, %broadcast_in_dim3A_173, %select_n3A : vector<16xi1>, vector<16xf32>
      %ge3A_175 = arith.constant 8.000000e+00 : f32
      %ge3A_176 = vector.broadcast %ge3A_175 : f32 to vector<16xf32>
      %ge3A_177 = arith.cmpf oge, %add3A_164, %ge3A_176 : vector<16xf32>
      %jit3A_178 = arith.constant 0.353553385 : f32
      %broadcast_in_dim3A_179 = vector.broadcast %jit3A_178 : f32 to vector<16xf32>
      %select_n3A_180 = arith.select %ge3A_177, %broadcast_in_dim3A_179, %select_n3A_174 : vector<16xi1>, vector<16xf32>
      %ge3A_181 = arith.constant 1.600000e+01 : f32
      %ge3A_182 = vector.broadcast %ge3A_181 : f32 to vector<16xf32>
      %ge3A_183 = arith.cmpf oge, %add3A_164, %ge3A_182 : vector<16xf32>
      %jit3A_184 = arith.constant 2.500000e-01 : f32
      %broadcast_in_dim3A_185 = vector.broadcast %jit3A_184 : f32 to vector<16xf32>
      %select_n3A_186 = arith.select %ge3A_183, %broadcast_in_dim3A_185, %select_n3A_180 : vector<16xi1>, vector<16xf32>
      %ge3A_187 = arith.constant 3.200000e+01 : f32
      %ge3A_188 = vector.broadcast %ge3A_187 : f32 to vector<16xf32>
      %ge3A_189 = arith.cmpf oge, %add3A_164, %ge3A_188 : vector<16xf32>
      %jit3A_190 = arith.constant 0.176776692 : f32
      %broadcast_in_dim3A_191 = vector.broadcast %jit3A_190 : f32 to vector<16xf32>
      %select_n3A_192 = arith.select %ge3A_189, %broadcast_in_dim3A_191, %select_n3A_186 : vector<16xi1>, vector<16xf32>
      %ge3A_193 = arith.constant 6.400000e+01 : f32
      %ge3A_194 = vector.broadcast %ge3A_193 : f32 to vector<16xf32>
      %ge3A_195 = arith.cmpf oge, %add3A_164, %ge3A_194 : vector<16xf32>
      %jit3A_196 = arith.constant 1.250000e-01 : f32
      %broadcast_in_dim3A_197 = vector.broadcast %jit3A_196 : f32 to vector<16xf32>
      %select_n3A_198 = arith.select %ge3A_195, %broadcast_in_dim3A_197, %select_n3A_192 : vector<16xi1>, vector<16xf32>
      %ge3A_199 = arith.constant 1.280000e+02 : f32
      %ge3A_200 = vector.broadcast %ge3A_199 : f32 to vector<16xf32>
      %ge3A_201 = arith.cmpf oge, %add3A_164, %ge3A_200 : vector<16xf32>
      %jit3A_202 = arith.constant 0.0883883461 : f32
      %broadcast_in_dim3A_203 = vector.broadcast %jit3A_202 : f32 to vector<16xf32>
      %select_n3A_204 = arith.select %ge3A_201, %broadcast_in_dim3A_203, %select_n3A_198 : vector<16xi1>, vector<16xf32>
      %ge3A_205 = arith.constant 2.560000e+02 : f32
      %ge3A_206 = vector.broadcast %ge3A_205 : f32 to vector<16xf32>
      %ge3A_207 = arith.cmpf oge, %add3A_164, %ge3A_206 : vector<16xf32>
      %jit3A_208 = arith.constant 6.250000e-02 : f32
      %broadcast_in_dim3A_209 = vector.broadcast %jit3A_208 : f32 to vector<16xf32>
      %select_n3A_210 = arith.select %ge3A_207, %broadcast_in_dim3A_209, %select_n3A_204 : vector<16xi1>, vector<16xf32>
      %ge3A_211 = arith.constant 5.120000e+02 : f32
      %ge3A_212 = vector.broadcast %ge3A_211 : f32 to vector<16xf32>
      %ge3A_213 = arith.cmpf oge, %add3A_164, %ge3A_212 : vector<16xf32>
      %jit3A_214 = arith.constant 0.0441941731 : f32
      %broadcast_in_dim3A_215 = vector.broadcast %jit3A_214 : f32 to vector<16xf32>
      %select_n3A_216 = arith.select %ge3A_213, %broadcast_in_dim3A_215, %select_n3A_210 : vector<16xi1>, vector<16xf32>
      %ge3A_217 = arith.constant 1.024000e+03 : f32
      %ge3A_218 = vector.broadcast %ge3A_217 : f32 to vector<16xf32>
      %ge3A_219 = arith.cmpf oge, %add3A_164, %ge3A_218 : vector<16xf32>
      %jit3A_220 = arith.constant 3.125000e-02 : f32
      %broadcast_in_dim3A_221 = vector.broadcast %jit3A_220 : f32 to vector<16xf32>
      %select_n3A_222 = arith.select %ge3A_219, %broadcast_in_dim3A_221, %select_n3A_216 : vector<16xi1>, vector<16xf32>
      %ge3A_223 = arith.constant 2.048000e+03 : f32
      %ge3A_224 = vector.broadcast %ge3A_223 : f32 to vector<16xf32>
      %ge3A_225 = arith.cmpf oge, %add3A_164, %ge3A_224 : vector<16xf32>
      %jit3A_226 = arith.constant 0.0220970865 : f32
      %broadcast_in_dim3A_227 = vector.broadcast %jit3A_226 : f32 to vector<16xf32>
      %select_n3A_228 = arith.select %ge3A_225, %broadcast_in_dim3A_227, %select_n3A_222 : vector<16xi1>, vector<16xf32>
      %ge3A_229 = arith.constant 4.096000e+03 : f32
      %ge3A_230 = vector.broadcast %ge3A_229 : f32 to vector<16xf32>
      %ge3A_231 = arith.cmpf oge, %add3A_164, %ge3A_230 : vector<16xf32>
      %jit3A_232 = arith.constant 1.562500e-02 : f32
      %broadcast_in_dim3A_233 = vector.broadcast %jit3A_232 : f32 to vector<16xf32>
      %select_n3A_234 = arith.select %ge3A_231, %broadcast_in_dim3A_233, %select_n3A_228 : vector<16xi1>, vector<16xf32>
      %ge3A_235 = arith.constant 8.192000e+03 : f32
      %ge3A_236 = vector.broadcast %ge3A_235 : f32 to vector<16xf32>
      %ge3A_237 = arith.cmpf oge, %add3A_164, %ge3A_236 : vector<16xf32>
      %jit3A_238 = arith.constant 0.0110485433 : f32
      %broadcast_in_dim3A_239 = vector.broadcast %jit3A_238 : f32 to vector<16xf32>
      %select_n3A_240 = arith.select %ge3A_237, %broadcast_in_dim3A_239, %select_n3A_234 : vector<16xi1>, vector<16xf32>
      %ge3A_241 = arith.constant 1.638400e+04 : f32
      %ge3A_242 = vector.broadcast %ge3A_241 : f32 to vector<16xf32>
      %ge3A_243 = arith.cmpf oge, %add3A_164, %ge3A_242 : vector<16xf32>
      %jit3A_244 = arith.constant 7.812500e-03 : f32
      %broadcast_in_dim3A_245 = vector.broadcast %jit3A_244 : f32 to vector<16xf32>
      %select_n3A_246 = arith.select %ge3A_243, %broadcast_in_dim3A_245, %select_n3A_240 : vector<16xi1>, vector<16xf32>
      %ge3A_247 = arith.constant 3.276800e+04 : f32
      %ge3A_248 = vector.broadcast %ge3A_247 : f32 to vector<16xf32>
      %ge3A_249 = arith.cmpf oge, %add3A_164, %ge3A_248 : vector<16xf32>
      %jit3A_250 = arith.constant 0.00552427163 : f32
      %broadcast_in_dim3A_251 = vector.broadcast %jit3A_250 : f32 to vector<16xf32>
      %select_n3A_252 = arith.select %ge3A_249, %broadcast_in_dim3A_251, %select_n3A_246 : vector<16xi1>, vector<16xf32>
      %ge3A_253 = arith.constant 6.553600e+04 : f32
      %ge3A_254 = vector.broadcast %ge3A_253 : f32 to vector<16xf32>
      %ge3A_255 = arith.cmpf oge, %add3A_164, %ge3A_254 : vector<16xf32>
      %jit3A_256 = arith.constant 3.906250e-03 : f32
      %broadcast_in_dim3A_257 = vector.broadcast %jit3A_256 : f32 to vector<16xf32>
      %select_n3A_258 = arith.select %ge3A_255, %broadcast_in_dim3A_257, %select_n3A_252 : vector<16xi1>, vector<16xf32>
      %ge3A_259 = arith.constant 1.310720e+05 : f32
      %ge3A_260 = vector.broadcast %ge3A_259 : f32 to vector<16xf32>
      %ge3A_261 = arith.cmpf oge, %add3A_164, %ge3A_260 : vector<16xf32>
      %jit3A_262 = arith.constant 0.00276213582 : f32
      %broadcast_in_dim3A_263 = vector.broadcast %jit3A_262 : f32 to vector<16xf32>
      %select_n3A_264 = arith.select %ge3A_261, %broadcast_in_dim3A_263, %select_n3A_258 : vector<16xi1>, vector<16xf32>
      %ge3A_265 = arith.constant 2.621440e+05 : f32
      %ge3A_266 = vector.broadcast %ge3A_265 : f32 to vector<16xf32>
      %ge3A_267 = arith.cmpf oge, %add3A_164, %ge3A_266 : vector<16xf32>
      %jit3A_268 = arith.constant 0.001953125 : f32
      %broadcast_in_dim3A_269 = vector.broadcast %jit3A_268 : f32 to vector<16xf32>
      %select_n3A_270 = arith.select %ge3A_267, %broadcast_in_dim3A_269, %select_n3A_264 : vector<16xi1>, vector<16xf32>
      %mul3A_271 = arith.constant 5.000000e-01 : f32
      %mul3A_272 = vector.broadcast %mul3A_271 : f32 to vector<16xf32>
      %mul3A_273 = arith.mulf %mul3A_272, %add3A_164 : vector<16xf32>
      %mul3A_274 = arith.mulf %mul3A_273, %select_n3A_270 : vector<16xf32>
      %mul3A_275 = arith.mulf %mul3A_274, %select_n3A_270 : vector<16xf32>
      %sub3A = arith.constant 1.500000e+00 : f32
      %sub3A_276 = vector.broadcast %sub3A : f32 to vector<16xf32>
      %sub3A_277 = arith.subf %sub3A_276, %mul3A_275 : vector<16xf32>
      %mul3A_278 = arith.mulf %select_n3A_270, %sub3A_277 : vector<16xf32>
      %mul3A_279 = arith.constant 5.000000e-01 : f32
      %mul3A_280 = vector.broadcast %mul3A_279 : f32 to vector<16xf32>
      %mul3A_281 = arith.mulf %mul3A_280, %add3A_164 : vector<16xf32>
      %mul3A_282 = arith.mulf %mul3A_281, %mul3A_278 : vector<16xf32>
      %mul3A_283 = arith.mulf %mul3A_282, %mul3A_278 : vector<16xf32>
      %sub3A_284 = arith.constant 1.500000e+00 : f32
      %sub3A_285 = vector.broadcast %sub3A_284 : f32 to vector<16xf32>
      %sub3A_286 = arith.subf %sub3A_285, %mul3A_283 : vector<16xf32>
      %mul3A_287 = arith.mulf %mul3A_278, %sub3A_286 : vector<16xf32>
      %mul3A_288 = arith.constant 5.000000e-01 : f32
      %mul3A_289 = vector.broadcast %mul3A_288 : f32 to vector<16xf32>
      %mul3A_290 = arith.mulf %mul3A_289, %add3A_164 : vector<16xf32>
      %mul3A_291 = arith.mulf %mul3A_290, %mul3A_287 : vector<16xf32>
      %mul3A_292 = arith.mulf %mul3A_291, %mul3A_287 : vector<16xf32>
      %sub3A_293 = arith.constant 1.500000e+00 : f32
      %sub3A_294 = vector.broadcast %sub3A_293 : f32 to vector<16xf32>
      %sub3A_295 = arith.subf %sub3A_294, %mul3A_292 : vector<16xf32>
      %mul3A_296 = arith.mulf %mul3A_287, %sub3A_295 : vector<16xf32>
      %mul3A_297 = arith.constant 5.000000e-01 : f32
      %mul3A_298 = vector.broadcast %mul3A_297 : f32 to vector<16xf32>
      %mul3A_299 = arith.mulf %mul3A_298, %add3A_164 : vector<16xf32>
      %mul3A_300 = arith.mulf %mul3A_299, %mul3A_296 : vector<16xf32>
      %mul3A_301 = arith.mulf %mul3A_300, %mul3A_296 : vector<16xf32>
      %sub3A_302 = arith.constant 1.500000e+00 : f32
      %sub3A_303 = vector.broadcast %sub3A_302 : f32 to vector<16xf32>
      %sub3A_304 = arith.subf %sub3A_303, %mul3A_301 : vector<16xf32>
      %mul3A_305 = arith.mulf %mul3A_296, %sub3A_304 : vector<16xf32>
      %mul3A_306 = arith.constant 5.000000e-01 : f32
      %mul3A_307 = vector.broadcast %mul3A_306 : f32 to vector<16xf32>
      %mul3A_308 = arith.mulf %mul3A_307, %add3A_164 : vector<16xf32>
      %mul3A_309 = arith.mulf %mul3A_308, %mul3A_305 : vector<16xf32>
      %mul3A_310 = arith.mulf %mul3A_309, %mul3A_305 : vector<16xf32>
      %sub3A_311 = arith.constant 1.500000e+00 : f32
      %sub3A_312 = vector.broadcast %sub3A_311 : f32 to vector<16xf32>
      %sub3A_313 = arith.subf %sub3A_312, %mul3A_310 : vector<16xf32>
      %mul3A_314 = arith.mulf %mul3A_305, %sub3A_313 : vector<16xf32>
      %swap3A = arith.index_cast %add3A_158 : i32 to index
      %swap3A_315 = arith.constant 0 : index
      %swap3A_316 = tpu.vector_load %arg9[%swap3A, %swap3A_315] {strides = array<i32>} : memref<128x16xf32, #tpu.memory_space<vmem>>, vector<1x16xf32>,
      %swap3A_317 = vector.shape_cast %swap3A_316 : vector<1x16xf32> to vector<16xf32>
      %swap3A_318 = vector.shape_cast %mul3A_314 : vector<16xf32> to vector<1x16xf32>
      tpu.vector_store %arg9[%swap3A, %swap3A_315], %swap3A_318 {strides = array<i32>} : memref<128x16xf32, #tpu.memory_space<vmem>>, vector<1x16xf32>,
      %get3A_319 = arith.index_cast %add3A_158 : i32 to index
      %get3A_320 = arith.constant 0 : index
      %get3A_321 = tpu.vector_load %arg10[%get3A_319, %get3A_320] {strides = array<i32>} : memref<128x16xf32, #tpu.memory_space<vmem>>, vector<1x16xf32>,
      %get3A_322 = vector.shape_cast %get3A_321 : vector<1x16xf32> to vector<16xf32>
      %mul3A_323 = arith.mulf %get3A_322, %mul3A_314 : vector<16xf32>
      %swap3A_324 = arith.index_cast %add3A_158 : i32 to index
      %swap3A_325 = arith.constant 0 : index
      %swap3A_326 = tpu.vector_load %arg10[%swap3A_324, %swap3A_325] {strides = array<i32>} : memref<128x16xf32, #tpu.memory_space<vmem>>, vector<1x16xf32>,
      %swap3A_327 = vector.shape_cast %swap3A_326 : vector<1x16xf32> to vector<16xf32>
      %swap3A_328 = vector.shape_cast %mul3A_323 : vector<16xf32> to vector<1x16xf32>
      tpu.vector_store %arg10[%swap3A_324, %swap3A_325], %swap3A_328 {strides = array<i32>} : memref<128x16xf32, #tpu.memory_space<vmem>>, vector<1x16xf32>,
    }
    %scan3A_96 = arith.constant 128 : i32
    "tpu.region"() ({
      %run_scoped3A = tpu.sem_alloc : memref<!tpu.dma_semaphore, #tpu.memory_space<semaphore_mem>>
      %dma_start3A_154 = arith.constant 0 : i32
      %dma_start3A_155 = tpu.memref_slice %arg11[%add3A_91, %dma_start3A_154] : memref<10240x16xf32, #tpu.memory_space<vmem_shared>> -> memref<128x16xf32, #tpu.memory_space<vmem_shared>>
      %dma_start3A_156 = arith.constant 0 : i32
      %dma_start3A_157 = tpu.memref_slice %arg11[%add3A_91, %dma_start3A_156] : memref<10240x16xf32, #tpu.memory_space<vmem_shared>> -> memref<128x16xf32, #tpu.memory_space<vmem_shared>>
      tpu.enqueue_dma source(%arg10 : memref<128x16xf32, #tpu.memory_space<vmem>>) target(%dma_start3A_157 : memref<128x16xf32, #tpu.memory_space<vmem_shared>>) target_semaphore(%run_scoped3A : memref<!tpu.dma_semaphore, #tpu.memory_space<semaphore_mem>>)
      %dma_wait3A_158 = arith.constant 0 : i32
      %dma_wait3A_159 = tpu.memref_slice %arg11[%add3A_91, %dma_wait3A_158] : memref<10240x16xf32, #tpu.memory_space<vmem_shared>> -> memref<128x16xf32, #tpu.memory_space<vmem_shared>>
      %dma_wait3A_160 = arith.constant 0 : i32
      %dma_wait3A_161 = tpu.memref_slice %arg11[%add3A_91, %dma_wait3A_160] : memref<10240x16xf32, #tpu.memory_space<vmem_shared>> -> memref<128x16xf32, #tpu.memory_space<vmem_shared>>
      tpu.wait_dma2 semaphore(%run_scoped3A : memref<!tpu.dma_semaphore, #tpu.memory_space<semaphore_mem>>) src(%arg10 : memref<128x16xf32, #tpu.memory_space<vmem>>) dst(%dma_wait3A_161 : memref<128x16xf32, #tpu.memory_space<vmem_shared>>)
      tpu.yield
    }) : () -> ()
    %eq3A_97 = arith.constant 0 : i32
    %eq3A_98 = arith.cmpi eq, %arg0, %eq3A_97 : i32
    %convert_element_type3A_99 = arith.extui %eq3A_98 : i1 to i32
    %cond3A_100 = arith.constant 0 : i32
    %cond3A_101 = arith.cmpi ne, %convert_element_type3A_99, %cond3A_100 : i32
    scf.if %cond3A_101 {
      "tpu.region"() ({
        %run_scoped3A = tpu.sem_alloc : memref<!tpu.dma_semaphore, #tpu.memory_space<semaphore_mem>>
        %dma_start3A_154 = arith.constant 0 : i32
        %dma_start3A_155 = tpu.memref_slice %arg6[%add3A_91, %dma_start3A_154] : memref<10240x16xf32, #tpu.memory_space<hbm>> -> memref<128x16xf32, #tpu.memory_space<hbm>>
        %dma_start3A_156 = arith.constant 0 : i32
        %dma_start3A_157 = tpu.memref_slice %arg6[%add3A_91, %dma_start3A_156] : memref<10240x16xf32, #tpu.memory_space<hbm>> -> memref<128x16xf32, #tpu.memory_space<hbm>>
        tpu.enqueue_dma source(%arg9 : memref<128x16xf32, #tpu.memory_space<vmem>>) target(%dma_start3A_157 : memref<128x16xf32, #tpu.memory_space<hbm>>) target_semaphore(%run_scoped3A : memref<!tpu.dma_semaphore, #tpu.memory_space<semaphore_mem>>)
        %dma_wait3A_158 = arith.constant 0 : i32
        %dma_wait3A_159 = tpu.memref_slice %arg6[%add3A_91, %dma_wait3A_158] : memref<10240x16xf32, #tpu.memory_space<hbm>> -> memref<128x16xf32, #tpu.memory_space<hbm>>
        %dma_wait3A_160 = arith.constant 0 : i32
        %dma_wait3A_161 = tpu.memref_slice %arg6[%add3A_91, %dma_wait3A_160] : memref<10240x16xf32, #tpu.memory_space<hbm>> -> memref<128x16xf32, #tpu.memory_space<hbm>>
        tpu.wait_dma2 semaphore(%run_scoped3A : memref<!tpu.dma_semaphore, #tpu.memory_space<semaphore_mem>>) src(%arg9 : memref<128x16xf32, #tpu.memory_space<vmem>>) dst(%dma_wait3A_161 : memref<128x16xf32, #tpu.memory_space<hbm>>)
        tpu.yield
      }) : () -> ()
    } else {
    }
    %scan3A_102 = arith.constant 0 : i32
    %scan3A_103 = arith.constant 128 : i32
    %scan3A_104 = arith.addi %scan3A_102, %scan3A_103 : i32
    %scan3A_105 = arith.constant 1 : i32
    scf.for %scan3A_154 = %scan3A_102 to %scan3A_104 step %scan3A_105  : i32 {
      %mul3A_155 = arith.constant 1 : i32
      %mul3A_156 = arith.muli %scan3A_154, %mul3A_155 : i32
      %add3A_157 = arith.constant 0 : i32
      %add3A_158 = arith.addi %add3A_157, %mul3A_156 : i32
      %broadcast_in_dim3A = arith.constant 0.000000e+00 : f32
      %broadcast_in_dim3A_159 = vector.broadcast %broadcast_in_dim3A : f32 to vector<16xf32>
      %swap3A = arith.index_cast %add3A_158 : i32 to index
      %swap3A_160 = arith.constant 0 : index
      %swap3A_161 = tpu.vector_load %arg9[%swap3A, %swap3A_160] {strides = array<i32>} : memref<128x16xf32, #tpu.memory_space<vmem>>, vector<1x16xf32>,
      %swap3A_162 = vector.shape_cast %swap3A_161 : vector<1x16xf32> to vector<16xf32>
      %swap3A_163 = vector.shape_cast %broadcast_in_dim3A_159 : vector<16xf32> to vector<1x16xf32>
      tpu.vector_store %arg9[%swap3A, %swap3A_160], %swap3A_163 {strides = array<i32>} : memref<128x16xf32, #tpu.memory_space<vmem>>, vector<1x16xf32>,
    }
    %scan3A_106 = arith.constant 128 : i32
    "tpu.region"() ({
      %run_scoped3A = tpu.sem_alloc : memref<!tpu.dma_semaphore, #tpu.memory_space<semaphore_mem>>
      %dma_start3A_154 = arith.constant 0 : i32
      %dma_start3A_155 = tpu.memref_slice %arg12[%add3A_91, %dma_start3A_154] : memref<10240x16xf32, #tpu.memory_space<vmem_shared>> -> memref<128x16xf32, #tpu.memory_space<vmem_shared>>
      %dma_start3A_156 = arith.constant 0 : i32
      %dma_start3A_157 = tpu.memref_slice %arg12[%add3A_91, %dma_start3A_156] : memref<10240x16xf32, #tpu.memory_space<vmem_shared>> -> memref<128x16xf32, #tpu.memory_space<vmem_shared>>
      tpu.enqueue_dma source(%arg9 : memref<128x16xf32, #tpu.memory_space<vmem>>) target(%dma_start3A_157 : memref<128x16xf32, #tpu.memory_space<vmem_shared>>) target_semaphore(%run_scoped3A : memref<!tpu.dma_semaphore, #tpu.memory_space<semaphore_mem>>)
      %dma_wait3A_158 = arith.constant 0 : i32
      %dma_wait3A_159 = tpu.memref_slice %arg12[%add3A_91, %dma_wait3A_158] : memref<10240x16xf32, #tpu.memory_space<vmem_shared>> -> memref<128x16xf32, #tpu.memory_space<vmem_shared>>
      %dma_wait3A_160 = arith.constant 0 : i32
      %dma_wait3A_161 = tpu.memref_slice %arg12[%add3A_91, %dma_wait3A_160] : memref<10240x16xf32, #tpu.memory_space<vmem_shared>> -> memref<128x16xf32, #tpu.memory_space<vmem_shared>>
      tpu.wait_dma2 semaphore(%run_scoped3A : memref<!tpu.dma_semaphore, #tpu.memory_space<semaphore_mem>>) src(%arg9 : memref<128x16xf32, #tpu.memory_space<vmem>>) dst(%dma_wait3A_161 : memref<128x16xf32, #tpu.memory_space<vmem_shared>>)
      tpu.yield
    }) : () -> ()
    %mul3A_107 = arith.constant 640 : i32
    %mul3A_108 = arith.muli %arg1, %mul3A_107 : i32
    %add3A_109 = arith.constant 512 : i32
    %add3A_110 = arith.addi %mul3A_108, %add3A_109 : i32
    "tpu.region"() ({
      %run_scoped3A = tpu.sem_alloc : memref<!tpu.dma_semaphore, #tpu.memory_space<semaphore_mem>>
      %dma_start3A_154 = arith.constant 0 : i32
      %dma_start3A_155 = tpu.memref_slice %arg12[%add3A_110, %dma_start3A_154] : memref<10240x16xf32, #tpu.memory_space<vmem_shared>> -> memref<128x16xf32, #tpu.memory_space<vmem_shared>>
      %dma_start3A_156 = arith.constant 0 : i32
      %dma_start3A_157 = tpu.memref_slice %arg12[%add3A_110, %dma_start3A_156] : memref<10240x16xf32, #tpu.memory_space<vmem_shared>> -> memref<128x16xf32, #tpu.memory_space<vmem_shared>>
      tpu.enqueue_dma source(%dma_start3A_157 : memref<128x16xf32, #tpu.memory_space<vmem_shared>>) target(%arg9 : memref<128x16xf32, #tpu.memory_space<vmem>>) target_semaphore(%run_scoped3A : memref<!tpu.dma_semaphore, #tpu.memory_space<semaphore_mem>>)
      %dma_wait3A_158 = arith.constant 0 : i32
      %dma_wait3A_159 = tpu.memref_slice %arg12[%add3A_110, %dma_wait3A_158] : memref<10240x16xf32, #tpu.memory_space<vmem_shared>> -> memref<128x16xf32, #tpu.memory_space<vmem_shared>>
      %dma_wait3A_160 = arith.constant 0 : i32
      %dma_wait3A_161 = tpu.memref_slice %arg12[%add3A_110, %dma_wait3A_160] : memref<10240x16xf32, #tpu.memory_space<vmem_shared>> -> memref<128x16xf32, #tpu.memory_space<vmem_shared>>
      tpu.wait_dma2 semaphore(%run_scoped3A : memref<!tpu.dma_semaphore, #tpu.memory_space<semaphore_mem>>) src(%dma_wait3A_161 : memref<128x16xf32, #tpu.memory_space<vmem_shared>>) dst(%arg9 : memref<128x16xf32, #tpu.memory_space<vmem>>)
      tpu.yield
    }) : () -> ()
    "tpu.region"() ({
      %run_scoped3A = tpu.sem_alloc : memref<!tpu.dma_semaphore, #tpu.memory_space<semaphore_mem>>
      %dma_start3A_154 = arith.constant 0 : i32
      %dma_start3A_155 = tpu.memref_slice %arg2[%add3A_110, %dma_start3A_154] : memref<10240x16xf32, #tpu.memory_space<hbm>> -> memref<128x16xf32, #tpu.memory_space<hbm>>
      %dma_start3A_156 = arith.constant 0 : i32
      %dma_start3A_157 = tpu.memref_slice %arg2[%add3A_110, %dma_start3A_156] : memref<10240x16xf32, #tpu.memory_space<hbm>> -> memref<128x16xf32, #tpu.memory_space<hbm>>
      tpu.enqueue_dma source(%dma_start3A_157 : memref<128x16xf32, #tpu.memory_space<hbm>>) target(%arg10 : memref<128x16xf32, #tpu.memory_space<vmem>>) target_semaphore(%run_scoped3A : memref<!tpu.dma_semaphore, #tpu.memory_space<semaphore_mem>>)
      %dma_wait3A_158 = arith.constant 0 : i32
      %dma_wait3A_159 = tpu.memref_slice %arg2[%add3A_110, %dma_wait3A_158] : memref<10240x16xf32, #tpu.memory_space<hbm>> -> memref<128x16xf32, #tpu.memory_space<hbm>>
      %dma_wait3A_160 = arith.constant 0 : i32
      %dma_wait3A_161 = tpu.memref_slice %arg2[%add3A_110, %dma_wait3A_160] : memref<10240x16xf32, #tpu.memory_space<hbm>> -> memref<128x16xf32, #tpu.memory_space<hbm>>
      tpu.wait_dma2 semaphore(%run_scoped3A : memref<!tpu.dma_semaphore, #tpu.memory_space<semaphore_mem>>) src(%dma_wait3A_161 : memref<128x16xf32, #tpu.memory_space<hbm>>) dst(%arg10 : memref<128x16xf32, #tpu.memory_space<vmem>>)
      tpu.yield
    }) : () -> ()
    %scan3A_111 = arith.constant 0 : i32
    %scan3A_112 = arith.constant 128 : i32
    %scan3A_113 = arith.addi %scan3A_111, %scan3A_112 : i32
    %scan3A_114 = arith.constant 1 : i32
    scf.for %scan3A_154 = %scan3A_111 to %scan3A_113 step %scan3A_114  : i32 {
      %mul3A_155 = arith.constant 1 : i32
      %mul3A_156 = arith.muli %scan3A_154, %mul3A_155 : i32
      %add3A_157 = arith.constant 0 : i32
      %add3A_158 = arith.addi %add3A_157, %mul3A_156 : i32
      %get3A = arith.index_cast %add3A_158 : i32 to index
      %get3A_159 = arith.constant 0 : index
      %get3A_160 = tpu.vector_load %arg9[%get3A, %get3A_159] {strides = array<i32>} : memref<128x16xf32, #tpu.memory_space<vmem>>, vector<1x16xf32>,
      %get3A_161 = vector.shape_cast %get3A_160 : vector<1x16xf32> to vector<16xf32>
      %add3A_162 = arith.constant 1.000000e+00 : f32
      %add3A_163 = vector.broadcast %add3A_162 : f32 to vector<16xf32>
      %add3A_164 = arith.addf %get3A_161, %add3A_163 : vector<16xf32>
      %broadcast_in_dim3A = arith.constant 1.000000e+00 : f32
      %broadcast_in_dim3A_165 = vector.broadcast %broadcast_in_dim3A : f32 to vector<16xf32>
      %ge3A = arith.constant 2.000000e+00 : f32
      %ge3A_166 = vector.broadcast %ge3A : f32 to vector<16xf32>
      %ge3A_167 = arith.cmpf oge, %add3A_164, %ge3A_166 : vector<16xf32>
      %jit3A = arith.constant 0.707106769 : f32
      %broadcast_in_dim3A_168 = vector.broadcast %jit3A : f32 to vector<16xf32>
      %select_n3A = arith.select %ge3A_167, %broadcast_in_dim3A_168, %broadcast_in_dim3A_165 : vector<16xi1>, vector<16xf32>
      %ge3A_169 = arith.constant 4.000000e+00 : f32
      %ge3A_170 = vector.broadcast %ge3A_169 : f32 to vector<16xf32>
      %ge3A_171 = arith.cmpf oge, %add3A_164, %ge3A_170 : vector<16xf32>
      %jit3A_172 = arith.constant 5.000000e-01 : f32
      %broadcast_in_dim3A_173 = vector.broadcast %jit3A_172 : f32 to vector<16xf32>
      %select_n3A_174 = arith.select %ge3A_171, %broadcast_in_dim3A_173, %select_n3A : vector<16xi1>, vector<16xf32>
      %ge3A_175 = arith.constant 8.000000e+00 : f32
      %ge3A_176 = vector.broadcast %ge3A_175 : f32 to vector<16xf32>
      %ge3A_177 = arith.cmpf oge, %add3A_164, %ge3A_176 : vector<16xf32>
      %jit3A_178 = arith.constant 0.353553385 : f32
      %broadcast_in_dim3A_179 = vector.broadcast %jit3A_178 : f32 to vector<16xf32>
      %select_n3A_180 = arith.select %ge3A_177, %broadcast_in_dim3A_179, %select_n3A_174 : vector<16xi1>, vector<16xf32>
      %ge3A_181 = arith.constant 1.600000e+01 : f32
      %ge3A_182 = vector.broadcast %ge3A_181 : f32 to vector<16xf32>
      %ge3A_183 = arith.cmpf oge, %add3A_164, %ge3A_182 : vector<16xf32>
      %jit3A_184 = arith.constant 2.500000e-01 : f32
      %broadcast_in_dim3A_185 = vector.broadcast %jit3A_184 : f32 to vector<16xf32>
      %select_n3A_186 = arith.select %ge3A_183, %broadcast_in_dim3A_185, %select_n3A_180 : vector<16xi1>, vector<16xf32>
      %ge3A_187 = arith.constant 3.200000e+01 : f32
      %ge3A_188 = vector.broadcast %ge3A_187 : f32 to vector<16xf32>
      %ge3A_189 = arith.cmpf oge, %add3A_164, %ge3A_188 : vector<16xf32>
      %jit3A_190 = arith.constant 0.176776692 : f32
      %broadcast_in_dim3A_191 = vector.broadcast %jit3A_190 : f32 to vector<16xf32>
      %select_n3A_192 = arith.select %ge3A_189, %broadcast_in_dim3A_191, %select_n3A_186 : vector<16xi1>, vector<16xf32>
      %ge3A_193 = arith.constant 6.400000e+01 : f32
      %ge3A_194 = vector.broadcast %ge3A_193 : f32 to vector<16xf32>
      %ge3A_195 = arith.cmpf oge, %add3A_164, %ge3A_194 : vector<16xf32>
      %jit3A_196 = arith.constant 1.250000e-01 : f32
      %broadcast_in_dim3A_197 = vector.broadcast %jit3A_196 : f32 to vector<16xf32>
      %select_n3A_198 = arith.select %ge3A_195, %broadcast_in_dim3A_197, %select_n3A_192 : vector<16xi1>, vector<16xf32>
      %ge3A_199 = arith.constant 1.280000e+02 : f32
      %ge3A_200 = vector.broadcast %ge3A_199 : f32 to vector<16xf32>
      %ge3A_201 = arith.cmpf oge, %add3A_164, %ge3A_200 : vector<16xf32>
      %jit3A_202 = arith.constant 0.0883883461 : f32
      %broadcast_in_dim3A_203 = vector.broadcast %jit3A_202 : f32 to vector<16xf32>
      %select_n3A_204 = arith.select %ge3A_201, %broadcast_in_dim3A_203, %select_n3A_198 : vector<16xi1>, vector<16xf32>
      %ge3A_205 = arith.constant 2.560000e+02 : f32
      %ge3A_206 = vector.broadcast %ge3A_205 : f32 to vector<16xf32>
      %ge3A_207 = arith.cmpf oge, %add3A_164, %ge3A_206 : vector<16xf32>
      %jit3A_208 = arith.constant 6.250000e-02 : f32
      %broadcast_in_dim3A_209 = vector.broadcast %jit3A_208 : f32 to vector<16xf32>
      %select_n3A_210 = arith.select %ge3A_207, %broadcast_in_dim3A_209, %select_n3A_204 : vector<16xi1>, vector<16xf32>
      %ge3A_211 = arith.constant 5.120000e+02 : f32
      %ge3A_212 = vector.broadcast %ge3A_211 : f32 to vector<16xf32>
      %ge3A_213 = arith.cmpf oge, %add3A_164, %ge3A_212 : vector<16xf32>
      %jit3A_214 = arith.constant 0.0441941731 : f32
      %broadcast_in_dim3A_215 = vector.broadcast %jit3A_214 : f32 to vector<16xf32>
      %select_n3A_216 = arith.select %ge3A_213, %broadcast_in_dim3A_215, %select_n3A_210 : vector<16xi1>, vector<16xf32>
      %ge3A_217 = arith.constant 1.024000e+03 : f32
      %ge3A_218 = vector.broadcast %ge3A_217 : f32 to vector<16xf32>
      %ge3A_219 = arith.cmpf oge, %add3A_164, %ge3A_218 : vector<16xf32>
      %jit3A_220 = arith.constant 3.125000e-02 : f32
      %broadcast_in_dim3A_221 = vector.broadcast %jit3A_220 : f32 to vector<16xf32>
      %select_n3A_222 = arith.select %ge3A_219, %broadcast_in_dim3A_221, %select_n3A_216 : vector<16xi1>, vector<16xf32>
      %ge3A_223 = arith.constant 2.048000e+03 : f32
      %ge3A_224 = vector.broadcast %ge3A_223 : f32 to vector<16xf32>
      %ge3A_225 = arith.cmpf oge, %add3A_164, %ge3A_224 : vector<16xf32>
      %jit3A_226 = arith.constant 0.0220970865 : f32
      %broadcast_in_dim3A_227 = vector.broadcast %jit3A_226 : f32 to vector<16xf32>
      %select_n3A_228 = arith.select %ge3A_225, %broadcast_in_dim3A_227, %select_n3A_222 : vector<16xi1>, vector<16xf32>
      %ge3A_229 = arith.constant 4.096000e+03 : f32
      %ge3A_230 = vector.broadcast %ge3A_229 : f32 to vector<16xf32>
      %ge3A_231 = arith.cmpf oge, %add3A_164, %ge3A_230 : vector<16xf32>
      %jit3A_232 = arith.constant 1.562500e-02 : f32
      %broadcast_in_dim3A_233 = vector.broadcast %jit3A_232 : f32 to vector<16xf32>
      %select_n3A_234 = arith.select %ge3A_231, %broadcast_in_dim3A_233, %select_n3A_228 : vector<16xi1>, vector<16xf32>
      %ge3A_235 = arith.constant 8.192000e+03 : f32
      %ge3A_236 = vector.broadcast %ge3A_235 : f32 to vector<16xf32>
      %ge3A_237 = arith.cmpf oge, %add3A_164, %ge3A_236 : vector<16xf32>
      %jit3A_238 = arith.constant 0.0110485433 : f32
      %broadcast_in_dim3A_239 = vector.broadcast %jit3A_238 : f32 to vector<16xf32>
      %select_n3A_240 = arith.select %ge3A_237, %broadcast_in_dim3A_239, %select_n3A_234 : vector<16xi1>, vector<16xf32>
      %ge3A_241 = arith.constant 1.638400e+04 : f32
      %ge3A_242 = vector.broadcast %ge3A_241 : f32 to vector<16xf32>
      %ge3A_243 = arith.cmpf oge, %add3A_164, %ge3A_242 : vector<16xf32>
      %jit3A_244 = arith.constant 7.812500e-03 : f32
      %broadcast_in_dim3A_245 = vector.broadcast %jit3A_244 : f32 to vector<16xf32>
      %select_n3A_246 = arith.select %ge3A_243, %broadcast_in_dim3A_245, %select_n3A_240 : vector<16xi1>, vector<16xf32>
      %ge3A_247 = arith.constant 3.276800e+04 : f32
      %ge3A_248 = vector.broadcast %ge3A_247 : f32 to vector<16xf32>
      %ge3A_249 = arith.cmpf oge, %add3A_164, %ge3A_248 : vector<16xf32>
      %jit3A_250 = arith.constant 0.00552427163 : f32
      %broadcast_in_dim3A_251 = vector.broadcast %jit3A_250 : f32 to vector<16xf32>
      %select_n3A_252 = arith.select %ge3A_249, %broadcast_in_dim3A_251, %select_n3A_246 : vector<16xi1>, vector<16xf32>
      %ge3A_253 = arith.constant 6.553600e+04 : f32
      %ge3A_254 = vector.broadcast %ge3A_253 : f32 to vector<16xf32>
      %ge3A_255 = arith.cmpf oge, %add3A_164, %ge3A_254 : vector<16xf32>
      %jit3A_256 = arith.constant 3.906250e-03 : f32
      %broadcast_in_dim3A_257 = vector.broadcast %jit3A_256 : f32 to vector<16xf32>
      %select_n3A_258 = arith.select %ge3A_255, %broadcast_in_dim3A_257, %select_n3A_252 : vector<16xi1>, vector<16xf32>
      %ge3A_259 = arith.constant 1.310720e+05 : f32
      %ge3A_260 = vector.broadcast %ge3A_259 : f32 to vector<16xf32>
      %ge3A_261 = arith.cmpf oge, %add3A_164, %ge3A_260 : vector<16xf32>
      %jit3A_262 = arith.constant 0.00276213582 : f32
      %broadcast_in_dim3A_263 = vector.broadcast %jit3A_262 : f32 to vector<16xf32>
      %select_n3A_264 = arith.select %ge3A_261, %broadcast_in_dim3A_263, %select_n3A_258 : vector<16xi1>, vector<16xf32>
      %ge3A_265 = arith.constant 2.621440e+05 : f32
      %ge3A_266 = vector.broadcast %ge3A_265 : f32 to vector<16xf32>
      %ge3A_267 = arith.cmpf oge, %add3A_164, %ge3A_266 : vector<16xf32>
      %jit3A_268 = arith.constant 0.001953125 : f32
      %broadcast_in_dim3A_269 = vector.broadcast %jit3A_268 : f32 to vector<16xf32>
      %select_n3A_270 = arith.select %ge3A_267, %broadcast_in_dim3A_269, %select_n3A_264 : vector<16xi1>, vector<16xf32>
      %mul3A_271 = arith.constant 5.000000e-01 : f32
      %mul3A_272 = vector.broadcast %mul3A_271 : f32 to vector<16xf32>
      %mul3A_273 = arith.mulf %mul3A_272, %add3A_164 : vector<16xf32>
      %mul3A_274 = arith.mulf %mul3A_273, %select_n3A_270 : vector<16xf32>
      %mul3A_275 = arith.mulf %mul3A_274, %select_n3A_270 : vector<16xf32>
      %sub3A = arith.constant 1.500000e+00 : f32
      %sub3A_276 = vector.broadcast %sub3A : f32 to vector<16xf32>
      %sub3A_277 = arith.subf %sub3A_276, %mul3A_275 : vector<16xf32>
      %mul3A_278 = arith.mulf %select_n3A_270, %sub3A_277 : vector<16xf32>
      %mul3A_279 = arith.constant 5.000000e-01 : f32
      %mul3A_280 = vector.broadcast %mul3A_279 : f32 to vector<16xf32>
      %mul3A_281 = arith.mulf %mul3A_280, %add3A_164 : vector<16xf32>
      %mul3A_282 = arith.mulf %mul3A_281, %mul3A_278 : vector<16xf32>
      %mul3A_283 = arith.mulf %mul3A_282, %mul3A_278 : vector<16xf32>
      %sub3A_284 = arith.constant 1.500000e+00 : f32
      %sub3A_285 = vector.broadcast %sub3A_284 : f32 to vector<16xf32>
      %sub3A_286 = arith.subf %sub3A_285, %mul3A_283 : vector<16xf32>
      %mul3A_287 = arith.mulf %mul3A_278, %sub3A_286 : vector<16xf32>
      %mul3A_288 = arith.constant 5.000000e-01 : f32
      %mul3A_289 = vector.broadcast %mul3A_288 : f32 to vector<16xf32>
      %mul3A_290 = arith.mulf %mul3A_289, %add3A_164 : vector<16xf32>
      %mul3A_291 = arith.mulf %mul3A_290, %mul3A_287 : vector<16xf32>
      %mul3A_292 = arith.mulf %mul3A_291, %mul3A_287 : vector<16xf32>
      %sub3A_293 = arith.constant 1.500000e+00 : f32
      %sub3A_294 = vector.broadcast %sub3A_293 : f32 to vector<16xf32>
      %sub3A_295 = arith.subf %sub3A_294, %mul3A_292 : vector<16xf32>
      %mul3A_296 = arith.mulf %mul3A_287, %sub3A_295 : vector<16xf32>
      %mul3A_297 = arith.constant 5.000000e-01 : f32
      %mul3A_298 = vector.broadcast %mul3A_297 : f32 to vector<16xf32>
      %mul3A_299 = arith.mulf %mul3A_298, %add3A_164 : vector<16xf32>
      %mul3A_300 = arith.mulf %mul3A_299, %mul3A_296 : vector<16xf32>
      %mul3A_301 = arith.mulf %mul3A_300, %mul3A_296 : vector<16xf32>
      %sub3A_302 = arith.constant 1.500000e+00 : f32
      %sub3A_303 = vector.broadcast %sub3A_302 : f32 to vector<16xf32>
      %sub3A_304 = arith.subf %sub3A_303, %mul3A_301 : vector<16xf32>
      %mul3A_305 = arith.mulf %mul3A_296, %sub3A_304 : vector<16xf32>
      %mul3A_306 = arith.constant 5.000000e-01 : f32
      %mul3A_307 = vector.broadcast %mul3A_306 : f32 to vector<16xf32>
      %mul3A_308 = arith.mulf %mul3A_307, %add3A_164 : vector<16xf32>
      %mul3A_309 = arith.mulf %mul3A_308, %mul3A_305 : vector<16xf32>
      %mul3A_310 = arith.mulf %mul3A_309, %mul3A_305 : vector<16xf32>
      %sub3A_311 = arith.constant 1.500000e+00 : f32
      %sub3A_312 = vector.broadcast %sub3A_311 : f32 to vector<16xf32>
      %sub3A_313 = arith.subf %sub3A_312, %mul3A_310 : vector<16xf32>
      %mul3A_314 = arith.mulf %mul3A_305, %sub3A_313 : vector<16xf32>
      %swap3A = arith.index_cast %add3A_158 : i32 to index
      %swap3A_315 = arith.constant 0 : index
      %swap3A_316 = tpu.vector_load %arg9[%swap3A, %swap3A_315] {strides = array<i32>} : memref<128x16xf32, #tpu.memory_space<vmem>>, vector<1x16xf32>,
      %swap3A_317 = vector.shape_cast %swap3A_316 : vector<1x16xf32> to vector<16xf32>
      %swap3A_318 = vector.shape_cast %mul3A_314 : vector<16xf32> to vector<1x16xf32>
      tpu.vector_store %arg9[%swap3A, %swap3A_315], %swap3A_318 {strides = array<i32>} : memref<128x16xf32, #tpu.memory_space<vmem>>, vector<1x16xf32>,
      %get3A_319 = arith.index_cast %add3A_158 : i32 to index
      %get3A_320 = arith.constant 0 : index
      %get3A_321 = tpu.vector_load %arg10[%get3A_319, %get3A_320] {strides = array<i32>} : memref<128x16xf32, #tpu.memory_space<vmem>>, vector<1x16xf32>,
      %get3A_322 = vector.shape_cast %get3A_321 : vector<1x16xf32> to vector<16xf32>
      %mul3A_323 = arith.mulf %get3A_322, %mul3A_314 : vector<16xf32>
      %swap3A_324 = arith.index_cast %add3A_158 : i32 to index
      %swap3A_325 = arith.constant 0 : index
      %swap3A_326 = tpu.vector_load %arg10[%swap3A_324, %swap3A_325] {strides = array<i32>} : memref<128x16xf32, #tpu.memory_space<vmem>>, vector<1x16xf32>,
      %swap3A_327 = vector.shape_cast %swap3A_326 : vector<1x16xf32> to vector<16xf32>
      %swap3A_328 = vector.shape_cast %mul3A_323 : vector<16xf32> to vector<1x16xf32>
      tpu.vector_store %arg10[%swap3A_324, %swap3A_325], %swap3A_328 {strides = array<i32>} : memref<128x16xf32, #tpu.memory_space<vmem>>, vector<1x16xf32>,
    }
    %scan3A_115 = arith.constant 128 : i32
    "tpu.region"() ({
      %run_scoped3A = tpu.sem_alloc : memref<!tpu.dma_semaphore, #tpu.memory_space<semaphore_mem>>
      %dma_start3A_154 = arith.constant 0 : i32
      %dma_start3A_155 = tpu.memref_slice %arg11[%add3A_110, %dma_start3A_154] : memref<10240x16xf32, #tpu.memory_space<vmem_shared>> -> memref<128x16xf32, #tpu.memory_space<vmem_shared>>
      %dma_start3A_156 = arith.constant 0 : i32
      %dma_start3A_157 = tpu.memref_slice %arg11[%add3A_110, %dma_start3A_156] : memref<10240x16xf32, #tpu.memory_space<vmem_shared>> -> memref<128x16xf32, #tpu.memory_space<vmem_shared>>
      tpu.enqueue_dma source(%arg10 : memref<128x16xf32, #tpu.memory_space<vmem>>) target(%dma_start3A_157 : memref<128x16xf32, #tpu.memory_space<vmem_shared>>) target_semaphore(%run_scoped3A : memref<!tpu.dma_semaphore, #tpu.memory_space<semaphore_mem>>)
      %dma_wait3A_158 = arith.constant 0 : i32
      %dma_wait3A_159 = tpu.memref_slice %arg11[%add3A_110, %dma_wait3A_158] : memref<10240x16xf32, #tpu.memory_space<vmem_shared>> -> memref<128x16xf32, #tpu.memory_space<vmem_shared>>
      %dma_wait3A_160 = arith.constant 0 : i32
      %dma_wait3A_161 = tpu.memref_slice %arg11[%add3A_110, %dma_wait3A_160] : memref<10240x16xf32, #tpu.memory_space<vmem_shared>> -> memref<128x16xf32, #tpu.memory_space<vmem_shared>>
      tpu.wait_dma2 semaphore(%run_scoped3A : memref<!tpu.dma_semaphore, #tpu.memory_space<semaphore_mem>>) src(%arg10 : memref<128x16xf32, #tpu.memory_space<vmem>>) dst(%dma_wait3A_161 : memref<128x16xf32, #tpu.memory_space<vmem_shared>>)
      tpu.yield
    }) : () -> ()
    %eq3A_116 = arith.constant 0 : i32
    %eq3A_117 = arith.cmpi eq, %arg0, %eq3A_116 : i32
    %convert_element_type3A_118 = arith.extui %eq3A_117 : i1 to i32
    %cond3A_119 = arith.constant 0 : i32
    %cond3A_120 = arith.cmpi ne, %convert_element_type3A_118, %cond3A_119 : i32
    scf.if %cond3A_120 {
      "tpu.region"() ({
        %run_scoped3A = tpu.sem_alloc : memref<!tpu.dma_semaphore, #tpu.memory_space<semaphore_mem>>
        %dma_start3A_154 = arith.constant 0 : i32
        %dma_start3A_155 = tpu.memref_slice %arg6[%add3A_110, %dma_start3A_154] : memref<10240x16xf32, #tpu.memory_space<hbm>> -> memref<128x16xf32, #tpu.memory_space<hbm>>
        %dma_start3A_156 = arith.constant 0 : i32
        %dma_start3A_157 = tpu.memref_slice %arg6[%add3A_110, %dma_start3A_156] : memref<10240x16xf32, #tpu.memory_space<hbm>> -> memref<128x16xf32, #tpu.memory_space<hbm>>
        tpu.enqueue_dma source(%arg9 : memref<128x16xf32, #tpu.memory_space<vmem>>) target(%dma_start3A_157 : memref<128x16xf32, #tpu.memory_space<hbm>>) target_semaphore(%run_scoped3A : memref<!tpu.dma_semaphore, #tpu.memory_space<semaphore_mem>>)
        %dma_wait3A_158 = arith.constant 0 : i32
        %dma_wait3A_159 = tpu.memref_slice %arg6[%add3A_110, %dma_wait3A_158] : memref<10240x16xf32, #tpu.memory_space<hbm>> -> memref<128x16xf32, #tpu.memory_space<hbm>>
        %dma_wait3A_160 = arith.constant 0 : i32
        %dma_wait3A_161 = tpu.memref_slice %arg6[%add3A_110, %dma_wait3A_160] : memref<10240x16xf32, #tpu.memory_space<hbm>> -> memref<128x16xf32, #tpu.memory_space<hbm>>
        tpu.wait_dma2 semaphore(%run_scoped3A : memref<!tpu.dma_semaphore, #tpu.memory_space<semaphore_mem>>) src(%arg9 : memref<128x16xf32, #tpu.memory_space<vmem>>) dst(%dma_wait3A_161 : memref<128x16xf32, #tpu.memory_space<hbm>>)
        tpu.yield
      }) : () -> ()
    } else {
    }
    %scan3A_121 = arith.constant 0 : i32
    %scan3A_122 = arith.constant 128 : i32
    %scan3A_123 = arith.addi %scan3A_121, %scan3A_122 : i32
    %scan3A_124 = arith.constant 1 : i32
    scf.for %scan3A_154 = %scan3A_121 to %scan3A_123 step %scan3A_124  : i32 {
      %mul3A_155 = arith.constant 1 : i32
      %mul3A_156 = arith.muli %scan3A_154, %mul3A_155 : i32
      %add3A_157 = arith.constant 0 : i32
      %add3A_158 = arith.addi %add3A_157, %mul3A_156 : i32
      %broadcast_in_dim3A = arith.constant 0.000000e+00 : f32
      %broadcast_in_dim3A_159 = vector.broadcast %broadcast_in_dim3A : f32 to vector<16xf32>
      %swap3A = arith.index_cast %add3A_158 : i32 to index
      %swap3A_160 = arith.constant 0 : index
      %swap3A_161 = tpu.vector_load %arg9[%swap3A, %swap3A_160] {strides = array<i32>} : memref<128x16xf32, #tpu.memory_space<vmem>>, vector<1x16xf32>,
      %swap3A_162 = vector.shape_cast %swap3A_161 : vector<1x16xf32> to vector<16xf32>
      %swap3A_163 = vector.shape_cast %broadcast_in_dim3A_159 : vector<16xf32> to vector<1x16xf32>
      tpu.vector_store %arg9[%swap3A, %swap3A_160], %swap3A_163 {strides = array<i32>} : memref<128x16xf32, #tpu.memory_space<vmem>>, vector<1x16xf32>,
    }
    %scan3A_125 = arith.constant 128 : i32
    "tpu.region"() ({
      %run_scoped3A = tpu.sem_alloc : memref<!tpu.dma_semaphore, #tpu.memory_space<semaphore_mem>>
      %dma_start3A_154 = arith.constant 0 : i32
      %dma_start3A_155 = tpu.memref_slice %arg12[%add3A_110, %dma_start3A_154] : memref<10240x16xf32, #tpu.memory_space<vmem_shared>> -> memref<128x16xf32, #tpu.memory_space<vmem_shared>>
      %dma_start3A_156 = arith.constant 0 : i32
      %dma_start3A_157 = tpu.memref_slice %arg12[%add3A_110, %dma_start3A_156] : memref<10240x16xf32, #tpu.memory_space<vmem_shared>> -> memref<128x16xf32, #tpu.memory_space<vmem_shared>>
      tpu.enqueue_dma source(%arg9 : memref<128x16xf32, #tpu.memory_space<vmem>>) target(%dma_start3A_157 : memref<128x16xf32, #tpu.memory_space<vmem_shared>>) target_semaphore(%run_scoped3A : memref<!tpu.dma_semaphore, #tpu.memory_space<semaphore_mem>>)
      %dma_wait3A_158 = arith.constant 0 : i32
      %dma_wait3A_159 = tpu.memref_slice %arg12[%add3A_110, %dma_wait3A_158] : memref<10240x16xf32, #tpu.memory_space<vmem_shared>> -> memref<128x16xf32, #tpu.memory_space<vmem_shared>>
      %dma_wait3A_160 = arith.constant 0 : i32
      %dma_wait3A_161 = tpu.memref_slice %arg12[%add3A_110, %dma_wait3A_160] : memref<10240x16xf32, #tpu.memory_space<vmem_shared>> -> memref<128x16xf32, #tpu.memory_space<vmem_shared>>
      tpu.wait_dma2 semaphore(%run_scoped3A : memref<!tpu.dma_semaphore, #tpu.memory_space<semaphore_mem>>) src(%arg9 : memref<128x16xf32, #tpu.memory_space<vmem>>) dst(%dma_wait3A_161 : memref<128x16xf32, #tpu.memory_space<vmem_shared>>)
      tpu.yield
    }) : () -> ()
    %barrier3A_126 = arith.constant 0 : index
    tpu.barrier barrier_id(%barrier3A_126)
    %mul3A_127 = arith.constant 80 : i32
    %mul3A_128 = arith.muli %add3A, %mul3A_127 : i32
    "tpu.region"() ({
      %run_scoped3A = tpu.sem_alloc : memref<!tpu.dma_semaphore, #tpu.memory_space<semaphore_mem>>
      %dma_start3A_154 = arith.constant 0 : i32
      %dma_start3A_155 = tpu.memref_slice %arg3[%mul3A_128, %dma_start3A_154] : memref<2560x128xi32, #tpu.memory_space<hbm>> -> memref<80x128xi32, #tpu.memory_space<hbm>>
      %dma_start3A_156 = arith.constant 0 : i32
      %dma_start3A_157 = tpu.memref_slice %arg3[%mul3A_128, %dma_start3A_156] : memref<2560x128xi32, #tpu.memory_space<hbm>> -> memref<80x128xi32, #tpu.memory_space<hbm>>
      tpu.enqueue_dma source(%dma_start3A_157 : memref<80x128xi32, #tpu.memory_space<hbm>>) target(%arg7 : memref<80x128xi32, #tpu.memory_space<vmem>>) target_semaphore(%run_scoped3A : memref<!tpu.dma_semaphore, #tpu.memory_space<semaphore_mem>>)
      %dma_wait3A_158 = arith.constant 0 : i32
      %dma_wait3A_159 = tpu.memref_slice %arg3[%mul3A_128, %dma_wait3A_158] : memref<2560x128xi32, #tpu.memory_space<hbm>> -> memref<80x128xi32, #tpu.memory_space<hbm>>
      %dma_wait3A_160 = arith.constant 0 : i32
      %dma_wait3A_161 = tpu.memref_slice %arg3[%mul3A_128, %dma_wait3A_160] : memref<2560x128xi32, #tpu.memory_space<hbm>> -> memref<80x128xi32, #tpu.memory_space<hbm>>
      tpu.wait_dma2 semaphore(%run_scoped3A : memref<!tpu.dma_semaphore, #tpu.memory_space<semaphore_mem>>) src(%dma_wait3A_161 : memref<80x128xi32, #tpu.memory_space<hbm>>) dst(%arg7 : memref<80x128xi32, #tpu.memory_space<vmem>>)
      tpu.yield
    }) : () -> ()
    %mul3A_129 = arith.constant 80 : i32
    %mul3A_130 = arith.muli %add3A, %mul3A_129 : i32
    "tpu.region"() ({
      %run_scoped3A = tpu.sem_alloc : memref<!tpu.dma_semaphore, #tpu.memory_space<semaphore_mem>>
      %dma_start3A_154 = arith.constant 0 : i32
      %dma_start3A_155 = tpu.memref_slice %arg4[%mul3A_130, %dma_start3A_154] : memref<2560x128xi32, #tpu.memory_space<hbm>> -> memref<80x128xi32, #tpu.memory_space<hbm>>
      %dma_start3A_156 = arith.constant 0 : i32
      %dma_start3A_157 = tpu.memref_slice %arg4[%mul3A_130, %dma_start3A_156] : memref<2560x128xi32, #tpu.memory_space<hbm>> -> memref<80x128xi32, #tpu.memory_space<hbm>>
      tpu.enqueue_dma source(%dma_start3A_157 : memref<80x128xi32, #tpu.memory_space<hbm>>) target(%arg8 : memref<80x128xi32, #tpu.memory_space<vmem>>) target_semaphore(%run_scoped3A : memref<!tpu.dma_semaphore, #tpu.memory_space<semaphore_mem>>)
      %dma_wait3A_158 = arith.constant 0 : i32
      %dma_wait3A_159 = tpu.memref_slice %arg4[%mul3A_130, %dma_wait3A_158] : memref<2560x128xi32, #tpu.memory_space<hbm>> -> memref<80x128xi32, #tpu.memory_space<hbm>>
      %dma_wait3A_160 = arith.constant 0 : i32
      %dma_wait3A_161 = tpu.memref_slice %arg4[%mul3A_130, %dma_wait3A_160] : memref<2560x128xi32, #tpu.memory_space<hbm>> -> memref<80x128xi32, #tpu.memory_space<hbm>>
      tpu.wait_dma2 semaphore(%run_scoped3A : memref<!tpu.dma_semaphore, #tpu.memory_space<semaphore_mem>>) src(%dma_wait3A_161 : memref<80x128xi32, #tpu.memory_space<hbm>>) dst(%arg8 : memref<80x128xi32, #tpu.memory_space<vmem>>)
      tpu.yield
    }) : () -> ()
    %dma_start3A = arith.constant 0 : i32
    %dma_start3A_131 = arith.constant 0 : i32
    %dma_start3A_132 = tpu.memref_slice %arg7[%dma_start3A, %dma_start3A_131] : memref<80x128xi32, #tpu.memory_space<vmem>> -> memref<1x128xi32, #tpu.memory_space<vmem>>
    %dma_start3A_133 = tpu.memref_squeeze %dma_start3A_132 : memref<1x128xi32, #tpu.memory_space<vmem>> -> memref<128xi32, #tpu.memory_space<vmem>>
    %dma_start3A_134 = arith.constant 0 : i32
    %dma_start3A_135 = arith.constant 0 : i32
    %dma_start3A_136 = tpu.memref_slice %arg11[%dma_start3A_134, %dma_start3A_135] : memref<10240x16xf32, #tpu.memory_space<vmem_shared>> -> memref<10240x16xf32, #tpu.memory_space<vmem_shared>>
    tpu.enqueue_indirect_dma source(%dma_start3A_136 : memref<10240x16xf32, #tpu.memory_space<vmem_shared>>) target(%arg9 : memref<128x16xf32, #tpu.memory_space<vmem>>) offsets(%dma_start3A_133 : memref<128xi32, #tpu.memory_space<vmem>>) semaphore(%arg13 : memref<!tpu.dma_semaphore, #tpu.memory_space<semaphore_mem>>)
    %dma_wait3A = arith.constant 0 : i32
    %dma_wait3A_137 = arith.constant 0 : i32
    %dma_wait3A_138 = tpu.memref_slice %arg7[%dma_wait3A, %dma_wait3A_137] : memref<80x128xi32, #tpu.memory_space<vmem>> -> memref<1x128xi32, #tpu.memory_space<vmem>>
    %dma_wait3A_139 = tpu.memref_squeeze %dma_wait3A_138 : memref<1x128xi32, #tpu.memory_space<vmem>> -> memref<128xi32, #tpu.memory_space<vmem>>
    %dma_wait3A_140 = arith.constant 0 : i32
    %dma_wait3A_141 = arith.constant 0 : i32
    %dma_wait3A_142 = tpu.memref_slice %arg11[%dma_wait3A_140, %dma_wait3A_141] : memref<10240x16xf32, #tpu.memory_space<vmem_shared>> -> memref<10240x16xf32, #tpu.memory_space<vmem_shared>>
    tpu.wait_indirect_dma semaphore(%arg13 : memref<!tpu.dma_semaphore, #tpu.memory_space<semaphore_mem>>) src(%dma_wait3A_142 : memref<10240x16xf32, #tpu.memory_space<vmem_shared>>) dst(%arg9 : memref<128x16xf32, #tpu.memory_space<vmem>>)
    %scan3A_143 = arith.constant 0 : i32
    %scan3A_144 = arith.constant 40 : i32
    %scan3A_145 = arith.addi %scan3A_143, %scan3A_144 : i32
    %scan3A_146 = arith.constant 1 : i32
    scf.for %scan3A_154 = %scan3A_143 to %scan3A_145 step %scan3A_146  : i32 {
      %mul3A_155 = arith.constant 2 : i32
      %mul3A_156 = arith.muli %scan3A_154, %mul3A_155 : i32
      %add3A_157 = arith.constant 0 : i32
      %add3A_158 = arith.addi %add3A_157, %mul3A_156 : i32
      %add3A_159 = arith.constant 1 : i32
      %add3A_160 = arith.addi %add3A_158, %add3A_159 : i32
      %dma_start3A_161 = arith.constant 0 : i32
      %dma_start3A_162 = tpu.memref_slice %arg7[%add3A_160, %dma_start3A_161] : memref<80x128xi32, #tpu.memory_space<vmem>> -> memref<1x128xi32, #tpu.memory_space<vmem>>
      %dma_start3A_163 = tpu.memref_squeeze %dma_start3A_162 : memref<1x128xi32, #tpu.memory_space<vmem>> -> memref<128xi32, #tpu.memory_space<vmem>>
      %dma_start3A_164 = arith.constant 0 : i32
      %dma_start3A_165 = arith.constant 0 : i32
      %dma_start3A_166 = tpu.memref_slice %arg11[%dma_start3A_164, %dma_start3A_165] : memref<10240x16xf32, #tpu.memory_space<vmem_shared>> -> memref<10240x16xf32, #tpu.memory_space<vmem_shared>>
      tpu.enqueue_indirect_dma source(%dma_start3A_166 : memref<10240x16xf32, #tpu.memory_space<vmem_shared>>) target(%arg10 : memref<128x16xf32, #tpu.memory_space<vmem>>) offsets(%dma_start3A_163 : memref<128xi32, #tpu.memory_space<vmem>>) semaphore(%arg14 : memref<!tpu.dma_semaphore, #tpu.memory_space<semaphore_mem>>)
      "tpu.region"() ({
        %run_scoped3A = tpu.sem_alloc : memref<!tpu.dma_semaphore, #tpu.memory_space<semaphore_mem>>
        %dma_start3A_190 = arith.constant 0 : i32
        %dma_start3A_191 = tpu.memref_slice %arg8[%add3A_158, %dma_start3A_190] : memref<80x128xi32, #tpu.memory_space<vmem>> -> memref<1x128xi32, #tpu.memory_space<vmem>>
        %dma_start3A_192 = tpu.memref_squeeze %dma_start3A_191 : memref<1x128xi32, #tpu.memory_space<vmem>> -> memref<128xi32, #tpu.memory_space<vmem>>
        %dma_start3A_193 = arith.constant 0 : i32
        %dma_start3A_194 = arith.constant 0 : i32
        %dma_start3A_195 = tpu.memref_slice %arg12[%dma_start3A_193, %dma_start3A_194] : memref<10240x16xf32, #tpu.memory_space<vmem_shared>> -> memref<10240x16xf32, #tpu.memory_space<vmem_shared>>
        tpu.enqueue_indirect_dma source(%arg9 : memref<128x16xf32, #tpu.memory_space<vmem>>) target(%dma_start3A_195 : memref<10240x16xf32, #tpu.memory_space<vmem_shared>>) offsets(%dma_start3A_192 : memref<128xi32, #tpu.memory_space<vmem>>) semaphore(%run_scoped3A : memref<!tpu.dma_semaphore, #tpu.memory_space<semaphore_mem>>) {add = true}
        %dma_wait3A_196 = arith.constant 0 : i32
        %dma_wait3A_197 = tpu.memref_slice %arg8[%add3A_158, %dma_wait3A_196] : memref<80x128xi32, #tpu.memory_space<vmem>> -> memref<1x128xi32, #tpu.memory_space<vmem>>
        %dma_wait3A_198 = tpu.memref_squeeze %dma_wait3A_197 : memref<1x128xi32, #tpu.memory_space<vmem>> -> memref<128xi32, #tpu.memory_space<vmem>>
        %dma_wait3A_199 = arith.constant 0 : i32
        %dma_wait3A_200 = arith.constant 0 : i32
        %dma_wait3A_201 = tpu.memref_slice %arg12[%dma_wait3A_199, %dma_wait3A_200] : memref<10240x16xf32, #tpu.memory_space<vmem_shared>> -> memref<10240x16xf32, #tpu.memory_space<vmem_shared>>
        tpu.wait_indirect_dma semaphore(%run_scoped3A : memref<!tpu.dma_semaphore, #tpu.memory_space<semaphore_mem>>) src(%arg9 : memref<128x16xf32, #tpu.memory_space<vmem>>) dst(%dma_wait3A_201 : memref<10240x16xf32, #tpu.memory_space<vmem_shared>>)
        tpu.yield
      }) : () -> ()
      %dma_wait3A_167 = arith.constant 0 : i32
      %dma_wait3A_168 = tpu.memref_slice %arg7[%add3A_160, %dma_wait3A_167] : memref<80x128xi32, #tpu.memory_space<vmem>> -> memref<1x128xi32, #tpu.memory_space<vmem>>
      %dma_wait3A_169 = tpu.memref_squeeze %dma_wait3A_168 : memref<1x128xi32, #tpu.memory_space<vmem>> -> memref<128xi32, #tpu.memory_space<vmem>>
      %dma_wait3A_170 = arith.constant 0 : i32
      %dma_wait3A_171 = arith.constant 0 : i32
      %dma_wait3A_172 = tpu.memref_slice %arg11[%dma_wait3A_170, %dma_wait3A_171] : memref<10240x16xf32, #tpu.memory_space<vmem_shared>> -> memref<10240x16xf32, #tpu.memory_space<vmem_shared>>
      tpu.wait_indirect_dma semaphore(%arg14 : memref<!tpu.dma_semaphore, #tpu.memory_space<semaphore_mem>>) src(%dma_wait3A_172 : memref<10240x16xf32, #tpu.memory_space<vmem_shared>>) dst(%arg10 : memref<128x16xf32, #tpu.memory_space<vmem>>)
      %add3A_173 = arith.constant 2 : i32
      %add3A_174 = arith.addi %add3A_158, %add3A_173 : i32
      %min3A = arith.constant 79 : i32
      %min3A_175 = arith.minsi %add3A_174, %min3A : i32
      %dma_start3A_176 = arith.constant 0 : i32
      %dma_start3A_177 = tpu.memref_slice %arg7[%min3A_175, %dma_start3A_176] : memref<80x128xi32, #tpu.memory_space<vmem>> -> memref<1x128xi32, #tpu.memory_space<vmem>>
      %dma_start3A_178 = tpu.memref_squeeze %dma_start3A_177 : memref<1x128xi32, #tpu.memory_space<vmem>> -> memref<128xi32, #tpu.memory_space<vmem>>
      %dma_start3A_179 = arith.constant 0 : i32
      %dma_start3A_180 = arith.constant 0 : i32
      %dma_start3A_181 = tpu.memref_slice %arg11[%dma_start3A_179, %dma_start3A_180] : memref<10240x16xf32, #tpu.memory_space<vmem_shared>> -> memref<10240x16xf32, #tpu.memory_space<vmem_shared>>
      tpu.enqueue_indirect_dma source(%dma_start3A_181 : memref<10240x16xf32, #tpu.memory_space<vmem_shared>>) target(%arg9 : memref<128x16xf32, #tpu.memory_space<vmem>>) offsets(%dma_start3A_178 : memref<128xi32, #tpu.memory_space<vmem>>) semaphore(%arg13 : memref<!tpu.dma_semaphore, #tpu.memory_space<semaphore_mem>>)
      %add3A_182 = arith.constant 1 : i32
      %add3A_183 = arith.addi %add3A_158, %add3A_182 : i32
      "tpu.region"() ({
        %run_scoped3A = tpu.sem_alloc : memref<!tpu.dma_semaphore, #tpu.memory_space<semaphore_mem>>
        %dma_start3A_190 = arith.constant 0 : i32
        %dma_start3A_191 = tpu.memref_slice %arg8[%add3A_183, %dma_start3A_190] : memref<80x128xi32, #tpu.memory_space<vmem>> -> memref<1x128xi32, #tpu.memory_space<vmem>>
        %dma_start3A_192 = tpu.memref_squeeze %dma_start3A_191 : memref<1x128xi32, #tpu.memory_space<vmem>> -> memref<128xi32, #tpu.memory_space<vmem>>
        %dma_start3A_193 = arith.constant 0 : i32
        %dma_start3A_194 = arith.constant 0 : i32
        %dma_start3A_195 = tpu.memref_slice %arg12[%dma_start3A_193, %dma_start3A_194] : memref<10240x16xf32, #tpu.memory_space<vmem_shared>> -> memref<10240x16xf32, #tpu.memory_space<vmem_shared>>
        tpu.enqueue_indirect_dma source(%arg10 : memref<128x16xf32, #tpu.memory_space<vmem>>) target(%dma_start3A_195 : memref<10240x16xf32, #tpu.memory_space<vmem_shared>>) offsets(%dma_start3A_192 : memref<128xi32, #tpu.memory_space<vmem>>) semaphore(%run_scoped3A : memref<!tpu.dma_semaphore, #tpu.memory_space<semaphore_mem>>) {add = true}
        %dma_wait3A_196 = arith.constant 0 : i32
        %dma_wait3A_197 = tpu.memref_slice %arg8[%add3A_183, %dma_wait3A_196] : memref<80x128xi32, #tpu.memory_space<vmem>> -> memref<1x128xi32, #tpu.memory_space<vmem>>
        %dma_wait3A_198 = tpu.memref_squeeze %dma_wait3A_197 : memref<1x128xi32, #tpu.memory_space<vmem>> -> memref<128xi32, #tpu.memory_space<vmem>>
        %dma_wait3A_199 = arith.constant 0 : i32
        %dma_wait3A_200 = arith.constant 0 : i32
        %dma_wait3A_201 = tpu.memref_slice %arg12[%dma_wait3A_199, %dma_wait3A_200] : memref<10240x16xf32, #tpu.memory_space<vmem_shared>> -> memref<10240x16xf32, #tpu.memory_space<vmem_shared>>
        tpu.wait_indirect_dma semaphore(%run_scoped3A : memref<!tpu.dma_semaphore, #tpu.memory_space<semaphore_mem>>) src(%arg10 : memref<128x16xf32, #tpu.memory_space<vmem>>) dst(%dma_wait3A_201 : memref<10240x16xf32, #tpu.memory_space<vmem_shared>>)
        tpu.yield
      }) : () -> ()
      %dma_wait3A_184 = arith.constant 0 : i32
      %dma_wait3A_185 = tpu.memref_slice %arg7[%min3A_175, %dma_wait3A_184] : memref<80x128xi32, #tpu.memory_space<vmem>> -> memref<1x128xi32, #tpu.memory_space<vmem>>
      %dma_wait3A_186 = tpu.memref_squeeze %dma_wait3A_185 : memref<1x128xi32, #tpu.memory_space<vmem>> -> memref<128xi32, #tpu.memory_space<vmem>>
      %dma_wait3A_187 = arith.constant 0 : i32
      %dma_wait3A_188 = arith.constant 0 : i32
      %dma_wait3A_189 = tpu.memref_slice %arg11[%dma_wait3A_187, %dma_wait3A_188] : memref<10240x16xf32, #tpu.memory_space<vmem_shared>> -> memref<10240x16xf32, #tpu.memory_space<vmem_shared>>
      tpu.wait_indirect_dma semaphore(%arg13 : memref<!tpu.dma_semaphore, #tpu.memory_space<semaphore_mem>>) src(%dma_wait3A_189 : memref<10240x16xf32, #tpu.memory_space<vmem_shared>>) dst(%arg9 : memref<128x16xf32, #tpu.memory_space<vmem>>)
    }
    %scan3A_147 = arith.constant 40 : i32
    %barrier3A_148 = arith.constant 0 : index
    tpu.barrier barrier_id(%barrier3A_148)
    %scan3A_149 = arith.constant 0 : i32
    %scan3A_150 = arith.constant 5 : i32
    %scan3A_151 = arith.addi %scan3A_149, %scan3A_150 : i32
    %scan3A_152 = arith.constant 1 : i32
    scf.for %scan3A_154 = %scan3A_149 to %scan3A_151 step %scan3A_152  : i32 {
      %mul3A_155 = arith.constant 1 : i32
      %mul3A_156 = arith.muli %scan3A_154, %mul3A_155 : i32
      %add3A_157 = arith.constant 0 : i32
      %add3A_158 = arith.addi %add3A_157, %mul3A_156 : i32
      %mul3A_159 = arith.constant 640 : i32
      %mul3A_160 = arith.muli %arg1, %mul3A_159 : i32
      %mul3A_161 = arith.constant 128 : i32
      %mul3A_162 = arith.muli %add3A_158, %mul3A_161 : i32
      %add3A_163 = arith.addi %mul3A_160, %mul3A_162 : i32
      "tpu.region"() ({
        %run_scoped3A = tpu.sem_alloc : memref<!tpu.dma_semaphore, #tpu.memory_space<semaphore_mem>>
        %dma_start3A_172 = arith.constant 0 : i32
        %dma_start3A_173 = tpu.memref_slice %arg12[%add3A_163, %dma_start3A_172] : memref<10240x16xf32, #tpu.memory_space<vmem_shared>> -> memref<128x16xf32, #tpu.memory_space<vmem_shared>>
        %dma_start3A_174 = arith.constant 0 : i32
        %dma_start3A_175 = tpu.memref_slice %arg12[%add3A_163, %dma_start3A_174] : memref<10240x16xf32, #tpu.memory_space<vmem_shared>> -> memref<128x16xf32, #tpu.memory_space<vmem_shared>>
        tpu.enqueue_dma source(%dma_start3A_175 : memref<128x16xf32, #tpu.memory_space<vmem_shared>>) target(%arg9 : memref<128x16xf32, #tpu.memory_space<vmem>>) target_semaphore(%run_scoped3A : memref<!tpu.dma_semaphore, #tpu.memory_space<semaphore_mem>>)
        %dma_wait3A_176 = arith.constant 0 : i32
        %dma_wait3A_177 = tpu.memref_slice %arg12[%add3A_163, %dma_wait3A_176] : memref<10240x16xf32, #tpu.memory_space<vmem_shared>> -> memref<128x16xf32, #tpu.memory_space<vmem_shared>>
        %dma_wait3A_178 = arith.constant 0 : i32
        %dma_wait3A_179 = tpu.memref_slice %arg12[%add3A_163, %dma_wait3A_178] : memref<10240x16xf32, #tpu.memory_space<vmem_shared>> -> memref<128x16xf32, #tpu.memory_space<vmem_shared>>
        tpu.wait_dma2 semaphore(%run_scoped3A : memref<!tpu.dma_semaphore, #tpu.memory_space<semaphore_mem>>) src(%dma_wait3A_179 : memref<128x16xf32, #tpu.memory_space<vmem_shared>>) dst(%arg9 : memref<128x16xf32, #tpu.memory_space<vmem>>)
        tpu.yield
      }) : () -> ()
      %mul3A_164 = arith.constant 10240 : i32
      %mul3A_165 = arith.muli %arg0, %mul3A_164 : i32
      %mul3A_166 = arith.constant 640 : i32
      %mul3A_167 = arith.muli %arg1, %mul3A_166 : i32
      %add3A_168 = arith.addi %mul3A_165, %mul3A_167 : i32
      %mul3A_169 = arith.constant 128 : i32
      %mul3A_170 = arith.muli %add3A_158, %mul3A_169 : i32
      %add3A_171 = arith.addi %add3A_168, %mul3A_170 : i32
      "tpu.region"() ({
        %run_scoped3A = tpu.sem_alloc : memref<!tpu.dma_semaphore, #tpu.memory_space<semaphore_mem>>
        %dma_start3A_172 = arith.constant 0 : i32
        %dma_start3A_173 = tpu.memref_slice %arg5[%add3A_171, %dma_start3A_172] : memref<20480x16xf32, #tpu.memory_space<hbm>> -> memref<128x16xf32, #tpu.memory_space<hbm>>
        %dma_start3A_174 = arith.constant 0 : i32
        %dma_start3A_175 = tpu.memref_slice %arg5[%add3A_171, %dma_start3A_174] : memref<20480x16xf32, #tpu.memory_space<hbm>> -> memref<128x16xf32, #tpu.memory_space<hbm>>
        tpu.enqueue_dma source(%arg9 : memref<128x16xf32, #tpu.memory_space<vmem>>) target(%dma_start3A_175 : memref<128x16xf32, #tpu.memory_space<hbm>>) target_semaphore(%run_scoped3A : memref<!tpu.dma_semaphore, #tpu.memory_space<semaphore_mem>>)
        %dma_wait3A_176 = arith.constant 0 : i32
        %dma_wait3A_177 = tpu.memref_slice %arg5[%add3A_171, %dma_wait3A_176] : memref<20480x16xf32, #tpu.memory_space<hbm>> -> memref<128x16xf32, #tpu.memory_space<hbm>>
        %dma_wait3A_178 = arith.constant 0 : i32
        %dma_wait3A_179 = tpu.memref_slice %arg5[%add3A_171, %dma_wait3A_178] : memref<20480x16xf32, #tpu.memory_space<hbm>> -> memref<128x16xf32, #tpu.memory_space<hbm>>
        tpu.wait_dma2 semaphore(%run_scoped3A : memref<!tpu.dma_semaphore, #tpu.memory_space<semaphore_mem>>) src(%arg9 : memref<128x16xf32, #tpu.memory_space<vmem>>) dst(%dma_wait3A_179 : memref<128x16xf32, #tpu.memory_space<hbm>>)
        tpu.yield
      }) : () -> ()
    }
    %scan3A_153 = arith.constant 5 : i32
    return
  }
}

module attributes {stable_mosaic.version = 14 : i64} {
  func.func @_mm_body(%arg0: memref<10000x128xf32, #tpu.memory_space<vmem>>, %arg1: memref<128x16xf32, #tpu.memory_space<vmem>>, %arg2: memref<10240x16xf32, #tpu.memory_space<vmem>>) attributes {dimension_semantics = [], scalar_prefetch = 0 : i64, scratch_operands = 0 : i64, tpu.core_type = #tpu.core_type<tc>} {
    %get3A = arith.constant 0 : index
    %get3A_0 = arith.constant 0 : index
    %get3A_1 = vector.load %arg0[%get3A, %get3A_0] : memref<10000x128xf32, #tpu.memory_space<vmem>>, vector<10000x128xf32>
    %get3A_2 = arith.constant 0 : index
    %get3A_3 = arith.constant 0 : index
    %get3A_4 = vector.load %arg1[%get3A_2, %get3A_3] : memref<128x16xf32, #tpu.memory_space<vmem>>, vector<128x16xf32>
    %dot_general3A = arith.constant dense<0.000000e+00> : vector<10000x16xf32>
    %dot_general3A_5 = tpu.matmul %get3A_1, %get3A_4, %dot_general3A {dimension_numbers = #tpu.dot_dimension_numbers<[1], [0], [0], [1], [0, 0, 1, 1], [], []>, transpose_lhs_hint = false} : vector<10000x128xf32>, vector<128x16xf32>, vector<10000x16xf32> -> vector<10000x16xf32>
    %swap3A = arith.constant 0 : index
    %swap3A_6 = arith.constant 0 : index
    %swap3A_7 = vector.load %arg2[%swap3A, %swap3A_6] : memref<10240x16xf32, #tpu.memory_space<vmem>>, vector<10000x16xf32>
    tpu.vector_store %arg2[%swap3A, %swap3A_6], %dot_general3A_5 {strides = array<i32>} : memref<10240x16xf32, #tpu.memory_space<vmem>>, vector<10000x16xf32>,
    %broadcast_in_dim3A = arith.constant 0.000000e+00 : f32
    %broadcast_in_dim3A_8 = vector.broadcast %broadcast_in_dim3A : f32 to vector<240x16xf32>
    %swap3A_9 = arith.constant 10000 : index
    %swap3A_10 = arith.constant 0 : index
    %swap3A_11 = vector.load %arg2[%swap3A_9, %swap3A_10] : memref<10240x16xf32, #tpu.memory_space<vmem>>, vector<240x16xf32>
    tpu.vector_store %arg2[%swap3A_9, %swap3A_10], %broadcast_in_dim3A_8 {strides = array<i32>} : memref<10240x16xf32, #tpu.memory_space<vmem>>, vector<240x16xf32>,
    return
  }
}

module attributes {stable_mosaic.version = 14 : i64} {
  func.func @_mid_body(%arg0: memref<20480x16xf32, #tpu.memory_space<vmem>>, %arg1: memref<10240x16xf32, #tpu.memory_space<vmem>>, %arg2: memref<10240x16xf32, #tpu.memory_space<vmem>>, %arg3: memref<1x16xf32, #tpu.memory_space<vmem>>, %arg4: memref<1x16xf32, #tpu.memory_space<vmem>>, %arg5: memref<1x16xf32, #tpu.memory_space<vmem>>, %arg6: memref<16x16xf32, #tpu.memory_space<vmem>>, %arg7: memref<10240x16xf32, #tpu.memory_space<vmem>>) attributes {dimension_semantics = [], scalar_prefetch = 0 : i64, scratch_operands = 0 : i64, tpu.core_type = #tpu.core_type<tc>} {
    %get3A = arith.constant 0 : index
    %get3A_0 = arith.constant 0 : index
    %get3A_1 = vector.load %arg2[%get3A, %get3A_0] : memref<10240x16xf32, #tpu.memory_space<vmem>>, vector<10000x16xf32>
    %get3A_2 = arith.constant 0 : index
    %get3A_3 = arith.constant 0 : index
    %get3A_4 = vector.load %arg0[%get3A_2, %get3A_3] : memref<20480x16xf32, #tpu.memory_space<vmem>>, vector<10000x16xf32>
    %get3A_5 = arith.constant 10240 : index
    %get3A_6 = arith.constant 0 : index
    %get3A_7 = vector.load %arg0[%get3A_5, %get3A_6] : memref<20480x16xf32, #tpu.memory_space<vmem>>, vector<10000x16xf32>
    %add3A = arith.addf %get3A_4, %get3A_7 : vector<10000x16xf32>
    %get3A_8 = arith.constant 0 : index
    %get3A_9 = arith.constant 0 : index
    %get3A_10 = vector.load %arg1[%get3A_8, %get3A_9] : memref<10240x16xf32, #tpu.memory_space<vmem>>, vector<10000x16xf32>
    %mul3A = arith.mulf %get3A_1, %get3A_10 : vector<10000x16xf32>
    %add3A_11 = arith.addf %add3A, %mul3A : vector<10000x16xf32>
    %mul3A_12 = arith.mulf %get3A_1, %add3A_11 : vector<10000x16xf32>
    %get3A_13 = arith.constant 0 : index
    %get3A_14 = arith.constant 0 : index
    %get3A_15 = vector.load %arg5[%get3A_13, %get3A_14] : memref<1x16xf32, #tpu.memory_space<vmem>>, vector<1x16xf32>
    %add3A_16 = vector.broadcast %get3A_15 : vector<1x16xf32> to vector<10000x16xf32>
    %add3A_17 = arith.addf %mul3A_12, %add3A_16 : vector<10000x16xf32>
    %reduce_sum3A = arith.constant dense<0.000000e+00> : vector<16xf32>
    %reduce_sum3A_18 = vector.multi_reduction <add>, %add3A_17, %reduce_sum3A [0] : vector<10000x16xf32> to vector<16xf32>
    %broadcast_in_dim3A = vector.shape_cast %reduce_sum3A_18 : vector<16xf32> to vector<1x16xf32>
    %div3A = arith.constant 1.000000e+04 : f32
    %div3A_19 = vector.broadcast %div3A : f32 to vector<1x16xf32>
    %div3A_20 = arith.divf %broadcast_in_dim3A, %div3A_19 : vector<1x16xf32>
    %sub3A = vector.broadcast %div3A_20 : vector<1x16xf32> to vector<10000x16xf32>
    %sub3A_21 = arith.subf %add3A_17, %sub3A : vector<10000x16xf32>
    %mul3A_22 = arith.mulf %sub3A_21, %sub3A_21 : vector<10000x16xf32>
    %reduce_sum3A_23 = arith.constant dense<0.000000e+00> : vector<16xf32>
    %reduce_sum3A_24 = vector.multi_reduction <add>, %mul3A_22, %reduce_sum3A_23 [0] : vector<10000x16xf32> to vector<16xf32>
    %broadcast_in_dim3A_25 = vector.shape_cast %reduce_sum3A_24 : vector<16xf32> to vector<1x16xf32>
    %div3A_26 = arith.constant 1.000000e+04 : f32
    %div3A_27 = vector.broadcast %div3A_26 : f32 to vector<1x16xf32>
    %div3A_28 = arith.divf %broadcast_in_dim3A_25, %div3A_27 : vector<1x16xf32>
    %get3A_29 = arith.constant 0 : index
    %get3A_30 = arith.constant 0 : index
    %get3A_31 = vector.load %arg3[%get3A_29, %get3A_30] : memref<1x16xf32, #tpu.memory_space<vmem>>, vector<1x16xf32>
    %mul3A_32 = vector.broadcast %get3A_31 : vector<1x16xf32> to vector<10000x16xf32>
    %mul3A_33 = arith.mulf %mul3A_32, %sub3A_21 : vector<10000x16xf32>
    %add3A_34 = arith.constant 9.99999974E-6 : f32
    %add3A_35 = vector.broadcast %add3A_34 : f32 to vector<1x16xf32>
    %add3A_36 = arith.addf %div3A_28, %add3A_35 : vector<1x16xf32>
    %rsqrt3A = math.rsqrt %add3A_36 : vector<1x16xf32>
    %mul3A_37 = vector.broadcast %rsqrt3A : vector<1x16xf32> to vector<10000x16xf32>
    %mul3A_38 = arith.mulf %mul3A_33, %mul3A_37 : vector<10000x16xf32>
    %get3A_39 = arith.constant 0 : index
    %get3A_40 = arith.constant 0 : index
    %get3A_41 = vector.load %arg4[%get3A_39, %get3A_40] : memref<1x16xf32, #tpu.memory_space<vmem>>, vector<1x16xf32>
    %add3A_42 = vector.broadcast %get3A_41 : vector<1x16xf32> to vector<10000x16xf32>
    %add3A_43 = arith.addf %mul3A_38, %add3A_42 : vector<10000x16xf32>
    %max3A = arith.constant 0.000000e+00 : f32
    %max3A_44 = vector.broadcast %max3A : f32 to vector<10000x16xf32>
    %max3A_45 = arith.maximumf %add3A_43, %max3A_44 : vector<10000x16xf32>
    %get3A_46 = arith.constant 0 : index
    %get3A_47 = arith.constant 0 : index
    %get3A_48 = vector.load %arg6[%get3A_46, %get3A_47] : memref<16x16xf32, #tpu.memory_space<vmem>>, vector<16x16xf32>
    %dot_general3A = arith.constant dense<0.000000e+00> : vector<10000x16xf32>
    %dot_general3A_49 = tpu.matmul %max3A_45, %get3A_48, %dot_general3A {dimension_numbers = #tpu.dot_dimension_numbers<[1], [0], [0], [1], [0, 0, 1, 1], [], []>, transpose_lhs_hint = false} : vector<10000x16xf32>, vector<16x16xf32>, vector<10000x16xf32> -> vector<10000x16xf32>
    %mul3A_50 = arith.mulf %dot_general3A_49, %get3A_1 : vector<10000x16xf32>
    %swap3A = arith.constant 0 : index
    %swap3A_51 = arith.constant 0 : index
    %swap3A_52 = vector.load %arg7[%swap3A, %swap3A_51] : memref<10240x16xf32, #tpu.memory_space<vmem>>, vector<10000x16xf32>
    tpu.vector_store %arg7[%swap3A, %swap3A_51], %mul3A_50 {strides = array<i32>} : memref<10240x16xf32, #tpu.memory_space<vmem>>, vector<10000x16xf32>,
    %broadcast_in_dim3A_53 = arith.constant 0.000000e+00 : f32
    %broadcast_in_dim3A_54 = vector.broadcast %broadcast_in_dim3A_53 : f32 to vector<240x16xf32>
    %swap3A_55 = arith.constant 10000 : index
    %swap3A_56 = arith.constant 0 : index
    %swap3A_57 = vector.load %arg7[%swap3A_55, %swap3A_56] : memref<10240x16xf32, #tpu.memory_space<vmem>>, vector<240x16xf32>
    tpu.vector_store %arg7[%swap3A_55, %swap3A_56], %broadcast_in_dim3A_54 {strides = array<i32>} : memref<10240x16xf32, #tpu.memory_space<vmem>>, vector<240x16xf32>,
    return
  }
}

module attributes {stable_mosaic.version = 14 : i64} {
  func.func @_out_body(%arg0: memref<20480x16xf32, #tpu.memory_space<vmem>>, %arg1: memref<10240x16xf32, #tpu.memory_space<vmem>>, %arg2: memref<10240x16xf32, #tpu.memory_space<vmem>>, %arg3: memref<1x16xf32, #tpu.memory_space<vmem>>, %arg4: memref<10000x10xf32, #tpu.memory_space<vmem>>) attributes {dimension_semantics = [], scalar_prefetch = 0 : i64, scratch_operands = 0 : i64, tpu.core_type = #tpu.core_type<tc>} {
    %get3A = arith.constant 0 : index
    %get3A_0 = arith.constant 0 : index
    %get3A_1 = vector.load %arg2[%get3A, %get3A_0] : memref<10240x16xf32, #tpu.memory_space<vmem>>, vector<10000x16xf32>
    %get3A_2 = arith.constant 0 : index
    %get3A_3 = arith.constant 0 : index
    %get3A_4 = vector.load %arg0[%get3A_2, %get3A_3] : memref<20480x16xf32, #tpu.memory_space<vmem>>, vector<10000x16xf32>
    %get3A_5 = arith.constant 10240 : index
    %get3A_6 = arith.constant 0 : index
    %get3A_7 = vector.load %arg0[%get3A_5, %get3A_6] : memref<20480x16xf32, #tpu.memory_space<vmem>>, vector<10000x16xf32>
    %add3A = arith.addf %get3A_4, %get3A_7 : vector<10000x16xf32>
    %get3A_8 = arith.constant 0 : index
    %get3A_9 = arith.constant 0 : index
    %get3A_10 = vector.load %arg1[%get3A_8, %get3A_9] : memref<10240x16xf32, #tpu.memory_space<vmem>>, vector<10000x16xf32>
    %add3A_11 = arith.addf %add3A, %get3A_10 : vector<10000x16xf32>
    %mul3A = arith.mulf %get3A_1, %add3A_11 : vector<10000x16xf32>
    %get3A_12 = arith.constant 0 : index
    %get3A_13 = arith.constant 0 : index
    %get3A_14 = vector.load %arg3[%get3A_12, %get3A_13] : memref<1x16xf32, #tpu.memory_space<vmem>>, vector<1x16xf32>
    %add3A_15 = vector.broadcast %get3A_14 : vector<1x16xf32> to vector<10000x16xf32>
    %add3A_16 = arith.addf %mul3A, %add3A_15 : vector<10000x16xf32>
    %slice3A = vector.extract_strided_slice %add3A_16 {offsets = [0, 0], sizes = [10000, 10], strides = [1, 1]} : vector<10000x16xf32> to vector<10000x10xf32>
    %reduce_max3A = arith.constant dense<0xFF800000> : vector<10000xf32>
    %reduce_max3A_17 = vector.multi_reduction <maximumf>, %slice3A, %reduce_max3A [1] : vector<10000x10xf32> to vector<10000xf32>
    %broadcast_in_dim3A = vector.shape_cast %reduce_max3A_17 : vector<10000xf32> to vector<10000x1xf32>
    %sub3A = vector.broadcast %broadcast_in_dim3A : vector<10000x1xf32> to vector<10000x10xf32>
    %sub3A_18 = arith.subf %slice3A, %sub3A : vector<10000x10xf32>
    %exp3A = math.exp %sub3A_18 : vector<10000x10xf32>
    %reduce_sum3A = arith.constant dense<0.000000e+00> : vector<10000xf32>
    %reduce_sum3A_19 = vector.multi_reduction <add>, %exp3A, %reduce_sum3A [1] : vector<10000x10xf32> to vector<10000xf32>
    %broadcast_in_dim3A_20 = vector.shape_cast %reduce_sum3A_19 : vector<10000xf32> to vector<10000x1xf32>
    %log3A = math.log %broadcast_in_dim3A_20 : vector<10000x1xf32>
    %add3A_21 = arith.addf %log3A, %broadcast_in_dim3A : vector<10000x1xf32>
    %sub3A_22 = vector.broadcast %add3A_21 : vector<10000x1xf32> to vector<10000x10xf32>
    %sub3A_23 = arith.subf %slice3A, %sub3A_22 : vector<10000x10xf32>
    %swap3A = arith.constant 0 : index
    %swap3A_24 = arith.constant 0 : index
    %swap3A_25 = vector.load %arg4[%swap3A, %swap3A_24] : memref<10000x10xf32, #tpu.memory_space<vmem>>, vector<10000x10xf32>
    tpu.vector_store %arg4[%swap3A, %swap3A_24], %sub3A_23 {strides = array<i32>} : memref<10000x10xf32, #tpu.memory_space<vmem>>, vector<10000x10xf32>,
    return
  }
}

</mosaic_0001>

<sc_bundles>
// kernel: kernel.10.cloned.1.call-start
scs
__scs_entry_jumppad:
0x0: {  	(pc) =	sbr.rel $0x88, $3  }
0x1: {  	(tag) =	ssettag $0x0;
	lr =	simm.s32 $0x1  }
0x2: {  	[smem:$0x3F99] =	sst lr;
	_ =	strace $0xD0000000  }
0x3: {  	_ = 	snop  }
0x4: {  	_ = 	snop  }
0x5: {  	_ = 	snop  }
0x6: {  	_ = 	snop  }
0x7: {  	_ = 	snop  }
__scs_overlays_trampoline_lowered:
0x8: {  	[smem:$0x3FA8] =	sst s0  }
0x9: {  	[smem:$0x3FA9] =	sst s1  }
0xa: {  	[smem:$0x3FAA] =	sst s2  }
0xb: {  	[smem:$0x3FAB] =	sst s3  }
0xc: {  	[smem:$0x3FAC] =	sst s4  }
0xd: {  	[smem:$0x3FAD] =	sst s5  }
0xe: {  	[smem:$0x3FAE] =	sst s6  }
0xf: {  	[smem:$0x3FAF] =	sst s7  }
0x10: {  	[smem:$0x3FB0] =	sst s8  }
0x11: {  	[smem:$0x3FB1] =	sst s9;
	s0 =	simm.s32 @!p0 $0x0  }
0x12: {  	s1 =	sld [smem:$0x3F97];
	s0 =	simm.s32 @p0 $0x1  }
0x13: {  	[smem:$0x3FB2] =	sst s0;
	s0 =	simm.s32 @!p1 $0x0  }
0x14: {  	s2 =	sld [smem:$0x3F96];
	s0 =	simm.s32 @p1 $0x1  }
0x15: {  	[smem:$0x3FB3] =	sst s0;
	s0 =	simm.s32 @!p2 $0x0  }
0x16: {  	s3 =	sld [smem:$0x3FDB];
	s0 =	simm.s32 @p2 $0x1  }
0x17: {  	s4 =	simm.s32 $0x1BF5;
	[smem:$0x3FB5] =	sst s0  }
0x18: {  	s0 =	sld [smem:$0x3F98];
	_ =	swait.ge [sflag:s4], $0x0  }
0x19: {  	s7 =	sld [smem:$0x3F99]  }
0x1a: {  	s8 =	sadd.s32 $0xFFFFE003, lr  }
0x1b: {  	s9 =	sadd.s32 $0xFFFFFEF7, lr;
	s5 =	simm.s32 $0xFFFFFFFF;
	p2 =	slt.u32 s8, $0xFFFFF086  }
0x1c: {  	p1 =	slt.u32 s9, $0xF7A;
	s5 =	simm.s32 @!p2 $0x0  }
0x1d: {  	s5 =	simm.s32 @p1 $0x1;
	p0 =	seq.s32 s7, s2  }
0x1e: {  	s7 =	smul.u32 @!p0 $0xF7A, s2;
	p2 =	seq.s32 @!p0 s5, $0x0  }
0x1f: {  	s9 =	smul.u32 $0xF7A, s1;
	s8 =	simm.s32 @!p0 $0x1BF5;
	p2 =	por !p2, p0  }
0x20: {  	[sflag:s8] =	ssyncset.s32 @!p0 $0xFFFFF086;
	s6 =	sadd.s32 @!p0 s3, s7;
	s7 =	simm.s32 @!p0 $0x108  }
0x21: {  	s3 =	sadd.s32 s3, s9;
	s6 =	sadd.s32 @!p0 $0x88, s6;
	s7 =	simm.s32 @p2 $0x1082  }
0x22: {  	[simem:s7], [sflag:s8] =	dma.local @!p0 [hbm:s6], $0xF7A  }
0x23: {  	s9 =	sor.u32 $0xD0000000, s2;
	s6 =	simm.s32 $0x108;
	_ =	swait.ge @!p0 [sflag:s8], $0x0  }
0x24: {  	s3 =	sadd.s32 $0x88, s3;
	s6 =	simm.s32 @!p1 $0x1082;
	[sflag:s4] =	ssyncset.s32 $0xFFFFF086  }
0x25: {  	[simem:s6], [sflag:s4] =	dma.local [hbm:s3], $0xF7A  }
0x26: {  	[smem:$0x3F99] =	sst s1;
	(tag) =	ssettag s2;
	_ =	strace s9  }
0x27: {  	s1 =	sld [smem:$0x3FA9]  }
0x28: {  	s2 =	sld [smem:$0x3FAA]  }
0x29: {  	s4 =	sld [smem:$0x3FAC]  }
0x2a: {  	p0 =	seq.s32 s5, $0x0;
	s5 =	sld [smem:$0x3FAD]  }
0x2b: {  	s6 =	sld [smem:$0x3FAE]  }
0x2c: {  	s7 =	sld [smem:$0x3FAF]  }
0x2d: {  	s3 =	simm.s32 $0x108;
	s8 =	sld [smem:$0x3FB0]  }
0x2e: {  	s3 =	simm.s32 @!p0 $0x1082;
	s9 =	sld [smem:$0x3FB1]  }
0x2f: {  	lr =	sadd.s32 s0, s3;
	s0 =	sld [smem:$0x3FA8]  }
0x30: {  	s3 =	sld [smem:$0x3FAB]  }
0x31: {  	[smem:$0x3FB4] =	sst s10  }
0x32: {  	s10 =	sld [smem:$0x3FB2];
	_ =	sdelay $0x3  }
0x33: {  	p0 =	seq.s32 s10, $0x1;
	s10 =	sld [smem:$0x3FB4];
	_ =	sdelay $0x3  }
0x34: {  	[smem:$0x3FB4] =	sst s10  }
0x35: {  	s10 =	sld [smem:$0x3FB3];
	_ =	sdelay $0x3  }
0x36: {  	p1 =	seq.s32 s10, $0x1;
	s10 =	sld [smem:$0x3FB4];
	_ =	sdelay $0x3  }
0x37: {  	[smem:$0x3FB4] =	sst s10  }
0x38: {  	s10 =	sld [smem:$0x3FB5]  }
0x39: {  	_ = 	snop;
	(pc) =	sbr.ind lr, $3  }
0x3a: {  	_ = 	snop  }
0x3b: {  	_ = 	snop  }
0x3c: {  	p2 =	seq.s32 s10, $0x1;
	s10 =	sld [smem:$0x3FB4]  }
0x3d: {  	_ =	shalt  }
0x3e: {  	_ =	shalt  }
0x3f: {  	_ =	shalt  }
0x40: {  	_ =	shalt  }
0x41: {  	_ =	shalt  }
0x42: {  	_ =	shalt  }
0x43: {  	_ =	shalt  }
0x44: {  	_ =	shalt  }
0x45: {  	_ =	shalt  }
0x46: {  	_ =	shalt  }
0x47: {  	_ =	shalt  }
0x48: {  	_ =	shalt  }
0x49: {  	_ =	shalt  }
0x4a: {  	_ =	shalt  }
0x4b: {  	_ =	shalt  }
0x4c: {  	_ =	shalt  }
0x4d: {  	_ =	shalt  }
0x4e: {  	_ =	shalt  }
0x4f: {  	_ =	shalt  }
0x50: {  	_ =	shalt  }
0x51: {  	_ =	shalt  }
0x52: {  	_ =	shalt  }
0x53: {  	_ =	shalt  }
0x54: {  	_ =	shalt  }
0x55: {  	_ =	shalt  }
0x56: {  	_ =	shalt  }
0x57: {  	_ =	shalt  }
0x58: {  	_ =	shalt  }
0x59: {  	_ =	shalt  }
0x5a: {  	_ =	shalt  }
0x5b: {  	_ =	shalt  }
0x5c: {  	_ =	shalt  }
0x5d: {  	_ =	shalt  }
0x5e: {  	_ =	shalt  }
0x5f: {  	_ =	shalt  }
0x60: {  	_ =	shalt  }
0x61: {  	_ =	shalt  }
0x62: {  	_ =	shalt  }
0x63: {  	_ =	shalt  }
0x64: {  	_ =	shalt  }
0x65: {  	_ =	shalt  }
0x66: {  	_ =	shalt  }
0x67: {  	_ =	shalt  }
0x68: {  	_ =	shalt  }
0x69: {  	_ =	shalt  }
0x6a: {  	_ =	shalt  }
0x6b: {  	_ =	shalt  }
0x6c: {  	_ =	shalt  }
0x6d: {  	_ =	shalt  }
0x6e: {  	_ =	shalt  }
0x6f: {  	_ =	shalt  }
0x70: {  	_ =	shalt  }
0x71: {  	_ =	shalt  }
0x72: {  	_ =	shalt  }
0x73: {  	_ =	shalt  }
0x74: {  	_ =	shalt  }
0x75: {  	_ =	shalt  }
0x76: {  	_ =	shalt  }
0x77: {  	_ =	shalt  }
0x78: {  	_ =	shalt  }
0x79: {  	_ =	shalt  }
0x7a: {  	_ =	shalt  }
0x7b: {  	_ =	shalt  }
0x7c: {  	_ =	shalt  }
0x7d: {  	_ =	shalt  }
0x7e: {  	_ =	shalt  }
0x7f: {  	_ =	shalt  }
0x80: {  	_ =	shalt  }
0x81: {  	_ =	shalt  }
0x82: {  	_ =	shalt  }
0x83: {  	_ =	shalt  }
0x84: {  	_ =	shalt  }
0x85: {  	_ =	shalt  }
0x86: {  	_ =	shalt  }
0x87: {  	_ =	shalt  }
.Lfunc_end0:
.L_simem_size_0:
called_computation.1_lowered:
.L_overlay_start_0:
0x88: {  	s2 =	sld [smem:$0x3FD9]  }
0x89: {  	s3 =	sld [smem:$0x3FFE];
	_ =	sdelay $0x1  }
0x8a: {  	s1 =	srdreg.scid  }
0x8b: {  	s0 =	sand.u32 $0x1, s1  }
0x8c: {  	s16 =	sshll.u32 s0, $0xA;
	s2 =	sadd.s32 s3, s2  }
0x8d: {  	s2 =	sadd.s32 s2, s16  }
0x8e: {  	[smem:$0x3FC0] =	sst s2  }
0x8f: {  	_ = 	snop  }
0x90: {  	(tm) =	ssettm $0x1  }
0x91: {  	s17 =	sld [smem:$0x3FFB];
	_ =	sdelay $0x3  }
0x92: {  	_ =	strace s17  }
0x93: {  	s2 =	sld [smem:$0x3FFC];
	_ =	sdelay $0x3  }
0x94: {  	_ =	strace s2  }
0x95: {  	s2 =	sld [smem:$0x3FFD];
	_ =	sdelay $0x3  }
0x96: {  	_ =	strace s2  }
0x97: {  	_ =	strace $0x8FFFFFFF  }
0x98: {  	s18 =	sld [smem:$0x3FDB];
	_ =	sdelay $0x1  }
0x99: {  	s19 =	simm.s32 $_scs_section_size  }
0x9a: {  	s4 =	simm.s32 $_size__tile_overlayer_lowered;
	s5 =	simm.s32 $_tile_overlayer_lowered  }
0x9b: {  	s22 =	simm.s32 $0x1BFF;
	s21 =	sshll.u32 s5, $0x1;
	s2 =	sadd.s32 s19, s18  }
0x9c: {  	s6 =	simm.s32 $0x0;
	s20 =	sshll.u32 s4, $0x1;
	s4 =	sadd.s32 s21, s2  }
0x9d: {  	[timem:s6], [sflag:s22] =	dma.local [hbm:s4], s20  }
0x9e: {  	_ =	swait.ge [sflag:s22], s20  }
0x9f: {  	s3 =	ssub.s32 $0x0, s20;
	[sflag:s22] =	ssyncset.done $0x0  }
0xa0: {  	[sflag:s22] =	ssyncadd.s32 s3;
	_ =	sdelay $0x1  }
0xa1: {  	s23 =	simm.s32 $0x1B8B  }
0xa2: {  	_ =	swait.ge [sflag:s23], $0x1  }
0xa3: {  	[sflag:s23] =	ssyncset.done $0x0  }
0xa4: {  	s25 =	simm.s32 $0x1B8E;
	s24 =	sld [smem:$0x3FFE];
	[sflag:s23] =	ssyncadd.s32 $0xFFFFFFFF  }
0xa5: {  	s26 =	simm.s32 $execute0_lowered;
	[smem:$0x3FD2] =	sst s25  }
0xa6: {  	s4 =	sshll.u32 s26, $0x1;
	_ =	strace $0x80000049;
	[dreg:$0x1] =	wrdreg $0xFFFFFFFF  }
0xa7: {  	s28 =	simm.s32 $_size_execute0_lowered;
	s2 =	sadd.s32 s2, s4;
	[dreg:$0x0] =	wrdreg $0x0  }
0xa8: {  	s4 =	sshll.u32 s28, $0x1;
	[dreg:$0x2] =	wrdreg s2  }
0xa9: {  	[dreg:$0x3] =	wrdreg s4  }
0xaa: {  	[dreg:$0x4] =	wrdreg $0xC0  }
0xab: {  	_ =	task [dreg:s6], $0x5FFFF  }
0xac: {  	[dreg:$0x1] =	wrdreg $0xFFFFFFFF  }
0xad: {  	[dreg:$0x0] =	wrdreg $0x60  }
0xae: {  	[dreg:$0x2] =	wrdreg s24  }
0xaf: {  	[dreg:$0x3] =	wrdreg $0x88000  }
0xb0: {  	[dreg:$0x4] =	wrdreg $0x60000  }
0xb1: {  	[dreg:$0x5] =	wrdreg $0x9  }
0xb2: {  	_ =	task.clear_ibuf [dreg:s6], $0x6FFFF;
	_ =	strace $0x90000049  }
0xb3: {  	s29 =	simm.s32 $0x9;
	_ =	strace $0x8000004B  }
0xb4: {  	_ =	swait.ge [sflag:s29], $0x1  }
0xb5: {  	[sflag:s29] =	ssyncadd.s32 $0xFFFFFFFF  }
0xb6: {  	_ =	strace $0x9000004B  }
0xb7: {  	_ =	sfence  }
0xb8: {  	s30 =	sld [smem:$0x0];
	_ =	sdelay $0x2  }
0xb9: {  	s31 =	sshll.u32 s1, $0xD;
	s1 =	sshrl.u32 s1, $0x2  }
0xba: {  	s3 =	sand.u32 $0x4000, s31;
	s1 =	sadd.s32 s1, s30  }
0xbb: {  	s0 =	sor.u32 s3, s0;
	s1 =	sshll.u32 s1, $0x11  }
0xbc: {  	s0 =	sor.u32 s1, s0  }
0xbd: {  	s0 =	sadd.s32 $0x8F2B, s0  }
0xbe: {  	[sflag:s0] =	ssyncadd.remote.s32 $0x1  }
0xbf: {  	_ =	sfence.sel $0xFFFF  }
0xc0: {  	[dreg:$0x0] =	wrdreg $0xFFFFFFFF;
	(pc) =	sbr.abs _section_cstart, $3  }
0xc1: {  	[dreg:$0x1] =	wrdreg $0xFFFFFFFF  }
0xc2: {  	_ =	task.clear_ibuf [dreg:s6], $0x2FFFF;
	_ =	strace $0x9FFFFFFF  }
0xc3: {  	(tm) =	ssettm $0x7FFFFFFF  }
tec
execute0_lowered:
.L_overlay_start_1:
0x0: {  	(tag) =	ssettag $0x1  }
0x1: {  	s0 =	rddreg [dreg:$0x0]  }
0x2: {  	s2 =	rddreg [dreg:$0x1]  }
0x3: {  	s3 =	rddreg [dreg:$0x2];
	s1 =	srdreg.scid  }
0x4: {  	s10 =	stileid.u32;
	s4 =	simm.s32 $0x0;
	s29 =	simm.s32 $0x5000  }
0x5: {  	s30 =	simm.s32 $0x3;
	s31 =	simm.s32 $0x5800;
	s6 =	smul.u32 $0x280, s10  }
0x6: {  	s1 =	sand.u32 $0x1, s1;
	[smem:$0x7FF] =	sst s4;
	s12 =	smul.u32 $0xA000, s10  }
0x7: {  	s8 =	sadd.s32 $0xC00, s0;
	s16 =	smul.u32 $0x2800, s10;
	s5 =	sshll.u32 s1, $0x4  }
0x8: {  	s7 =	smul.u32 $0x2800, s1;
	_ =	strace $0x8000004A;
	s1 =	ssub.s32 $0x2, s1  }
0x9: {  	s5 =	sor.u32 s10, s5;
	s14 =	sshrl.u32 s1, $0x1;
	s15 =	sshrl.u32 s12, $0x2  }
0xa: {  	s19 =	sshrl.u32 s16, $0x3;
	s20 =	sadd.s32 $0x800, s16;
	s11 =	sadd.s32 s16, s3  }
0xb: {  	s22 =	sadd.s32 $0x1000, s16;
	s24 =	sadd.s32 $0x1800, s16;
	s5 =	smul.u32 $0x500, s5  }
0xc: {  	s6 =	sadd.s32 s7, s6;
	s1 =	ssub.s32 s1, s14;
	s21 =	sshrl.u32 s20, $0x3  }
0xd: {  	[dreg:$0x8] =	wrdreg s11;
	s7 =	sadd.s32 s20, s3;
	s23 =	sshrl.u32 s22, $0x3  }
0xe: {  	s25 =	sshrl.u32 s24, $0x3;
	s13 =	sshll.u32 s6, $0x1;
	s1 =	smax.u32 s1, $0x1  }
0xf: {  	[dreg:$0xa] =	wrdreg s7;
	s7 =	sadd.s32 s8, s23;
	s6 =	sadd.s32 $0x2000, s16  }
0x10: {  	s16 =	sadd.s32 s22, s3;
	s9 =	sadd.s32 s5, s0;
	s0 =	sadd.s32 s13, s0  }
0x11: {  	s5 =	sadd.s32 s15, s2;
	[dreg:$0x6] =	wrdreg s1;
	s1 =	sadd.s32 s8, s19  }
0x12: {  	[dreg:$0xb] =	wrdreg s7;
	s26 =	sshrl.u32 s6, $0x3;
	s20 =	sadd.s32 s6, s3  }
0x13: {  	s6 =	simm.s32 $0x2;
	s7 =	simm.s32 $0x2780;
	s17 =	sadd.s32 $0xFC00, s9  }
0x14: {  	s18 =	sadd.s32 $0x5C00, s9;
	s9 =	sadd.s32 $0x800, s5;
	s10 =	sadd.s32 $0x1000, s5  }
0x15: {  	[dreg:$0x7] =	wrdreg s1;
	s1 =	sadd.s32 s8, s21;
	s19 =	sadd.s32 s8, s26  }
0x16: {  	s21 =	sadd.s32 $0x19C00, s0;
	s22 =	sadd.s32 $0x19D00, s0;
	[dreg:$0x4] =	wrdreg s17  }
0x17: {  	s23 =	sadd.s32 $0x19E00, s0;
	s26 =	sadd.s32 $0x1800, s5;
	[dreg:$0x5] =	wrdreg s18  }
0x18: {  	s28 =	sadd.s32 $0x2000, s5;
	[dreg:$0x9] =	wrdreg s1;
	s17 =	sadd.s32 s8, s25  }
0x19: {  	s18 =	sadd.s32 s24, s3;
	s24 =	sadd.s32 $0x19F00, s0;
	s25 =	sadd.s32 $0x1A000, s0  }
0x1a: {  	v0 =	vimm.f32 $0.0e+00;
	s0 =	simm.s32 $0x80;
	s1 =	simm.s32 $0x1;
	s8 =	simm.s32 $0x0  }
.LBB2_1:
0x1b: {  	s11 =	simm.s32 $0x40;
	s12 =	simm.s32 $0x0  }
.LBB2_2:
0x1c: {  	p0 =	sne.s32 s11, $0x1FC0;
	[tilespmem:s12+$0x5000] =	vst v0;
	s12 =	smov.u32 s11;
	s11 =	sadd.s32 $0x40, s11  }
.Ltmp0:
0x1d: {  	(pc) =	sbr.rel @p0 .LBB2_2-.Ltmp0, $2  }
0x1e: {  	_ =	sdelay $0x2  }
0x1f: {  	s12 =	sshra.s32 s12, $0x2  }
0x20: {  	[tilespmem:s12+$0x5000] =	vst v0  }
0x21: {  	[spmem:s5] =	stream.linear.scatter [tilespmem:s29], [sflag:$0x3], $0x800, $0x38;
	[tilespmem:$0xB000] =	vst v63  }
0x22: {  	_ =	swait.ge [sflag:s30], $0x800  }
0x23: {  	[sflag:s30] =	ssyncset.done $0x0  }
0x24: {  	[sflag:s30] =	ssyncadd.s32 $0xFFFFF800  }
0x25: {  	[spmem:s9] =	stream.linear.scatter [tilespmem:s29], [sflag:$0x3], $0x800, $0x38;
	[tilespmem:$0xB000] =	vst v63  }
0x26: {  	_ =	swait.ge [sflag:s30], $0x800  }
0x27: {  	[sflag:s30] =	ssyncset.done $0x0  }
0x28: {  	[sflag:s30] =	ssyncadd.s32 $0xFFFFF800  }
0x29: {  	[spmem:s10] =	stream.linear.scatter [tilespmem:s29], [sflag:$0x3], $0x800, $0x38;
	[tilespmem:$0xB000] =	vst v63  }
0x2a: {  	_ =	swait.ge [sflag:s30], $0x800  }
0x2b: {  	[sflag:s30] =	ssyncset.done $0x0  }
0x2c: {  	[sflag:s30] =	ssyncadd.s32 $0xFFFFF800  }
0x2d: {  	[spmem:s26] =	stream.linear.scatter [tilespmem:s29], [sflag:$0x3], $0x800, $0x38;
	[tilespmem:$0xB000] =	vst v63  }
0x2e: {  	_ =	swait.ge [sflag:s30], $0x800  }
0x2f: {  	[sflag:s30] =	ssyncset.done $0x0  }
0x30: {  	[sflag:s30] =	ssyncadd.s32 $0xFFFFF800  }
0x31: {  	[spmem:s28] =	stream.linear.scatter [tilespmem:s29], [sflag:$0x3], $0x800, $0x38;
	[tilespmem:$0xB000] =	vst v63  }
0x32: {  	_ =	swait.ge [sflag:s30], $0x800  }
0x33: {  	[sflag:s30] =	ssyncset.done $0x0  }
0x34: {  	s11 =	simm.s32 $0x0;
	s15 =	rddreg [dreg:$0x7];
	[sflag:s30] =	ssyncadd.s32 $0xFFFFF800  }
0x35: {  	[tilespmem:s29], [sflag:$0x3] =	stream.linear.gather [hbm4b:s15+s11], $0x800, $0x38;
	[tilespmem:$0xB000] =	vst v63  }
0x36: {  	_ =	swait.ge [sflag:s30], $0x800  }
0x37: {  	[sflag:s30] =	ssyncset.done $0x0  }
0x38: {  	s13 =	rddreg [dreg:$0x8];
	[sflag:s30] =	ssyncadd.s32 $0xFFFFF800  }
0x39: {  	[spmem:s13] =	stream.linear.scatter [tilespmem:s29], [sflag:$0x3], $0x800, $0x38;
	[tilespmem:$0xB000] =	vst v63  }
0x3a: {  	_ =	swait.ge [sflag:s30], $0x800  }
0x3b: {  	[sflag:s30] =	ssyncset.done $0x0  }
0x3c: {  	s14 =	rddreg [dreg:$0x9];
	[sflag:s30] =	ssyncadd.s32 $0xFFFFF800  }
0x3d: {  	[tilespmem:s29], [sflag:$0x3] =	stream.linear.gather [hbm4b:s14+s11], $0x800, $0x38;
	[tilespmem:$0xB000] =	vst v63  }
0x3e: {  	_ =	swait.ge [sflag:s30], $0x800  }
0x3f: {  	[sflag:s30] =	ssyncset.done $0x0  }
0x40: {  	s15 =	rddreg [dreg:$0xa];
	[sflag:s30] =	ssyncadd.s32 $0xFFFFF800  }
0x41: {  	[spmem:s15] =	stream.linear.scatter [tilespmem:s29], [sflag:$0x3], $0x800, $0x38;
	[tilespmem:$0xB000] =	vst v63  }
0x42: {  	_ =	swait.ge [sflag:s30], $0x800  }
0x43: {  	[sflag:s30] =	ssyncset.done $0x0  }
0x44: {  	s13 =	rddreg [dreg:$0xb];
	[sflag:s30] =	ssyncadd.s32 $0xFFFFF800  }
0x45: {  	[tilespmem:s29], [sflag:$0x3] =	stream.linear.gather [hbm4b:s13+s11], $0x800, $0x38;
	[tilespmem:$0xB000] =	vst v63  }
0x46: {  	_ =	swait.ge [sflag:s30], $0x800  }
0x47: {  	[sflag:s30] =	ssyncset.done $0x0  }
0x48: {  	[sflag:s30] =	ssyncadd.s32 $0xFFFFF800  }
0x49: {  	[spmem:s16] =	stream.linear.scatter [tilespmem:s29], [sflag:$0x3], $0x800, $0x38;
	[tilespmem:$0xB000] =	vst v63  }
0x4a: {  	_ =	swait.ge [sflag:s30], $0x800  }
0x4b: {  	[sflag:s30] =	ssyncset.done $0x0  }
0x4c: {  	[sflag:s30] =	ssyncadd.s32 $0xFFFFF800  }
0x4d: {  	[tilespmem:s29], [sflag:$0x3] =	stream.linear.gather [hbm4b:s17+s11], $0x800, $0x38;
	[tilespmem:$0xB000] =	vst v63  }
0x4e: {  	_ =	swait.ge [sflag:s30], $0x800  }
0x4f: {  	[sflag:s30] =	ssyncset.done $0x0  }
0x50: {  	[sflag:s30] =	ssyncadd.s32 $0xFFFFF800  }
0x51: {  	[spmem:s18] =	stream.linear.scatter [tilespmem:s29], [sflag:$0x3], $0x800, $0x38;
	[tilespmem:$0xB000] =	vst v63  }
0x52: {  	_ =	swait.ge [sflag:s30], $0x800  }
0x53: {  	[sflag:s30] =	ssyncset.done $0x0  }
0x54: {  	[sflag:s30] =	ssyncadd.s32 $0xFFFFF800  }
0x55: {  	[tilespmem:s29], [sflag:$0x3] =	stream.linear.gather [hbm4b:s19+s11], $0x800, $0x38;
	[tilespmem:$0xB000] =	vst v63  }
0x56: {  	_ =	swait.ge [sflag:s30], $0x800  }
0x57: {  	[sflag:s30] =	ssyncset.done $0x0  }
0x58: {  	[sflag:s30] =	ssyncadd.s32 $0xFFFFF800  }
0x59: {  	[spmem:s20] =	stream.linear.scatter [tilespmem:s29], [sflag:$0x3], $0x800, $0x38;
	[tilespmem:$0xB000] =	vst v63  }
0x5a: {  	_ =	swait.ge [sflag:s30], $0x800  }
0x5b: {  	[sflag:s30] =	ssyncset.done $0x0  }
0x5c: {  	[sflag:s30] =	ssyncadd.s32 $0xFFFFF800  }
0x5d: {  	[bflag:$0x0] =	sbarrier.arrive $0xFFFF  }
0x5e: {  	s14 =	rddreg [dreg:$0x4]  }
0x5f: {  	[tilespmem:s11], [sflag:$0x3] =	stream.linear.gather [hbm4b:s14+s11], $0x2800, $0x38;
	[tilespmem:$0xB000] =	vst v63  }
0x60: {  	_ =	swait.ge [sflag:s30], $0x2800  }
0x61: {  	[sflag:s30] =	ssyncset.done $0x0  }
0x62: {  	s13 =	simm.s32 $0x2800;
	s15 =	rddreg [dreg:$0x5];
	[sflag:s30] =	ssyncadd.s32 $0xFFFFD800  }
0x63: {  	[tilespmem:s13], [sflag:$0x3] =	stream.linear.gather [hbm4b:s15+s11], $0x2800, $0x38;
	[tilespmem:$0xB000] =	vst v63  }
0x64: {  	_ =	swait.ge [sflag:s30], $0x2800  }
0x65: {  	[sflag:s30] =	ssyncset.done $0x0  }
0x66: {  	[sflag:s30] =	ssyncadd.s32 $0xFFFFD800  }
0x67: {  	[tilespmem:s29], [sflag:$0x1] =	stream.indirect.gather [spmem:s3], $0x10, s11, s0, $0xb8;
	[tilespmem:$0xB000] =	vst v63  }
0x68: {  	_ =	swait.ge [sflag:s1], $0x800  }
0x69: {  	[sflag:s1] =	ssyncset.done $0x0  }
0x6a: {  	s12 =	simm.s32 $0x80;
	[sflag:s1] =	ssyncadd.s32 $0xFFFFF800  }
0x6b: {  	[tilespmem:s31], [sflag:$0x2] =	stream.indirect.gather [spmem:s3], $0x10, s12, s0, $0xb8;
	[tilespmem:$0xB000] =	vst v63  }
0x6c: {  	s13 =	simm.s32 $0x2800  }
0x6d: {  	[spmem:s2] =	stream.indirect.scatter.add.f32 [tilespmem:s29], [sflag:$0x3], $0x10, s13, s0, $0xb8;
	[tilespmem:$0xB000] =	vst v63  }
0x6e: {  	_ =	swait.ge [sflag:s30], $0x800  }
0x6f: {  	[sflag:s30] =	ssyncset.done $0x0  }
0x70: {  	[sflag:s30] =	ssyncadd.s32 $0xFFFFF800  }
0x71: {  	_ =	swait.ge [sflag:s6], $0x800  }
0x72: {  	[sflag:s6] =	ssyncset.done $0x0  }
0x73: {  	s14 =	simm.s32 $0x100;
	[sflag:s6] =	ssyncadd.s32 $0xFFFFF800  }
0x74: {  	[tilespmem:s29], [sflag:$0x1] =	stream.indirect.gather [spmem:s3], $0x10, s14, s0, $0xb8;
	[tilespmem:$0xB000] =	vst v63  }
0x75: {  	s15 =	simm.s32 $0x2880  }
0x76: {  	[spmem:s2] =	stream.indirect.scatter.add.f32 [tilespmem:s31], [sflag:$0x3], $0x10, s15, s0, $0xb8;
	[tilespmem:$0xB000] =	vst v63  }
0x77: {  	_ =	swait.ge [sflag:s30], $0x800  }
0x78: {  	[sflag:s30] =	ssyncset.done $0x0  }
0x79: {  	[sflag:s30] =	ssyncadd.s32 $0xFFFFF800  }
0x7a: {  	_ =	swait.ge [sflag:s1], $0x800  }
0x7b: {  	s11 =	simm.s32 $0x100;
	s12 =	simm.s32 $0x800;
	[sflag:s1] =	ssyncset.done $0x0  }
.LBB2_4:
0x7c: {  	s13 =	sadd.s32 $0x80, s11  }
0x7d: {  	[sflag:s1] =	ssyncadd.s32 $0xFFFFF800;
	s14 =	smov.u32 s12;
	s15 =	sadd.s32 $0x400, s12  }
0x7e: {  	[tilespmem:s31], [sflag:$0x2] =	stream.indirect.gather [spmem:s3], $0x10, s13, s0, $0xb8;
	[tilespmem:$0xB000] =	vst v63  }
0x7f: {  	p0 =	sne.s32 s12, $0x9800;
	s12 =	sadd.s32 $0x2800, s11  }
0x80: {  	[spmem:s2] =	stream.indirect.scatter.add.f32 [tilespmem:s29], [sflag:$0x3], $0x10, s12, s0, $0xb8;
	[tilespmem:$0xB000] =	vst v63  }
0x81: {  	_ =	swait.ge [sflag:s30], $0x800  }
0x82: {  	[sflag:s30] =	ssyncset.done $0x0  }
0x83: {  	[sflag:s30] =	ssyncadd.s32 $0xFFFFF800  }
0x84: {  	_ =	swait.ge [sflag:s6], $0x800  }
0x85: {  	[sflag:s6] =	ssyncset.done $0x0  }
0x86: {  	s12 =	sadd.s32 $0x100, s11;
	[sflag:s6] =	ssyncadd.s32 $0xFFFFF800  }
0x87: {  	[tilespmem:s29], [sflag:$0x1] =	stream.indirect.gather [spmem:s3], $0x10, s12, s0, $0xb8;
	[tilespmem:$0xB000] =	vst v63  }
0x88: {  	s11 =	sadd.s32 $0x2880, s11  }
0x89: {  	[spmem:s2] =	stream.indirect.scatter.add.f32 [tilespmem:s31], [sflag:$0x3], $0x10, s11, s0, $0xb8;
	[tilespmem:$0xB000] =	vst v63  }
.Ltmp1:
0x8a: {  	_ =	swait.ge [sflag:s30], $0x800;
	(pc) =	sbr.rel @p0 .LBB2_4-.Ltmp1, $4  }
0x8b: {  	[sflag:s30] =	ssyncset.done $0x0  }
0x8c: {  	[sflag:s30] =	ssyncadd.s32 $0xFFFFF800  }
0x8d: {  	_ =	swait.ge [sflag:s1], $0x800  }
0x8e: {  	s12 =	smov.u32 s15;
	s11 =	sshra.s32 s14, $0x2;
	[sflag:s1] =	ssyncset.done $0x0  }
0x8f: {  	s12 =	sadd.s32 $0x80, s11;
	[sflag:s1] =	ssyncadd.s32 $0xFFFFF800  }
0x90: {  	[tilespmem:s31], [sflag:$0x2] =	stream.indirect.gather [spmem:s3], $0x10, s12, s0, $0xb8;
	[tilespmem:$0xB000] =	vst v63  }
0x91: {  	s14 =	sadd.s32 $0x2800, s11  }
0x92: {  	[spmem:s2] =	stream.indirect.scatter.add.f32 [tilespmem:s29], [sflag:$0x3], $0x10, s14, s0, $0xb8;
	[tilespmem:$0xB000] =	vst v63  }
0x93: {  	_ =	swait.ge [sflag:s30], $0x800  }
0x94: {  	[sflag:s30] =	ssyncset.done $0x0  }
0x95: {  	[sflag:s30] =	ssyncadd.s32 $0xFFFFF800  }
0x96: {  	_ =	swait.ge [sflag:s6], $0x800  }
0x97: {  	[sflag:s6] =	ssyncset.done $0x0  }
0x98: {  	s15 =	sadd.s32 $0x100, s11;
	[sflag:s6] =	ssyncadd.s32 $0xFFFFF800  }
0x99: {  	[tilespmem:s29], [sflag:$0x1] =	stream.indirect.gather [spmem:s3], $0x10, s15, s0, $0xb8;
	[tilespmem:$0xB000] =	vst v63  }
0x9a: {  	s12 =	sadd.s32 $0x2880, s11  }
0x9b: {  	[spmem:s2] =	stream.indirect.scatter.add.f32 [tilespmem:s31], [sflag:$0x3], $0x10, s12, s0, $0xb8;
	[tilespmem:$0xB000] =	vst v63  }
0x9c: {  	_ =	swait.ge [sflag:s30], $0x800  }
0x9d: {  	[sflag:s30] =	ssyncset.done $0x0  }
0x9e: {  	[sflag:s30] =	ssyncadd.s32 $0xFFFFF800  }
0x9f: {  	_ =	swait.ge [sflag:s1], $0x800  }
0xa0: {  	[sflag:s1] =	ssyncset.done $0x0  }
0xa1: {  	[sflag:s1] =	ssyncadd.s32 $0xFFFFF800  }
0xa2: {  	[tilespmem:s31], [sflag:$0x2] =	stream.indirect.gather [spmem:s3], $0x10, s7, s0, $0xb8;
	[tilespmem:$0xB000] =	vst v63  }
0xa3: {  	s13 =	simm.s32 $0x4F00  }
0xa4: {  	[spmem:s2] =	stream.indirect.scatter.add.f32 [tilespmem:s29], [sflag:$0x3], $0x10, s13, s0, $0xb8;
	[tilespmem:$0xB000] =	vst v63  }
0xa5: {  	_ =	swait.ge [sflag:s30], $0x800  }
0xa6: {  	[sflag:s30] =	ssyncset.done $0x0  }
0xa7: {  	[sflag:s30] =	ssyncadd.s32 $0xFFFFF800  }
0xa8: {  	_ =	swait.ge [sflag:s6], $0x800  }
0xa9: {  	[sflag:s6] =	ssyncset.done $0x0  }
0xaa: {  	[sflag:s6] =	ssyncadd.s32 $0xFFFFF800  }
0xab: {  	[tilespmem:s29], [sflag:$0x1] =	stream.indirect.gather [spmem:s3], $0x10, s7, s0, $0xb8;
	[tilespmem:$0xB000] =	vst v63  }
0xac: {  	s14 =	simm.s32 $0x4F80  }
0xad: {  	[spmem:s2] =	stream.indirect.scatter.add.f32 [tilespmem:s31], [sflag:$0x3], $0x10, s14, s0, $0xb8;
	[tilespmem:$0xB000] =	vst v63  }
0xae: {  	_ =	swait.ge [sflag:s30], $0x800  }
0xaf: {  	[sflag:s30] =	ssyncset.done $0x0  }
0xb0: {  	[sflag:s30] =	ssyncadd.s32 $0xFFFFF800  }
0xb1: {  	_ =	swait.ge [sflag:s1], $0x800  }
0xb2: {  	[sflag:s1] =	ssyncset.done $0x0  }
0xb3: {  	[sflag:s1] =	ssyncadd.s32 $0xFFFFF800  }
0xb4: {  	[bflag:$0x0] =	sbarrier.arrive $0xFFFF  }
0xb5: {  	[tilespmem:s29], [sflag:$0x3] =	stream.linear.gather [spmem:s5], $0x800, $0x38;
	[tilespmem:$0xB000] =	vst v63  }
0xb6: {  	_ =	swait.ge [sflag:s30], $0x800  }
0xb7: {  	[sflag:s30] =	ssyncset.done $0x0  }
0xb8: {  	[sflag:s30] =	ssyncadd.s32 $0xFFFFF800  }
0xb9: {  	[hbm4b:s21+s4] =	stream.linear.scatter [tilespmem:s29], [sflag:$0x3], $0x800, $0x38;
	[tilespmem:$0xB000] =	vst v63  }
0xba: {  	_ =	swait.ge [sflag:s30], $0x800  }
0xbb: {  	[sflag:s30] =	ssyncset.done $0x0  }
0xbc: {  	[sflag:s30] =	ssyncadd.s32 $0xFFFFF800  }
0xbd: {  	[tilespmem:s29], [sflag:$0x3] =	stream.linear.gather [spmem:s9], $0x800, $0x38;
	[tilespmem:$0xB000] =	vst v63  }
0xbe: {  	_ =	swait.ge [sflag:s30], $0x800  }
0xbf: {  	[sflag:s30] =	ssyncset.done $0x0  }
0xc0: {  	[sflag:s30] =	ssyncadd.s32 $0xFFFFF800  }
0xc1: {  	[hbm4b:s22+s4] =	stream.linear.scatter [tilespmem:s29], [sflag:$0x3], $0x800, $0x38;
	[tilespmem:$0xB000] =	vst v63  }
0xc2: {  	_ =	swait.ge [sflag:s30], $0x800  }
0xc3: {  	[sflag:s30] =	ssyncset.done $0x0  }
0xc4: {  	[sflag:s30] =	ssyncadd.s32 $0xFFFFF800  }
0xc5: {  	[tilespmem:s29], [sflag:$0x3] =	stream.linear.gather [spmem:s10], $0x800, $0x38;
	[tilespmem:$0xB000] =	vst v63  }
0xc6: {  	_ =	swait.ge [sflag:s30], $0x800  }
0xc7: {  	[sflag:s30] =	ssyncset.done $0x0  }
0xc8: {  	[sflag:s30] =	ssyncadd.s32 $0xFFFFF800  }
0xc9: {  	[hbm4b:s23+s4] =	stream.linear.scatter [tilespmem:s29], [sflag:$0x3], $0x800, $0x38;
	[tilespmem:$0xB000] =	vst v63  }
0xca: {  	_ =	swait.ge [sflag:s30], $0x800  }
0xcb: {  	[sflag:s30] =	ssyncset.done $0x0  }
0xcc: {  	[sflag:s30] =	ssyncadd.s32 $0xFFFFF800  }
0xcd: {  	[tilespmem:s29], [sflag:$0x3] =	stream.linear.gather [spmem:s26], $0x800, $0x38;
	[tilespmem:$0xB000] =	vst v63  }
0xce: {  	_ =	swait.ge [sflag:s30], $0x800  }
0xcf: {  	[sflag:s30] =	ssyncset.done $0x0  }
0xd0: {  	[sflag:s30] =	ssyncadd.s32 $0xFFFFF800  }
0xd1: {  	[hbm4b:s24+s4] =	stream.linear.scatter [tilespmem:s29], [sflag:$0x3], $0x800, $0x38;
	[tilespmem:$0xB000] =	vst v63  }
0xd2: {  	_ =	swait.ge [sflag:s30], $0x800  }
0xd3: {  	[sflag:s30] =	ssyncset.done $0x0  }
0xd4: {  	[sflag:s30] =	ssyncadd.s32 $0xFFFFF800  }
0xd5: {  	[tilespmem:s29], [sflag:$0x3] =	stream.linear.gather [spmem:s28], $0x800, $0x38;
	[tilespmem:$0xB000] =	vst v63  }
0xd6: {  	_ =	swait.ge [sflag:s30], $0x800  }
0xd7: {  	[sflag:s30] =	ssyncset.done $0x0  }
0xd8: {  	[sflag:s30] =	ssyncadd.s32 $0xFFFFF800  }
0xd9: {  	[hbm4b:s25+s4] =	stream.linear.scatter [tilespmem:s29], [sflag:$0x3], $0x800, $0x38;
	[tilespmem:$0xB000] =	vst v63  }
0xda: {  	_ =	swait.ge [sflag:s30], $0x800  }
0xdb: {  	s8 =	sadd.s32 $0x1, s8;
	s15 =	rddreg [dreg:$0x6]  }
0xdc: {  	p0 =	sne.s32 s8, s15  }
.Ltmp2:
0xdd: {  	_ = 	snop;
	(pc) =	sbr.rel @p0 .LBB2_1-.Ltmp2, $3  }
0xde: {  	_ =	sdelay $0x1  }
0xdf: {  	[sflag:s30] =	ssyncset.done $0x0  }
0xe0: {  	[sflag:s30] =	ssyncadd.s32 $0xFFFFF800  }
0xe1: {  	_ =	sfence.sel $0x180000  }
0xe2: {  	[bflag:$0x0] =	sbarrier.arrive $0xFFFF  }
0xe3: {  	_ =	strace $0x9000004A  }
0xe4: {  	s0 =	stileid.u32;
	[bflag:$0x2] =	sbarrier.arrive $0xFFFF  }
0xe5: {  	p0 =	sne.s32 s0, $0x0;
	s0 =	rddreg [dreg:$0x3]  }
0xe6: {  	s0 =	sadd.s32 @!p0 $0x100000, s0  }
0xe7: {  	[sflag:s0] =	ssyncadd.tile.s32 @!p0 $0x1;
	_ =	shalt  }
.Lfunc_end2:
_tile_overlayer_lowered:
.L_overlay_start_2:
0xe8: {  	(tag) =	ssettag $0x2  }
0xe9: {  	s0 =	rddreg [dreg:$0x0];
	s2 =	stileid.u32  }
0xea: {  	s1 =	rddreg [dreg:$0x1];
	p0 =	sne.s32 s2, $0x0  }
0xeb: {  	s3 =	rddreg [dreg:$0x2];
	[bflag:$0x3] =	sbarrier.arrive $0xFFFF;
	s2 =	simm.s32 @!p0 $0x1C03  }
0xec: {  	[timem:s3], [sflag:s2] =	dma.local @!p0 [hbm:s0], s1  }
0xed: {  	s0 =	simm.s32 @!p0 $0x3  }
0xee: {  	_ =	swait.ge @!p0 [sflag:s0], s1  }
0xef: {  	s1 =	ssub.s32 @!p0 $0x0, s1;
	[sflag:s0] =	ssyncset.done @!p0 $0x0  }
0xf0: {  	[sflag:s0] =	ssyncadd.s32 @!p0 s1  }
0xf1: {  	[bflag:$0x3] =	sbarrier.arrive $0xFFFF  }
0xf2: {  	_ =	shalt  }

// kernel: kernel.7.cloned.1.call-start
scs
__scs_entry_jumppad:
0x0: {  	(pc) =	sbr.rel $0x88, $3  }
0x1: {  	(tag) =	ssettag $0x0;
	lr =	simm.s32 $0x1  }
0x2: {  	[smem:$0x3F99] =	sst lr;
	_ =	strace $0xD0000000  }
0x3: {  	_ = 	snop  }
0x4: {  	_ = 	snop  }
0x5: {  	_ = 	snop  }
0x6: {  	_ = 	snop  }
0x7: {  	_ = 	snop  }
__scs_overlays_trampoline_lowered:
0x8: {  	[smem:$0x3FA8] =	sst s0  }
0x9: {  	[smem:$0x3FA9] =	sst s1  }
0xa: {  	[smem:$0x3FAA] =	sst s2  }
0xb: {  	[smem:$0x3FAB] =	sst s3  }
0xc: {  	[smem:$0x3FAC] =	sst s4  }
0xd: {  	[smem:$0x3FAD] =	sst s5  }
0xe: {  	[smem:$0x3FAE] =	sst s6  }
0xf: {  	[smem:$0x3FAF] =	sst s7  }
0x10: {  	[smem:$0x3FB0] =	sst s8  }
0x11: {  	[smem:$0x3FB1] =	sst s9;
	s0 =	simm.s32 @!p0 $0x0  }
0x12: {  	s1 =	sld [smem:$0x3F97];
	s0 =	simm.s32 @p0 $0x1  }
0x13: {  	[smem:$0x3FB2] =	sst s0;
	s0 =	simm.s32 @!p1 $0x0  }
0x14: {  	s2 =	sld [smem:$0x3F96];
	s0 =	simm.s32 @p1 $0x1  }
0x15: {  	[smem:$0x3FB3] =	sst s0;
	s0 =	simm.s32 @!p2 $0x0  }
0x16: {  	s3 =	sld [smem:$0x3FDB];
	s0 =	simm.s32 @p2 $0x1  }
0x17: {  	s4 =	simm.s32 $0x1BF5;
	[smem:$0x3FB5] =	sst s0  }
0x18: {  	s0 =	sld [smem:$0x3F98];
	_ =	swait.ge [sflag:s4], $0x0  }
0x19: {  	s7 =	sld [smem:$0x3F99]  }
0x1a: {  	s8 =	sadd.s32 $0xFFFFE003, lr  }
0x1b: {  	s9 =	sadd.s32 $0xFFFFFEF7, lr;
	s5 =	simm.s32 $0xFFFFFFFF;
	p2 =	slt.u32 s8, $0xFFFFF086  }
0x1c: {  	p1 =	slt.u32 s9, $0xF7A;
	s5 =	simm.s32 @!p2 $0x0  }
0x1d: {  	s5 =	simm.s32 @p1 $0x1;
	p0 =	seq.s32 s7, s2  }
0x1e: {  	s7 =	smul.u32 @!p0 $0xF7A, s2;
	p2 =	seq.s32 @!p0 s5, $0x0  }
0x1f: {  	s9 =	smul.u32 $0xF7A, s1;
	s8 =	simm.s32 @!p0 $0x1BF5;
	p2 =	por !p2, p0  }
0x20: {  	[sflag:s8] =	ssyncset.s32 @!p0 $0xFFFFF086;
	s6 =	sadd.s32 @!p0 s3, s7;
	s7 =	simm.s32 @!p0 $0x108  }
0x21: {  	s3 =	sadd.s32 s3, s9;
	s6 =	sadd.s32 @!p0 $0x88, s6;
	s7 =	simm.s32 @p2 $0x1082  }
0x22: {  	[simem:s7], [sflag:s8] =	dma.local @!p0 [hbm:s6], $0xF7A  }
0x23: {  	s9 =	sor.u32 $0xD0000000, s2;
	s6 =	simm.s32 $0x108;
	_ =	swait.ge @!p0 [sflag:s8], $0x0  }
0x24: {  	s3 =	sadd.s32 $0x88, s3;
	s6 =	simm.s32 @!p1 $0x1082;
	[sflag:s4] =	ssyncset.s32 $0xFFFFF086  }
0x25: {  	[simem:s6], [sflag:s4] =	dma.local [hbm:s3], $0xF7A  }
0x26: {  	[smem:$0x3F99] =	sst s1;
	(tag) =	ssettag s2;
	_ =	strace s9  }
0x27: {  	s1 =	sld [smem:$0x3FA9]  }
0x28: {  	s2 =	sld [smem:$0x3FAA]  }
0x29: {  	s4 =	sld [smem:$0x3FAC]  }
0x2a: {  	p0 =	seq.s32 s5, $0x0;
	s5 =	sld [smem:$0x3FAD]  }
0x2b: {  	s6 =	sld [smem:$0x3FAE]  }
0x2c: {  	s7 =	sld [smem:$0x3FAF]  }
0x2d: {  	s3 =	simm.s32 $0x108;
	s8 =	sld [smem:$0x3FB0]  }
0x2e: {  	s3 =	simm.s32 @!p0 $0x1082;
	s9 =	sld [smem:$0x3FB1]  }
0x2f: {  	lr =	sadd.s32 s0, s3;
	s0 =	sld [smem:$0x3FA8]  }
0x30: {  	s3 =	sld [smem:$0x3FAB]  }
0x31: {  	[smem:$0x3FB4] =	sst s10  }
0x32: {  	s10 =	sld [smem:$0x3FB2];
	_ =	sdelay $0x3  }
0x33: {  	p0 =	seq.s32 s10, $0x1;
	s10 =	sld [smem:$0x3FB4];
	_ =	sdelay $0x3  }
0x34: {  	[smem:$0x3FB4] =	sst s10  }
0x35: {  	s10 =	sld [smem:$0x3FB3];
	_ =	sdelay $0x3  }
0x36: {  	p1 =	seq.s32 s10, $0x1;
	s10 =	sld [smem:$0x3FB4];
	_ =	sdelay $0x3  }
0x37: {  	[smem:$0x3FB4] =	sst s10  }
0x38: {  	s10 =	sld [smem:$0x3FB5]  }
0x39: {  	_ = 	snop;
	(pc) =	sbr.ind lr, $3  }
0x3a: {  	_ = 	snop  }
0x3b: {  	_ = 	snop  }
0x3c: {  	p2 =	seq.s32 s10, $0x1;
	s10 =	sld [smem:$0x3FB4]  }
0x3d: {  	_ =	shalt  }
0x3e: {  	_ =	shalt  }
0x3f: {  	_ =	shalt  }
0x40: {  	_ =	shalt  }
0x41: {  	_ =	shalt  }
0x42: {  	_ =	shalt  }
0x43: {  	_ =	shalt  }
0x44: {  	_ =	shalt  }
0x45: {  	_ =	shalt  }
0x46: {  	_ =	shalt  }
0x47: {  	_ =	shalt  }
0x48: {  	_ =	shalt  }
0x49: {  	_ =	shalt  }
0x4a: {  	_ =	shalt  }
0x4b: {  	_ =	shalt  }
0x4c: {  	_ =	shalt  }
0x4d: {  	_ =	shalt  }
0x4e: {  	_ =	shalt  }
0x4f: {  	_ =	shalt  }
0x50: {  	_ =	shalt  }
0x51: {  	_ =	shalt  }
0x52: {  	_ =	shalt  }
0x53: {  	_ =	shalt  }
0x54: {  	_ =	shalt  }
0x55: {  	_ =	shalt  }
0x56: {  	_ =	shalt  }
0x57: {  	_ =	shalt  }
0x58: {  	_ =	shalt  }
0x59: {  	_ =	shalt  }
0x5a: {  	_ =	shalt  }
0x5b: {  	_ =	shalt  }
0x5c: {  	_ =	shalt  }
0x5d: {  	_ =	shalt  }
0x5e: {  	_ =	shalt  }
0x5f: {  	_ =	shalt  }
0x60: {  	_ =	shalt  }
0x61: {  	_ =	shalt  }
0x62: {  	_ =	shalt  }
0x63: {  	_ =	shalt  }
0x64: {  	_ =	shalt  }
0x65: {  	_ =	shalt  }
0x66: {  	_ =	shalt  }
0x67: {  	_ =	shalt  }
0x68: {  	_ =	shalt  }
0x69: {  	_ =	shalt  }
0x6a: {  	_ =	shalt  }
0x6b: {  	_ =	shalt  }
0x6c: {  	_ =	shalt  }
0x6d: {  	_ =	shalt  }
0x6e: {  	_ =	shalt  }
0x6f: {  	_ =	shalt  }
0x70: {  	_ =	shalt  }
0x71: {  	_ =	shalt  }
0x72: {  	_ =	shalt  }
0x73: {  	_ =	shalt  }
0x74: {  	_ =	shalt  }
0x75: {  	_ =	shalt  }
0x76: {  	_ =	shalt  }
0x77: {  	_ =	shalt  }
0x78: {  	_ =	shalt  }
0x79: {  	_ =	shalt  }
0x7a: {  	_ =	shalt  }
0x7b: {  	_ =	shalt  }
0x7c: {  	_ =	shalt  }
0x7d: {  	_ =	shalt  }
0x7e: {  	_ =	shalt  }
0x7f: {  	_ =	shalt  }
0x80: {  	_ =	shalt  }
0x81: {  	_ =	shalt  }
0x82: {  	_ =	shalt  }
0x83: {  	_ =	shalt  }
0x84: {  	_ =	shalt  }
0x85: {  	_ =	shalt  }
0x86: {  	_ =	shalt  }
0x87: {  	_ =	shalt  }
.Lfunc_end0:
.L_simem_size_0:
called_computation_lowered:
.L_overlay_start_0:
0x88: {  	s2 =	sld [smem:$0x3FD9]  }
0x89: {  	s3 =	sld [smem:$0x3FFE];
	_ =	sdelay $0x1  }
0x8a: {  	s1 =	srdreg.scid  }
0x8b: {  	s0 =	sand.u32 $0x1, s1  }
0x8c: {  	s16 =	sshll.u32 s0, $0xA;
	s2 =	sadd.s32 s3, s2  }
0x8d: {  	s2 =	sadd.s32 s2, s16  }
0x8e: {  	[smem:$0x3FC0] =	sst s2  }
0x8f: {  	_ = 	snop  }
0x90: {  	(tm) =	ssettm $0x1  }
0x91: {  	s17 =	sld [smem:$0x3FFB];
	_ =	sdelay $0x3  }
0x92: {  	_ =	strace s17  }
0x93: {  	s2 =	sld [smem:$0x3FFC];
	_ =	sdelay $0x3  }
0x94: {  	_ =	strace s2  }
0x95: {  	s2 =	sld [smem:$0x3FFD];
	_ =	sdelay $0x3  }
0x96: {  	_ =	strace s2  }
0x97: {  	_ =	strace $0x8FFFFFFF  }
0x98: {  	s18 =	sld [smem:$0x3FDB];
	_ =	sdelay $0x1  }
0x99: {  	s19 =	simm.s32 $_scs_section_size  }
0x9a: {  	s4 =	simm.s32 $_size__tile_overlayer_lowered;
	s5 =	simm.s32 $_tile_overlayer_lowered  }
0x9b: {  	s22 =	simm.s32 $0x1BFF;
	s21 =	sshll.u32 s5, $0x1;
	s2 =	sadd.s32 s19, s18  }
0x9c: {  	s6 =	simm.s32 $0x0;
	s20 =	sshll.u32 s4, $0x1;
	s4 =	sadd.s32 s21, s2  }
0x9d: {  	[timem:s6], [sflag:s22] =	dma.local [hbm:s4], s20  }
0x9e: {  	_ =	swait.ge [sflag:s22], s20  }
0x9f: {  	s3 =	ssub.s32 $0x0, s20;
	[sflag:s22] =	ssyncset.done $0x0  }
0xa0: {  	[sflag:s22] =	ssyncadd.s32 s3;
	_ =	sdelay $0x1  }
0xa1: {  	s23 =	simm.s32 $0x1B8B  }
0xa2: {  	_ =	swait.ge [sflag:s23], $0x1  }
0xa3: {  	[sflag:s23] =	ssyncset.done $0x0  }
0xa4: {  	s25 =	simm.s32 $0x1B8E;
	s24 =	sld [smem:$0x3FFE];
	[sflag:s23] =	ssyncadd.s32 $0xFFFFFFFF  }
0xa5: {  	s26 =	simm.s32 $execute0_lowered;
	[smem:$0x3FD2] =	sst s25  }
0xa6: {  	s4 =	sshll.u32 s26, $0x1;
	_ =	strace $0x80000046;
	[dreg:$0x1] =	wrdreg $0xFFFFFFFF  }
0xa7: {  	s28 =	simm.s32 $_size_execute0_lowered;
	s2 =	sadd.s32 s2, s4;
	[dreg:$0x0] =	wrdreg $0x0  }
0xa8: {  	s4 =	sshll.u32 s28, $0x1;
	[dreg:$0x2] =	wrdreg s2  }
0xa9: {  	[dreg:$0x3] =	wrdreg s4  }
0xaa: {  	[dreg:$0x4] =	wrdreg $0xC0  }
0xab: {  	_ =	task [dreg:s6], $0x5FFFF  }
0xac: {  	[dreg:$0x1] =	wrdreg $0xFFFFFFFF  }
0xad: {  	[dreg:$0x0] =	wrdreg $0x60  }
0xae: {  	[dreg:$0x2] =	wrdreg s24  }
0xaf: {  	[dreg:$0x3] =	wrdreg $0x88000  }
0xb0: {  	[dreg:$0x4] =	wrdreg $0x60000  }
0xb1: {  	[dreg:$0x5] =	wrdreg $0x9  }
0xb2: {  	_ =	task.clear_ibuf [dreg:s6], $0x6FFFF;
	_ =	strace $0x90000046  }
0xb3: {  	s29 =	simm.s32 $0x9;
	_ =	strace $0x80000048  }
0xb4: {  	_ =	swait.ge [sflag:s29], $0x1  }
0xb5: {  	[sflag:s29] =	ssyncadd.s32 $0xFFFFFFFF  }
0xb6: {  	_ =	strace $0x90000048  }
0xb7: {  	_ =	sfence  }
0xb8: {  	s30 =	sld [smem:$0x0];
	_ =	sdelay $0x2  }
0xb9: {  	s31 =	sshll.u32 s1, $0xD;
	s1 =	sshrl.u32 s1, $0x2  }
0xba: {  	s3 =	sand.u32 $0x4000, s31;
	s1 =	sadd.s32 s1, s30  }
0xbb: {  	s0 =	sor.u32 s3, s0;
	s1 =	sshll.u32 s1, $0x11  }
0xbc: {  	s0 =	sor.u32 s1, s0  }
0xbd: {  	s0 =	sadd.s32 $0x8F2B, s0  }
0xbe: {  	[sflag:s0] =	ssyncadd.remote.s32 $0x1  }
0xbf: {  	_ =	sfence.sel $0xFFFF  }
0xc0: {  	[dreg:$0x0] =	wrdreg $0xFFFFFFFF;
	(pc) =	sbr.abs _section_cstart, $3  }
0xc1: {  	[dreg:$0x1] =	wrdreg $0xFFFFFFFF  }
0xc2: {  	_ =	task.clear_ibuf [dreg:s6], $0x2FFFF;
	_ =	strace $0x9FFFFFFF  }
0xc3: {  	(tm) =	ssettm $0x7FFFFFFF  }
tec
execute0_lowered:
.L_overlay_start_1:
0x0: {  	(tag) =	ssettag $0x1  }
0x1: {  	s15 =	stileid.u32  }
0x2: {  	s0 =	srdreg.scid;
	s5 =	smul.u32 $0x280, s15  }
0x3: {  	s4 =	rddreg [dreg:$0x0];
	s2 =	simm.s32 $0x0;
	s10 =	smul.u32 $0x2800, s15  }
0x4: {  	s0 =	sand.u32 $0x1, s0;
	[smem:$0x7FF] =	sst s2;
	s21 =	smul.u32 $0x5000, s15  }
0x5: {  	s7 =	sadd.s32 $0xC00, s4;
	s11 =	sadd.s32 $0x19C00, s4;
	s19 =	smul.u32 $0xA000, s15  }
0x6: {  	s1 =	sshll.u32 s0, $0x4;
	s6 =	smul.u32 $0x2800, s0;
	s20 =	ssub.s32 $0x2, s0  }
0x7: {  	p0 =	sne.s32 s0, $0x0;
	s1 =	sor.u32 s15, s1;
	s9 =	sshrl.u32 s20, $0x1  }
0x8: {  	s12 =	sshrl.u32 s10, $0x3;
	s13 =	sadd.s32 $0x800, s10;
	s16 =	sadd.s32 $0x1000, s10  }
0x9: {  	s26 =	sadd.s32 $0x1800, s10;
	s18 =	sadd.s32 $0x2000, s10;
	s3 =	smul.u32 $0x500, s1  }
0xa: {  	s1 =	rddreg [dreg:$0x1];
	s5 =	sadd.s32 s6, s5;
	s6 =	ssub.s32 s20, s9  }
0xb: {  	s14 =	sadd.s32 s7, s12;
	s22 =	sshrl.u32 s13, $0x3;
	s12 =	sadd.s32 s11, s12  }
0xc: {  	s24 =	sshrl.u32 s16, $0x3;
	s29 =	sshrl.u32 s26, $0x3;
	s30 =	sshrl.u32 s18, $0x3  }
0xd: {  	s9 =	sshrl.u32 s21, $0x3;
	s21 =	sshrl.u32 s19, $0x2;
	[dreg:$0x4] =	wrdreg s14  }
0xe: {  	s5 =	sshll.u32 s5, $0x1;
	[dreg:$0x5] =	wrdreg s12;
	s23 =	sadd.s32 s7, s22  }
0xf: {  	s14 =	sadd.s32 s11, s22;
	s25 =	sadd.s32 s7, s24;
	[dreg:$0x6] =	wrdreg s23  }
0x10: {  	s12 =	sadd.s32 s11, s24;
	s17 =	sadd.s32 s7, s29;
	[dreg:$0x7] =	wrdreg s14  }
0x11: {  	s7 =	sadd.s32 s7, s30;
	s19 =	sadd.s32 s10, s1;
	[dreg:$0x8] =	wrdreg s25  }
0x12: {  	s28 =	sadd.s32 s18, s1;
	s31 =	smax.u32 s6, $0x1;
	[dreg:$0x9] =	wrdreg s12  }
0x13: {  	s8 =	sadd.s32 s3, s4;
	s5 =	sadd.s32 s5, s4;
	[dreg:$0xa] =	wrdreg s17  }
0x14: {  	s12 =	sadd.s32 s11, s29;
	[dreg:$0xc] =	wrdreg s7;
	s17 =	smul.u32 $0xA00, s15  }
0x15: {  	s4 =	sadd.s32 $0x5C00, s4;
	s15 =	rddreg [dreg:$0x2];
	s14 =	simm.s32 $0x5000  }
0x16: {  	[dreg:$0xb] =	wrdreg s12;
	s12 =	sadd.s32 s11, s30;
	s20 =	sadd.s32 s4, s9  }
0x17: {  	s3 =	sadd.s32 s4, s3;
	s23 =	sadd.s32 s10, s15;
	s24 =	sadd.s32 s13, s15  }
0x18: {  	s25 =	sadd.s32 s16, s15;
	s29 =	sadd.s32 s18, s15;
	s30 =	sadd.s32 $0xFC00, s8  }
0x19: {  	s0 =	sadd.s32 $0x1ED00, s5;
	s10 =	simm.s32 $0x5800;
	s11 =	simm.s32 $0x3  }
0x1a: {  	s18 =	simm.s32 $0x2;
	[dreg:$0xd] =	wrdreg s12;
	s7 =	sadd.s32 s4, s17  }
0x1b: {  	[dreg:$0xf] =	wrdreg s3;
	s17 =	sadd.s32 s21, s1;
	s22 =	sadd.s32 $0x500, s20  }
0x1c: {  	s21 =	sadd.s32 s13, s1;
	s13 =	sadd.s32 $0x1EC00, s5;
	[dreg:$0xe] =	wrdreg s7  }
0x1d: {  	s3 =	sadd.s32 $0x1EE00, s5;
	_ =	strace $0x80000047;
	[dreg:$0x10] =	wrdreg s22  }
0x1e: {  	s4 =	sadd.s32 $0x1EF00, s5;
	s5 =	sadd.s32 $0x1F000, s5;
	[dreg:$0x11] =	wrdreg s23  }
0x1f: {  	s12 =	simm.s32 $0x80;
	s20 =	simm.s32 $0x0;
	[dreg:$0x12] =	wrdreg s24  }
0x20: {  	s6 =	sadd.s32 $0x800, s17;
	s7 =	sadd.s32 $0x1000, s17;
	[dreg:$0x13] =	wrdreg s25  }
0x21: {  	s8 =	sadd.s32 $0x1800, s17;
	s9 =	sadd.s32 $0x2000, s17;
	[dreg:$0x15] =	wrdreg s29  }
0x22: {  	s25 =	sadd.s32 s26, s1;
	s26 =	sadd.s32 s26, s15;
	[dreg:$0x16] =	wrdreg s30  }
0x23: {  	v0 =	vimm.f32 $0.0e+00;
	v1 =	vimm.f32 $1.000000000e+00;
	s23 =	sadd.s32 s16, s1;
	s16 =	simm.s32 $0x1;
	[dreg:$0x14] =	wrdreg s26  }
.LBB2_1:
0x24: {  	s22 =	simm.s32 $0x40;
	s24 =	simm.s32 $0x0  }
.LBB2_2:
0x25: {  	p1 =	sne.s32 s22, $0x1FC0;
	[tilespmem:s24+$0x5800] =	vst v0;
	s24 =	smov.u32 s22;
	s22 =	sadd.s32 $0x40, s22  }
.Ltmp0:
0x26: {  	(pc) =	sbr.rel @p1 .LBB2_2-.Ltmp0, $2  }
0x27: {  	_ =	sdelay $0x2  }
0x28: {  	s24 =	sshra.s32 s24, $0x2  }
0x29: {  	[tilespmem:s24+$0x5800] =	vst v0  }
0x2a: {  	[spmem:s17] =	stream.linear.scatter [tilespmem:s10], [sflag:$0x3], $0x800, $0x38;
	[tilespmem:$0xB000] =	vst v63  }
0x2b: {  	_ =	swait.ge [sflag:s11], $0x800  }
0x2c: {  	[sflag:s11] =	ssyncset.done $0x0  }
0x2d: {  	[sflag:s11] =	ssyncadd.s32 $0xFFFFF800  }
0x2e: {  	[spmem:s6] =	stream.linear.scatter [tilespmem:s10], [sflag:$0x3], $0x800, $0x38;
	[tilespmem:$0xB000] =	vst v63  }
0x2f: {  	_ =	swait.ge [sflag:s11], $0x800  }
0x30: {  	[sflag:s11] =	ssyncset.done $0x0  }
0x31: {  	[sflag:s11] =	ssyncadd.s32 $0xFFFFF800  }
0x32: {  	[spmem:s7] =	stream.linear.scatter [tilespmem:s10], [sflag:$0x3], $0x800, $0x38;
	[tilespmem:$0xB000] =	vst v63  }
0x33: {  	_ =	swait.ge [sflag:s11], $0x800  }
0x34: {  	[sflag:s11] =	ssyncset.done $0x0  }
0x35: {  	[sflag:s11] =	ssyncadd.s32 $0xFFFFF800  }
0x36: {  	[spmem:s8] =	stream.linear.scatter [tilespmem:s10], [sflag:$0x3], $0x800, $0x38;
	[tilespmem:$0xB000] =	vst v63  }
0x37: {  	_ =	swait.ge [sflag:s11], $0x800  }
0x38: {  	[sflag:s11] =	ssyncset.done $0x0  }
0x39: {  	[sflag:s11] =	ssyncadd.s32 $0xFFFFF800  }
0x3a: {  	[spmem:s9] =	stream.linear.scatter [tilespmem:s10], [sflag:$0x3], $0x800, $0x38;
	[tilespmem:$0xB000] =	vst v63  }
0x3b: {  	_ =	swait.ge [sflag:s11], $0x800  }
0x3c: {  	[sflag:s11] =	ssyncset.done $0x0  }
0x3d: {  	s22 =	simm.s32 $0x40;
	s24 =	simm.s32 $0x0;
	[sflag:s11] =	ssyncadd.s32 $0xFFFFF800  }
.LBB2_4:
0x3e: {  	p1 =	sne.s32 s22, $0x1FC0;
	[tilespmem:s24+$0x5000] =	vst v1;
	s24 =	smov.u32 s22;
	s22 =	sadd.s32 $0x40, s22  }
.Ltmp1:
0x3f: {  	(pc) =	sbr.rel @p1 .LBB2_4-.Ltmp1, $2  }
0x40: {  	_ =	sdelay $0x2  }
0x41: {  	s24 =	sshra.s32 s24, $0x2  }
0x42: {  	[tilespmem:s24+$0x5000] =	vst v1  }
0x43: {  	[bflag:$0x0] =	sbarrier.arrive $0xFFFF  }
0x44: {  	s22 =	simm.s32 $0x0;
	s26 =	rddreg [dreg:$0xe]  }
0x45: {  	[tilespmem:s22], [sflag:$0x3] =	stream.linear.gather [hbm4b:s26+s22], $0x2800, $0x38;
	[tilespmem:$0xB000] =	vst v63  }
0x46: {  	_ =	swait.ge [sflag:s11], $0x2800  }
0x47: {  	[sflag:s11] =	ssyncset.done $0x0  }
0x48: {  	s29 =	simm.s32 $0x0;
	[sflag:s11] =	ssyncadd.s32 $0xFFFFD800  }
0x49: {  	[spmem:s1] =	stream.indirect.scatter.add.f32 [tilespmem:s14], [sflag:$0x1], $0x10, s29, s12, $0xb8;
	[tilespmem:$0xB000] =	vst v63  }
0x4a: {  	s30 =	simm.s32 $0x80  }
0x4b: {  	[spmem:s1] =	stream.indirect.scatter.add.f32 [tilespmem:s14], [sflag:$0x2], $0x10, s30, s12, $0xb8;
	[tilespmem:$0xB000] =	vst v63  }
0x4c: {  	_ =	swait.ge [sflag:s16], $0x800  }
0x4d: {  	[sflag:s16] =	ssyncset.done $0x0  }
0x4e: {  	[sflag:s16] =	ssyncadd.s32 $0xFFFFF800  }
0x4f: {  	_ =	swait.ge [sflag:s18], $0x800  }
0x50: {  	s24 =	simm.s32 $0x800;
	s22 =	simm.s32 $0x400;
	[sflag:s18] =	ssyncset.done $0x0  }
.LBB2_6:
0x51: {  	s26 =	sshra.s32 s22, $0x2  }
0x52: {  	[sflag:s18] =	ssyncadd.s32 $0xFFFFF800;
	s22 =	smov.u32 s24;
	s29 =	sadd.s32 $0x400, s24  }
0x53: {  	[spmem:s1] =	stream.indirect.scatter.add.f32 [tilespmem:s14], [sflag:$0x1], $0x10, s26, s12, $0xb8;
	[tilespmem:$0xB000] =	vst v63  }
0x54: {  	p1 =	sne.s32 s24, $0x9C00;
	s24 =	sadd.s32 $0x80, s26  }
0x55: {  	[spmem:s1] =	stream.indirect.scatter.add.f32 [tilespmem:s14], [sflag:$0x2], $0x10, s24, s12, $0xb8;
	[tilespmem:$0xB000] =	vst v63  }
.Ltmp2:
0x56: {  	_ =	swait.ge [sflag:s16], $0x800;
	(pc) =	sbr.rel @p1 .LBB2_6-.Ltmp2, $4  }
0x57: {  	[sflag:s16] =	ssyncset.done $0x0  }
0x58: {  	[sflag:s16] =	ssyncadd.s32 $0xFFFFF800  }
0x59: {  	_ =	swait.ge [sflag:s18], $0x800  }
0x5a: {  	s24 =	smov.u32 s29;
	[sflag:s18] =	ssyncset.done $0x0  }
0x5b: {  	s22 =	sshra.s32 s22, $0x2;
	[sflag:s18] =	ssyncadd.s32 $0xFFFFF800  }
0x5c: {  	[spmem:s1] =	stream.indirect.scatter.add.f32 [tilespmem:s14], [sflag:$0x1], $0x10, s22, s12, $0xb8;
	[tilespmem:$0xB000] =	vst v63  }
0x5d: {  	s22 =	sadd.s32 $0x80, s22  }
0x5e: {  	[spmem:s1] =	stream.indirect.scatter.add.f32 [tilespmem:s14], [sflag:$0x2], $0x10, s22, s12, $0xb8;
	[tilespmem:$0xB000] =	vst v63  }
0x5f: {  	_ =	swait.ge [sflag:s16], $0x800  }
0x60: {  	[sflag:s16] =	ssyncset.done $0x0  }
0x61: {  	[sflag:s16] =	ssyncadd.s32 $0xFFFFF800  }
0x62: {  	_ =	swait.ge [sflag:s18], $0x800  }
0x63: {  	[sflag:s18] =	ssyncset.done $0x0  }
0x64: {  	s26 =	simm.s32 $0x0;
	s24 =	rddreg [dreg:$0x10];
	[sflag:s18] =	ssyncadd.s32 $0xFFFFF800  }
0x65: {  	[tilespmem:s26], [sflag:$0x3] =	stream.linear.gather [hbm4b:s24+s26], $0x2800, $0x38;
	[tilespmem:$0xB000] =	vst v63  }
0x66: {  	_ =	swait.ge [sflag:s11], $0x2800  }
0x67: {  	[sflag:s11] =	ssyncset.done $0x0  }
0x68: {  	s29 =	simm.s32 $0x0;
	[sflag:s11] =	ssyncadd.s32 $0xFFFFD800  }
0x69: {  	[spmem:s1] =	stream.indirect.scatter.add.f32 [tilespmem:s14], [sflag:$0x1], $0x10, s29, s12, $0xb8;
	[tilespmem:$0xB000] =	vst v63  }
0x6a: {  	s30 =	simm.s32 $0x80  }
0x6b: {  	[spmem:s1] =	stream.indirect.scatter.add.f32 [tilespmem:s14], [sflag:$0x2], $0x10, s30, s12, $0xb8;
	[tilespmem:$0xB000] =	vst v63  }
0x6c: {  	_ =	swait.ge [sflag:s16], $0x800  }
0x6d: {  	[sflag:s16] =	ssyncset.done $0x0  }
0x6e: {  	[sflag:s16] =	ssyncadd.s32 $0xFFFFF800  }
0x6f: {  	_ =	swait.ge [sflag:s18], $0x800  }
0x70: {  	s22 =	simm.s32 $0x400;
	s24 =	simm.s32 $0x800;
	[sflag:s18] =	ssyncset.done $0x0  }
.LBB2_8:
0x71: {  	s26 =	sshra.s32 s22, $0x2  }
0x72: {  	[sflag:s18] =	ssyncadd.s32 $0xFFFFF800;
	s22 =	smov.u32 s24;
	s29 =	sadd.s32 $0x400, s24  }
0x73: {  	[spmem:s1] =	stream.indirect.scatter.add.f32 [tilespmem:s14], [sflag:$0x1], $0x10, s26, s12, $0xb8;
	[tilespmem:$0xB000] =	vst v63  }
0x74: {  	p1 =	sne.s32 s24, $0x9C00;
	s24 =	sadd.s32 $0x80, s26  }
0x75: {  	[spmem:s1] =	stream.indirect.scatter.add.f32 [tilespmem:s14], [sflag:$0x2], $0x10, s24, s12, $0xb8;
	[tilespmem:$0xB000] =	vst v63  }
.Ltmp3:
0x76: {  	_ =	swait.ge [sflag:s16], $0x800;
	(pc) =	sbr.rel @p1 .LBB2_8-.Ltmp3, $4  }
0x77: {  	[sflag:s16] =	ssyncset.done $0x0  }
0x78: {  	[sflag:s16] =	ssyncadd.s32 $0xFFFFF800  }
0x79: {  	_ =	swait.ge [sflag:s18], $0x800  }
0x7a: {  	s24 =	smov.u32 s29;
	[sflag:s18] =	ssyncset.done $0x0  }
0x7b: {  	s22 =	sshra.s32 s22, $0x2;
	[sflag:s18] =	ssyncadd.s32 $0xFFFFF800  }
0x7c: {  	[spmem:s1] =	stream.indirect.scatter.add.f32 [tilespmem:s14], [sflag:$0x1], $0x10, s22, s12, $0xb8;
	[tilespmem:$0xB000] =	vst v63  }
0x7d: {  	s22 =	sadd.s32 $0x80, s22  }
0x7e: {  	[spmem:s1] =	stream.indirect.scatter.add.f32 [tilespmem:s14], [sflag:$0x2], $0x10, s22, s12, $0xb8;
	[tilespmem:$0xB000] =	vst v63  }
0x7f: {  	_ =	swait.ge [sflag:s16], $0x800  }
0x80: {  	[sflag:s16] =	ssyncset.done $0x0  }
0x81: {  	[sflag:s16] =	ssyncadd.s32 $0xFFFFF800  }
0x82: {  	_ =	swait.ge [sflag:s18], $0x800  }
0x83: {  	[sflag:s18] =	ssyncset.done $0x0  }
0x84: {  	[sflag:s18] =	ssyncadd.s32 $0xFFFFF800  }
0x85: {  	[bflag:$0x0] =	sbarrier.arrive $0xFFFF  }
0x86: {  	[tilespmem:s14], [sflag:$0x3] =	stream.linear.gather [spmem:s19], $0x800, $0x38;
	[tilespmem:$0xB000] =	vst v63  }
0x87: {  	_ =	swait.ge [sflag:s11], $0x800  }
0x88: {  	[sflag:s11] =	ssyncset.done $0x0  }
0x89: {  	s30 =	simm.s32 $0x0;
	s24 =	rddreg [dreg:$0x4];
	[sflag:s11] =	ssyncadd.s32 $0xFFFFF800  }
0x8a: {  	[tilespmem:s10], [sflag:$0x3] =	stream.linear.gather [hbm4b:s24+s30], $0x800, $0x38;
	[tilespmem:$0xB000] =	vst v63  }
0x8b: {  	_ =	swait.ge [sflag:s11], $0x800  }
0x8c: {  	[sflag:s11] =	ssyncset.done $0x0  }
0x8d: {  	s22 =	simm.s32 $0x0;
	[sflag:s11] =	ssyncadd.s32 $0xFFFFF800  }
0x8e: {  	v2 =	vld [tilespmem:s22+$0x5000];
	_ =	sdelay $0x4  }
0x8f: {  	v2 =	vadd.f32 $1.000000000e+00, v2;
	_ =	sdelay $0x1  }
0x90: {  	vm0 =	vge.f32 v2, $2.000000000e+00  }
0x91: {  	vm11 =	vge.f32 v2, $4.000000000e+00;
	v3 =	vsel vm0, $0x3F3504F3, v1  }
0x92: {  	vm12 =	vge.f32 v2, $8.000000000e+00;
	v3 =	vsel vm11, $0x3F000000, v3  }
0x93: {  	vm13 =	vge.f32 v2, $1.600000000e+01;
	v3 =	vsel vm12, $0x3EB504F3, v3  }
0x94: {  	vm14 =	vge.f32 v2, $3.200000000e+01;
	v3 =	vsel vm13, $0x3E800000, v3  }
0x95: {  	vm15 =	vge.f32 v2, $6.400000000e+01;
	v3 =	vsel vm14, $0x3E3504F3, v3  }
0x96: {  	vm4 =	vge.f32 v2, $1.280000000e+02;
	v3 =	vsel vm15, $0x3E000000, v3  }
0x97: {  	vm5 =	vge.f32 v2, $2.560000000e+02;
	v3 =	vsel vm4, $0x3DB504F3, v3  }
0x98: {  	vm6 =	vge.f32 v2, $5.120000000e+02;
	v3 =	vsel vm5, $0x3D800000, v3  }
0x99: {  	vm7 =	vge.f32 v2, $1.024000000e+03;
	v3 =	vsel vm6, $0x3D3504F3, v3  }
0x9a: {  	vm8 =	vge.f32 v2, $2.048000000e+03;
	v3 =	vsel vm7, $0x3D000000, v3  }
0x9b: {  	vm9 =	vge.f32 v2, $4.096000000e+03;
	v3 =	vsel vm8, $0x3CB504F3, v3  }
0x9c: {  	vm10 =	vge.f32 v2, $8.192000000e+03;
	v3 =	vsel vm9, $0x3C800000, v3  }
0x9d: {  	vm11 =	vge.f32 v2, $1.638400000e+04;
	v3 =	vsel vm10, $0x3C3504F3, v3  }
0x9e: {  	vm12 =	vge.f32 v2, $3.276800000e+04;
	v3 =	vsel vm11, $0x3C000000, v3  }
0x9f: {  	vm13 =	vge.f32 v2, $6.553600000e+04;
	v3 =	vsel vm12, $0x3BB504F3, v3  }
0xa0: {  	vm14 =	vge.f32 v2, $1.310720000e+05;
	v3 =	vsel vm13, $0x3B800000, v3  }
0xa1: {  	vm15 =	vge.f32 v2, $2.621440000e+05;
	v2 =	vmul.f32 $5.000000000e-01, v2;
	v3 =	vsel vm14, $0x3B3504F3, v3  }
0xa2: {  	v3 =	vsel vm15, $0x3B000000, v3  }
0xa3: {  	v4 =	vmul.f32 v3, v2;
	_ =	sdelay $0x1  }
0xa4: {  	v4 =	vmul.f32 v4, v3;
	_ =	sdelay $0x1  }
0xa5: {  	v4 =	vsub.f32 $1.500000000e+00, v4;
	_ =	sdelay $0x1  }
0xa6: {  	v3 =	vmul.f32 v4, v3;
	_ =	sdelay $0x1  }
0xa7: {  	v4 =	vmul.f32 v3, v2;
	_ =	sdelay $0x1  }
0xa8: {  	v4 =	vmul.f32 v4, v3;
	_ =	sdelay $0x1  }
0xa9: {  	v4 =	vsub.f32 $1.500000000e+00, v4;
	_ =	sdelay $0x1  }
0xaa: {  	v3 =	vmul.f32 v4, v3;
	_ =	sdelay $0x1  }
0xab: {  	v4 =	vmul.f32 v3, v2;
	_ =	sdelay $0x1  }
0xac: {  	v4 =	vmul.f32 v4, v3;
	_ =	sdelay $0x1  }
0xad: {  	v4 =	vsub.f32 $1.500000000e+00, v4;
	_ =	sdelay $0x1  }
0xae: {  	v3 =	vmul.f32 v4, v3;
	_ =	sdelay $0x1  }
0xaf: {  	v4 =	vmul.f32 v3, v2;
	_ =	sdelay $0x1  }
0xb0: {  	v4 =	vmul.f32 v4, v3;
	_ =	sdelay $0x1  }
0xb1: {  	v4 =	vsub.f32 $1.500000000e+00, v4;
	_ =	sdelay $0x1  }
0xb2: {  	v3 =	vmul.f32 v4, v3;
	_ =	sdelay $0x1  }
0xb3: {  	v2 =	vmul.f32 v3, v2;
	_ =	sdelay $0x1  }
0xb4: {  	v2 =	vmul.f32 v2, v3;
	_ =	sdelay $0x1  }
0xb5: {  	v4 =	vsub.f32 $1.500000000e+00, v2;
	v2 =	vld [tilespmem:s22+$0x5800];
	_ =	sdelay $0x2  }
0xb6: {  	s26 =	simm.s32 $0x80;
	s24 =	simm.s32 $0x40;
	v3 =	vmul.f32 v4, v3  }
.LBB2_10:
0xb7: {  	p1 =	sne.s32 s26, $0x1FC0  }
0xb8: {  	s29 =	sshra.s32 s24, $0x2;
	s24 =	smov.u32 s26;
	[tilespmem:s22+$0x5000] =	vst v3;
	v2 =	vmul.f32 v3, v2  }
0xb9: {  	v3 =	vld [tilespmem:s29+$0x5000]  }
0xba: {  	[tilespmem:s22+$0x5800] =	vst v2;
	s22 =	smov.u32 s29;
	_ =	sdelay $0x3  }
0xbb: {  	v2 =	vadd.f32 $1.000000000e+00, v3;
	_ =	sdelay $0x1  }
0xbc: {  	vm0 =	vge.f32 v2, $2.000000000e+00  }
0xbd: {  	v3 =	vsel vm0, $0x3F3504F3, v1;
	vm0 =	vge.f32 v2, $4.000000000e+00  }
0xbe: {  	v3 =	vsel vm0, $0x3F000000, v3;
	vm0 =	vge.f32 v2, $8.000000000e+00  }
0xbf: {  	v3 =	vsel vm0, $0x3EB504F3, v3;
	vm0 =	vge.f32 v2, $1.600000000e+01  }
0xc0: {  	v3 =	vsel vm0, $0x3E800000, v3;
	vm0 =	vge.f32 v2, $3.200000000e+01  }
0xc1: {  	v3 =	vsel vm0, $0x3E3504F3, v3;
	vm0 =	vge.f32 v2, $6.400000000e+01  }
0xc2: {  	v3 =	vsel vm0, $0x3E000000, v3;
	vm0 =	vge.f32 v2, $1.280000000e+02  }
0xc3: {  	v3 =	vsel vm0, $0x3DB504F3, v3;
	vm0 =	vge.f32 v2, $2.560000000e+02  }
0xc4: {  	v3 =	vsel vm0, $0x3D800000, v3;
	vm0 =	vge.f32 v2, $5.120000000e+02  }
0xc5: {  	v3 =	vsel vm0, $0x3D3504F3, v3;
	vm0 =	vge.f32 v2, $1.024000000e+03  }
0xc6: {  	v3 =	vsel vm0, $0x3D000000, v3;
	vm0 =	vge.f32 v2, $2.048000000e+03  }
0xc7: {  	v3 =	vsel vm0, $0x3CB504F3, v3;
	vm0 =	vge.f32 v2, $4.096000000e+03  }
0xc8: {  	v3 =	vsel vm0, $0x3C800000, v3;
	vm0 =	vge.f32 v2, $8.192000000e+03  }
0xc9: {  	v3 =	vsel vm0, $0x3C3504F3, v3;
	vm0 =	vge.f32 v2, $1.638400000e+04  }
0xca: {  	v3 =	vsel vm0, $0x3C000000, v3;
	vm0 =	vge.f32 v2, $3.276800000e+04  }
0xcb: {  	v3 =	vsel vm0, $0x3BB504F3, v3;
	vm0 =	vge.f32 v2, $6.553600000e+04  }
0xcc: {  	v3 =	vsel vm0, $0x3B800000, v3;
	vm0 =	vge.f32 v2, $1.310720000e+05  }
0xcd: {  	v3 =	vsel vm0, $0x3B3504F3, v3;
	vm0 =	vge.f32 v2, $2.621440000e+05;
	v2 =	vmul.f32 $5.000000000e-01, v2  }
0xce: {  	v3 =	vsel vm0, $0x3B000000, v3  }
0xcf: {  	v4 =	vmul.f32 v3, v2;
	_ =	sdelay $0x1  }
0xd0: {  	v4 =	vmul.f32 v4, v3;
	_ =	sdelay $0x1  }
0xd1: {  	v4 =	vsub.f32 $1.500000000e+00, v4;
	_ =	sdelay $0x1  }
0xd2: {  	v3 =	vmul.f32 v4, v3;
	_ =	sdelay $0x1  }
0xd3: {  	v4 =	vmul.f32 v3, v2;
	_ =	sdelay $0x1  }
0xd4: {  	v4 =	vmul.f32 v4, v3;
	_ =	sdelay $0x1  }
0xd5: {  	v4 =	vsub.f32 $1.500000000e+00, v4;
	_ =	sdelay $0x1  }
0xd6: {  	v3 =	vmul.f32 v4, v3;
	_ =	sdelay $0x1  }
0xd7: {  	v4 =	vmul.f32 v3, v2;
	_ =	sdelay $0x1  }
0xd8: {  	v4 =	vmul.f32 v4, v3;
	_ =	sdelay $0x1  }
0xd9: {  	v4 =	vsub.f32 $1.500000000e+00, v4;
	_ =	sdelay $0x1  }
0xda: {  	v3 =	vmul.f32 v4, v3;
	_ =	sdelay $0x1  }
0xdb: {  	v4 =	vmul.f32 v3, v2;
	_ =	sdelay $0x1  }
0xdc: {  	v4 =	vmul.f32 v4, v3;
	_ =	sdelay $0x1  }
0xdd: {  	v4 =	vsub.f32 $1.500000000e+00, v4;
	_ =	sdelay $0x1  }
0xde: {  	v3 =	vmul.f32 v4, v3;
	_ =	sdelay $0x1  }
0xdf: {  	v2 =	vmul.f32 v3, v2;
	_ =	sdelay $0x1  }
.Ltmp4:
0xe0: {  	v4 =	vmul.f32 v2, v3;
	(pc) =	sbr.rel @p1 .LBB2_10-.Ltmp4, $3  }
0xe1: {  	v2 =	vld [tilespmem:s22+$0x5800]  }
0xe2: {  	v4 =	vsub.f32 $1.500000000e+00, v4;
	_ =	sdelay $0x1  }
0xe3: {  	s26 =	sadd.s32 $0x40, s26;
	v3 =	vmul.f32 v4, v3  }
0xe4: {  	_ = 	snop  }
0xe5: {  	s24 =	sshra.s32 s24, $0x2;
	[tilespmem:s22+$0x5000] =	vst v3  }
0xe6: {  	v4 =	vld [tilespmem:s24+$0x5000];
	_ =	sdelay $0x4  }
0xe7: {  	v4 =	vadd.f32 $1.000000000e+00, v4;
	_ =	sdelay $0x1  }
0xe8: {  	vm0 =	vge.f32 v4, $2.000000000e+00  }
0xe9: {  	vm11 =	vge.f32 v4, $4.000000000e+00;
	v5 =	vsel vm0, $0x3F3504F3, v1  }
0xea: {  	vm12 =	vge.f32 v4, $8.000000000e+00;
	v5 =	vsel vm11, $0x3F000000, v5  }
0xeb: {  	vm13 =	vge.f32 v4, $1.600000000e+01;
	v5 =	vsel vm12, $0x3EB504F3, v5  }
0xec: {  	vm14 =	vge.f32 v4, $3.200000000e+01;
	v5 =	vsel vm13, $0x3E800000, v5  }
0xed: {  	vm15 =	vge.f32 v4, $6.400000000e+01;
	v5 =	vsel vm14, $0x3E3504F3, v5  }
0xee: {  	vm4 =	vge.f32 v4, $1.280000000e+02;
	v5 =	vsel vm15, $0x3E000000, v5  }
0xef: {  	vm5 =	vge.f32 v4, $2.560000000e+02;
	v5 =	vsel vm4, $0x3DB504F3, v5  }
0xf0: {  	vm6 =	vge.f32 v4, $5.120000000e+02;
	v5 =	vsel vm5, $0x3D800000, v5  }
0xf1: {  	vm7 =	vge.f32 v4, $1.024000000e+03;
	v5 =	vsel vm6, $0x3D3504F3, v5  }
0xf2: {  	vm8 =	vge.f32 v4, $2.048000000e+03;
	v5 =	vsel vm7, $0x3D000000, v5  }
0xf3: {  	vm9 =	vge.f32 v4, $4.096000000e+03;
	v5 =	vsel vm8, $0x3CB504F3, v5  }
0xf4: {  	vm10 =	vge.f32 v4, $8.192000000e+03;
	v5 =	vsel vm9, $0x3C800000, v5  }
0xf5: {  	vm11 =	vge.f32 v4, $1.638400000e+04;
	v5 =	vsel vm10, $0x3C3504F3, v5  }
0xf6: {  	vm12 =	vge.f32 v4, $3.276800000e+04;
	v5 =	vsel vm11, $0x3C000000, v5  }
0xf7: {  	vm13 =	vge.f32 v4, $6.553600000e+04;
	v5 =	vsel vm12, $0x3BB504F3, v5  }
0xf8: {  	vm14 =	vge.f32 v4, $1.310720000e+05;
	v5 =	vsel vm13, $0x3B800000, v5  }
0xf9: {  	vm15 =	vge.f32 v4, $2.621440000e+05;
	v4 =	vmul.f32 $5.000000000e-01, v4;
	v5 =	vsel vm14, $0x3B3504F3, v5  }
0xfa: {  	v5 =	vsel vm15, $0x3B000000, v5  }
0xfb: {  	v6 =	vmul.f32 v5, v4;
	_ =	sdelay $0x1  }
0xfc: {  	v6 =	vmul.f32 v6, v5;
	_ =	sdelay $0x1  }
0xfd: {  	v6 =	vsub.f32 $1.500000000e+00, v6;
	_ =	sdelay $0x1  }
0xfe: {  	v5 =	vmul.f32 v6, v5;
	_ =	sdelay $0x1  }
0xff: {  	v6 =	vmul.f32 v5, v4;
	_ =	sdelay $0x1  }
0x100: {  	v6 =	vmul.f32 v6, v5;
	_ =	sdelay $0x1  }
0x101: {  	v6 =	vsub.f32 $1.500000000e+00, v6;
	_ =	sdelay $0x1  }
0x102: {  	v5 =	vmul.f32 v6, v5;
	_ =	sdelay $0x1  }
0x103: {  	v6 =	vmul.f32 v5, v4;
	_ =	sdelay $0x1  }
0x104: {  	v6 =	vmul.f32 v6, v5;
	_ =	sdelay $0x1  }
0x105: {  	v6 =	vsub.f32 $1.500000000e+00, v6;
	_ =	sdelay $0x1  }
0x106: {  	v5 =	vmul.f32 v6, v5;
	_ =	sdelay $0x1  }
0x107: {  	v6 =	vmul.f32 v5, v4;
	_ =	sdelay $0x1  }
0x108: {  	v6 =	vmul.f32 v6, v5;
	_ =	sdelay $0x1  }
0x109: {  	v6 =	vsub.f32 $1.500000000e+00, v6;
	_ =	sdelay $0x1  }
0x10a: {  	v5 =	vmul.f32 v6, v5;
	_ =	sdelay $0x1  }
0x10b: {  	v2 =	vmul.f32 v3, v2;
	v3 =	vmul.f32 v5, v4;
	_ =	sdelay $0x1  }
0x10c: {  	[tilespmem:s22+$0x5800] =	vst v2;
	v2 =	vmul.f32 v3, v5  }
0x10d: {  	v3 =	vld [tilespmem:s24+$0x5800]  }
0x10e: {  	v2 =	vsub.f32 $1.500000000e+00, v2;
	_ =	sdelay $0x1  }
0x10f: {  	v2 =	vmul.f32 v2, v5;
	_ =	sdelay $0x1  }
0x110: {  	v3 =	vmul.f32 v2, v3  }
0x111: {  	[tilespmem:s24+$0x5000] =	vst v2  }
0x112: {  	s30 =	rddreg [dreg:$0x11];
	[tilespmem:s24+$0x5800] =	vst v3  }
0x113: {  	[spmem:s30] =	stream.linear.scatter [tilespmem:s10], [sflag:$0x3], $0x800, $0x38;
	[tilespmem:$0xB000] =	vst v63  }
0x114: {  	_ =	swait.ge [sflag:s11], $0x800  }
0x115: {  	s22 =	simm.s32 @!p0 $0x0;
	[sflag:s11] =	ssyncset.done $0x0  }
0x116: {  	s24 =	simm.s32 @!p0 $0x5000;
	s26 =	rddreg [dreg:$0x5];
	[sflag:s11] =	ssyncadd.s32 $0xFFFFF800  }
0x117: {  	[hbm4b:s26+s22] =	stream.linear.scatter @!p0 [tilespmem:s24], [sflag:$0x3], $0x800, $0x38;
	[tilespmem:$0xB000] =	vst v63  }
0x118: {  	s22 =	simm.s32 @!p0 $0x3  }
0x119: {  	_ =	swait.ge @!p0 [sflag:s22], $0x800  }
0x11a: {  	[sflag:s22] =	ssyncset.done @!p0 $0x0  }
0x11b: {  	s24 =	simm.s32 $0x0;
	[sflag:s22] =	ssyncadd.s32 @!p0 $0xFFFFF800;
	s22 =	simm.s32 $0x40  }
.LBB2_12:
0x11c: {  	p1 =	sne.s32 s22, $0x1FC0;
	[tilespmem:s24+$0x5000] =	vst v0;
	s24 =	smov.u32 s22;
	s22 =	sadd.s32 $0x40, s22  }
.Ltmp5:
0x11d: {  	(pc) =	sbr.rel @p1 .LBB2_12-.Ltmp5, $2  }
0x11e: {  	_ =	sdelay $0x2  }
0x11f: {  	s24 =	sshra.s32 s24, $0x2  }
0x120: {  	[tilespmem:s24+$0x5000] =	vst v0  }
0x121: {  	[spmem:s19] =	stream.linear.scatter [tilespmem:s14], [sflag:$0x3], $0x800, $0x38;
	[tilespmem:$0xB000] =	vst v63  }
0x122: {  	_ =	swait.ge [sflag:s11], $0x800  }
0x123: {  	[sflag:s11] =	ssyncset.done $0x0  }
0x124: {  	[sflag:s11] =	ssyncadd.s32 $0xFFFFF800  }
0x125: {  	[tilespmem:s14], [sflag:$0x3] =	stream.linear.gather [spmem:s21], $0x800, $0x38;
	[tilespmem:$0xB000] =	vst v63  }
0x126: {  	_ =	swait.ge [sflag:s11], $0x800  }
0x127: {  	[sflag:s11] =	ssyncset.done $0x0  }
0x128: {  	s22 =	simm.s32 $0x0;
	s30 =	rddreg [dreg:$0x6];
	[sflag:s11] =	ssyncadd.s32 $0xFFFFF800  }
0x129: {  	[tilespmem:s10], [sflag:$0x3] =	stream.linear.gather [hbm4b:s30+s22], $0x800, $0x38;
	[tilespmem:$0xB000] =	vst v63  }
0x12a: {  	_ =	swait.ge [sflag:s11], $0x800  }
0x12b: {  	[sflag:s11] =	ssyncset.done $0x0  }
0x12c: {  	s22 =	simm.s32 $0x0;
	[sflag:s11] =	ssyncadd.s32 $0xFFFFF800  }
0x12d: {  	v2 =	vld [tilespmem:s22+$0x5000];
	_ =	sdelay $0x4  }
0x12e: {  	v2 =	vadd.f32 $1.000000000e+00, v2;
	_ =	sdelay $0x1  }
0x12f: {  	vm0 =	vge.f32 v2, $2.000000000e+00  }
0x130: {  	vm11 =	vge.f32 v2, $4.000000000e+00;
	v3 =	vsel vm0, $0x3F3504F3, v1  }
0x131: {  	vm12 =	vge.f32 v2, $8.000000000e+00;
	v3 =	vsel vm11, $0x3F000000, v3  }
0x132: {  	vm13 =	vge.f32 v2, $1.600000000e+01;
	v3 =	vsel vm12, $0x3EB504F3, v3  }
0x133: {  	vm14 =	vge.f32 v2, $3.200000000e+01;
	v3 =	vsel vm13, $0x3E800000, v3  }
0x134: {  	vm15 =	vge.f32 v2, $6.400000000e+01;
	v3 =	vsel vm14, $0x3E3504F3, v3  }
0x135: {  	vm4 =	vge.f32 v2, $1.280000000e+02;
	v3 =	vsel vm15, $0x3E000000, v3  }
0x136: {  	vm5 =	vge.f32 v2, $2.560000000e+02;
	v3 =	vsel vm4, $0x3DB504F3, v3  }
0x137: {  	vm6 =	vge.f32 v2, $5.120000000e+02;
	v3 =	vsel vm5, $0x3D800000, v3  }
0x138: {  	vm7 =	vge.f32 v2, $1.024000000e+03;
	v3 =	vsel vm6, $0x3D3504F3, v3  }
0x139: {  	vm8 =	vge.f32 v2, $2.048000000e+03;
	v3 =	vsel vm7, $0x3D000000, v3  }
0x13a: {  	vm9 =	vge.f32 v2, $4.096000000e+03;
	v3 =	vsel vm8, $0x3CB504F3, v3  }
0x13b: {  	vm10 =	vge.f32 v2, $8.192000000e+03;
	v3 =	vsel vm9, $0x3C800000, v3  }
0x13c: {  	vm11 =	vge.f32 v2, $1.638400000e+04;
	v3 =	vsel vm10, $0x3C3504F3, v3  }
0x13d: {  	vm12 =	vge.f32 v2, $3.276800000e+04;
	v3 =	vsel vm11, $0x3C000000, v3  }
0x13e: {  	vm13 =	vge.f32 v2, $6.553600000e+04;
	v3 =	vsel vm12, $0x3BB504F3, v3  }
0x13f: {  	vm14 =	vge.f32 v2, $1.310720000e+05;
	v3 =	vsel vm13, $0x3B800000, v3  }
0x140: {  	vm15 =	vge.f32 v2, $2.621440000e+05;
	v2 =	vmul.f32 $5.000000000e-01, v2;
	v3 =	vsel vm14, $0x3B3504F3, v3  }
0x141: {  	v3 =	vsel vm15, $0x3B000000, v3  }
0x142: {  	v4 =	vmul.f32 v3, v2;
	_ =	sdelay $0x1  }
0x143: {  	v4 =	vmul.f32 v4, v3;
	_ =	sdelay $0x1  }
0x144: {  	v4 =	vsub.f32 $1.500000000e+00, v4;
	_ =	sdelay $0x1  }
0x145: {  	v3 =	vmul.f32 v4, v3;
	_ =	sdelay $0x1  }
0x146: {  	v4 =	vmul.f32 v3, v2;
	_ =	sdelay $0x1  }
0x147: {  	v4 =	vmul.f32 v4, v3;
	_ =	sdelay $0x1  }
0x148: {  	v4 =	vsub.f32 $1.500000000e+00, v4;
	_ =	sdelay $0x1  }
0x149: {  	v3 =	vmul.f32 v4, v3;
	_ =	sdelay $0x1  }
0x14a: {  	v4 =	vmul.f32 v3, v2;
	_ =	sdelay $0x1  }
0x14b: {  	v4 =	vmul.f32 v4, v3;
	_ =	sdelay $0x1  }
0x14c: {  	v4 =	vsub.f32 $1.500000000e+00, v4;
	_ =	sdelay $0x1  }
0x14d: {  	v3 =	vmul.f32 v4, v3;
	_ =	sdelay $0x1  }
0x14e: {  	v4 =	vmul.f32 v3, v2;
	_ =	sdelay $0x1  }
0x14f: {  	v4 =	vmul.f32 v4, v3;
	_ =	sdelay $0x1  }
0x150: {  	v4 =	vsub.f32 $1.500000000e+00, v4;
	_ =	sdelay $0x1  }
0x151: {  	v3 =	vmul.f32 v4, v3;
	_ =	sdelay $0x1  }
0x152: {  	v2 =	vmul.f32 v3, v2;
	_ =	sdelay $0x1  }
0x153: {  	v2 =	vmul.f32 v2, v3;
	_ =	sdelay $0x1  }
0x154: {  	v4 =	vsub.f32 $1.500000000e+00, v2;
	v2 =	vld [tilespmem:s22+$0x5800];
	_ =	sdelay $0x2  }
0x155: {  	s24 =	simm.s32 $0x40;
	s26 =	simm.s32 $0x80;
	v3 =	vmul.f32 v4, v3  }
.LBB2_14:
0x156: {  	p1 =	sne.s32 s26, $0x1FC0  }
0x157: {  	s29 =	sshra.s32 s24, $0x2;
	s24 =	smov.u32 s26;
	[tilespmem:s22+$0x5000] =	vst v3;
	v2 =	vmul.f32 v3, v2  }
0x158: {  	v3 =	vld [tilespmem:s29+$0x5000]  }
0x159: {  	[tilespmem:s22+$0x5800] =	vst v2;
	s22 =	smov.u32 s29;
	_ =	sdelay $0x3  }
0x15a: {  	v2 =	vadd.f32 $1.000000000e+00, v3;
	_ =	sdelay $0x1  }
0x15b: {  	vm0 =	vge.f32 v2, $2.000000000e+00  }
0x15c: {  	v3 =	vsel vm0, $0x3F3504F3, v1;
	vm0 =	vge.f32 v2, $4.000000000e+00  }
0x15d: {  	v3 =	vsel vm0, $0x3F000000, v3;
	vm0 =	vge.f32 v2, $8.000000000e+00  }
0x15e: {  	v3 =	vsel vm0, $0x3EB504F3, v3;
	vm0 =	vge.f32 v2, $1.600000000e+01  }
0x15f: {  	v3 =	vsel vm0, $0x3E800000, v3;
	vm0 =	vge.f32 v2, $3.200000000e+01  }
0x160: {  	v3 =	vsel vm0, $0x3E3504F3, v3;
	vm0 =	vge.f32 v2, $6.400000000e+01  }
0x161: {  	v3 =	vsel vm0, $0x3E000000, v3;
	vm0 =	vge.f32 v2, $1.280000000e+02  }
0x162: {  	v3 =	vsel vm0, $0x3DB504F3, v3;
	vm0 =	vge.f32 v2, $2.560000000e+02  }
0x163: {  	v3 =	vsel vm0, $0x3D800000, v3;
	vm0 =	vge.f32 v2, $5.120000000e+02  }
0x164: {  	v3 =	vsel vm0, $0x3D3504F3, v3;
	vm0 =	vge.f32 v2, $1.024000000e+03  }
0x165: {  	v3 =	vsel vm0, $0x3D000000, v3;
	vm0 =	vge.f32 v2, $2.048000000e+03  }
0x166: {  	v3 =	vsel vm0, $0x3CB504F3, v3;
	vm0 =	vge.f32 v2, $4.096000000e+03  }
0x167: {  	v3 =	vsel vm0, $0x3C800000, v3;
	vm0 =	vge.f32 v2, $8.192000000e+03  }
0x168: {  	v3 =	vsel vm0, $0x3C3504F3, v3;
	vm0 =	vge.f32 v2, $1.638400000e+04  }
0x169: {  	v3 =	vsel vm0, $0x3C000000, v3;
	vm0 =	vge.f32 v2, $3.276800000e+04  }
0x16a: {  	v3 =	vsel vm0, $0x3BB504F3, v3;
	vm0 =	vge.f32 v2, $6.553600000e+04  }
0x16b: {  	v3 =	vsel vm0, $0x3B800000, v3;
	vm0 =	vge.f32 v2, $1.310720000e+05  }
0x16c: {  	v3 =	vsel vm0, $0x3B3504F3, v3;
	vm0 =	vge.f32 v2, $2.621440000e+05;
	v2 =	vmul.f32 $5.000000000e-01, v2  }
0x16d: {  	v3 =	vsel vm0, $0x3B000000, v3  }
0x16e: {  	v4 =	vmul.f32 v3, v2;
	_ =	sdelay $0x1  }
0x16f: {  	v4 =	vmul.f32 v4, v3;
	_ =	sdelay $0x1  }
0x170: {  	v4 =	vsub.f32 $1.500000000e+00, v4;
	_ =	sdelay $0x1  }
0x171: {  	v3 =	vmul.f32 v4, v3;
	_ =	sdelay $0x1  }
0x172: {  	v4 =	vmul.f32 v3, v2;
	_ =	sdelay $0x1  }
0x173: {  	v4 =	vmul.f32 v4, v3;
	_ =	sdelay $0x1  }
0x174: {  	v4 =	vsub.f32 $1.500000000e+00, v4;
	_ =	sdelay $0x1  }
0x175: {  	v3 =	vmul.f32 v4, v3;
	_ =	sdelay $0x1  }
0x176: {  	v4 =	vmul.f32 v3, v2;
	_ =	sdelay $0x1  }
0x177: {  	v4 =	vmul.f32 v4, v3;
	_ =	sdelay $0x1  }
0x178: {  	v4 =	vsub.f32 $1.500000000e+00, v4;
	_ =	sdelay $0x1  }
0x179: {  	v3 =	vmul.f32 v4, v3;
	_ =	sdelay $0x1  }
0x17a: {  	v4 =	vmul.f32 v3, v2;
	_ =	sdelay $0x1  }
0x17b: {  	v4 =	vmul.f32 v4, v3;
	_ =	sdelay $0x1  }
0x17c: {  	v4 =	vsub.f32 $1.500000000e+00, v4;
	_ =	sdelay $0x1  }
0x17d: {  	v3 =	vmul.f32 v4, v3;
	_ =	sdelay $0x1  }
0x17e: {  	v2 =	vmul.f32 v3, v2;
	_ =	sdelay $0x1  }
.Ltmp6:
0x17f: {  	v4 =	vmul.f32 v2, v3;
	(pc) =	sbr.rel @p1 .LBB2_14-.Ltmp6, $3  }
0x180: {  	v2 =	vld [tilespmem:s22+$0x5800]  }
0x181: {  	v4 =	vsub.f32 $1.500000000e+00, v4;
	_ =	sdelay $0x1  }
0x182: {  	s26 =	sadd.s32 $0x40, s26;
	v3 =	vmul.f32 v4, v3  }
0x183: {  	_ = 	snop  }
0x184: {  	s24 =	sshra.s32 s24, $0x2;
	[tilespmem:s22+$0x5000] =	vst v3  }
0x185: {  	v4 =	vld [tilespmem:s24+$0x5000];
	_ =	sdelay $0x4  }
0x186: {  	v4 =	vadd.f32 $1.000000000e+00, v4;
	_ =	sdelay $0x1  }
0x187: {  	vm0 =	vge.f32 v4, $2.000000000e+00  }
0x188: {  	vm11 =	vge.f32 v4, $4.000000000e+00;
	v5 =	vsel vm0, $0x3F3504F3, v1  }
0x189: {  	vm12 =	vge.f32 v4, $8.000000000e+00;
	v5 =	vsel vm11, $0x3F000000, v5  }
0x18a: {  	vm13 =	vge.f32 v4, $1.600000000e+01;
	v5 =	vsel vm12, $0x3EB504F3, v5  }
0x18b: {  	vm14 =	vge.f32 v4, $3.200000000e+01;
	v5 =	vsel vm13, $0x3E800000, v5  }
0x18c: {  	vm15 =	vge.f32 v4, $6.400000000e+01;
	v5 =	vsel vm14, $0x3E3504F3, v5  }
0x18d: {  	vm4 =	vge.f32 v4, $1.280000000e+02;
	v5 =	vsel vm15, $0x3E000000, v5  }
0x18e: {  	vm5 =	vge.f32 v4, $2.560000000e+02;
	v5 =	vsel vm4, $0x3DB504F3, v5  }
0x18f: {  	vm6 =	vge.f32 v4, $5.120000000e+02;
	v5 =	vsel vm5, $0x3D800000, v5  }
0x190: {  	vm7 =	vge.f32 v4, $1.024000000e+03;
	v5 =	vsel vm6, $0x3D3504F3, v5  }
0x191: {  	vm8 =	vge.f32 v4, $2.048000000e+03;
	v5 =	vsel vm7, $0x3D000000, v5  }
0x192: {  	vm9 =	vge.f32 v4, $4.096000000e+03;
	v5 =	vsel vm8, $0x3CB504F3, v5  }
0x193: {  	vm10 =	vge.f32 v4, $8.192000000e+03;
	v5 =	vsel vm9, $0x3C800000, v5  }
0x194: {  	vm11 =	vge.f32 v4, $1.638400000e+04;
	v5 =	vsel vm10, $0x3C3504F3, v5  }
0x195: {  	vm12 =	vge.f32 v4, $3.276800000e+04;
	v5 =	vsel vm11, $0x3C000000, v5  }
0x196: {  	vm13 =	vge.f32 v4, $6.553600000e+04;
	v5 =	vsel vm12, $0x3BB504F3, v5  }
0x197: {  	vm14 =	vge.f32 v4, $1.310720000e+05;
	v5 =	vsel vm13, $0x3B800000, v5  }
0x198: {  	vm15 =	vge.f32 v4, $2.621440000e+05;
	v4 =	vmul.f32 $5.000000000e-01, v4;
	v5 =	vsel vm14, $0x3B3504F3, v5  }
0x199: {  	v5 =	vsel vm15, $0x3B000000, v5  }
0x19a: {  	v6 =	vmul.f32 v5, v4;
	_ =	sdelay $0x1  }
0x19b: {  	v6 =	vmul.f32 v6, v5;
	_ =	sdelay $0x1  }
0x19c: {  	v6 =	vsub.f32 $1.500000000e+00, v6;
	_ =	sdelay $0x1  }
0x19d: {  	v5 =	vmul.f32 v6, v5;
	_ =	sdelay $0x1  }
0x19e: {  	v6 =	vmul.f32 v5, v4;
	_ =	sdelay $0x1  }
0x19f: {  	v6 =	vmul.f32 v6, v5;
	_ =	sdelay $0x1  }
0x1a0: {  	v6 =	vsub.f32 $1.500000000e+00, v6;
	_ =	sdelay $0x1  }
0x1a1: {  	v5 =	vmul.f32 v6, v5;
	_ =	sdelay $0x1  }
0x1a2: {  	v6 =	vmul.f32 v5, v4;
	_ =	sdelay $0x1  }
0x1a3: {  	v6 =	vmul.f32 v6, v5;
	_ =	sdelay $0x1  }
0x1a4: {  	v6 =	vsub.f32 $1.500000000e+00, v6;
	_ =	sdelay $0x1  }
0x1a5: {  	v5 =	vmul.f32 v6, v5;
	_ =	sdelay $0x1  }
0x1a6: {  	v6 =	vmul.f32 v5, v4;
	_ =	sdelay $0x1  }
0x1a7: {  	v6 =	vmul.f32 v6, v5;
	_ =	sdelay $0x1  }
0x1a8: {  	v6 =	vsub.f32 $1.500000000e+00, v6;
	_ =	sdelay $0x1  }
0x1a9: {  	v5 =	vmul.f32 v6, v5;
	_ =	sdelay $0x1  }
0x1aa: {  	v2 =	vmul.f32 v3, v2;
	v3 =	vmul.f32 v5, v4;
	_ =	sdelay $0x1  }
0x1ab: {  	[tilespmem:s22+$0x5800] =	vst v2;
	v2 =	vmul.f32 v3, v5  }
0x1ac: {  	v3 =	vld [tilespmem:s24+$0x5800]  }
0x1ad: {  	v2 =	vsub.f32 $1.500000000e+00, v2;
	_ =	sdelay $0x1  }
0x1ae: {  	v2 =	vmul.f32 v2, v5;
	_ =	sdelay $0x1  }
0x1af: {  	v3 =	vmul.f32 v2, v3  }
0x1b0: {  	[tilespmem:s24+$0x5000] =	vst v2  }
0x1b1: {  	s30 =	rddreg [dreg:$0x12];
	[tilespmem:s24+$0x5800] =	vst v3  }
0x1b2: {  	[spmem:s30] =	stream.linear.scatter [tilespmem:s10], [sflag:$0x3], $0x800, $0x38;
	[tilespmem:$0xB000] =	vst v63  }
0x1b3: {  	_ =	swait.ge [sflag:s11], $0x800  }
0x1b4: {  	s22 =	simm.s32 @!p0 $0x0;
	[sflag:s11] =	ssyncset.done $0x0  }
0x1b5: {  	s24 =	simm.s32 @!p0 $0x5000;
	s26 =	rddreg [dreg:$0x7];
	[sflag:s11] =	ssyncadd.s32 $0xFFFFF800  }
0x1b6: {  	[hbm4b:s26+s22] =	stream.linear.scatter @!p0 [tilespmem:s24], [sflag:$0x3], $0x800, $0x38;
	[tilespmem:$0xB000] =	vst v63  }
0x1b7: {  	s22 =	simm.s32 @!p0 $0x3  }
0x1b8: {  	_ =	swait.ge @!p0 [sflag:s22], $0x800  }
0x1b9: {  	[sflag:s22] =	ssyncset.done @!p0 $0x0  }
0x1ba: {  	s24 =	simm.s32 $0x0;
	[sflag:s22] =	ssyncadd.s32 @!p0 $0xFFFFF800;
	s22 =	simm.s32 $0x40  }
.LBB2_16:
0x1bb: {  	p1 =	sne.s32 s22, $0x1FC0;
	[tilespmem:s24+$0x5000] =	vst v0;
	s24 =	smov.u32 s22;
	s22 =	sadd.s32 $0x40, s22  }
.Ltmp7:
0x1bc: {  	(pc) =	sbr.rel @p1 .LBB2_16-.Ltmp7, $2  }
0x1bd: {  	_ =	sdelay $0x2  }
0x1be: {  	s24 =	sshra.s32 s24, $0x2  }
0x1bf: {  	[tilespmem:s24+$0x5000] =	vst v0  }
0x1c0: {  	[spmem:s21] =	stream.linear.scatter [tilespmem:s14], [sflag:$0x3], $0x800, $0x38;
	[tilespmem:$0xB000] =	vst v63  }
0x1c1: {  	_ =	swait.ge [sflag:s11], $0x800  }
0x1c2: {  	[sflag:s11] =	ssyncset.done $0x0  }
0x1c3: {  	[sflag:s11] =	ssyncadd.s32 $0xFFFFF800  }
0x1c4: {  	[tilespmem:s14], [sflag:$0x3] =	stream.linear.gather [spmem:s23], $0x800, $0x38;
	[tilespmem:$0xB000] =	vst v63  }
0x1c5: {  	_ =	swait.ge [sflag:s11], $0x800  }
0x1c6: {  	[sflag:s11] =	ssyncset.done $0x0  }
0x1c7: {  	s22 =	simm.s32 $0x0;
	s30 =	rddreg [dreg:$0x8];
	[sflag:s11] =	ssyncadd.s32 $0xFFFFF800  }
0x1c8: {  	[tilespmem:s10], [sflag:$0x3] =	stream.linear.gather [hbm4b:s30+s22], $0x800, $0x38;
	[tilespmem:$0xB000] =	vst v63  }
0x1c9: {  	_ =	swait.ge [sflag:s11], $0x800  }
0x1ca: {  	[sflag:s11] =	ssyncset.done $0x0  }
0x1cb: {  	s22 =	simm.s32 $0x0;
	[sflag:s11] =	ssyncadd.s32 $0xFFFFF800  }
0x1cc: {  	v2 =	vld [tilespmem:s22+$0x5000];
	_ =	sdelay $0x4  }
0x1cd: {  	v2 =	vadd.f32 $1.000000000e+00, v2;
	_ =	sdelay $0x1  }
0x1ce: {  	vm0 =	vge.f32 v2, $2.000000000e+00  }
0x1cf: {  	vm11 =	vge.f32 v2, $4.000000000e+00;
	v3 =	vsel vm0, $0x3F3504F3, v1  }
0x1d0: {  	vm12 =	vge.f32 v2, $8.000000000e+00;
	v3 =	vsel vm11, $0x3F000000, v3  }
0x1d1: {  	vm13 =	vge.f32 v2, $1.600000000e+01;
	v3 =	vsel vm12, $0x3EB504F3, v3  }
0x1d2: {  	vm14 =	vge.f32 v2, $3.200000000e+01;
	v3 =	vsel vm13, $0x3E800000, v3  }
0x1d3: {  	vm15 =	vge.f32 v2, $6.400000000e+01;
	v3 =	vsel vm14, $0x3E3504F3, v3  }
0x1d4: {  	vm4 =	vge.f32 v2, $1.280000000e+02;
	v3 =	vsel vm15, $0x3E000000, v3  }
0x1d5: {  	vm5 =	vge.f32 v2, $2.560000000e+02;
	v3 =	vsel vm4, $0x3DB504F3, v3  }
0x1d6: {  	vm6 =	vge.f32 v2, $5.120000000e+02;
	v3 =	vsel vm5, $0x3D800000, v3  }
0x1d7: {  	vm7 =	vge.f32 v2, $1.024000000e+03;
	v3 =	vsel vm6, $0x3D3504F3, v3  }
0x1d8: {  	vm8 =	vge.f32 v2, $2.048000000e+03;
	v3 =	vsel vm7, $0x3D000000, v3  }
0x1d9: {  	vm9 =	vge.f32 v2, $4.096000000e+03;
	v3 =	vsel vm8, $0x3CB504F3, v3  }
0x1da: {  	vm10 =	vge.f32 v2, $8.192000000e+03;
	v3 =	vsel vm9, $0x3C800000, v3  }
0x1db: {  	vm11 =	vge.f32 v2, $1.638400000e+04;
	v3 =	vsel vm10, $0x3C3504F3, v3  }
0x1dc: {  	vm12 =	vge.f32 v2, $3.276800000e+04;
	v3 =	vsel vm11, $0x3C000000, v3  }
0x1dd: {  	vm13 =	vge.f32 v2, $6.553600000e+04;
	v3 =	vsel vm12, $0x3BB504F3, v3  }
0x1de: {  	vm14 =	vge.f32 v2, $1.310720000e+05;
	v3 =	vsel vm13, $0x3B800000, v3  }
0x1df: {  	vm15 =	vge.f32 v2, $2.621440000e+05;
	v2 =	vmul.f32 $5.000000000e-01, v2;
	v3 =	vsel vm14, $0x3B3504F3, v3  }
0x1e0: {  	v3 =	vsel vm15, $0x3B000000, v3  }
0x1e1: {  	v4 =	vmul.f32 v3, v2;
	_ =	sdelay $0x1  }
0x1e2: {  	v4 =	vmul.f32 v4, v3;
	_ =	sdelay $0x1  }
0x1e3: {  	v4 =	vsub.f32 $1.500000000e+00, v4;
	_ =	sdelay $0x1  }
0x1e4: {  	v3 =	vmul.f32 v4, v3;
	_ =	sdelay $0x1  }
0x1e5: {  	v4 =	vmul.f32 v3, v2;
	_ =	sdelay $0x1  }
0x1e6: {  	v4 =	vmul.f32 v4, v3;
	_ =	sdelay $0x1  }
0x1e7: {  	v4 =	vsub.f32 $1.500000000e+00, v4;
	_ =	sdelay $0x1  }
0x1e8: {  	v3 =	vmul.f32 v4, v3;
	_ =	sdelay $0x1  }
0x1e9: {  	v4 =	vmul.f32 v3, v2;
	_ =	sdelay $0x1  }
0x1ea: {  	v4 =	vmul.f32 v4, v3;
	_ =	sdelay $0x1  }
0x1eb: {  	v4 =	vsub.f32 $1.500000000e+00, v4;
	_ =	sdelay $0x1  }
0x1ec: {  	v3 =	vmul.f32 v4, v3;
	_ =	sdelay $0x1  }
0x1ed: {  	v4 =	vmul.f32 v3, v2;
	_ =	sdelay $0x1  }
0x1ee: {  	v4 =	vmul.f32 v4, v3;
	_ =	sdelay $0x1  }
0x1ef: {  	v4 =	vsub.f32 $1.500000000e+00, v4;
	_ =	sdelay $0x1  }
0x1f0: {  	v3 =	vmul.f32 v4, v3;
	_ =	sdelay $0x1  }
0x1f1: {  	v2 =	vmul.f32 v3, v2;
	_ =	sdelay $0x1  }
0x1f2: {  	v2 =	vmul.f32 v2, v3;
	_ =	sdelay $0x1  }
0x1f3: {  	v4 =	vsub.f32 $1.500000000e+00, v2;
	v2 =	vld [tilespmem:s22+$0x5800];
	_ =	sdelay $0x2  }
0x1f4: {  	s24 =	simm.s32 $0x40;
	s26 =	simm.s32 $0x80;
	v3 =	vmul.f32 v4, v3  }
.LBB2_18:
0x1f5: {  	p1 =	sne.s32 s26, $0x1FC0  }
0x1f6: {  	s29 =	sshra.s32 s24, $0x2;
	s24 =	smov.u32 s26;
	[tilespmem:s22+$0x5000] =	vst v3;
	v2 =	vmul.f32 v3, v2  }
0x1f7: {  	v3 =	vld [tilespmem:s29+$0x5000]  }
0x1f8: {  	[tilespmem:s22+$0x5800] =	vst v2;
	s22 =	smov.u32 s29;
	_ =	sdelay $0x3  }
0x1f9: {  	v2 =	vadd.f32 $1.000000000e+00, v3;
	_ =	sdelay $0x1  }
0x1fa: {  	vm0 =	vge.f32 v2, $2.000000000e+00  }
0x1fb: {  	v3 =	vsel vm0, $0x3F3504F3, v1;
	vm0 =	vge.f32 v2, $4.000000000e+00  }
0x1fc: {  	v3 =	vsel vm0, $0x3F000000, v3;
	vm0 =	vge.f32 v2, $8.000000000e+00  }
0x1fd: {  	v3 =	vsel vm0, $0x3EB504F3, v3;
	vm0 =	vge.f32 v2, $1.600000000e+01  }
0x1fe: {  	v3 =	vsel vm0, $0x3E800000, v3;
	vm0 =	vge.f32 v2, $3.200000000e+01  }
0x1ff: {  	v3 =	vsel vm0, $0x3E3504F3, v3;
	vm0 =	vge.f32 v2, $6.400000000e+01  }
0x200: {  	v3 =	vsel vm0, $0x3E000000, v3;
	vm0 =	vge.f32 v2, $1.280000000e+02  }
0x201: {  	v3 =	vsel vm0, $0x3DB504F3, v3;
	vm0 =	vge.f32 v2, $2.560000000e+02  }
0x202: {  	v3 =	vsel vm0, $0x3D800000, v3;
	vm0 =	vge.f32 v2, $5.120000000e+02  }
0x203: {  	v3 =	vsel vm0, $0x3D3504F3, v3;
	vm0 =	vge.f32 v2, $1.024000000e+03  }
0x204: {  	v3 =	vsel vm0, $0x3D000000, v3;
	vm0 =	vge.f32 v2, $2.048000000e+03  }
0x205: {  	v3 =	vsel vm0, $0x3CB504F3, v3;
	vm0 =	vge.f32 v2, $4.096000000e+03  }
0x206: {  	v3 =	vsel vm0, $0x3C800000, v3;
	vm0 =	vge.f32 v2, $8.192000000e+03  }
0x207: {  	v3 =	vsel vm0, $0x3C3504F3, v3;
	vm0 =	vge.f32 v2, $1.638400000e+04  }
0x208: {  	v3 =	vsel vm0, $0x3C000000, v3;
	vm0 =	vge.f32 v2, $3.276800000e+04  }
0x209: {  	v3 =	vsel vm0, $0x3BB504F3, v3;
	vm0 =	vge.f32 v2, $6.553600000e+04  }
0x20a: {  	v3 =	vsel vm0, $0x3B800000, v3;
	vm0 =	vge.f32 v2, $1.310720000e+05  }
0x20b: {  	v3 =	vsel vm0, $0x3B3504F3, v3;
	vm0 =	vge.f32 v2, $2.621440000e+05;
	v2 =	vmul.f32 $5.000000000e-01, v2  }
0x20c: {  	v3 =	vsel vm0, $0x3B000000, v3  }
0x20d: {  	v4 =	vmul.f32 v3, v2;
	_ =	sdelay $0x1  }
0x20e: {  	v4 =	vmul.f32 v4, v3;
	_ =	sdelay $0x1  }
0x20f: {  	v4 =	vsub.f32 $1.500000000e+00, v4;
	_ =	sdelay $0x1  }
0x210: {  	v3 =	vmul.f32 v4, v3;
	_ =	sdelay $0x1  }
0x211: {  	v4 =	vmul.f32 v3, v2;
	_ =	sdelay $0x1  }
0x212: {  	v4 =	vmul.f32 v4, v3;
	_ =	sdelay $0x1  }
0x213: {  	v4 =	vsub.f32 $1.500000000e+00, v4;
	_ =	sdelay $0x1  }
0x214: {  	v3 =	vmul.f32 v4, v3;
	_ =	sdelay $0x1  }
0x215: {  	v4 =	vmul.f32 v3, v2;
	_ =	sdelay $0x1  }
0x216: {  	v4 =	vmul.f32 v4, v3;
	_ =	sdelay $0x1  }
0x217: {  	v4 =	vsub.f32 $1.500000000e+00, v4;
	_ =	sdelay $0x1  }
0x218: {  	v3 =	vmul.f32 v4, v3;
	_ =	sdelay $0x1  }
0x219: {  	v4 =	vmul.f32 v3, v2;
	_ =	sdelay $0x1  }
0x21a: {  	v4 =	vmul.f32 v4, v3;
	_ =	sdelay $0x1  }
0x21b: {  	v4 =	vsub.f32 $1.500000000e+00, v4;
	_ =	sdelay $0x1  }
0x21c: {  	v3 =	vmul.f32 v4, v3;
	_ =	sdelay $0x1  }
0x21d: {  	v2 =	vmul.f32 v3, v2;
	_ =	sdelay $0x1  }
.Ltmp8:
0x21e: {  	v4 =	vmul.f32 v2, v3;
	(pc) =	sbr.rel @p1 .LBB2_18-.Ltmp8, $3  }
0x21f: {  	v2 =	vld [tilespmem:s22+$0x5800]  }
0x220: {  	v4 =	vsub.f32 $1.500000000e+00, v4;
	_ =	sdelay $0x1  }
0x221: {  	s26 =	sadd.s32 $0x40, s26;
	v3 =	vmul.f32 v4, v3  }
0x222: {  	_ = 	snop  }
0x223: {  	s24 =	sshra.s32 s24, $0x2;
	[tilespmem:s22+$0x5000] =	vst v3  }
0x224: {  	v4 =	vld [tilespmem:s24+$0x5000];
	_ =	sdelay $0x4  }
0x225: {  	v4 =	vadd.f32 $1.000000000e+00, v4;
	_ =	sdelay $0x1  }
0x226: {  	vm0 =	vge.f32 v4, $2.000000000e+00  }
0x227: {  	vm11 =	vge.f32 v4, $4.000000000e+00;
	v5 =	vsel vm0, $0x3F3504F3, v1  }
0x228: {  	vm12 =	vge.f32 v4, $8.000000000e+00;
	v5 =	vsel vm11, $0x3F000000, v5  }
0x229: {  	vm13 =	vge.f32 v4, $1.600000000e+01;
	v5 =	vsel vm12, $0x3EB504F3, v5  }
0x22a: {  	vm14 =	vge.f32 v4, $3.200000000e+01;
	v5 =	vsel vm13, $0x3E800000, v5  }
0x22b: {  	vm15 =	vge.f32 v4, $6.400000000e+01;
	v5 =	vsel vm14, $0x3E3504F3, v5  }
0x22c: {  	vm4 =	vge.f32 v4, $1.280000000e+02;
	v5 =	vsel vm15, $0x3E000000, v5  }
0x22d: {  	vm5 =	vge.f32 v4, $2.560000000e+02;
	v5 =	vsel vm4, $0x3DB504F3, v5  }
0x22e: {  	vm6 =	vge.f32 v4, $5.120000000e+02;
	v5 =	vsel vm5, $0x3D800000, v5  }
0x22f: {  	vm7 =	vge.f32 v4, $1.024000000e+03;
	v5 =	vsel vm6, $0x3D3504F3, v5  }
0x230: {  	vm8 =	vge.f32 v4, $2.048000000e+03;
	v5 =	vsel vm7, $0x3D000000, v5  }
0x231: {  	vm9 =	vge.f32 v4, $4.096000000e+03;
	v5 =	vsel vm8, $0x3CB504F3, v5  }
0x232: {  	vm10 =	vge.f32 v4, $8.192000000e+03;
	v5 =	vsel vm9, $0x3C800000, v5  }
0x233: {  	vm11 =	vge.f32 v4, $1.638400000e+04;
	v5 =	vsel vm10, $0x3C3504F3, v5  }
0x234: {  	vm12 =	vge.f32 v4, $3.276800000e+04;
	v5 =	vsel vm11, $0x3C000000, v5  }
0x235: {  	vm13 =	vge.f32 v4, $6.553600000e+04;
	v5 =	vsel vm12, $0x3BB504F3, v5  }
0x236: {  	vm14 =	vge.f32 v4, $1.310720000e+05;
	v5 =	vsel vm13, $0x3B800000, v5  }
0x237: {  	vm15 =	vge.f32 v4, $2.621440000e+05;
	v4 =	vmul.f32 $5.000000000e-01, v4;
	v5 =	vsel vm14, $0x3B3504F3, v5  }
0x238: {  	v5 =	vsel vm15, $0x3B000000, v5  }
0x239: {  	v6 =	vmul.f32 v5, v4;
	_ =	sdelay $0x1  }
0x23a: {  	v6 =	vmul.f32 v6, v5;
	_ =	sdelay $0x1  }
0x23b: {  	v6 =	vsub.f32 $1.500000000e+00, v6;
	_ =	sdelay $0x1  }
0x23c: {  	v5 =	vmul.f32 v6, v5;
	_ =	sdelay $0x1  }
0x23d: {  	v6 =	vmul.f32 v5, v4;
	_ =	sdelay $0x1  }
0x23e: {  	v6 =	vmul.f32 v6, v5;
	_ =	sdelay $0x1  }
0x23f: {  	v6 =	vsub.f32 $1.500000000e+00, v6;
	_ =	sdelay $0x1  }
0x240: {  	v5 =	vmul.f32 v6, v5;
	_ =	sdelay $0x1  }
0x241: {  	v6 =	vmul.f32 v5, v4;
	_ =	sdelay $0x1  }
0x242: {  	v6 =	vmul.f32 v6, v5;
	_ =	sdelay $0x1  }
0x243: {  	v6 =	vsub.f32 $1.500000000e+00, v6;
	_ =	sdelay $0x1  }
0x244: {  	v5 =	vmul.f32 v6, v5;
	_ =	sdelay $0x1  }
0x245: {  	v6 =	vmul.f32 v5, v4;
	_ =	sdelay $0x1  }
0x246: {  	v6 =	vmul.f32 v6, v5;
	_ =	sdelay $0x1  }
0x247: {  	v6 =	vsub.f32 $1.500000000e+00, v6;
	_ =	sdelay $0x1  }
0x248: {  	v5 =	vmul.f32 v6, v5;
	_ =	sdelay $0x1  }
0x249: {  	v2 =	vmul.f32 v3, v2;
	v3 =	vmul.f32 v5, v4;
	_ =	sdelay $0x1  }
0x24a: {  	[tilespmem:s22+$0x5800] =	vst v2;
	v2 =	vmul.f32 v3, v5  }
0x24b: {  	v3 =	vld [tilespmem:s24+$0x5800]  }
0x24c: {  	v2 =	vsub.f32 $1.500000000e+00, v2;
	_ =	sdelay $0x1  }
0x24d: {  	v2 =	vmul.f32 v2, v5;
	_ =	sdelay $0x1  }
0x24e: {  	v3 =	vmul.f32 v2, v3  }
0x24f: {  	[tilespmem:s24+$0x5000] =	vst v2  }
0x250: {  	s30 =	rddreg [dreg:$0x13];
	[tilespmem:s24+$0x5800] =	vst v3  }
0x251: {  	[spmem:s30] =	stream.linear.scatter [tilespmem:s10], [sflag:$0x3], $0x800, $0x38;
	[tilespmem:$0xB000] =	vst v63  }
0x252: {  	_ =	swait.ge [sflag:s11], $0x800  }
0x253: {  	s22 =	simm.s32 @!p0 $0x0;
	[sflag:s11] =	ssyncset.done $0x0  }
0x254: {  	s24 =	simm.s32 @!p0 $0x5000;
	s26 =	rddreg [dreg:$0x9];
	[sflag:s11] =	ssyncadd.s32 $0xFFFFF800  }
0x255: {  	[hbm4b:s26+s22] =	stream.linear.scatter @!p0 [tilespmem:s24], [sflag:$0x3], $0x800, $0x38;
	[tilespmem:$0xB000] =	vst v63  }
0x256: {  	s22 =	simm.s32 @!p0 $0x3  }
0x257: {  	_ =	swait.ge @!p0 [sflag:s22], $0x800  }
0x258: {  	[sflag:s22] =	ssyncset.done @!p0 $0x0  }
0x259: {  	s24 =	simm.s32 $0x0;
	[sflag:s22] =	ssyncadd.s32 @!p0 $0xFFFFF800;
	s22 =	simm.s32 $0x40  }
.LBB2_20:
0x25a: {  	p1 =	sne.s32 s22, $0x1FC0;
	[tilespmem:s24+$0x5000] =	vst v0;
	s24 =	smov.u32 s22;
	s22 =	sadd.s32 $0x40, s22  }
.Ltmp9:
0x25b: {  	(pc) =	sbr.rel @p1 .LBB2_20-.Ltmp9, $2  }
0x25c: {  	_ =	sdelay $0x2  }
0x25d: {  	s24 =	sshra.s32 s24, $0x2  }
0x25e: {  	[tilespmem:s24+$0x5000] =	vst v0  }
0x25f: {  	[spmem:s23] =	stream.linear.scatter [tilespmem:s14], [sflag:$0x3], $0x800, $0x38;
	[tilespmem:$0xB000] =	vst v63  }
0x260: {  	_ =	swait.ge [sflag:s11], $0x800  }
0x261: {  	[sflag:s11] =	ssyncset.done $0x0  }
0x262: {  	[sflag:s11] =	ssyncadd.s32 $0xFFFFF800  }
0x263: {  	[tilespmem:s14], [sflag:$0x3] =	stream.linear.gather [spmem:s25], $0x800, $0x38;
	[tilespmem:$0xB000] =	vst v63  }
0x264: {  	_ =	swait.ge [sflag:s11], $0x800  }
0x265: {  	[sflag:s11] =	ssyncset.done $0x0  }
0x266: {  	s22 =	simm.s32 $0x0;
	s30 =	rddreg [dreg:$0xa];
	[sflag:s11] =	ssyncadd.s32 $0xFFFFF800  }
0x267: {  	[tilespmem:s10], [sflag:$0x3] =	stream.linear.gather [hbm4b:s30+s22], $0x800, $0x38;
	[tilespmem:$0xB000] =	vst v63  }
0x268: {  	_ =	swait.ge [sflag:s11], $0x800  }
0x269: {  	[sflag:s11] =	ssyncset.done $0x0  }
0x26a: {  	s22 =	simm.s32 $0x0;
	[sflag:s11] =	ssyncadd.s32 $0xFFFFF800  }
0x26b: {  	v2 =	vld [tilespmem:s22+$0x5000];
	_ =	sdelay $0x4  }
0x26c: {  	v2 =	vadd.f32 $1.000000000e+00, v2;
	_ =	sdelay $0x1  }
0x26d: {  	vm0 =	vge.f32 v2, $2.000000000e+00  }
0x26e: {  	vm11 =	vge.f32 v2, $4.000000000e+00;
	v3 =	vsel vm0, $0x3F3504F3, v1  }
0x26f: {  	vm12 =	vge.f32 v2, $8.000000000e+00;
	v3 =	vsel vm11, $0x3F000000, v3  }
0x270: {  	vm13 =	vge.f32 v2, $1.600000000e+01;
	v3 =	vsel vm12, $0x3EB504F3, v3  }
0x271: {  	vm14 =	vge.f32 v2, $3.200000000e+01;
	v3 =	vsel vm13, $0x3E800000, v3  }
0x272: {  	vm15 =	vge.f32 v2, $6.400000000e+01;
	v3 =	vsel vm14, $0x3E3504F3, v3  }
0x273: {  	vm4 =	vge.f32 v2, $1.280000000e+02;
	v3 =	vsel vm15, $0x3E000000, v3  }
0x274: {  	vm5 =	vge.f32 v2, $2.560000000e+02;
	v3 =	vsel vm4, $0x3DB504F3, v3  }
0x275: {  	vm6 =	vge.f32 v2, $5.120000000e+02;
	v3 =	vsel vm5, $0x3D800000, v3  }
0x276: {  	vm7 =	vge.f32 v2, $1.024000000e+03;
	v3 =	vsel vm6, $0x3D3504F3, v3  }
0x277: {  	vm8 =	vge.f32 v2, $2.048000000e+03;
	v3 =	vsel vm7, $0x3D000000, v3  }
0x278: {  	vm9 =	vge.f32 v2, $4.096000000e+03;
	v3 =	vsel vm8, $0x3CB504F3, v3  }
0x279: {  	vm10 =	vge.f32 v2, $8.192000000e+03;
	v3 =	vsel vm9, $0x3C800000, v3  }
0x27a: {  	vm11 =	vge.f32 v2, $1.638400000e+04;
	v3 =	vsel vm10, $0x3C3504F3, v3  }
0x27b: {  	vm12 =	vge.f32 v2, $3.276800000e+04;
	v3 =	vsel vm11, $0x3C000000, v3  }
0x27c: {  	vm13 =	vge.f32 v2, $6.553600000e+04;
	v3 =	vsel vm12, $0x3BB504F3, v3  }
0x27d: {  	vm14 =	vge.f32 v2, $1.310720000e+05;
	v3 =	vsel vm13, $0x3B800000, v3  }
0x27e: {  	vm15 =	vge.f32 v2, $2.621440000e+05;
	v2 =	vmul.f32 $5.000000000e-01, v2;
	v3 =	vsel vm14, $0x3B3504F3, v3  }
0x27f: {  	v3 =	vsel vm15, $0x3B000000, v3  }
0x280: {  	v4 =	vmul.f32 v3, v2;
	_ =	sdelay $0x1  }
0x281: {  	v4 =	vmul.f32 v4, v3;
	_ =	sdelay $0x1  }
0x282: {  	v4 =	vsub.f32 $1.500000000e+00, v4;
	_ =	sdelay $0x1  }
0x283: {  	v3 =	vmul.f32 v4, v3;
	_ =	sdelay $0x1  }
0x284: {  	v4 =	vmul.f32 v3, v2;
	_ =	sdelay $0x1  }
0x285: {  	v4 =	vmul.f32 v4, v3;
	_ =	sdelay $0x1  }
0x286: {  	v4 =	vsub.f32 $1.500000000e+00, v4;
	_ =	sdelay $0x1  }
0x287: {  	v3 =	vmul.f32 v4, v3;
	_ =	sdelay $0x1  }
0x288: {  	v4 =	vmul.f32 v3, v2;
	_ =	sdelay $0x1  }
0x289: {  	v4 =	vmul.f32 v4, v3;
	_ =	sdelay $0x1  }
0x28a: {  	v4 =	vsub.f32 $1.500000000e+00, v4;
	_ =	sdelay $0x1  }
0x28b: {  	v3 =	vmul.f32 v4, v3;
	_ =	sdelay $0x1  }
0x28c: {  	v4 =	vmul.f32 v3, v2;
	_ =	sdelay $0x1  }
0x28d: {  	v4 =	vmul.f32 v4, v3;
	_ =	sdelay $0x1  }
0x28e: {  	v4 =	vsub.f32 $1.500000000e+00, v4;
	_ =	sdelay $0x1  }
0x28f: {  	v3 =	vmul.f32 v4, v3;
	_ =	sdelay $0x1  }
0x290: {  	v2 =	vmul.f32 v3, v2;
	_ =	sdelay $0x1  }
0x291: {  	v2 =	vmul.f32 v2, v3;
	_ =	sdelay $0x1  }
0x292: {  	v4 =	vsub.f32 $1.500000000e+00, v2;
	v2 =	vld [tilespmem:s22+$0x5800];
	_ =	sdelay $0x2  }
0x293: {  	s24 =	simm.s32 $0x40;
	s26 =	simm.s32 $0x80;
	v3 =	vmul.f32 v4, v3  }
.LBB2_22:
0x294: {  	p1 =	sne.s32 s26, $0x1FC0  }
0x295: {  	s29 =	sshra.s32 s24, $0x2;
	s24 =	smov.u32 s26;
	[tilespmem:s22+$0x5000] =	vst v3;
	v2 =	vmul.f32 v3, v2  }
0x296: {  	v3 =	vld [tilespmem:s29+$0x5000]  }
0x297: {  	[tilespmem:s22+$0x5800] =	vst v2;
	s22 =	smov.u32 s29;
	_ =	sdelay $0x3  }
0x298: {  	v2 =	vadd.f32 $1.000000000e+00, v3;
	_ =	sdelay $0x1  }
0x299: {  	vm0 =	vge.f32 v2, $2.000000000e+00  }
0x29a: {  	v3 =	vsel vm0, $0x3F3504F3, v1;
	vm0 =	vge.f32 v2, $4.000000000e+00  }
0x29b: {  	v3 =	vsel vm0, $0x3F000000, v3;
	vm0 =	vge.f32 v2, $8.000000000e+00  }
0x29c: {  	v3 =	vsel vm0, $0x3EB504F3, v3;
	vm0 =	vge.f32 v2, $1.600000000e+01  }
0x29d: {  	v3 =	vsel vm0, $0x3E800000, v3;
	vm0 =	vge.f32 v2, $3.200000000e+01  }
0x29e: {  	v3 =	vsel vm0, $0x3E3504F3, v3;
	vm0 =	vge.f32 v2, $6.400000000e+01  }
0x29f: {  	v3 =	vsel vm0, $0x3E000000, v3;
	vm0 =	vge.f32 v2, $1.280000000e+02  }
0x2a0: {  	v3 =	vsel vm0, $0x3DB504F3, v3;
	vm0 =	vge.f32 v2, $2.560000000e+02  }
0x2a1: {  	v3 =	vsel vm0, $0x3D800000, v3;
	vm0 =	vge.f32 v2, $5.120000000e+02  }
0x2a2: {  	v3 =	vsel vm0, $0x3D3504F3, v3;
	vm0 =	vge.f32 v2, $1.024000000e+03  }
0x2a3: {  	v3 =	vsel vm0, $0x3D000000, v3;
	vm0 =	vge.f32 v2, $2.048000000e+03  }
0x2a4: {  	v3 =	vsel vm0, $0x3CB504F3, v3;
	vm0 =	vge.f32 v2, $4.096000000e+03  }
0x2a5: {  	v3 =	vsel vm0, $0x3C800000, v3;
	vm0 =	vge.f32 v2, $8.192000000e+03  }
0x2a6: {  	v3 =	vsel vm0, $0x3C3504F3, v3;
	vm0 =	vge.f32 v2, $1.638400000e+04  }
0x2a7: {  	v3 =	vsel vm0, $0x3C000000, v3;
	vm0 =	vge.f32 v2, $3.276800000e+04  }
0x2a8: {  	v3 =	vsel vm0, $0x3BB504F3, v3;
	vm0 =	vge.f32 v2, $6.553600000e+04  }
0x2a9: {  	v3 =	vsel vm0, $0x3B800000, v3;
	vm0 =	vge.f32 v2, $1.310720000e+05  }
0x2aa: {  	v3 =	vsel vm0, $0x3B3504F3, v3;
	vm0 =	vge.f32 v2, $2.621440000e+05;
	v2 =	vmul.f32 $5.000000000e-01, v2  }
0x2ab: {  	v3 =	vsel vm0, $0x3B000000, v3  }
0x2ac: {  	v4 =	vmul.f32 v3, v2;
	_ =	sdelay $0x1  }
0x2ad: {  	v4 =	vmul.f32 v4, v3;
	_ =	sdelay $0x1  }
0x2ae: {  	v4 =	vsub.f32 $1.500000000e+00, v4;
	_ =	sdelay $0x1  }
0x2af: {  	v3 =	vmul.f32 v4, v3;
	_ =	sdelay $0x1  }
0x2b0: {  	v4 =	vmul.f32 v3, v2;
	_ =	sdelay $0x1  }
0x2b1: {  	v4 =	vmul.f32 v4, v3;
	_ =	sdelay $0x1  }
0x2b2: {  	v4 =	vsub.f32 $1.500000000e+00, v4;
	_ =	sdelay $0x1  }
0x2b3: {  	v3 =	vmul.f32 v4, v3;
	_ =	sdelay $0x1  }
0x2b4: {  	v4 =	vmul.f32 v3, v2;
	_ =	sdelay $0x1  }
0x2b5: {  	v4 =	vmul.f32 v4, v3;
	_ =	sdelay $0x1  }
0x2b6: {  	v4 =	vsub.f32 $1.500000000e+00, v4;
	_ =	sdelay $0x1  }
0x2b7: {  	v3 =	vmul.f32 v4, v3;
	_ =	sdelay $0x1  }
0x2b8: {  	v4 =	vmul.f32 v3, v2;
	_ =	sdelay $0x1  }
0x2b9: {  	v4 =	vmul.f32 v4, v3;
	_ =	sdelay $0x1  }
0x2ba: {  	v4 =	vsub.f32 $1.500000000e+00, v4;
	_ =	sdelay $0x1  }
0x2bb: {  	v3 =	vmul.f32 v4, v3;
	_ =	sdelay $0x1  }
0x2bc: {  	v2 =	vmul.f32 v3, v2;
	_ =	sdelay $0x1  }
.Ltmp10:
0x2bd: {  	v4 =	vmul.f32 v2, v3;
	(pc) =	sbr.rel @p1 .LBB2_22-.Ltmp10, $3  }
0x2be: {  	v2 =	vld [tilespmem:s22+$0x5800]  }
0x2bf: {  	v4 =	vsub.f32 $1.500000000e+00, v4;
	_ =	sdelay $0x1  }
0x2c0: {  	s26 =	sadd.s32 $0x40, s26;
	v3 =	vmul.f32 v4, v3  }
0x2c1: {  	_ = 	snop  }
0x2c2: {  	s24 =	sshra.s32 s24, $0x2;
	[tilespmem:s22+$0x5000] =	vst v3  }
0x2c3: {  	v4 =	vld [tilespmem:s24+$0x5000];
	_ =	sdelay $0x4  }
0x2c4: {  	v4 =	vadd.f32 $1.000000000e+00, v4;
	_ =	sdelay $0x1  }
0x2c5: {  	vm0 =	vge.f32 v4, $2.000000000e+00  }
0x2c6: {  	vm11 =	vge.f32 v4, $4.000000000e+00;
	v5 =	vsel vm0, $0x3F3504F3, v1  }
0x2c7: {  	vm12 =	vge.f32 v4, $8.000000000e+00;
	v5 =	vsel vm11, $0x3F000000, v5  }
0x2c8: {  	vm13 =	vge.f32 v4, $1.600000000e+01;
	v5 =	vsel vm12, $0x3EB504F3, v5  }
0x2c9: {  	vm14 =	vge.f32 v4, $3.200000000e+01;
	v5 =	vsel vm13, $0x3E800000, v5  }
0x2ca: {  	vm15 =	vge.f32 v4, $6.400000000e+01;
	v5 =	vsel vm14, $0x3E3504F3, v5  }
0x2cb: {  	vm4 =	vge.f32 v4, $1.280000000e+02;
	v5 =	vsel vm15, $0x3E000000, v5  }
0x2cc: {  	vm5 =	vge.f32 v4, $2.560000000e+02;
	v5 =	vsel vm4, $0x3DB504F3, v5  }
0x2cd: {  	vm6 =	vge.f32 v4, $5.120000000e+02;
	v5 =	vsel vm5, $0x3D800000, v5  }
0x2ce: {  	vm7 =	vge.f32 v4, $1.024000000e+03;
	v5 =	vsel vm6, $0x3D3504F3, v5  }
0x2cf: {  	vm8 =	vge.f32 v4, $2.048000000e+03;
	v5 =	vsel vm7, $0x3D000000, v5  }
0x2d0: {  	vm9 =	vge.f32 v4, $4.096000000e+03;
	v5 =	vsel vm8, $0x3CB504F3, v5  }
0x2d1: {  	vm10 =	vge.f32 v4, $8.192000000e+03;
	v5 =	vsel vm9, $0x3C800000, v5  }
0x2d2: {  	vm11 =	vge.f32 v4, $1.638400000e+04;
	v5 =	vsel vm10, $0x3C3504F3, v5  }
0x2d3: {  	vm12 =	vge.f32 v4, $3.276800000e+04;
	v5 =	vsel vm11, $0x3C000000, v5  }
0x2d4: {  	vm13 =	vge.f32 v4, $6.553600000e+04;
	v5 =	vsel vm12, $0x3BB504F3, v5  }
0x2d5: {  	vm14 =	vge.f32 v4, $1.310720000e+05;
	v5 =	vsel vm13, $0x3B800000, v5  }
0x2d6: {  	vm15 =	vge.f32 v4, $2.621440000e+05;
	v4 =	vmul.f32 $5.000000000e-01, v4;
	v5 =	vsel vm14, $0x3B3504F3, v5  }
0x2d7: {  	v5 =	vsel vm15, $0x3B000000, v5  }
0x2d8: {  	v6 =	vmul.f32 v5, v4;
	_ =	sdelay $0x1  }
0x2d9: {  	v6 =	vmul.f32 v6, v5;
	_ =	sdelay $0x1  }
0x2da: {  	v6 =	vsub.f32 $1.500000000e+00, v6;
	_ =	sdelay $0x1  }
0x2db: {  	v5 =	vmul.f32 v6, v5;
	_ =	sdelay $0x1  }
0x2dc: {  	v6 =	vmul.f32 v5, v4;
	_ =	sdelay $0x1  }
0x2dd: {  	v6 =	vmul.f32 v6, v5;
	_ =	sdelay $0x1  }
0x2de: {  	v6 =	vsub.f32 $1.500000000e+00, v6;
	_ =	sdelay $0x1  }
0x2df: {  	v5 =	vmul.f32 v6, v5;
	_ =	sdelay $0x1  }
0x2e0: {  	v6 =	vmul.f32 v5, v4;
	_ =	sdelay $0x1  }
0x2e1: {  	v6 =	vmul.f32 v6, v5;
	_ =	sdelay $0x1  }
0x2e2: {  	v6 =	vsub.f32 $1.500000000e+00, v6;
	_ =	sdelay $0x1  }
0x2e3: {  	v5 =	vmul.f32 v6, v5;
	_ =	sdelay $0x1  }
0x2e4: {  	v6 =	vmul.f32 v5, v4;
	_ =	sdelay $0x1  }
0x2e5: {  	v6 =	vmul.f32 v6, v5;
	_ =	sdelay $0x1  }
0x2e6: {  	v6 =	vsub.f32 $1.500000000e+00, v6;
	_ =	sdelay $0x1  }
0x2e7: {  	v5 =	vmul.f32 v6, v5;
	_ =	sdelay $0x1  }
0x2e8: {  	v2 =	vmul.f32 v3, v2;
	v3 =	vmul.f32 v5, v4;
	_ =	sdelay $0x1  }
0x2e9: {  	[tilespmem:s22+$0x5800] =	vst v2;
	v2 =	vmul.f32 v3, v5  }
0x2ea: {  	v3 =	vld [tilespmem:s24+$0x5800]  }
0x2eb: {  	v2 =	vsub.f32 $1.500000000e+00, v2;
	_ =	sdelay $0x1  }
0x2ec: {  	v2 =	vmul.f32 v2, v5;
	_ =	sdelay $0x1  }
0x2ed: {  	v3 =	vmul.f32 v2, v3  }
0x2ee: {  	[tilespmem:s24+$0x5000] =	vst v2  }
0x2ef: {  	s30 =	rddreg [dreg:$0x14];
	[tilespmem:s24+$0x5800] =	vst v3  }
0x2f0: {  	[spmem:s30] =	stream.linear.scatter [tilespmem:s10], [sflag:$0x3], $0x800, $0x38;
	[tilespmem:$0xB000] =	vst v63  }
0x2f1: {  	_ =	swait.ge [sflag:s11], $0x800  }
0x2f2: {  	s22 =	simm.s32 @!p0 $0x0;
	[sflag:s11] =	ssyncset.done $0x0  }
0x2f3: {  	s24 =	simm.s32 @!p0 $0x5000;
	s26 =	rddreg [dreg:$0xb];
	[sflag:s11] =	ssyncadd.s32 $0xFFFFF800  }
0x2f4: {  	[hbm4b:s26+s22] =	stream.linear.scatter @!p0 [tilespmem:s24], [sflag:$0x3], $0x800, $0x38;
	[tilespmem:$0xB000] =	vst v63  }
0x2f5: {  	s22 =	simm.s32 @!p0 $0x3  }
0x2f6: {  	_ =	swait.ge @!p0 [sflag:s22], $0x800  }
0x2f7: {  	[sflag:s22] =	ssyncset.done @!p0 $0x0  }
0x2f8: {  	s24 =	simm.s32 $0x0;
	[sflag:s22] =	ssyncadd.s32 @!p0 $0xFFFFF800;
	s22 =	simm.s32 $0x40  }
.LBB2_24:
0x2f9: {  	p1 =	sne.s32 s22, $0x1FC0;
	[tilespmem:s24+$0x5000] =	vst v0;
	s24 =	smov.u32 s22;
	s22 =	sadd.s32 $0x40, s22  }
.Ltmp11:
0x2fa: {  	(pc) =	sbr.rel @p1 .LBB2_24-.Ltmp11, $2  }
0x2fb: {  	_ =	sdelay $0x2  }
0x2fc: {  	s24 =	sshra.s32 s24, $0x2  }
0x2fd: {  	[tilespmem:s24+$0x5000] =	vst v0  }
0x2fe: {  	[spmem:s25] =	stream.linear.scatter [tilespmem:s14], [sflag:$0x3], $0x800, $0x38;
	[tilespmem:$0xB000] =	vst v63  }
0x2ff: {  	_ =	swait.ge [sflag:s11], $0x800  }
0x300: {  	[sflag:s11] =	ssyncset.done $0x0  }
0x301: {  	[sflag:s11] =	ssyncadd.s32 $0xFFFFF800  }
0x302: {  	[tilespmem:s14], [sflag:$0x3] =	stream.linear.gather [spmem:s28], $0x800, $0x38;
	[tilespmem:$0xB000] =	vst v63  }
0x303: {  	_ =	swait.ge [sflag:s11], $0x800  }
0x304: {  	[sflag:s11] =	ssyncset.done $0x0  }
0x305: {  	s22 =	simm.s32 $0x0;
	s30 =	rddreg [dreg:$0xc];
	[sflag:s11] =	ssyncadd.s32 $0xFFFFF800  }
0x306: {  	[tilespmem:s10], [sflag:$0x3] =	stream.linear.gather [hbm4b:s30+s22], $0x800, $0x38;
	[tilespmem:$0xB000] =	vst v63  }
0x307: {  	_ =	swait.ge [sflag:s11], $0x800  }
0x308: {  	[sflag:s11] =	ssyncset.done $0x0  }
0x309: {  	s22 =	simm.s32 $0x0;
	[sflag:s11] =	ssyncadd.s32 $0xFFFFF800  }
0x30a: {  	v2 =	vld [tilespmem:s22+$0x5000];
	_ =	sdelay $0x4  }
0x30b: {  	v2 =	vadd.f32 $1.000000000e+00, v2;
	_ =	sdelay $0x1  }
0x30c: {  	vm0 =	vge.f32 v2, $2.000000000e+00  }
0x30d: {  	vm11 =	vge.f32 v2, $4.000000000e+00;
	v3 =	vsel vm0, $0x3F3504F3, v1  }
0x30e: {  	vm12 =	vge.f32 v2, $8.000000000e+00;
	v3 =	vsel vm11, $0x3F000000, v3  }
0x30f: {  	vm13 =	vge.f32 v2, $1.600000000e+01;
	v3 =	vsel vm12, $0x3EB504F3, v3  }
0x310: {  	vm14 =	vge.f32 v2, $3.200000000e+01;
	v3 =	vsel vm13, $0x3E800000, v3  }
0x311: {  	vm15 =	vge.f32 v2, $6.400000000e+01;
	v3 =	vsel vm14, $0x3E3504F3, v3  }
0x312: {  	vm4 =	vge.f32 v2, $1.280000000e+02;
	v3 =	vsel vm15, $0x3E000000, v3  }
0x313: {  	vm5 =	vge.f32 v2, $2.560000000e+02;
	v3 =	vsel vm4, $0x3DB504F3, v3  }
0x314: {  	vm6 =	vge.f32 v2, $5.120000000e+02;
	v3 =	vsel vm5, $0x3D800000, v3  }
0x315: {  	vm7 =	vge.f32 v2, $1.024000000e+03;
	v3 =	vsel vm6, $0x3D3504F3, v3  }
0x316: {  	vm8 =	vge.f32 v2, $2.048000000e+03;
	v3 =	vsel vm7, $0x3D000000, v3  }
0x317: {  	vm9 =	vge.f32 v2, $4.096000000e+03;
	v3 =	vsel vm8, $0x3CB504F3, v3  }
0x318: {  	vm10 =	vge.f32 v2, $8.192000000e+03;
	v3 =	vsel vm9, $0x3C800000, v3  }
0x319: {  	vm11 =	vge.f32 v2, $1.638400000e+04;
	v3 =	vsel vm10, $0x3C3504F3, v3  }
0x31a: {  	vm12 =	vge.f32 v2, $3.276800000e+04;
	v3 =	vsel vm11, $0x3C000000, v3  }
0x31b: {  	vm13 =	vge.f32 v2, $6.553600000e+04;
	v3 =	vsel vm12, $0x3BB504F3, v3  }
0x31c: {  	vm14 =	vge.f32 v2, $1.310720000e+05;
	v3 =	vsel vm13, $0x3B800000, v3  }
0x31d: {  	vm15 =	vge.f32 v2, $2.621440000e+05;
	v2 =	vmul.f32 $5.000000000e-01, v2;
	v3 =	vsel vm14, $0x3B3504F3, v3  }
0x31e: {  	v3 =	vsel vm15, $0x3B000000, v3  }
0x31f: {  	v4 =	vmul.f32 v3, v2;
	_ =	sdelay $0x1  }
0x320: {  	v4 =	vmul.f32 v4, v3;
	_ =	sdelay $0x1  }
0x321: {  	v4 =	vsub.f32 $1.500000000e+00, v4;
	_ =	sdelay $0x1  }
0x322: {  	v3 =	vmul.f32 v4, v3;
	_ =	sdelay $0x1  }
0x323: {  	v4 =	vmul.f32 v3, v2;
	_ =	sdelay $0x1  }
0x324: {  	v4 =	vmul.f32 v4, v3;
	_ =	sdelay $0x1  }
0x325: {  	v4 =	vsub.f32 $1.500000000e+00, v4;
	_ =	sdelay $0x1  }
0x326: {  	v3 =	vmul.f32 v4, v3;
	_ =	sdelay $0x1  }
0x327: {  	v4 =	vmul.f32 v3, v2;
	_ =	sdelay $0x1  }
0x328: {  	v4 =	vmul.f32 v4, v3;
	_ =	sdelay $0x1  }
0x329: {  	v4 =	vsub.f32 $1.500000000e+00, v4;
	_ =	sdelay $0x1  }
0x32a: {  	v3 =	vmul.f32 v4, v3;
	_ =	sdelay $0x1  }
0x32b: {  	v4 =	vmul.f32 v3, v2;
	_ =	sdelay $0x1  }
0x32c: {  	v4 =	vmul.f32 v4, v3;
	_ =	sdelay $0x1  }
0x32d: {  	v4 =	vsub.f32 $1.500000000e+00, v4;
	_ =	sdelay $0x1  }
0x32e: {  	v3 =	vmul.f32 v4, v3;
	_ =	sdelay $0x1  }
0x32f: {  	v2 =	vmul.f32 v3, v2;
	_ =	sdelay $0x1  }
0x330: {  	v2 =	vmul.f32 v2, v3;
	_ =	sdelay $0x1  }
0x331: {  	v4 =	vsub.f32 $1.500000000e+00, v2;
	v2 =	vld [tilespmem:s22+$0x5800];
	_ =	sdelay $0x2  }
0x332: {  	s24 =	simm.s32 $0x40;
	s26 =	simm.s32 $0x80;
	v3 =	vmul.f32 v4, v3  }
.LBB2_26:
0x333: {  	p1 =	sne.s32 s26, $0x1FC0  }
0x334: {  	s29 =	sshra.s32 s24, $0x2;
	s24 =	smov.u32 s26;
	[tilespmem:s22+$0x5000] =	vst v3;
	v2 =	vmul.f32 v3, v2  }
0x335: {  	v3 =	vld [tilespmem:s29+$0x5000]  }
0x336: {  	[tilespmem:s22+$0x5800] =	vst v2;
	s22 =	smov.u32 s29;
	_ =	sdelay $0x3  }
0x337: {  	v2 =	vadd.f32 $1.000000000e+00, v3;
	_ =	sdelay $0x1  }
0x338: {  	vm0 =	vge.f32 v2, $2.000000000e+00  }
0x339: {  	v3 =	vsel vm0, $0x3F3504F3, v1;
	vm0 =	vge.f32 v2, $4.000000000e+00  }
0x33a: {  	v3 =	vsel vm0, $0x3F000000, v3;
	vm0 =	vge.f32 v2, $8.000000000e+00  }
0x33b: {  	v3 =	vsel vm0, $0x3EB504F3, v3;
	vm0 =	vge.f32 v2, $1.600000000e+01  }
0x33c: {  	v3 =	vsel vm0, $0x3E800000, v3;
	vm0 =	vge.f32 v2, $3.200000000e+01  }
0x33d: {  	v3 =	vsel vm0, $0x3E3504F3, v3;
	vm0 =	vge.f32 v2, $6.400000000e+01  }
0x33e: {  	v3 =	vsel vm0, $0x3E000000, v3;
	vm0 =	vge.f32 v2, $1.280000000e+02  }
0x33f: {  	v3 =	vsel vm0, $0x3DB504F3, v3;
	vm0 =	vge.f32 v2, $2.560000000e+02  }
0x340: {  	v3 =	vsel vm0, $0x3D800000, v3;
	vm0 =	vge.f32 v2, $5.120000000e+02  }
0x341: {  	v3 =	vsel vm0, $0x3D3504F3, v3;
	vm0 =	vge.f32 v2, $1.024000000e+03  }
0x342: {  	v3 =	vsel vm0, $0x3D000000, v3;
	vm0 =	vge.f32 v2, $2.048000000e+03  }
0x343: {  	v3 =	vsel vm0, $0x3CB504F3, v3;
	vm0 =	vge.f32 v2, $4.096000000e+03  }
0x344: {  	v3 =	vsel vm0, $0x3C800000, v3;
	vm0 =	vge.f32 v2, $8.192000000e+03  }
0x345: {  	v3 =	vsel vm0, $0x3C3504F3, v3;
	vm0 =	vge.f32 v2, $1.638400000e+04  }
0x346: {  	v3 =	vsel vm0, $0x3C000000, v3;
	vm0 =	vge.f32 v2, $3.276800000e+04  }
0x347: {  	v3 =	vsel vm0, $0x3BB504F3, v3;
	vm0 =	vge.f32 v2, $6.553600000e+04  }
0x348: {  	v3 =	vsel vm0, $0x3B800000, v3;
	vm0 =	vge.f32 v2, $1.310720000e+05  }
0x349: {  	v3 =	vsel vm0, $0x3B3504F3, v3;
	vm0 =	vge.f32 v2, $2.621440000e+05;
	v2 =	vmul.f32 $5.000000000e-01, v2  }
0x34a: {  	v3 =	vsel vm0, $0x3B000000, v3  }
0x34b: {  	v4 =	vmul.f32 v3, v2;
	_ =	sdelay $0x1  }
0x34c: {  	v4 =	vmul.f32 v4, v3;
	_ =	sdelay $0x1  }
0x34d: {  	v4 =	vsub.f32 $1.500000000e+00, v4;
	_ =	sdelay $0x1  }
0x34e: {  	v3 =	vmul.f32 v4, v3;
	_ =	sdelay $0x1  }
0x34f: {  	v4 =	vmul.f32 v3, v2;
	_ =	sdelay $0x1  }
0x350: {  	v4 =	vmul.f32 v4, v3;
	_ =	sdelay $0x1  }
0x351: {  	v4 =	vsub.f32 $1.500000000e+00, v4;
	_ =	sdelay $0x1  }
0x352: {  	v3 =	vmul.f32 v4, v3;
	_ =	sdelay $0x1  }
0x353: {  	v4 =	vmul.f32 v3, v2;
	_ =	sdelay $0x1  }
0x354: {  	v4 =	vmul.f32 v4, v3;
	_ =	sdelay $0x1  }
0x355: {  	v4 =	vsub.f32 $1.500000000e+00, v4;
	_ =	sdelay $0x1  }
0x356: {  	v3 =	vmul.f32 v4, v3;
	_ =	sdelay $0x1  }
0x357: {  	v4 =	vmul.f32 v3, v2;
	_ =	sdelay $0x1  }
0x358: {  	v4 =	vmul.f32 v4, v3;
	_ =	sdelay $0x1  }
0x359: {  	v4 =	vsub.f32 $1.500000000e+00, v4;
	_ =	sdelay $0x1  }
0x35a: {  	v3 =	vmul.f32 v4, v3;
	_ =	sdelay $0x1  }
0x35b: {  	v2 =	vmul.f32 v3, v2;
	_ =	sdelay $0x1  }
.Ltmp12:
0x35c: {  	v4 =	vmul.f32 v2, v3;
	(pc) =	sbr.rel @p1 .LBB2_26-.Ltmp12, $3  }
0x35d: {  	v2 =	vld [tilespmem:s22+$0x5800]  }
0x35e: {  	v4 =	vsub.f32 $1.500000000e+00, v4;
	_ =	sdelay $0x1  }
0x35f: {  	s26 =	sadd.s32 $0x40, s26;
	v3 =	vmul.f32 v4, v3  }
0x360: {  	_ = 	snop  }
0x361: {  	s24 =	sshra.s32 s24, $0x2;
	[tilespmem:s22+$0x5000] =	vst v3  }
0x362: {  	v4 =	vld [tilespmem:s24+$0x5000];
	_ =	sdelay $0x4  }
0x363: {  	v4 =	vadd.f32 $1.000000000e+00, v4;
	_ =	sdelay $0x1  }
0x364: {  	vm0 =	vge.f32 v4, $2.000000000e+00  }
0x365: {  	vm11 =	vge.f32 v4, $4.000000000e+00;
	v5 =	vsel vm0, $0x3F3504F3, v1  }
0x366: {  	vm12 =	vge.f32 v4, $8.000000000e+00;
	v5 =	vsel vm11, $0x3F000000, v5  }
0x367: {  	vm13 =	vge.f32 v4, $1.600000000e+01;
	v5 =	vsel vm12, $0x3EB504F3, v5  }
0x368: {  	vm14 =	vge.f32 v4, $3.200000000e+01;
	v5 =	vsel vm13, $0x3E800000, v5  }
0x369: {  	vm15 =	vge.f32 v4, $6.400000000e+01;
	v5 =	vsel vm14, $0x3E3504F3, v5  }
0x36a: {  	vm4 =	vge.f32 v4, $1.280000000e+02;
	v5 =	vsel vm15, $0x3E000000, v5  }
0x36b: {  	vm5 =	vge.f32 v4, $2.560000000e+02;
	v5 =	vsel vm4, $0x3DB504F3, v5  }
0x36c: {  	vm6 =	vge.f32 v4, $5.120000000e+02;
	v5 =	vsel vm5, $0x3D800000, v5  }
0x36d: {  	vm7 =	vge.f32 v4, $1.024000000e+03;
	v5 =	vsel vm6, $0x3D3504F3, v5  }
0x36e: {  	vm8 =	vge.f32 v4, $2.048000000e+03;
	v5 =	vsel vm7, $0x3D000000, v5  }
0x36f: {  	vm9 =	vge.f32 v4, $4.096000000e+03;
	v5 =	vsel vm8, $0x3CB504F3, v5  }
0x370: {  	vm10 =	vge.f32 v4, $8.192000000e+03;
	v5 =	vsel vm9, $0x3C800000, v5  }
0x371: {  	vm11 =	vge.f32 v4, $1.638400000e+04;
	v5 =	vsel vm10, $0x3C3504F3, v5  }
0x372: {  	vm12 =	vge.f32 v4, $3.276800000e+04;
	v5 =	vsel vm11, $0x3C000000, v5  }
0x373: {  	vm13 =	vge.f32 v4, $6.553600000e+04;
	v5 =	vsel vm12, $0x3BB504F3, v5  }
0x374: {  	vm14 =	vge.f32 v4, $1.310720000e+05;
	v5 =	vsel vm13, $0x3B800000, v5  }
0x375: {  	vm15 =	vge.f32 v4, $2.621440000e+05;
	v4 =	vmul.f32 $5.000000000e-01, v4;
	v5 =	vsel vm14, $0x3B3504F3, v5  }
0x376: {  	v5 =	vsel vm15, $0x3B000000, v5  }
0x377: {  	v6 =	vmul.f32 v5, v4;
	_ =	sdelay $0x1  }
0x378: {  	v6 =	vmul.f32 v6, v5;
	_ =	sdelay $0x1  }
0x379: {  	v6 =	vsub.f32 $1.500000000e+00, v6;
	_ =	sdelay $0x1  }
0x37a: {  	v5 =	vmul.f32 v6, v5;
	_ =	sdelay $0x1  }
0x37b: {  	v6 =	vmul.f32 v5, v4;
	_ =	sdelay $0x1  }
0x37c: {  	v6 =	vmul.f32 v6, v5;
	_ =	sdelay $0x1  }
0x37d: {  	v6 =	vsub.f32 $1.500000000e+00, v6;
	_ =	sdelay $0x1  }
0x37e: {  	v5 =	vmul.f32 v6, v5;
	_ =	sdelay $0x1  }
0x37f: {  	v6 =	vmul.f32 v5, v4;
	_ =	sdelay $0x1  }
0x380: {  	v6 =	vmul.f32 v6, v5;
	_ =	sdelay $0x1  }
0x381: {  	v6 =	vsub.f32 $1.500000000e+00, v6;
	_ =	sdelay $0x1  }
0x382: {  	v5 =	vmul.f32 v6, v5;
	_ =	sdelay $0x1  }
0x383: {  	v6 =	vmul.f32 v5, v4;
	_ =	sdelay $0x1  }
0x384: {  	v6 =	vmul.f32 v6, v5;
	_ =	sdelay $0x1  }
0x385: {  	v6 =	vsub.f32 $1.500000000e+00, v6;
	_ =	sdelay $0x1  }
0x386: {  	v5 =	vmul.f32 v6, v5;
	_ =	sdelay $0x1  }
0x387: {  	v2 =	vmul.f32 v3, v2;
	v3 =	vmul.f32 v5, v4;
	_ =	sdelay $0x1  }
0x388: {  	[tilespmem:s22+$0x5800] =	vst v2;
	v2 =	vmul.f32 v3, v5  }
0x389: {  	v3 =	vld [tilespmem:s24+$0x5800]  }
0x38a: {  	v2 =	vsub.f32 $1.500000000e+00, v2;
	_ =	sdelay $0x1  }
0x38b: {  	v2 =	vmul.f32 v2, v5;
	_ =	sdelay $0x1  }
0x38c: {  	v3 =	vmul.f32 v2, v3  }
0x38d: {  	[tilespmem:s24+$0x5000] =	vst v2  }
0x38e: {  	s30 =	rddreg [dreg:$0x15];
	[tilespmem:s24+$0x5800] =	vst v3  }
0x38f: {  	[spmem:s30] =	stream.linear.scatter [tilespmem:s10], [sflag:$0x3], $0x800, $0x38;
	[tilespmem:$0xB000] =	vst v63  }
0x390: {  	_ =	swait.ge [sflag:s11], $0x800  }
0x391: {  	s22 =	simm.s32 @!p0 $0x0;
	[sflag:s11] =	ssyncset.done $0x0  }
0x392: {  	s24 =	simm.s32 @!p0 $0x5000;
	s26 =	rddreg [dreg:$0xd];
	[sflag:s11] =	ssyncadd.s32 $0xFFFFF800  }
0x393: {  	[hbm4b:s26+s22] =	stream.linear.scatter @!p0 [tilespmem:s24], [sflag:$0x3], $0x800, $0x38;
	[tilespmem:$0xB000] =	vst v63  }
0x394: {  	s22 =	simm.s32 @!p0 $0x3  }
0x395: {  	_ =	swait.ge @!p0 [sflag:s22], $0x800  }
0x396: {  	[sflag:s22] =	ssyncset.done @!p0 $0x0  }
0x397: {  	s24 =	simm.s32 $0x0;
	[sflag:s22] =	ssyncadd.s32 @!p0 $0xFFFFF800;
	s22 =	simm.s32 $0x40  }
.LBB2_28:
0x398: {  	p1 =	sne.s32 s22, $0x1FC0;
	[tilespmem:s24+$0x5000] =	vst v0;
	s24 =	smov.u32 s22;
	s22 =	sadd.s32 $0x40, s22  }
.Ltmp13:
0x399: {  	(pc) =	sbr.rel @p1 .LBB2_28-.Ltmp13, $2  }
0x39a: {  	_ =	sdelay $0x2  }
0x39b: {  	s24 =	sshra.s32 s24, $0x2  }
0x39c: {  	[tilespmem:s24+$0x5000] =	vst v0  }
0x39d: {  	[spmem:s28] =	stream.linear.scatter [tilespmem:s14], [sflag:$0x3], $0x800, $0x38;
	[tilespmem:$0xB000] =	vst v63  }
0x39e: {  	_ =	swait.ge [sflag:s11], $0x800  }
0x39f: {  	[sflag:s11] =	ssyncset.done $0x0  }
0x3a0: {  	[sflag:s11] =	ssyncadd.s32 $0xFFFFF800  }
0x3a1: {  	[bflag:$0x0] =	sbarrier.arrive $0xFFFF  }
0x3a2: {  	s22 =	simm.s32 $0x0;
	s29 =	rddreg [dreg:$0x16]  }
0x3a3: {  	[tilespmem:s22], [sflag:$0x3] =	stream.linear.gather [hbm4b:s29+s22], $0x2800, $0x38;
	[tilespmem:$0xB000] =	vst v63  }
0x3a4: {  	_ =	swait.ge [sflag:s11], $0x2800  }
0x3a5: {  	[sflag:s11] =	ssyncset.done $0x0  }
0x3a6: {  	s26 =	simm.s32 $0x2800;
	s30 =	rddreg [dreg:$0xf];
	[sflag:s11] =	ssyncadd.s32 $0xFFFFD800  }
0x3a7: {  	[tilespmem:s26], [sflag:$0x3] =	stream.linear.gather [hbm4b:s30+s22], $0x2800, $0x38;
	[tilespmem:$0xB000] =	vst v63  }
0x3a8: {  	_ =	swait.ge [sflag:s11], $0x2800  }
0x3a9: {  	[sflag:s11] =	ssyncset.done $0x0  }
0x3aa: {  	[sflag:s11] =	ssyncadd.s32 $0xFFFFD800  }
0x3ab: {  	[tilespmem:s14], [sflag:$0x1] =	stream.indirect.gather [spmem:s15], $0x10, s22, s12, $0xb8;
	[tilespmem:$0xB000] =	vst v63  }
0x3ac: {  	_ =	swait.ge [sflag:s16], $0x800  }
0x3ad: {  	[sflag:s16] =	ssyncset.done $0x0  }
0x3ae: {  	s24 =	simm.s32 $0x80;
	[sflag:s16] =	ssyncadd.s32 $0xFFFFF800  }
0x3af: {  	[tilespmem:s10], [sflag:$0x2] =	stream.indirect.gather [spmem:s15], $0x10, s24, s12, $0xb8;
	[tilespmem:$0xB000] =	vst v63  }
0x3b0: {  	s26 =	simm.s32 $0x2800  }
0x3b1: {  	[spmem:s1] =	stream.indirect.scatter.add.f32 [tilespmem:s14], [sflag:$0x3], $0x10, s26, s12, $0xb8;
	[tilespmem:$0xB000] =	vst v63  }
0x3b2: {  	_ =	swait.ge [sflag:s11], $0x800  }
0x3b3: {  	[sflag:s11] =	ssyncset.done $0x0  }
0x3b4: {  	[sflag:s11] =	ssyncadd.s32 $0xFFFFF800  }
0x3b5: {  	_ =	swait.ge [sflag:s18], $0x800  }
0x3b6: {  	[sflag:s18] =	ssyncset.done $0x0  }
0x3b7: {  	s29 =	simm.s32 $0x100;
	[sflag:s18] =	ssyncadd.s32 $0xFFFFF800  }
0x3b8: {  	[tilespmem:s14], [sflag:$0x1] =	stream.indirect.gather [spmem:s15], $0x10, s29, s12, $0xb8;
	[tilespmem:$0xB000] =	vst v63  }
0x3b9: {  	s30 =	simm.s32 $0x2880  }
0x3ba: {  	[spmem:s1] =	stream.indirect.scatter.add.f32 [tilespmem:s10], [sflag:$0x3], $0x10, s30, s12, $0xb8;
	[tilespmem:$0xB000] =	vst v63  }
0x3bb: {  	_ =	swait.ge [sflag:s11], $0x800  }
0x3bc: {  	[sflag:s11] =	ssyncset.done $0x0  }
0x3bd: {  	[sflag:s11] =	ssyncadd.s32 $0xFFFFF800  }
0x3be: {  	_ =	swait.ge [sflag:s16], $0x800  }
0x3bf: {  	s22 =	simm.s32 $0x100;
	s24 =	simm.s32 $0x800;
	[sflag:s16] =	ssyncset.done $0x0  }
.LBB2_30:
0x3c0: {  	s26 =	sadd.s32 $0x80, s22  }
0x3c1: {  	[sflag:s16] =	ssyncadd.s32 $0xFFFFF800;
	s29 =	smov.u32 s24;
	s30 =	sadd.s32 $0x400, s24  }
0x3c2: {  	[tilespmem:s10], [sflag:$0x2] =	stream.indirect.gather [spmem:s15], $0x10, s26, s12, $0xb8;
	[tilespmem:$0xB000] =	vst v63  }
0x3c3: {  	p1 =	sne.s32 s24, $0x9800;
	s24 =	sadd.s32 $0x2800, s22  }
0x3c4: {  	[spmem:s1] =	stream.indirect.scatter.add.f32 [tilespmem:s14], [sflag:$0x3], $0x10, s24, s12, $0xb8;
	[tilespmem:$0xB000] =	vst v63  }
0x3c5: {  	_ =	swait.ge [sflag:s11], $0x800  }
0x3c6: {  	[sflag:s11] =	ssyncset.done $0x0  }
0x3c7: {  	[sflag:s11] =	ssyncadd.s32 $0xFFFFF800  }
0x3c8: {  	_ =	swait.ge [sflag:s18], $0x800  }
0x3c9: {  	[sflag:s18] =	ssyncset.done $0x0  }
0x3ca: {  	s24 =	sadd.s32 $0x100, s22;
	[sflag:s18] =	ssyncadd.s32 $0xFFFFF800  }
0x3cb: {  	[tilespmem:s14], [sflag:$0x1] =	stream.indirect.gather [spmem:s15], $0x10, s24, s12, $0xb8;
	[tilespmem:$0xB000] =	vst v63  }
0x3cc: {  	s22 =	sadd.s32 $0x2880, s22  }
0x3cd: {  	[spmem:s1] =	stream.indirect.scatter.add.f32 [tilespmem:s10], [sflag:$0x3], $0x10, s22, s12, $0xb8;
	[tilespmem:$0xB000] =	vst v63  }
.Ltmp14:
0x3ce: {  	_ =	swait.ge [sflag:s11], $0x800;
	(pc) =	sbr.rel @p1 .LBB2_30-.Ltmp14, $4  }
0x3cf: {  	[sflag:s11] =	ssyncset.done $0x0  }
0x3d0: {  	[sflag:s11] =	ssyncadd.s32 $0xFFFFF800  }
0x3d1: {  	_ =	swait.ge [sflag:s16], $0x800  }
0x3d2: {  	s24 =	smov.u32 s30;
	s22 =	sshra.s32 s29, $0x2;
	[sflag:s16] =	ssyncset.done $0x0  }
0x3d3: {  	s24 =	sadd.s32 $0x80, s22;
	[sflag:s16] =	ssyncadd.s32 $0xFFFFF800  }
0x3d4: {  	[tilespmem:s10], [sflag:$0x2] =	stream.indirect.gather [spmem:s15], $0x10, s24, s12, $0xb8;
	[tilespmem:$0xB000] =	vst v63  }
0x3d5: {  	s29 =	sadd.s32 $0x2800, s22  }
0x3d6: {  	[spmem:s1] =	stream.indirect.scatter.add.f32 [tilespmem:s14], [sflag:$0x3], $0x10, s29, s12, $0xb8;
	[tilespmem:$0xB000] =	vst v63  }
0x3d7: {  	_ =	swait.ge [sflag:s11], $0x800  }
0x3d8: {  	[sflag:s11] =	ssyncset.done $0x0  }
0x3d9: {  	[sflag:s11] =	ssyncadd.s32 $0xFFFFF800  }
0x3da: {  	_ =	swait.ge [sflag:s18], $0x800  }
0x3db: {  	[sflag:s18] =	ssyncset.done $0x0  }
0x3dc: {  	s30 =	sadd.s32 $0x100, s22;
	[sflag:s18] =	ssyncadd.s32 $0xFFFFF800  }
0x3dd: {  	[tilespmem:s14], [sflag:$0x1] =	stream.indirect.gather [spmem:s15], $0x10, s30, s12, $0xb8;
	[tilespmem:$0xB000] =	vst v63  }
0x3de: {  	s24 =	sadd.s32 $0x2880, s22  }
0x3df: {  	[spmem:s1] =	stream.indirect.scatter.add.f32 [tilespmem:s10], [sflag:$0x3], $0x10, s24, s12, $0xb8;
	[tilespmem:$0xB000] =	vst v63  }
0x3e0: {  	_ =	swait.ge [sflag:s11], $0x800  }
0x3e1: {  	[sflag:s11] =	ssyncset.done $0x0  }
0x3e2: {  	[sflag:s11] =	ssyncadd.s32 $0xFFFFF800  }
0x3e3: {  	_ =	swait.ge [sflag:s16], $0x800  }
0x3e4: {  	[sflag:s16] =	ssyncset.done $0x0  }
0x3e5: {  	s26 =	simm.s32 $0x2780;
	[sflag:s16] =	ssyncadd.s32 $0xFFFFF800  }
0x3e6: {  	[tilespmem:s10], [sflag:$0x2] =	stream.indirect.gather [spmem:s15], $0x10, s26, s12, $0xb8;
	[tilespmem:$0xB000] =	vst v63  }
0x3e7: {  	s29 =	simm.s32 $0x4F00  }
0x3e8: {  	[spmem:s1] =	stream.indirect.scatter.add.f32 [tilespmem:s14], [sflag:$0x3], $0x10, s29, s12, $0xb8;
	[tilespmem:$0xB000] =	vst v63  }
0x3e9: {  	_ =	swait.ge [sflag:s11], $0x800  }
0x3ea: {  	[sflag:s11] =	ssyncset.done $0x0  }
0x3eb: {  	[sflag:s11] =	ssyncadd.s32 $0xFFFFF800  }
0x3ec: {  	_ =	swait.ge [sflag:s18], $0x800  }
0x3ed: {  	[sflag:s18] =	ssyncset.done $0x0  }
0x3ee: {  	[sflag:s18] =	ssyncadd.s32 $0xFFFFF800  }
0x3ef: {  	[tilespmem:s14], [sflag:$0x1] =	stream.indirect.gather [spmem:s15], $0x10, s26, s12, $0xb8;
	[tilespmem:$0xB000] =	vst v63  }
0x3f0: {  	s30 =	simm.s32 $0x4F80  }
0x3f1: {  	[spmem:s1] =	stream.indirect.scatter.add.f32 [tilespmem:s10], [sflag:$0x3], $0x10, s30, s12, $0xb8;
	[tilespmem:$0xB000] =	vst v63  }
0x3f2: {  	_ =	swait.ge [sflag:s11], $0x800  }
0x3f3: {  	[sflag:s11] =	ssyncset.done $0x0  }
0x3f4: {  	[sflag:s11] =	ssyncadd.s32 $0xFFFFF800  }
0x3f5: {  	_ =	swait.ge [sflag:s16], $0x800  }
0x3f6: {  	[sflag:s16] =	ssyncset.done $0x0  }
0x3f7: {  	[sflag:s16] =	ssyncadd.s32 $0xFFFFF800  }
0x3f8: {  	[bflag:$0x0] =	sbarrier.arrive $0xFFFF  }
0x3f9: {  	[tilespmem:s14], [sflag:$0x3] =	stream.linear.gather [spmem:s17], $0x800, $0x38;
	[tilespmem:$0xB000] =	vst v63  }
0x3fa: {  	_ =	swait.ge [sflag:s11], $0x800  }
0x3fb: {  	[sflag:s11] =	ssyncset.done $0x0  }
0x3fc: {  	[sflag:s11] =	ssyncadd.s32 $0xFFFFF800  }
0x3fd: {  	[hbm4b:s13+s2] =	stream.linear.scatter [tilespmem:s14], [sflag:$0x3], $0x800, $0x38;
	[tilespmem:$0xB000] =	vst v63  }
0x3fe: {  	_ =	swait.ge [sflag:s11], $0x800  }
0x3ff: {  	[sflag:s11] =	ssyncset.done $0x0  }
0x400: {  	[sflag:s11] =	ssyncadd.s32 $0xFFFFF800  }
0x401: {  	[tilespmem:s14], [sflag:$0x3] =	stream.linear.gather [spmem:s6], $0x800, $0x38;
	[tilespmem:$0xB000] =	vst v63  }
0x402: {  	_ =	swait.ge [sflag:s11], $0x800  }
0x403: {  	[sflag:s11] =	ssyncset.done $0x0  }
0x404: {  	[sflag:s11] =	ssyncadd.s32 $0xFFFFF800  }
0x405: {  	[hbm4b:s0+s2] =	stream.linear.scatter [tilespmem:s14], [sflag:$0x3], $0x800, $0x38;
	[tilespmem:$0xB000] =	vst v63  }
0x406: {  	_ =	swait.ge [sflag:s11], $0x800  }
0x407: {  	[sflag:s11] =	ssyncset.done $0x0  }
0x408: {  	[sflag:s11] =	ssyncadd.s32 $0xFFFFF800  }
0x409: {  	[tilespmem:s14], [sflag:$0x3] =	stream.linear.gather [spmem:s7], $0x800, $0x38;
	[tilespmem:$0xB000] =	vst v63  }
0x40a: {  	_ =	swait.ge [sflag:s11], $0x800  }
0x40b: {  	[sflag:s11] =	ssyncset.done $0x0  }
0x40c: {  	[sflag:s11] =	ssyncadd.s32 $0xFFFFF800  }
0x40d: {  	[hbm4b:s3+s2] =	stream.linear.scatter [tilespmem:s14], [sflag:$0x3], $0x800, $0x38;
	[tilespmem:$0xB000] =	vst v63  }
0x40e: {  	_ =	swait.ge [sflag:s11], $0x800  }
0x40f: {  	[sflag:s11] =	ssyncset.done $0x0  }
0x410: {  	[sflag:s11] =	ssyncadd.s32 $0xFFFFF800  }
0x411: {  	[tilespmem:s14], [sflag:$0x3] =	stream.linear.gather [spmem:s8], $0x800, $0x38;
	[tilespmem:$0xB000] =	vst v63  }
0x412: {  	_ =	swait.ge [sflag:s11], $0x800  }
0x413: {  	[sflag:s11] =	ssyncset.done $0x0  }
0x414: {  	[sflag:s11] =	ssyncadd.s32 $0xFFFFF800  }
0x415: {  	[hbm4b:s4+s2] =	stream.linear.scatter [tilespmem:s14], [sflag:$0x3], $0x800, $0x38;
	[tilespmem:$0xB000] =	vst v63  }
0x416: {  	_ =	swait.ge [sflag:s11], $0x800  }
0x417: {  	[sflag:s11] =	ssyncset.done $0x0  }
0x418: {  	[sflag:s11] =	ssyncadd.s32 $0xFFFFF800  }
0x419: {  	[tilespmem:s14], [sflag:$0x3] =	stream.linear.gather [spmem:s9], $0x800, $0x38;
	[tilespmem:$0xB000] =	vst v63  }
0x41a: {  	s20 =	sadd.s32 $0x1, s20;
	_ =	swait.ge [sflag:s11], $0x800  }
0x41b: {  	p1 =	sne.s32 s20, s31;
	[sflag:s11] =	ssyncset.done $0x0  }
.Ltmp15:
0x41c: {  	[sflag:s11] =	ssyncadd.s32 $0xFFFFF800;
	(pc) =	sbr.rel @p1 .LBB2_1-.Ltmp15, $4  }
0x41d: {  	[hbm4b:s5+s2] =	stream.linear.scatter [tilespmem:s14], [sflag:$0x3], $0x800, $0x38;
	[tilespmem:$0xB000] =	vst v63  }
0x41e: {  	_ =	swait.ge [sflag:s11], $0x800  }
0x41f: {  	[sflag:s11] =	ssyncset.done $0x0  }
0x420: {  	[sflag:s11] =	ssyncadd.s32 $0xFFFFF800  }
0x421: {  	_ =	sfence.sel $0x180000  }
0x422: {  	[bflag:$0x0] =	sbarrier.arrive $0xFFFF  }
0x423: {  	_ =	strace $0x90000047  }
0x424: {  	s0 =	stileid.u32;
	[bflag:$0x2] =	sbarrier.arrive $0xFFFF  }
0x425: {  	p0 =	sne.s32 s0, $0x0;
	s0 =	rddreg [dreg:$0x3]  }
0x426: {  	s0 =	sadd.s32 @!p0 $0x100000, s0  }
0x427: {  	[sflag:s0] =	ssyncadd.tile.s32 @!p0 $0x1;
	_ =	shalt  }
.Lfunc_end2:
_tile_overlayer_lowered:
.L_overlay_start_2:
0x428: {  	(tag) =	ssettag $0x2  }
0x429: {  	s0 =	rddreg [dreg:$0x0];
	s2 =	stileid.u32  }
0x42a: {  	s1 =	rddreg [dreg:$0x1];
	p0 =	sne.s32 s2, $0x0  }
0x42b: {  	s3 =	rddreg [dreg:$0x2];
	[bflag:$0x3] =	sbarrier.arrive $0xFFFF;
	s2 =	simm.s32 @!p0 $0x1C03  }
0x42c: {  	[timem:s3], [sflag:s2] =	dma.local @!p0 [hbm:s0], s1  }
0x42d: {  	s0 =	simm.s32 @!p0 $0x3  }
0x42e: {  	_ =	swait.ge @!p0 [sflag:s0], s1  }
0x42f: {  	s1 =	ssub.s32 @!p0 $0x0, s1;
	[sflag:s0] =	ssyncset.done @!p0 $0x0  }
0x430: {  	[sflag:s0] =	ssyncadd.s32 @!p0 s1  }
0x431: {  	[bflag:$0x3] =	sbarrier.arrive $0xFFFF  }
0x432: {  	_ =	shalt  }

</sc_bundles>
